<compile_context>
chip_gen: v7x
topology: tpu7x:2x2x1
jax: 0.10.2.dev20260603
libtpu: 0.0.44.dev20260713+nightly
codegen_flags: <defaults>
</compile_context>

<pallas_src>
import functools

import jax
import jax.numpy as jnp
from jax import lax
from jax.experimental import pallas as pl
from jax.experimental.pallas import tpu as pltpu
from jax.experimental.pallas import tpu_sc as plsc

B, L, E, Mt, Mc, V = 4, 4, 1024, 1024, 512, 50000
F = 3 * E
GAMMA = 0.8
VP = 50176
HALF = VP // 2
NV = HALF // 16
CH = HALF // 2
NCH = CH // 16
BM = 512
BIGI = 2 ** 30



def _k1_body(h_ref, wt_ref, wg_ref, bg_ref, hp_ref, gate_ref):
    h = h_ref[...]
    hp_ref[...] = jnp.dot(h, wt_ref[...], preferred_element_type=jnp.float32)
    z = jnp.dot(h, wg_ref[...], preferred_element_type=jnp.float32)
    gate_ref[...] = jax.nn.sigmoid(z + bg_ref[0, 0])


def _k1(h16, W_triple, Wg_t, bg):
    return pl.pallas_call(
        _k1_body,
        out_shape=[jax.ShapeDtypeStruct((16, F), jnp.float32),
                   jax.ShapeDtypeStruct((16, 1), jnp.float32)],
        in_specs=[pl.BlockSpec((16, E), lambda: (0, 0)),
                  pl.BlockSpec((E, F), lambda: (0, 0)),
                  pl.BlockSpec((E, 1), lambda: (0, 0)),
                  pl.BlockSpec(memory_space=pltpu.SMEM)],
        out_specs=[pl.BlockSpec((16, F), lambda: (0, 0)),
                   pl.BlockSpec((16, 1), lambda: (0, 0))],
    )(h16, W_triple, Wg_t, bg)



def _k2_body(hp_ref, tr_ref, lab_ref, out_ref):
    hp = hp_ref[0]
    tr = tr_ref[0]
    logits = lax.dot_general(hp, tr, (((1,), (1,)), ((), ())),
                             preferred_element_type=jnp.float32)
    prob = jax.nn.sigmoid(logits)
    lab = lab_ref[0]
    out_ref[0] = jnp.where(lab == -1, 0.0, prob)


def _k2(hp, triple_repr, labels3):
    return pl.pallas_call(
        _k2_body,
        grid=(B, Mt // BM),
        out_shape=jax.ShapeDtypeStruct((B, L, Mt), jnp.float32),
        in_specs=[pl.BlockSpec((1, L, F), lambda b, j: (b, 0, 0)),
                  pl.BlockSpec((1, BM, F), lambda b, j: (b, j, 0)),
                  pl.BlockSpec((1, 1, BM), lambda b, j: (b, 0, j))],
        out_specs=pl.BlockSpec((1, L, BM), lambda b, j: (b, 0, j)),
    )(hp, triple_repr, labels3)



def _k34_body(tp_hbm, head_hbm, tail_hbm, tlab_hbm, clab_hbm, dist_hbm,
              vm_hbm, mm_hbm,
              cpv_hbm,
              head_v, tail_v, tlab_v, tp_v, clab_v, dist_v, upd_v, ns_v,
              priv_v, acc_v,
              table_v, vm_v, mm_v, cv_v, shared_cp, sem):
    c = lax.axis_index("c")
    s = lax.axis_index("s")
    pair2 = c * 8 + s // 2
    half = s % 2
    b2 = pair2 // 4
    l2 = pair2 % 4
    base = pl.multiple_of(half * HALF, 32)

    @pl.when(s < 8)
    def _():
        pair = c * 8 + s
        b = pair // 4
        l = pair % 4
        d1 = pltpu.async_copy(head_hbm.at[b], head_v, sem)
        d2 = pltpu.async_copy(tail_hbm.at[b], tail_v, sem)
        d3 = pltpu.async_copy(tlab_hbm.at[b], tlab_v, sem)
        d4 = pltpu.async_copy(tp_hbm.at[b, l], tp_v, sem)
        d5 = pltpu.async_copy(clab_hbm.at[b], clab_v, sem)
        d6 = pltpu.async_copy(dist_hbm.at[b], dist_v, sem)
        d1.wait()
        d2.wait()
        d3.wait()
        d4.wait()
        d5.wait()
        d6.wait()
        one = jnp.ones((16,), jnp.float32)
        zero = jnp.zeros((16,), jnp.float32)
        lane = lax.iota(jnp.int32, 16)
        for i in range(Mc // 16):
            sl = pl.ds(i * 16, 16)
            f0 = jnp.where(dist_v[sl] == 0, one, zero)
            acc_v[sl] = f0
            ns_v[sl] = jnp.where(clab_v[sl] == -1, zero, f0)
        for _hop in range(2):
            for i in range(Mt // 16):
                sl = pl.ds(i * 16, 16)
                hs = plsc.load_gather(ns_v, [head_v[sl]])
                upd = hs * GAMMA + tp_v[sl]
                upd_v[sl] = jnp.where(tlab_v[sl] == -1, zero, upd)

            def zbody(i, carry):
                priv_v[pl.ds(i * 16, 16)] = zero
                return carry

            lax.fori_loop(0, 16 * Mc // 16, zbody, 0)

            def scbody(i, carry):
                sl = pl.ds(i * 16, 16)
                addr = lane * Mc + tail_v[sl]
                cur = plsc.load_gather(priv_v, [addr])
                plsc.store_scatter(priv_v, [addr],
                                   jnp.maximum(cur, upd_v[sl]))
                return carry

            lax.fori_loop(0, Mt // 16, scbody, 0)

            def cbody(i, carry):
                sl16 = pl.ds(i * 16, 16)
                m = priv_v[sl16]
                for j in range(1, 16):
                    m = jnp.maximum(m, priv_v[pl.ds(j * Mc + i * 16, 16)])
                o = jnp.where(clab_v[sl16] == -1, zero, m)
                ns_v[sl16] = o
                acc_v[sl16] = acc_v[sl16] + o
                return carry

            lax.fori_loop(0, Mc // 16, cbody, 0)
        mxv = acc_v[pl.ds(0, 16)]
        for i in range(1, Mc // 16):
            mxv = jnp.maximum(mxv, acc_v[pl.ds(i * 16, 16)])
        m = jnp.max(mxv)
        sv = jnp.zeros((16,), jnp.float32)
        for i in range(Mc // 16):
            sl = pl.ds(i * 16, 16)
            e = jnp.exp(acc_v[sl] - m)
            acc_v[sl] = e
            sv = sv + e
        inv_v = one / (zero + jnp.sum(sv))
        for i in range(Mc // 16):
            sl = pl.ds(i * 16, 16)
            acc_v[sl] = acc_v[sl] * inv_v
        pltpu.sync_copy(acc_v, shared_cp.at[s])

    plsc.subcore_barrier()

    pltpu.sync_copy(shared_cp.at[s // 2], table_v)
    zero = jnp.zeros((16,), jnp.float32)

    def inner(k, carry):
        sl = pl.ds(k * 16, 16)
        cpx = plsc.load_gather(table_v, [vm_v[sl]])
        cv_v[sl] = jnp.where(mm_v[sl] == 0, zero, cpx)
        return carry

    d_vm = pltpu.async_copy(vm_hbm.at[b2, pl.ds(base, CH)], vm_v, sem)
    d_mm = pltpu.async_copy(mm_hbm.at[b2, pl.ds(base, CH)], mm_v, sem)
    d_vm.wait()
    d_mm.wait()
    lax.fori_loop(0, NCH, inner, 0)
    pltpu.sync_copy(cv_v, cpv_hbm.at[b2, l2, pl.ds(base, CH)])
    base1 = pl.multiple_of(base + CH, 32)
    d_vm1 = pltpu.async_copy(vm_hbm.at[b2, pl.ds(base1, CH)], vm_v, sem)
    d_mm1 = pltpu.async_copy(mm_hbm.at[b2, pl.ds(base1, CH)], mm_v, sem)
    d_vm1.wait()
    d_mm1.wait()
    lax.fori_loop(0, NCH, inner, 0)
    pltpu.sync_copy(cv_v, cpv_hbm.at[b2, l2, pl.ds(base1, CH)])


def _k34(tp, head_idx, tail_idx, triple_labels, concept_labels, distances,
         vm_p, mm_p):
    mesh = plsc.VectorSubcoreMesh(core_axis_name="c", subcore_axis_name="s")
    f = functools.partial(
        pl.kernel, _k34_body, mesh=mesh,
        compiler_params=pltpu.CompilerParams(needs_layout_passes=False),
        out_type=jax.ShapeDtypeStruct((B, L, VP), jnp.float32),
        scratch_types=[
            pltpu.VMEM((Mt,), jnp.int32),
            pltpu.VMEM((Mt,), jnp.int32),
            pltpu.VMEM((Mt,), jnp.int32),
            pltpu.VMEM((Mt,), jnp.float32),
            pltpu.VMEM((Mc,), jnp.int32),
            pltpu.VMEM((Mc,), jnp.int32),
            pltpu.VMEM((Mt,), jnp.float32),
            pltpu.VMEM((Mc,), jnp.float32),
            pltpu.VMEM((16 * Mc,), jnp.float32),
            pltpu.VMEM((Mc,), jnp.float32),
            pltpu.VMEM((Mc,), jnp.float32),
            pltpu.VMEM((CH,), jnp.int32),
            pltpu.VMEM((CH,), jnp.int32),
            pltpu.VMEM((CH,), jnp.float32),
            pltpu.VMEM_SHARED((8, Mc), jnp.float32),
            pltpu.SemaphoreType.DMA,
        ],
    )()
    return f(tp, head_idx, tail_idx, triple_labels, concept_labels, distances,
             vm_p, mm_p)



def _k5_body(cpvp_ref, lm_ref, gate_ref, probs_ref, cpv_ref, isc_ref):
    cpx = cpvp_ref[0, :, :V]
    lm = lm_ref[0]
    gcol = gate_ref[0, 0].reshape(L, 1)
    p = gcol * cpx + (1.0 - gcol) * lm
    probs_ref[0] = p
    cpv_ref[0] = cpx
    iota = lax.broadcasted_iota(jnp.int32, (L, V), 1)
    mP = jnp.max(p, axis=1, keepdims=True)
    mL = jnp.max(lm, axis=1, keepdims=True)
    iP = jnp.min(jnp.where(p == mP, iota, BIGI), axis=1)
    iL = jnp.min(jnp.where(lm == mL, iota, BIGI), axis=1)
    isc_ref[0, 0] = jnp.where(iP != iL, 1, 0).astype(jnp.int32)


def _k5(cpv_p, lm_probs, gate_bl):
    return pl.pallas_call(
        _k5_body,
        grid=(B,),
        out_shape=[jax.ShapeDtypeStruct((B, L, V), jnp.float32),
                   jax.ShapeDtypeStruct((B, L, V), jnp.float32),
                   jax.ShapeDtypeStruct((B, 1, L), jnp.int32)],
        in_specs=[pl.BlockSpec((1, L, VP), lambda b: (b, 0, 0)),
                  pl.BlockSpec((1, L, V), lambda b: (b, 0, 0)),
                  pl.BlockSpec((1, 1, L), lambda b: (b, 0, 0))],
        out_specs=[pl.BlockSpec((1, L, V), lambda b: (b, 0, 0)),
                   pl.BlockSpec((1, L, V), lambda b: (b, 0, 0)),
                   pl.BlockSpec((1, 1, L), lambda b: (b, 0, 0))],
    )(cpv_p, lm_probs, gate_bl)



def kernel(lm_hidden_states, lm_probs, triple_repr, triple_labels,
           concept_labels, distances, head_idx, tail_idx, vocab_map,
           map_mask, W_triple, W_gate, b_gate):
    h16 = lm_hidden_states.reshape(16, E)
    bg = b_gate.reshape(1, 1)
    h_proj, gate16 = _k1(h16, W_triple, W_gate.T, bg)
    hp = h_proj.reshape(B, L, F)
    labels3 = triple_labels.reshape(B, 1, Mt)
    triple_prob = _k2(hp, triple_repr, labels3)
    vm_p = jnp.pad(vocab_map, ((0, 0), (0, VP - V)))
    mm_p = jnp.pad(map_mask, ((0, 0), (0, VP - V)))
    cpv_p = _k34(triple_prob, head_idx, tail_idx, triple_labels,
                 concept_labels, distances, vm_p, mm_p)
    probs, cpv, isc = _k5(cpv_p, lm_probs, gate16.reshape(B, 1, L))
    gate = gate16.reshape(B, L, 1)
    return probs, gate, cpv, triple_prob, isc.reshape(B, L)

# --- scband reference (transcript-rebuilt; emitter-appended) ---
"""Pipeline reference for scband-knowledge-grounded-decoder-85126251807077 (READ-ONLY COPY).

The authoritative reference and input builder live on the scoring server;
editing this copy changes nothing except your own understanding.
"""

import jax, jax.numpy as jnp
import numpy as np

B, L, E, Mt, Mc, V = 4, 4, 1024, 1024, 512, 50000
NUM_HOPS = 2
GAMMA = 0.8


def setup_inputs(seed: int = 0) -> dict:
    key = jax.random.key(seed)
    ks = jax.random.split(key, 13)
    lm_hidden_states = jax.random.normal(ks[0], (B, L, E), dtype=jnp.float32)
    lm_probs = jax.nn.softmax(jax.random.normal(ks[1], (B, L, V), dtype=jnp.float32), axis=-1)
    triple_repr = jax.random.normal(ks[2], (B, Mt, 3 * E), dtype=jnp.float32) * 0.05
    triple_labels = jax.random.randint(ks[3], (B, Mt), -1, 2)   # -1 marks invalid triples
    concept_labels = jax.random.randint(ks[4], (B, Mc), -1, 2)  # -1 marks invalid concepts
    distances = jax.random.randint(ks[5], (B, Mc), 0, 3)
    head_idx = jax.random.randint(ks[6], (B, Mt), 0, Mc)
    tail_idx = jax.random.randint(ks[7], (B, Mt), 0, Mc)
    vocab_map = jax.random.randint(ks[8], (B, V), 0, Mc)
    map_mask = jax.random.randint(ks[9], (B, V), 0, 2)
    W_triple = jax.random.normal(ks[10], (E, 3 * E), dtype=jnp.float32) * (1.0 / np.sqrt(3 * E))
    W_gate = jax.random.normal(ks[11], (1, E), dtype=jnp.float32) * (1.0 / np.sqrt(E))
    b_gate = jnp.zeros((1,), dtype=jnp.float32)
    return {
        'lm_hidden_states': lm_hidden_states,
        'lm_probs': lm_probs,
        'triple_repr': triple_repr,
        'triple_labels': triple_labels,
        'concept_labels': concept_labels,
        'distances': distances,
        'head_idx': head_idx,
        'tail_idx': tail_idx,
        'vocab_map': vocab_map,
        'map_mask': map_mask,
        'W_triple': W_triple,
        'W_gate': W_gate,
        'b_gate': b_gate,
    }


def reference(lm_hidden_states, lm_probs, triple_repr, triple_labels, concept_labels,
              distances, head_idx, tail_idx, vocab_map, map_mask,
              W_triple, W_gate, b_gate):
    b, l = lm_hidden_states.shape[0], lm_hidden_states.shape[1]
    mt = head_idx.shape[1]
    mc = distances.shape[1]

    # triple_linear (no bias): (B, Mt, 3E) @ (3E, E) -> (B, Mt, E)
    proj = jnp.einsum('bmf,ef->bme', triple_repr, W_triple)
    triple_logits = jnp.einsum('ble,bme->blm', lm_hidden_states, proj)
    triple_prob = jax.nn.sigmoid(triple_logits)
    invalid_triple = (triple_labels == -1)[:, None, :]
    triple_prob = jnp.where(invalid_triple, 0.0, triple_prob)

    # ---- multi-hop graph score propagation ----
    init_mask = jnp.broadcast_to((distances == 0).astype(jnp.float32)[:, None, :], (b, l, mc))
    final_mask = init_mask
    invalid_concept = (concept_labels == -1)[:, None, :]
    init_mask = jnp.where(invalid_concept, 0.0, init_mask)
    concept_scores = [init_mask]

    head = jnp.broadcast_to(head_idx[:, None, :], (b, l, mt))
    tail = jnp.broadcast_to(tail_idx[:, None, :], (b, l, mt))
    bb = jnp.broadcast_to(jnp.arange(b)[:, None, None], (b, l, mt))
    ll = jnp.broadcast_to(jnp.arange(l)[None, :, None], (b, l, mt))

    for _ in range(NUM_HOPS):
        node_score = concept_scores[-1]
        triple_head_score = jnp.take_along_axis(node_score, head, axis=2)
        triple_head_score = jnp.where(invalid_triple, 0.0, triple_head_score)
        update_value = triple_head_score * GAMMA + triple_prob
        # scatter_max into zero-initialized out (matches torch_scatter.scatter_max with out=zeros)
        out = jnp.zeros_like(node_score).at[bb, ll, tail].max(update_value)
        out = jnp.where(invalid_concept, 0.0, out)
        concept_scores.append(out)

    total_concept_score = final_mask
    for s in concept_scores[1:]:
        total_concept_score = total_concept_score + s

    concept_probs = jax.nn.softmax(total_concept_score, axis=-1)

    # map concept scores onto the vocabulary
    index = jnp.broadcast_to(vocab_map[:, None, :], (b, l, vocab_map.shape[1]))
    concept_probs_vocab = jnp.take_along_axis(concept_probs, index, axis=2)
    concept_probs_vocab = jnp.where((map_mask == 0)[:, None, :], 0.0, concept_probs_vocab)

    gate = jax.nn.sigmoid(jnp.einsum('ble,oe->blo', lm_hidden_states, W_gate) + b_gate)
    probs = gate * concept_probs_vocab + (1.0 - gate) * lm_probs
    is_concept = (jnp.argmax(probs, axis=-1) != jnp.argmax(lm_probs, axis=-1)).astype(jnp.int32)
    return probs, gate, concept_probs_vocab, triple_prob, is_concept

if __name__ == "__main__":
    import jax
    _d = setup_inputs()
    print(jax.jit(kernel)(*tuple(_d.values())))

</pallas_src>

<mosaic_0001>
#map = affine_map<(d0, d1) -> (0, 0, 0)>
#map1 = affine_map<(d0, d1) -> (0, 0)>
module attributes {stable_mosaic.version = 14 : i64} {
  func.func @_k34_body(%arg0: i32, %arg1: i32, %arg2: memref<4x4x1024xf32, #tpu.memory_space<hbm>>, %arg3: memref<4x1024xi32, #tpu.memory_space<hbm>>, %arg4: memref<4x1024xi32, #tpu.memory_space<hbm>>, %arg5: memref<4x1024xi32, #tpu.memory_space<hbm>>, %arg6: memref<4x512xi32, #tpu.memory_space<hbm>>, %arg7: memref<4x512xi32, #tpu.memory_space<hbm>>, %arg8: memref<4x50176xi32, #tpu.memory_space<hbm>>, %arg9: memref<4x50176xi32, #tpu.memory_space<hbm>>, %arg10: memref<4x4x50176xf32, #tpu.memory_space<hbm>>, %arg11: memref<1024xi32, #tpu.memory_space<vmem>>, %arg12: memref<1024xi32, #tpu.memory_space<vmem>>, %arg13: memref<1024xi32, #tpu.memory_space<vmem>>, %arg14: memref<1024xf32, #tpu.memory_space<vmem>>, %arg15: memref<512xi32, #tpu.memory_space<vmem>>, %arg16: memref<512xi32, #tpu.memory_space<vmem>>, %arg17: memref<1024xf32, #tpu.memory_space<vmem>>, %arg18: memref<512xf32, #tpu.memory_space<vmem>>, %arg19: memref<8192xf32, #tpu.memory_space<vmem>>, %arg20: memref<512xf32, #tpu.memory_space<vmem>>, %arg21: memref<512xf32, #tpu.memory_space<vmem>>, %arg22: memref<12544xi32, #tpu.memory_space<vmem>>, %arg23: memref<12544xi32, #tpu.memory_space<vmem>>, %arg24: memref<12544xf32, #tpu.memory_space<vmem>>, %arg25: memref<8x512xf32, #tpu.memory_space<vmem_shared>>, %arg26: memref<!tpu.dma_semaphore, #tpu.memory_space<semaphore_mem>>) attributes {dimension_semantics = [#tpu.dimension_semantics<core_parallel>, #tpu.dimension_semantics<subcore_parallel>], iteration_bounds = array<i64: 2, 16>, scalar_prefetch = 0 : i64, scratch_operands = 16 : i64, tpu.core_type = #tpu.core_type<sc_vector_subcore>, window_params = [{transform_indices = #map}, {transform_indices = #map1}, {transform_indices = #map1}, {transform_indices = #map1}, {transform_indices = #map1}, {transform_indices = #map1}, {transform_indices = #map1}, {transform_indices = #map1}, {transform_indices = #map}]} {
    %mul3A = arith.constant 8 : i32
    %mul3A_0 = arith.muli %arg0, %mul3A : i32
    %jit3A = arith.constant 2 : i32
    %div3A = arith.divsi %arg1, %jit3A : i32
    %sign3A = arith.constant 0 : i32
    %sign3A_1 = arith.cmpi sgt, %arg1, %sign3A : i32
    %sign3A_2 = arith.extui %sign3A_1 : i1 to i32
    %sign3A_3 = arith.constant 0 : i32
    %sign3A_4 = arith.cmpi slt, %arg1, %sign3A_3 : i32
    %sign3A_5 = arith.extui %sign3A_4 : i1 to i32
    %sign3A_6 = arith.subi %sign3A_2, %sign3A_5 : i32
    %sign3A_7 = arith.constant 0 : i32
    %sign3A_8 = arith.cmpi sgt, %jit3A, %sign3A_7 : i32
    %sign3A_9 = arith.extui %sign3A_8 : i1 to i32
    %sign3A_10 = arith.constant 0 : i32
    %sign3A_11 = arith.cmpi slt, %jit3A, %sign3A_10 : i32
    %sign3A_12 = arith.extui %sign3A_11 : i1 to i32
    %sign3A_13 = arith.subi %sign3A_9, %sign3A_12 : i32
    %ne3A = arith.cmpi ne, %sign3A_6, %sign3A_13 : i32
    %rem3A = arith.remsi %arg1, %jit3A : i32
    %ne3A_14 = arith.constant 0 : i32
    %ne3A_15 = arith.cmpi ne, %rem3A, %ne3A_14 : i32
    %and3A = arith.andi %ne3A, %ne3A_15 : i1
    %sub3A = arith.constant 1 : i32
    %sub3A_16 = arith.subi %div3A, %sub3A : i32
    %select_n3A = arith.select %and3A, %sub3A_16, %div3A : i32
    %add3A = arith.addi %mul3A_0, %select_n3A : i32
    %jit3A_17 = arith.constant 2 : i32
    %eq3A = arith.constant 0 : i32
    %eq3A_18 = arith.cmpi eq, %jit3A_17, %eq3A : i32
    %jit3A_19 = arith.constant 1 : i32
    %select_n3A_20 = arith.select %eq3A_18, %jit3A_19, %jit3A_17 : i32
    %rem3A_21 = arith.remsi %arg1, %select_n3A_20 : i32
    %ne3A_22 = arith.constant 0 : i32
    %ne3A_23 = arith.cmpi ne, %rem3A_21, %ne3A_22 : i32
    %lt3A = arith.constant 0 : i32
    %lt3A_24 = arith.cmpi slt, %rem3A_21, %lt3A : i32
    %lt3A_25 = arith.constant 0 : i32
    %lt3A_26 = arith.cmpi slt, %select_n3A_20, %lt3A_25 : i32
    %ne3A_27 = arith.xori %lt3A_24, %lt3A_26 : i1
    %and3A_28 = arith.andi %ne3A_27, %ne3A_23 : i1
    %add3A_29 = arith.addi %rem3A_21, %select_n3A_20 : i32
    %select_n3A_30 = arith.select %and3A_28, %add3A_29, %rem3A_21 : i32
    %jit3A_31 = arith.constant 4 : i32
    %div3A_32 = arith.divsi %add3A, %jit3A_31 : i32
    %sign3A_33 = arith.constant 0 : i32
    %sign3A_34 = arith.cmpi sgt, %add3A, %sign3A_33 : i32
    %sign3A_35 = arith.extui %sign3A_34 : i1 to i32
    %sign3A_36 = arith.constant 0 : i32
    %sign3A_37 = arith.cmpi slt, %add3A, %sign3A_36 : i32
    %sign3A_38 = arith.extui %sign3A_37 : i1 to i32
    %sign3A_39 = arith.subi %sign3A_35, %sign3A_38 : i32
    %sign3A_40 = arith.constant 0 : i32
    %sign3A_41 = arith.cmpi sgt, %jit3A_31, %sign3A_40 : i32
    %sign3A_42 = arith.extui %sign3A_41 : i1 to i32
    %sign3A_43 = arith.constant 0 : i32
    %sign3A_44 = arith.cmpi slt, %jit3A_31, %sign3A_43 : i32
    %sign3A_45 = arith.extui %sign3A_44 : i1 to i32
    %sign3A_46 = arith.subi %sign3A_42, %sign3A_45 : i32
    %ne3A_47 = arith.cmpi ne, %sign3A_39, %sign3A_46 : i32
    %rem3A_48 = arith.remsi %add3A, %jit3A_31 : i32
    %ne3A_49 = arith.constant 0 : i32
    %ne3A_50 = arith.cmpi ne, %rem3A_48, %ne3A_49 : i32
    %and3A_51 = arith.andi %ne3A_47, %ne3A_50 : i1
    %sub3A_52 = arith.constant 1 : i32
    %sub3A_53 = arith.subi %div3A_32, %sub3A_52 : i32
    %select_n3A_54 = arith.select %and3A_51, %sub3A_53, %div3A_32 : i32
    %jit3A_55 = arith.constant 4 : i32
    %eq3A_56 = arith.constant 0 : i32
    %eq3A_57 = arith.cmpi eq, %jit3A_55, %eq3A_56 : i32
    %jit3A_58 = arith.constant 1 : i32
    %select_n3A_59 = arith.select %eq3A_57, %jit3A_58, %jit3A_55 : i32
    %rem3A_60 = arith.remsi %add3A, %select_n3A_59 : i32
    %ne3A_61 = arith.constant 0 : i32
    %ne3A_62 = arith.cmpi ne, %rem3A_60, %ne3A_61 : i32
    %lt3A_63 = arith.constant 0 : i32
    %lt3A_64 = arith.cmpi slt, %rem3A_60, %lt3A_63 : i32
    %lt3A_65 = arith.constant 0 : i32
    %lt3A_66 = arith.cmpi slt, %select_n3A_59, %lt3A_65 : i32
    %ne3A_67 = arith.xori %lt3A_64, %lt3A_66 : i1
    %and3A_68 = arith.andi %ne3A_67, %ne3A_62 : i1
    %add3A_69 = arith.addi %rem3A_60, %select_n3A_59 : i32
    %select_n3A_70 = arith.select %and3A_68, %add3A_69, %rem3A_60 : i32
    %mul3A_71 = arith.constant 25088 : i32
    %mul3A_72 = arith.muli %select_n3A_30, %mul3A_71 : i32
    %multiple_of3A = tpu.assume_multiple %mul3A_72, 32 : i32
    %lt3A_73 = arith.constant 8 : i32
    %lt3A_74 = arith.cmpi slt, %arg1, %lt3A_73 : i32
    %convert_element_type3A = arith.extui %lt3A_74 : i1 to i32
    %cond3A = arith.constant 0 : i32
    %cond3A_75 = arith.cmpi ne, %convert_element_type3A, %cond3A : i32
    scf.if %cond3A_75 {
      %mul3A_145 = arith.constant 8 : i32
      %mul3A_146 = arith.muli %arg0, %mul3A_145 : i32
      %add3A_147 = arith.addi %mul3A_146, %arg1 : i32
      %jit3A_148 = arith.constant 4 : i32
      %div3A_149 = arith.divsi %add3A_147, %jit3A_148 : i32
      %sign3A_150 = arith.constant 0 : i32
      %sign3A_151 = arith.cmpi sgt, %add3A_147, %sign3A_150 : i32
      %sign3A_152 = arith.extui %sign3A_151 : i1 to i32
      %sign3A_153 = arith.constant 0 : i32
      %sign3A_154 = arith.cmpi slt, %add3A_147, %sign3A_153 : i32
      %sign3A_155 = arith.extui %sign3A_154 : i1 to i32
      %sign3A_156 = arith.subi %sign3A_152, %sign3A_155 : i32
      %sign3A_157 = arith.constant 0 : i32
      %sign3A_158 = arith.cmpi sgt, %jit3A_148, %sign3A_157 : i32
      %sign3A_159 = arith.extui %sign3A_158 : i1 to i32
      %sign3A_160 = arith.constant 0 : i32
      %sign3A_161 = arith.cmpi slt, %jit3A_148, %sign3A_160 : i32
      %sign3A_162 = arith.extui %sign3A_161 : i1 to i32
      %sign3A_163 = arith.subi %sign3A_159, %sign3A_162 : i32
      %ne3A_164 = arith.cmpi ne, %sign3A_156, %sign3A_163 : i32
      %rem3A_165 = arith.remsi %add3A_147, %jit3A_148 : i32
      %ne3A_166 = arith.constant 0 : i32
      %ne3A_167 = arith.cmpi ne, %rem3A_165, %ne3A_166 : i32
      %and3A_168 = arith.andi %ne3A_164, %ne3A_167 : i1
      %sub3A_169 = arith.constant 1 : i32
      %sub3A_170 = arith.subi %div3A_149, %sub3A_169 : i32
      %select_n3A_171 = arith.select %and3A_168, %sub3A_170, %div3A_149 : i32
      %jit3A_172 = arith.constant 4 : i32
      %eq3A_173 = arith.constant 0 : i32
      %eq3A_174 = arith.cmpi eq, %jit3A_172, %eq3A_173 : i32
      %jit3A_175 = arith.constant 1 : i32
      %select_n3A_176 = arith.select %eq3A_174, %jit3A_175, %jit3A_172 : i32
      %rem3A_177 = arith.remsi %add3A_147, %select_n3A_176 : i32
      %ne3A_178 = arith.constant 0 : i32
      %ne3A_179 = arith.cmpi ne, %rem3A_177, %ne3A_178 : i32
      %lt3A_180 = arith.constant 0 : i32
      %lt3A_181 = arith.cmpi slt, %rem3A_177, %lt3A_180 : i32
      %lt3A_182 = arith.constant 0 : i32
      %lt3A_183 = arith.cmpi slt, %select_n3A_176, %lt3A_182 : i32
      %ne3A_184 = arith.xori %lt3A_181, %lt3A_183 : i1
      %and3A_185 = arith.andi %ne3A_184, %ne3A_179 : i1
      %add3A_186 = arith.addi %rem3A_177, %select_n3A_176 : i32
      %select_n3A_187 = arith.select %and3A_185, %add3A_186, %rem3A_177 : i32
      %dma_start3A_188 = arith.constant 0 : i32
      %dma_start3A_189 = tpu.memref_slice %arg3[%select_n3A_171, %dma_start3A_188] : memref<4x1024xi32, #tpu.memory_space<hbm>> -> memref<1x1024xi32, #tpu.memory_space<hbm>>
      %dma_start3A_190 = tpu.memref_squeeze %dma_start3A_189 : memref<1x1024xi32, #tpu.memory_space<hbm>> -> memref<1024xi32, #tpu.memory_space<hbm>>
      %dma_start3A_191 = arith.constant 0 : i32
      %dma_start3A_192 = tpu.memref_slice %arg3[%select_n3A_171, %dma_start3A_191] : memref<4x1024xi32, #tpu.memory_space<hbm>> -> memref<1x1024xi32, #tpu.memory_space<hbm>>
      %dma_start3A_193 = tpu.memref_squeeze %dma_start3A_192 : memref<1x1024xi32, #tpu.memory_space<hbm>> -> memref<1024xi32, #tpu.memory_space<hbm>>
      tpu.enqueue_dma source(%dma_start3A_193 : memref<1024xi32, #tpu.memory_space<hbm>>) target(%arg11 : memref<1024xi32, #tpu.memory_space<vmem>>) target_semaphore(%arg26 : memref<!tpu.dma_semaphore, #tpu.memory_space<semaphore_mem>>)
      %dma_start3A_194 = arith.constant 0 : i32
      %dma_start3A_195 = tpu.memref_slice %arg4[%select_n3A_171, %dma_start3A_194] : memref<4x1024xi32, #tpu.memory_space<hbm>> -> memref<1x1024xi32, #tpu.memory_space<hbm>>
      %dma_start3A_196 = tpu.memref_squeeze %dma_start3A_195 : memref<1x1024xi32, #tpu.memory_space<hbm>> -> memref<1024xi32, #tpu.memory_space<hbm>>
      %dma_start3A_197 = arith.constant 0 : i32
      %dma_start3A_198 = tpu.memref_slice %arg4[%select_n3A_171, %dma_start3A_197] : memref<4x1024xi32, #tpu.memory_space<hbm>> -> memref<1x1024xi32, #tpu.memory_space<hbm>>
      %dma_start3A_199 = tpu.memref_squeeze %dma_start3A_198 : memref<1x1024xi32, #tpu.memory_space<hbm>> -> memref<1024xi32, #tpu.memory_space<hbm>>
      tpu.enqueue_dma source(%dma_start3A_199 : memref<1024xi32, #tpu.memory_space<hbm>>) target(%arg12 : memref<1024xi32, #tpu.memory_space<vmem>>) target_semaphore(%arg26 : memref<!tpu.dma_semaphore, #tpu.memory_space<semaphore_mem>>)
      %dma_start3A_200 = arith.constant 0 : i32
      %dma_start3A_201 = tpu.memref_slice %arg5[%select_n3A_171, %dma_start3A_200] : memref<4x1024xi32, #tpu.memory_space<hbm>> -> memref<1x1024xi32, #tpu.memory_space<hbm>>
      %dma_start3A_202 = tpu.memref_squeeze %dma_start3A_201 : memref<1x1024xi32, #tpu.memory_space<hbm>> -> memref<1024xi32, #tpu.memory_space<hbm>>
      %dma_start3A_203 = arith.constant 0 : i32
      %dma_start3A_204 = tpu.memref_slice %arg5[%select_n3A_171, %dma_start3A_203] : memref<4x1024xi32, #tpu.memory_space<hbm>> -> memref<1x1024xi32, #tpu.memory_space<hbm>>
      %dma_start3A_205 = tpu.memref_squeeze %dma_start3A_204 : memref<1x1024xi32, #tpu.memory_space<hbm>> -> memref<1024xi32, #tpu.memory_space<hbm>>
      tpu.enqueue_dma source(%dma_start3A_205 : memref<1024xi32, #tpu.memory_space<hbm>>) target(%arg13 : memref<1024xi32, #tpu.memory_space<vmem>>) target_semaphore(%arg26 : memref<!tpu.dma_semaphore, #tpu.memory_space<semaphore_mem>>)
      %dma_start3A_206 = arith.constant 0 : i32
      %dma_start3A_207 = tpu.memref_slice %arg2[%select_n3A_171, %select_n3A_187, %dma_start3A_206] : memref<4x4x1024xf32, #tpu.memory_space<hbm>> -> memref<1x1x1024xf32, #tpu.memory_space<hbm>>
      %dma_start3A_208 = tpu.memref_squeeze %dma_start3A_207 : memref<1x1x1024xf32, #tpu.memory_space<hbm>> -> memref<1024xf32, #tpu.memory_space<hbm>>
      %dma_start3A_209 = arith.constant 0 : i32
      %dma_start3A_210 = tpu.memref_slice %arg2[%select_n3A_171, %select_n3A_187, %dma_start3A_209] : memref<4x4x1024xf32, #tpu.memory_space<hbm>> -> memref<1x1x1024xf32, #tpu.memory_space<hbm>>
      %dma_start3A_211 = tpu.memref_squeeze %dma_start3A_210 : memref<1x1x1024xf32, #tpu.memory_space<hbm>> -> memref<1024xf32, #tpu.memory_space<hbm>>
      tpu.enqueue_dma source(%dma_start3A_211 : memref<1024xf32, #tpu.memory_space<hbm>>) target(%arg14 : memref<1024xf32, #tpu.memory_space<vmem>>) target_semaphore(%arg26 : memref<!tpu.dma_semaphore, #tpu.memory_space<semaphore_mem>>)
      %dma_start3A_212 = arith.constant 0 : i32
      %dma_start3A_213 = tpu.memref_slice %arg6[%select_n3A_171, %dma_start3A_212] : memref<4x512xi32, #tpu.memory_space<hbm>> -> memref<1x512xi32, #tpu.memory_space<hbm>>
      %dma_start3A_214 = tpu.memref_squeeze %dma_start3A_213 : memref<1x512xi32, #tpu.memory_space<hbm>> -> memref<512xi32, #tpu.memory_space<hbm>>
      %dma_start3A_215 = arith.constant 0 : i32
      %dma_start3A_216 = tpu.memref_slice %arg6[%select_n3A_171, %dma_start3A_215] : memref<4x512xi32, #tpu.memory_space<hbm>> -> memref<1x512xi32, #tpu.memory_space<hbm>>
      %dma_start3A_217 = tpu.memref_squeeze %dma_start3A_216 : memref<1x512xi32, #tpu.memory_space<hbm>> -> memref<512xi32, #tpu.memory_space<hbm>>
      tpu.enqueue_dma source(%dma_start3A_217 : memref<512xi32, #tpu.memory_space<hbm>>) target(%arg15 : memref<512xi32, #tpu.memory_space<vmem>>) target_semaphore(%arg26 : memref<!tpu.dma_semaphore, #tpu.memory_space<semaphore_mem>>)
      %dma_start3A_218 = arith.constant 0 : i32
      %dma_start3A_219 = tpu.memref_slice %arg7[%select_n3A_171, %dma_start3A_218] : memref<4x512xi32, #tpu.memory_space<hbm>> -> memref<1x512xi32, #tpu.memory_space<hbm>>
      %dma_start3A_220 = tpu.memref_squeeze %dma_start3A_219 : memref<1x512xi32, #tpu.memory_space<hbm>> -> memref<512xi32, #tpu.memory_space<hbm>>
      %dma_start3A_221 = arith.constant 0 : i32
      %dma_start3A_222 = tpu.memref_slice %arg7[%select_n3A_171, %dma_start3A_221] : memref<4x512xi32, #tpu.memory_space<hbm>> -> memref<1x512xi32, #tpu.memory_space<hbm>>
      %dma_start3A_223 = tpu.memref_squeeze %dma_start3A_222 : memref<1x512xi32, #tpu.memory_space<hbm>> -> memref<512xi32, #tpu.memory_space<hbm>>
      tpu.enqueue_dma source(%dma_start3A_223 : memref<512xi32, #tpu.memory_space<hbm>>) target(%arg16 : memref<512xi32, #tpu.memory_space<vmem>>) target_semaphore(%arg26 : memref<!tpu.dma_semaphore, #tpu.memory_space<semaphore_mem>>)
      %dma_wait3A_224 = arith.constant 0 : i32
      %dma_wait3A_225 = tpu.memref_slice %arg3[%select_n3A_171, %dma_wait3A_224] : memref<4x1024xi32, #tpu.memory_space<hbm>> -> memref<1x1024xi32, #tpu.memory_space<hbm>>
      %dma_wait3A_226 = tpu.memref_squeeze %dma_wait3A_225 : memref<1x1024xi32, #tpu.memory_space<hbm>> -> memref<1024xi32, #tpu.memory_space<hbm>>
      %dma_wait3A_227 = arith.constant 0 : i32
      %dma_wait3A_228 = tpu.memref_slice %arg3[%select_n3A_171, %dma_wait3A_227] : memref<4x1024xi32, #tpu.memory_space<hbm>> -> memref<1x1024xi32, #tpu.memory_space<hbm>>
      %dma_wait3A_229 = tpu.memref_squeeze %dma_wait3A_228 : memref<1x1024xi32, #tpu.memory_space<hbm>> -> memref<1024xi32, #tpu.memory_space<hbm>>
      tpu.wait_dma2 semaphore(%arg26 : memref<!tpu.dma_semaphore, #tpu.memory_space<semaphore_mem>>) src(%dma_wait3A_229 : memref<1024xi32, #tpu.memory_space<hbm>>) dst(%arg11 : memref<1024xi32, #tpu.memory_space<vmem>>)
      %dma_wait3A_230 = arith.constant 0 : i32
      %dma_wait3A_231 = tpu.memref_slice %arg4[%select_n3A_171, %dma_wait3A_230] : memref<4x1024xi32, #tpu.memory_space<hbm>> -> memref<1x1024xi32, #tpu.memory_space<hbm>>
      %dma_wait3A_232 = tpu.memref_squeeze %dma_wait3A_231 : memref<1x1024xi32, #tpu.memory_space<hbm>> -> memref<1024xi32, #tpu.memory_space<hbm>>
      %dma_wait3A_233 = arith.constant 0 : i32
      %dma_wait3A_234 = tpu.memref_slice %arg4[%select_n3A_171, %dma_wait3A_233] : memref<4x1024xi32, #tpu.memory_space<hbm>> -> memref<1x1024xi32, #tpu.memory_space<hbm>>
      %dma_wait3A_235 = tpu.memref_squeeze %dma_wait3A_234 : memref<1x1024xi32, #tpu.memory_space<hbm>> -> memref<1024xi32, #tpu.memory_space<hbm>>
      tpu.wait_dma2 semaphore(%arg26 : memref<!tpu.dma_semaphore, #tpu.memory_space<semaphore_mem>>) src(%dma_wait3A_235 : memref<1024xi32, #tpu.memory_space<hbm>>) dst(%arg12 : memref<1024xi32, #tpu.memory_space<vmem>>)
      %dma_wait3A_236 = arith.constant 0 : i32
      %dma_wait3A_237 = tpu.memref_slice %arg5[%select_n3A_171, %dma_wait3A_236] : memref<4x1024xi32, #tpu.memory_space<hbm>> -> memref<1x1024xi32, #tpu.memory_space<hbm>>
      %dma_wait3A_238 = tpu.memref_squeeze %dma_wait3A_237 : memref<1x1024xi32, #tpu.memory_space<hbm>> -> memref<1024xi32, #tpu.memory_space<hbm>>
      %dma_wait3A_239 = arith.constant 0 : i32
      %dma_wait3A_240 = tpu.memref_slice %arg5[%select_n3A_171, %dma_wait3A_239] : memref<4x1024xi32, #tpu.memory_space<hbm>> -> memref<1x1024xi32, #tpu.memory_space<hbm>>
      %dma_wait3A_241 = tpu.memref_squeeze %dma_wait3A_240 : memref<1x1024xi32, #tpu.memory_space<hbm>> -> memref<1024xi32, #tpu.memory_space<hbm>>
      tpu.wait_dma2 semaphore(%arg26 : memref<!tpu.dma_semaphore, #tpu.memory_space<semaphore_mem>>) src(%dma_wait3A_241 : memref<1024xi32, #tpu.memory_space<hbm>>) dst(%arg13 : memref<1024xi32, #tpu.memory_space<vmem>>)
      %dma_wait3A_242 = arith.constant 0 : i32
      %dma_wait3A_243 = tpu.memref_slice %arg2[%select_n3A_171, %select_n3A_187, %dma_wait3A_242] : memref<4x4x1024xf32, #tpu.memory_space<hbm>> -> memref<1x1x1024xf32, #tpu.memory_space<hbm>>
      %dma_wait3A_244 = tpu.memref_squeeze %dma_wait3A_243 : memref<1x1x1024xf32, #tpu.memory_space<hbm>> -> memref<1024xf32, #tpu.memory_space<hbm>>
      %dma_wait3A_245 = arith.constant 0 : i32
      %dma_wait3A_246 = tpu.memref_slice %arg2[%select_n3A_171, %select_n3A_187, %dma_wait3A_245] : memref<4x4x1024xf32, #tpu.memory_space<hbm>> -> memref<1x1x1024xf32, #tpu.memory_space<hbm>>
      %dma_wait3A_247 = tpu.memref_squeeze %dma_wait3A_246 : memref<1x1x1024xf32, #tpu.memory_space<hbm>> -> memref<1024xf32, #tpu.memory_space<hbm>>
      tpu.wait_dma2 semaphore(%arg26 : memref<!tpu.dma_semaphore, #tpu.memory_space<semaphore_mem>>) src(%dma_wait3A_247 : memref<1024xf32, #tpu.memory_space<hbm>>) dst(%arg14 : memref<1024xf32, #tpu.memory_space<vmem>>)
      %dma_wait3A_248 = arith.constant 0 : i32
      %dma_wait3A_249 = tpu.memref_slice %arg6[%select_n3A_171, %dma_wait3A_248] : memref<4x512xi32, #tpu.memory_space<hbm>> -> memref<1x512xi32, #tpu.memory_space<hbm>>
      %dma_wait3A_250 = tpu.memref_squeeze %dma_wait3A_249 : memref<1x512xi32, #tpu.memory_space<hbm>> -> memref<512xi32, #tpu.memory_space<hbm>>
      %dma_wait3A_251 = arith.constant 0 : i32
      %dma_wait3A_252 = tpu.memref_slice %arg6[%select_n3A_171, %dma_wait3A_251] : memref<4x512xi32, #tpu.memory_space<hbm>> -> memref<1x512xi32, #tpu.memory_space<hbm>>
      %dma_wait3A_253 = tpu.memref_squeeze %dma_wait3A_252 : memref<1x512xi32, #tpu.memory_space<hbm>> -> memref<512xi32, #tpu.memory_space<hbm>>
      tpu.wait_dma2 semaphore(%arg26 : memref<!tpu.dma_semaphore, #tpu.memory_space<semaphore_mem>>) src(%dma_wait3A_253 : memref<512xi32, #tpu.memory_space<hbm>>) dst(%arg15 : memref<512xi32, #tpu.memory_space<vmem>>)
      %dma_wait3A_254 = arith.constant 0 : i32
      %dma_wait3A_255 = tpu.memref_slice %arg7[%select_n3A_171, %dma_wait3A_254] : memref<4x512xi32, #tpu.memory_space<hbm>> -> memref<1x512xi32, #tpu.memory_space<hbm>>
      %dma_wait3A_256 = tpu.memref_squeeze %dma_wait3A_255 : memref<1x512xi32, #tpu.memory_space<hbm>> -> memref<512xi32, #tpu.memory_space<hbm>>
      %dma_wait3A_257 = arith.constant 0 : i32
      %dma_wait3A_258 = tpu.memref_slice %arg7[%select_n3A_171, %dma_wait3A_257] : memref<4x512xi32, #tpu.memory_space<hbm>> -> memref<1x512xi32, #tpu.memory_space<hbm>>
      %dma_wait3A_259 = tpu.memref_squeeze %dma_wait3A_258 : memref<1x512xi32, #tpu.memory_space<hbm>> -> memref<512xi32, #tpu.memory_space<hbm>>
      tpu.wait_dma2 semaphore(%arg26 : memref<!tpu.dma_semaphore, #tpu.memory_space<semaphore_mem>>) src(%dma_wait3A_259 : memref<512xi32, #tpu.memory_space<hbm>>) dst(%arg16 : memref<512xi32, #tpu.memory_space<vmem>>)
      %broadcast_in_dim3A_260 = arith.constant 1.000000e+00 : f32
      %broadcast_in_dim3A_261 = vector.broadcast %broadcast_in_dim3A_260 : f32 to vector<16xf32>
      %broadcast_in_dim3A_262 = arith.constant 0.000000e+00 : f32
      %broadcast_in_dim3A_263 = vector.broadcast %broadcast_in_dim3A_262 : f32 to vector<16xf32>
      %iota3A = tpu.iota {dimensions = array<i32: 0>} : vector<16xi32>
      %get3A = arith.constant 0 : index
      %get3A_264 = tpu.vector_load %arg16[%get3A] {strides = array<i32>} : memref<512xi32, #tpu.memory_space<vmem>>, vector<16xi32>,
      %eq3A_265 = arith.constant 0 : i32
      %eq3A_266 = vector.broadcast %eq3A_265 : i32 to vector<16xi32>
      %eq3A_267 = arith.cmpi eq, %get3A_264, %eq3A_266 : vector<16xi32>
      %select_n3A_268 = arith.select %eq3A_267, %broadcast_in_dim3A_261, %broadcast_in_dim3A_263 : vector<16xi1>, vector<16xf32>
      %swap3A = arith.constant 0 : index
      %swap3A_269 = tpu.vector_load %arg20[%swap3A] {strides = array<i32>} : memref<512xf32, #tpu.memory_space<vmem>>, vector<16xf32>,
      tpu.vector_store %arg20[%swap3A], %select_n3A_268 {strides = array<i32>} : memref<512xf32, #tpu.memory_space<vmem>>, vector<16xf32>,
      %get3A_270 = arith.constant 0 : index
      %get3A_271 = tpu.vector_load %arg15[%get3A_270] {strides = array<i32>} : memref<512xi32, #tpu.memory_space<vmem>>, vector<16xi32>,
      %eq3A_272 = arith.constant -1 : i32
      %eq3A_273 = vector.broadcast %eq3A_272 : i32 to vector<16xi32>
      %eq3A_274 = arith.cmpi eq, %get3A_271, %eq3A_273 : vector<16xi32>
      %select_n3A_275 = arith.select %eq3A_274, %broadcast_in_dim3A_263, %select_n3A_268 : vector<16xi1>, vector<16xf32>
      %swap3A_276 = arith.constant 0 : index
      %swap3A_277 = tpu.vector_load %arg18[%swap3A_276] {strides = array<i32>} : memref<512xf32, #tpu.memory_space<vmem>>, vector<16xf32>,
      tpu.vector_store %arg18[%swap3A_276], %select_n3A_275 {strides = array<i32>} : memref<512xf32, #tpu.memory_space<vmem>>, vector<16xf32>,
      %get3A_278 = arith.constant 16 : index
      %get3A_279 = tpu.vector_load %arg16[%get3A_278] {strides = array<i32>} : memref<512xi32, #tpu.memory_space<vmem>>, vector<16xi32>,
      %eq3A_280 = arith.constant 0 : i32
      %eq3A_281 = vector.broadcast %eq3A_280 : i32 to vector<16xi32>
      %eq3A_282 = arith.cmpi eq, %get3A_279, %eq3A_281 : vector<16xi32>
      %select_n3A_283 = arith.select %eq3A_282, %broadcast_in_dim3A_261, %broadcast_in_dim3A_263 : vector<16xi1>, vector<16xf32>
      %swap3A_284 = arith.constant 16 : index
      %swap3A_285 = tpu.vector_load %arg20[%swap3A_284] {strides = array<i32>} : memref<512xf32, #tpu.memory_space<vmem>>, vector<16xf32>,
      tpu.vector_store %arg20[%swap3A_284], %select_n3A_283 {strides = array<i32>} : memref<512xf32, #tpu.memory_space<vmem>>, vector<16xf32>,
      %get3A_286 = arith.constant 16 : index
      %get3A_287 = tpu.vector_load %arg15[%get3A_286] {strides = array<i32>} : memref<512xi32, #tpu.memory_space<vmem>>, vector<16xi32>,
      %eq3A_288 = arith.constant -1 : i32
      %eq3A_289 = vector.broadcast %eq3A_288 : i32 to vector<16xi32>
      %eq3A_290 = arith.cmpi eq, %get3A_287, %eq3A_289 : vector<16xi32>
      %select_n3A_291 = arith.select %eq3A_290, %broadcast_in_dim3A_263, %select_n3A_283 : vector<16xi1>, vector<16xf32>
      %swap3A_292 = arith.constant 16 : index
      %swap3A_293 = tpu.vector_load %arg18[%swap3A_292] {strides = array<i32>} : memref<512xf32, #tpu.memory_space<vmem>>, vector<16xf32>,
      tpu.vector_store %arg18[%swap3A_292], %select_n3A_291 {strides = array<i32>} : memref<512xf32, #tpu.memory_space<vmem>>, vector<16xf32>,
      %get3A_294 = arith.constant 32 : index
      %get3A_295 = tpu.vector_load %arg16[%get3A_294] {strides = array<i32>} : memref<512xi32, #tpu.memory_space<vmem>>, vector<16xi32>,
      %eq3A_296 = arith.constant 0 : i32
      %eq3A_297 = vector.broadcast %eq3A_296 : i32 to vector<16xi32>
      %eq3A_298 = arith.cmpi eq, %get3A_295, %eq3A_297 : vector<16xi32>
      %select_n3A_299 = arith.select %eq3A_298, %broadcast_in_dim3A_261, %broadcast_in_dim3A_263 : vector<16xi1>, vector<16xf32>
      %swap3A_300 = arith.constant 32 : index
      %swap3A_301 = tpu.vector_load %arg20[%swap3A_300] {strides = array<i32>} : memref<512xf32, #tpu.memory_space<vmem>>, vector<16xf32>,
      tpu.vector_store %arg20[%swap3A_300], %select_n3A_299 {strides = array<i32>} : memref<512xf32, #tpu.memory_space<vmem>>, vector<16xf32>,
      %get3A_302 = arith.constant 32 : index
      %get3A_303 = tpu.vector_load %arg15[%get3A_302] {strides = array<i32>} : memref<512xi32, #tpu.memory_space<vmem>>, vector<16xi32>,
      %eq3A_304 = arith.constant -1 : i32
      %eq3A_305 = vector.broadcast %eq3A_304 : i32 to vector<16xi32>
      %eq3A_306 = arith.cmpi eq, %get3A_303, %eq3A_305 : vector<16xi32>
      %select_n3A_307 = arith.select %eq3A_306, %broadcast_in_dim3A_263, %select_n3A_299 : vector<16xi1>, vector<16xf32>
      %swap3A_308 = arith.constant 32 : index
      %swap3A_309 = tpu.vector_load %arg18[%swap3A_308] {strides = array<i32>} : memref<512xf32, #tpu.memory_space<vmem>>, vector<16xf32>,
      tpu.vector_store %arg18[%swap3A_308], %select_n3A_307 {strides = array<i32>} : memref<512xf32, #tpu.memory_space<vmem>>, vector<16xf32>,
      %get3A_310 = arith.constant 48 : index
      %get3A_311 = tpu.vector_load %arg16[%get3A_310] {strides = array<i32>} : memref<512xi32, #tpu.memory_space<vmem>>, vector<16xi32>,
      %eq3A_312 = arith.constant 0 : i32
      %eq3A_313 = vector.broadcast %eq3A_312 : i32 to vector<16xi32>
      %eq3A_314 = arith.cmpi eq, %get3A_311, %eq3A_313 : vector<16xi32>
      %select_n3A_315 = arith.select %eq3A_314, %broadcast_in_dim3A_261, %broadcast_in_dim3A_263 : vector<16xi1>, vector<16xf32>
      %swap3A_316 = arith.constant 48 : index
      %swap3A_317 = tpu.vector_load %arg20[%swap3A_316] {strides = array<i32>} : memref<512xf32, #tpu.memory_space<vmem>>, vector<16xf32>,
      tpu.vector_store %arg20[%swap3A_316], %select_n3A_315 {strides = array<i32>} : memref<512xf32, #tpu.memory_space<vmem>>, vector<16xf32>,
      %get3A_318 = arith.constant 48 : index
      %get3A_319 = tpu.vector_load %arg15[%get3A_318] {strides = array<i32>} : memref<512xi32, #tpu.memory_space<vmem>>, vector<16xi32>,
      %eq3A_320 = arith.constant -1 : i32
      %eq3A_321 = vector.broadcast %eq3A_320 : i32 to vector<16xi32>
      %eq3A_322 = arith.cmpi eq, %get3A_319, %eq3A_321 : vector<16xi32>
      %select_n3A_323 = arith.select %eq3A_322, %broadcast_in_dim3A_263, %select_n3A_315 : vector<16xi1>, vector<16xf32>
      %swap3A_324 = arith.constant 48 : index
      %swap3A_325 = tpu.vector_load %arg18[%swap3A_324] {strides = array<i32>} : memref<512xf32, #tpu.memory_space<vmem>>, vector<16xf32>,
      tpu.vector_store %arg18[%swap3A_324], %select_n3A_323 {strides = array<i32>} : memref<512xf32, #tpu.memory_space<vmem>>, vector<16xf32>,
      %get3A_326 = arith.constant 64 : index
      %get3A_327 = tpu.vector_load %arg16[%get3A_326] {strides = array<i32>} : memref<512xi32, #tpu.memory_space<vmem>>, vector<16xi32>,
      %eq3A_328 = arith.constant 0 : i32
      %eq3A_329 = vector.broadcast %eq3A_328 : i32 to vector<16xi32>
      %eq3A_330 = arith.cmpi eq, %get3A_327, %eq3A_329 : vector<16xi32>
      %select_n3A_331 = arith.select %eq3A_330, %broadcast_in_dim3A_261, %broadcast_in_dim3A_263 : vector<16xi1>, vector<16xf32>
      %swap3A_332 = arith.constant 64 : index
      %swap3A_333 = tpu.vector_load %arg20[%swap3A_332] {strides = array<i32>} : memref<512xf32, #tpu.memory_space<vmem>>, vector<16xf32>,
      tpu.vector_store %arg20[%swap3A_332], %select_n3A_331 {strides = array<i32>} : memref<512xf32, #tpu.memory_space<vmem>>, vector<16xf32>,
      %get3A_334 = arith.constant 64 : index
      %get3A_335 = tpu.vector_load %arg15[%get3A_334] {strides = array<i32>} : memref<512xi32, #tpu.memory_space<vmem>>, vector<16xi32>,
      %eq3A_336 = arith.constant -1 : i32
      %eq3A_337 = vector.broadcast %eq3A_336 : i32 to vector<16xi32>
      %eq3A_338 = arith.cmpi eq, %get3A_335, %eq3A_337 : vector<16xi32>
      %select_n3A_339 = arith.select %eq3A_338, %broadcast_in_dim3A_263, %select_n3A_331 : vector<16xi1>, vector<16xf32>
      %swap3A_340 = arith.constant 64 : index
      %swap3A_341 = tpu.vector_load %arg18[%swap3A_340] {strides = array<i32>} : memref<512xf32, #tpu.memory_space<vmem>>, vector<16xf32>,
      tpu.vector_store %arg18[%swap3A_340], %select_n3A_339 {strides = array<i32>} : memref<512xf32, #tpu.memory_space<vmem>>, vector<16xf32>,
      %get3A_342 = arith.constant 80 : index
      %get3A_343 = tpu.vector_load %arg16[%get3A_342] {strides = array<i32>} : memref<512xi32, #tpu.memory_space<vmem>>, vector<16xi32>,
      %eq3A_344 = arith.constant 0 : i32
      %eq3A_345 = vector.broadcast %eq3A_344 : i32 to vector<16xi32>
      %eq3A_346 = arith.cmpi eq, %get3A_343, %eq3A_345 : vector<16xi32>
      %select_n3A_347 = arith.select %eq3A_346, %broadcast_in_dim3A_261, %broadcast_in_dim3A_263 : vector<16xi1>, vector<16xf32>
      %swap3A_348 = arith.constant 80 : index
      %swap3A_349 = tpu.vector_load %arg20[%swap3A_348] {strides = array<i32>} : memref<512xf32, #tpu.memory_space<vmem>>, vector<16xf32>,
      tpu.vector_store %arg20[%swap3A_348], %select_n3A_347 {strides = array<i32>} : memref<512xf32, #tpu.memory_space<vmem>>, vector<16xf32>,
      %get3A_350 = arith.constant 80 : index
      %get3A_351 = tpu.vector_load %arg15[%get3A_350] {strides = array<i32>} : memref<512xi32, #tpu.memory_space<vmem>>, vector<16xi32>,
      %eq3A_352 = arith.constant -1 : i32
      %eq3A_353 = vector.broadcast %eq3A_352 : i32 to vector<16xi32>
      %eq3A_354 = arith.cmpi eq, %get3A_351, %eq3A_353 : vector<16xi32>
      %select_n3A_355 = arith.select %eq3A_354, %broadcast_in_dim3A_263, %select_n3A_347 : vector<16xi1>, vector<16xf32>
      %swap3A_356 = arith.constant 80 : index
      %swap3A_357 = tpu.vector_load %arg18[%swap3A_356] {strides = array<i32>} : memref<512xf32, #tpu.memory_space<vmem>>, vector<16xf32>,
      tpu.vector_store %arg18[%swap3A_356], %select_n3A_355 {strides = array<i32>} : memref<512xf32, #tpu.memory_space<vmem>>, vector<16xf32>,
      %get3A_358 = arith.constant 96 : index
      %get3A_359 = tpu.vector_load %arg16[%get3A_358] {strides = array<i32>} : memref<512xi32, #tpu.memory_space<vmem>>, vector<16xi32>,
      %eq3A_360 = arith.constant 0 : i32
      %eq3A_361 = vector.broadcast %eq3A_360 : i32 to vector<16xi32>
      %eq3A_362 = arith.cmpi eq, %get3A_359, %eq3A_361 : vector<16xi32>
      %select_n3A_363 = arith.select %eq3A_362, %broadcast_in_dim3A_261, %broadcast_in_dim3A_263 : vector<16xi1>, vector<16xf32>
      %swap3A_364 = arith.constant 96 : index
      %swap3A_365 = tpu.vector_load %arg20[%swap3A_364] {strides = array<i32>} : memref<512xf32, #tpu.memory_space<vmem>>, vector<16xf32>,
      tpu.vector_store %arg20[%swap3A_364], %select_n3A_363 {strides = array<i32>} : memref<512xf32, #tpu.memory_space<vmem>>, vector<16xf32>,
      %get3A_366 = arith.constant 96 : index
      %get3A_367 = tpu.vector_load %arg15[%get3A_366] {strides = array<i32>} : memref<512xi32, #tpu.memory_space<vmem>>, vector<16xi32>,
      %eq3A_368 = arith.constant -1 : i32
      %eq3A_369 = vector.broadcast %eq3A_368 : i32 to vector<16xi32>
      %eq3A_370 = arith.cmpi eq, %get3A_367, %eq3A_369 : vector<16xi32>
      %select_n3A_371 = arith.select %eq3A_370, %broadcast_in_dim3A_263, %select_n3A_363 : vector<16xi1>, vector<16xf32>
      %swap3A_372 = arith.constant 96 : index
      %swap3A_373 = tpu.vector_load %arg18[%swap3A_372] {strides = array<i32>} : memref<512xf32, #tpu.memory_space<vmem>>, vector<16xf32>,
      tpu.vector_store %arg18[%swap3A_372], %select_n3A_371 {strides = array<i32>} : memref<512xf32, #tpu.memory_space<vmem>>, vector<16xf32>,
      %get3A_374 = arith.constant 112 : index
      %get3A_375 = tpu.vector_load %arg16[%get3A_374] {strides = array<i32>} : memref<512xi32, #tpu.memory_space<vmem>>, vector<16xi32>,
      %eq3A_376 = arith.constant 0 : i32
      %eq3A_377 = vector.broadcast %eq3A_376 : i32 to vector<16xi32>
      %eq3A_378 = arith.cmpi eq, %get3A_375, %eq3A_377 : vector<16xi32>
      %select_n3A_379 = arith.select %eq3A_378, %broadcast_in_dim3A_261, %broadcast_in_dim3A_263 : vector<16xi1>, vector<16xf32>
      %swap3A_380 = arith.constant 112 : index
      %swap3A_381 = tpu.vector_load %arg20[%swap3A_380] {strides = array<i32>} : memref<512xf32, #tpu.memory_space<vmem>>, vector<16xf32>,
      tpu.vector_store %arg20[%swap3A_380], %select_n3A_379 {strides = array<i32>} : memref<512xf32, #tpu.memory_space<vmem>>, vector<16xf32>,
      %get3A_382 = arith.constant 112 : index
      %get3A_383 = tpu.vector_load %arg15[%get3A_382] {strides = array<i32>} : memref<512xi32, #tpu.memory_space<vmem>>, vector<16xi32>,
      %eq3A_384 = arith.constant -1 : i32
      %eq3A_385 = vector.broadcast %eq3A_384 : i32 to vector<16xi32>
      %eq3A_386 = arith.cmpi eq, %get3A_383, %eq3A_385 : vector<16xi32>
      %select_n3A_387 = arith.select %eq3A_386, %broadcast_in_dim3A_263, %select_n3A_379 : vector<16xi1>, vector<16xf32>
      %swap3A_388 = arith.constant 112 : index
      %swap3A_389 = tpu.vector_load %arg18[%swap3A_388] {strides = array<i32>} : memref<512xf32, #tpu.memory_space<vmem>>, vector<16xf32>,
      tpu.vector_store %arg18[%swap3A_388], %select_n3A_387 {strides = array<i32>} : memref<512xf32, #tpu.memory_space<vmem>>, vector<16xf32>,
      %get3A_390 = arith.constant 128 : index
      %get3A_391 = tpu.vector_load %arg16[%get3A_390] {strides = array<i32>} : memref<512xi32, #tpu.memory_space<vmem>>, vector<16xi32>,
      %eq3A_392 = arith.constant 0 : i32
      %eq3A_393 = vector.broadcast %eq3A_392 : i32 to vector<16xi32>
      %eq3A_394 = arith.cmpi eq, %get3A_391, %eq3A_393 : vector<16xi32>
      %select_n3A_395 = arith.select %eq3A_394, %broadcast_in_dim3A_261, %broadcast_in_dim3A_263 : vector<16xi1>, vector<16xf32>
      %swap3A_396 = arith.constant 128 : index
      %swap3A_397 = tpu.vector_load %arg20[%swap3A_396] {strides = array<i32>} : memref<512xf32, #tpu.memory_space<vmem>>, vector<16xf32>,
      tpu.vector_store %arg20[%swap3A_396], %select_n3A_395 {strides = array<i32>} : memref<512xf32, #tpu.memory_space<vmem>>, vector<16xf32>,
      %get3A_398 = arith.constant 128 : index
      %get3A_399 = tpu.vector_load %arg15[%get3A_398] {strides = array<i32>} : memref<512xi32, #tpu.memory_space<vmem>>, vector<16xi32>,
      %eq3A_400 = arith.constant -1 : i32
      %eq3A_401 = vector.broadcast %eq3A_400 : i32 to vector<16xi32>
      %eq3A_402 = arith.cmpi eq, %get3A_399, %eq3A_401 : vector<16xi32>
      %select_n3A_403 = arith.select %eq3A_402, %broadcast_in_dim3A_263, %select_n3A_395 : vector<16xi1>, vector<16xf32>
      %swap3A_404 = arith.constant 128 : index
      %swap3A_405 = tpu.vector_load %arg18[%swap3A_404] {strides = array<i32>} : memref<512xf32, #tpu.memory_space<vmem>>, vector<16xf32>,
      tpu.vector_store %arg18[%swap3A_404], %select_n3A_403 {strides = array<i32>} : memref<512xf32, #tpu.memory_space<vmem>>, vector<16xf32>,
      %get3A_406 = arith.constant 144 : index
      %get3A_407 = tpu.vector_load %arg16[%get3A_406] {strides = array<i32>} : memref<512xi32, #tpu.memory_space<vmem>>, vector<16xi32>,
      %eq3A_408 = arith.constant 0 : i32
      %eq3A_409 = vector.broadcast %eq3A_408 : i32 to vector<16xi32>
      %eq3A_410 = arith.cmpi eq, %get3A_407, %eq3A_409 : vector<16xi32>
      %select_n3A_411 = arith.select %eq3A_410, %broadcast_in_dim3A_261, %broadcast_in_dim3A_263 : vector<16xi1>, vector<16xf32>
      %swap3A_412 = arith.constant 144 : index
      %swap3A_413 = tpu.vector_load %arg20[%swap3A_412] {strides = array<i32>} : memref<512xf32, #tpu.memory_space<vmem>>, vector<16xf32>,
      tpu.vector_store %arg20[%swap3A_412], %select_n3A_411 {strides = array<i32>} : memref<512xf32, #tpu.memory_space<vmem>>, vector<16xf32>,
      %get3A_414 = arith.constant 144 : index
      %get3A_415 = tpu.vector_load %arg15[%get3A_414] {strides = array<i32>} : memref<512xi32, #tpu.memory_space<vmem>>, vector<16xi32>,
      %eq3A_416 = arith.constant -1 : i32
      %eq3A_417 = vector.broadcast %eq3A_416 : i32 to vector<16xi32>
      %eq3A_418 = arith.cmpi eq, %get3A_415, %eq3A_417 : vector<16xi32>
      %select_n3A_419 = arith.select %eq3A_418, %broadcast_in_dim3A_263, %select_n3A_411 : vector<16xi1>, vector<16xf32>
      %swap3A_420 = arith.constant 144 : index
      %swap3A_421 = tpu.vector_load %arg18[%swap3A_420] {strides = array<i32>} : memref<512xf32, #tpu.memory_space<vmem>>, vector<16xf32>,
      tpu.vector_store %arg18[%swap3A_420], %select_n3A_419 {strides = array<i32>} : memref<512xf32, #tpu.memory_space<vmem>>, vector<16xf32>,
      %get3A_422 = arith.constant 160 : index
      %get3A_423 = tpu.vector_load %arg16[%get3A_422] {strides = array<i32>} : memref<512xi32, #tpu.memory_space<vmem>>, vector<16xi32>,
      %eq3A_424 = arith.constant 0 : i32
      %eq3A_425 = vector.broadcast %eq3A_424 : i32 to vector<16xi32>
      %eq3A_426 = arith.cmpi eq, %get3A_423, %eq3A_425 : vector<16xi32>
      %select_n3A_427 = arith.select %eq3A_426, %broadcast_in_dim3A_261, %broadcast_in_dim3A_263 : vector<16xi1>, vector<16xf32>
      %swap3A_428 = arith.constant 160 : index
      %swap3A_429 = tpu.vector_load %arg20[%swap3A_428] {strides = array<i32>} : memref<512xf32, #tpu.memory_space<vmem>>, vector<16xf32>,
      tpu.vector_store %arg20[%swap3A_428], %select_n3A_427 {strides = array<i32>} : memref<512xf32, #tpu.memory_space<vmem>>, vector<16xf32>,
      %get3A_430 = arith.constant 160 : index
      %get3A_431 = tpu.vector_load %arg15[%get3A_430] {strides = array<i32>} : memref<512xi32, #tpu.memory_space<vmem>>, vector<16xi32>,
      %eq3A_432 = arith.constant -1 : i32
      %eq3A_433 = vector.broadcast %eq3A_432 : i32 to vector<16xi32>
      %eq3A_434 = arith.cmpi eq, %get3A_431, %eq3A_433 : vector<16xi32>
      %select_n3A_435 = arith.select %eq3A_434, %broadcast_in_dim3A_263, %select_n3A_427 : vector<16xi1>, vector<16xf32>
      %swap3A_436 = arith.constant 160 : index
      %swap3A_437 = tpu.vector_load %arg18[%swap3A_436] {strides = array<i32>} : memref<512xf32, #tpu.memory_space<vmem>>, vector<16xf32>,
      tpu.vector_store %arg18[%swap3A_436], %select_n3A_435 {strides = array<i32>} : memref<512xf32, #tpu.memory_space<vmem>>, vector<16xf32>,
      %get3A_438 = arith.constant 176 : index
      %get3A_439 = tpu.vector_load %arg16[%get3A_438] {strides = array<i32>} : memref<512xi32, #tpu.memory_space<vmem>>, vector<16xi32>,
      %eq3A_440 = arith.constant 0 : i32
      %eq3A_441 = vector.broadcast %eq3A_440 : i32 to vector<16xi32>
      %eq3A_442 = arith.cmpi eq, %get3A_439, %eq3A_441 : vector<16xi32>
      %select_n3A_443 = arith.select %eq3A_442, %broadcast_in_dim3A_261, %broadcast_in_dim3A_263 : vector<16xi1>, vector<16xf32>
      %swap3A_444 = arith.constant 176 : index
      %swap3A_445 = tpu.vector_load %arg20[%swap3A_444] {strides = array<i32>} : memref<512xf32, #tpu.memory_space<vmem>>, vector<16xf32>,
      tpu.vector_store %arg20[%swap3A_444], %select_n3A_443 {strides = array<i32>} : memref<512xf32, #tpu.memory_space<vmem>>, vector<16xf32>,
      %get3A_446 = arith.constant 176 : index
      %get3A_447 = tpu.vector_load %arg15[%get3A_446] {strides = array<i32>} : memref<512xi32, #tpu.memory_space<vmem>>, vector<16xi32>,
      %eq3A_448 = arith.constant -1 : i32
      %eq3A_449 = vector.broadcast %eq3A_448 : i32 to vector<16xi32>
      %eq3A_450 = arith.cmpi eq, %get3A_447, %eq3A_449 : vector<16xi32>
      %select_n3A_451 = arith.select %eq3A_450, %broadcast_in_dim3A_263, %select_n3A_443 : vector<16xi1>, vector<16xf32>
      %swap3A_452 = arith.constant 176 : index
      %swap3A_453 = tpu.vector_load %arg18[%swap3A_452] {strides = array<i32>} : memref<512xf32, #tpu.memory_space<vmem>>, vector<16xf32>,
      tpu.vector_store %arg18[%swap3A_452], %select_n3A_451 {strides = array<i32>} : memref<512xf32, #tpu.memory_space<vmem>>, vector<16xf32>,
      %get3A_454 = arith.constant 192 : index
      %get3A_455 = tpu.vector_load %arg16[%get3A_454] {strides = array<i32>} : memref<512xi32, #tpu.memory_space<vmem>>, vector<16xi32>,
      %eq3A_456 = arith.constant 0 : i32
      %eq3A_457 = vector.broadcast %eq3A_456 : i32 to vector<16xi32>
      %eq3A_458 = arith.cmpi eq, %get3A_455, %eq3A_457 : vector<16xi32>
      %select_n3A_459 = arith.select %eq3A_458, %broadcast_in_dim3A_261, %broadcast_in_dim3A_263 : vector<16xi1>, vector<16xf32>
      %swap3A_460 = arith.constant 192 : index
      %swap3A_461 = tpu.vector_load %arg20[%swap3A_460] {strides = array<i32>} : memref<512xf32, #tpu.memory_space<vmem>>, vector<16xf32>,
      tpu.vector_store %arg20[%swap3A_460], %select_n3A_459 {strides = array<i32>} : memref<512xf32, #tpu.memory_space<vmem>>, vector<16xf32>,
      %get3A_462 = arith.constant 192 : index
      %get3A_463 = tpu.vector_load %arg15[%get3A_462] {strides = array<i32>} : memref<512xi32, #tpu.memory_space<vmem>>, vector<16xi32>,
      %eq3A_464 = arith.constant -1 : i32
      %eq3A_465 = vector.broadcast %eq3A_464 : i32 to vector<16xi32>
      %eq3A_466 = arith.cmpi eq, %get3A_463, %eq3A_465 : vector<16xi32>
      %select_n3A_467 = arith.select %eq3A_466, %broadcast_in_dim3A_263, %select_n3A_459 : vector<16xi1>, vector<16xf32>
      %swap3A_468 = arith.constant 192 : index
      %swap3A_469 = tpu.vector_load %arg18[%swap3A_468] {strides = array<i32>} : memref<512xf32, #tpu.memory_space<vmem>>, vector<16xf32>,
      tpu.vector_store %arg18[%swap3A_468], %select_n3A_467 {strides = array<i32>} : memref<512xf32, #tpu.memory_space<vmem>>, vector<16xf32>,
      %get3A_470 = arith.constant 208 : index
      %get3A_471 = tpu.vector_load %arg16[%get3A_470] {strides = array<i32>} : memref<512xi32, #tpu.memory_space<vmem>>, vector<16xi32>,
      %eq3A_472 = arith.constant 0 : i32
      %eq3A_473 = vector.broadcast %eq3A_472 : i32 to vector<16xi32>
      %eq3A_474 = arith.cmpi eq, %get3A_471, %eq3A_473 : vector<16xi32>
      %select_n3A_475 = arith.select %eq3A_474, %broadcast_in_dim3A_261, %broadcast_in_dim3A_263 : vector<16xi1>, vector<16xf32>
      %swap3A_476 = arith.constant 208 : index
      %swap3A_477 = tpu.vector_load %arg20[%swap3A_476] {strides = array<i32>} : memref<512xf32, #tpu.memory_space<vmem>>, vector<16xf32>,
      tpu.vector_store %arg20[%swap3A_476], %select_n3A_475 {strides = array<i32>} : memref<512xf32, #tpu.memory_space<vmem>>, vector<16xf32>,
      %get3A_478 = arith.constant 208 : index
      %get3A_479 = tpu.vector_load %arg15[%get3A_478] {strides = array<i32>} : memref<512xi32, #tpu.memory_space<vmem>>, vector<16xi32>,
      %eq3A_480 = arith.constant -1 : i32
      %eq3A_481 = vector.broadcast %eq3A_480 : i32 to vector<16xi32>
      %eq3A_482 = arith.cmpi eq, %get3A_479, %eq3A_481 : vector<16xi32>
      %select_n3A_483 = arith.select %eq3A_482, %broadcast_in_dim3A_263, %select_n3A_475 : vector<16xi1>, vector<16xf32>
      %swap3A_484 = arith.constant 208 : index
      %swap3A_485 = tpu.vector_load %arg18[%swap3A_484] {strides = array<i32>} : memref<512xf32, #tpu.memory_space<vmem>>, vector<16xf32>,
      tpu.vector_store %arg18[%swap3A_484], %select_n3A_483 {strides = array<i32>} : memref<512xf32, #tpu.memory_space<vmem>>, vector<16xf32>,
      %get3A_486 = arith.constant 224 : index
      %get3A_487 = tpu.vector_load %arg16[%get3A_486] {strides = array<i32>} : memref<512xi32, #tpu.memory_space<vmem>>, vector<16xi32>,
      %eq3A_488 = arith.constant 0 : i32
      %eq3A_489 = vector.broadcast %eq3A_488 : i32 to vector<16xi32>
      %eq3A_490 = arith.cmpi eq, %get3A_487, %eq3A_489 : vector<16xi32>
      %select_n3A_491 = arith.select %eq3A_490, %broadcast_in_dim3A_261, %broadcast_in_dim3A_263 : vector<16xi1>, vector<16xf32>
      %swap3A_492 = arith.constant 224 : index
      %swap3A_493 = tpu.vector_load %arg20[%swap3A_492] {strides = array<i32>} : memref<512xf32, #tpu.memory_space<vmem>>, vector<16xf32>,
      tpu.vector_store %arg20[%swap3A_492], %select_n3A_491 {strides = array<i32>} : memref<512xf32, #tpu.memory_space<vmem>>, vector<16xf32>,
      %get3A_494 = arith.constant 224 : index
      %get3A_495 = tpu.vector_load %arg15[%get3A_494] {strides = array<i32>} : memref<512xi32, #tpu.memory_space<vmem>>, vector<16xi32>,
      %eq3A_496 = arith.constant -1 : i32
      %eq3A_497 = vector.broadcast %eq3A_496 : i32 to vector<16xi32>
      %eq3A_498 = arith.cmpi eq, %get3A_495, %eq3A_497 : vector<16xi32>
      %select_n3A_499 = arith.select %eq3A_498, %broadcast_in_dim3A_263, %select_n3A_491 : vector<16xi1>, vector<16xf32>
      %swap3A_500 = arith.constant 224 : index
      %swap3A_501 = tpu.vector_load %arg18[%swap3A_500] {strides = array<i32>} : memref<512xf32, #tpu.memory_space<vmem>>, vector<16xf32>,
      tpu.vector_store %arg18[%swap3A_500], %select_n3A_499 {strides = array<i32>} : memref<512xf32, #tpu.memory_space<vmem>>, vector<16xf32>,
      %get3A_502 = arith.constant 240 : index
      %get3A_503 = tpu.vector_load %arg16[%get3A_502] {strides = array<i32>} : memref<512xi32, #tpu.memory_space<vmem>>, vector<16xi32>,
      %eq3A_504 = arith.constant 0 : i32
      %eq3A_505 = vector.broadcast %eq3A_504 : i32 to vector<16xi32>
      %eq3A_506 = arith.cmpi eq, %get3A_503, %eq3A_505 : vector<16xi32>
      %select_n3A_507 = arith.select %eq3A_506, %broadcast_in_dim3A_261, %broadcast_in_dim3A_263 : vector<16xi1>, vector<16xf32>
      %swap3A_508 = arith.constant 240 : index
      %swap3A_509 = tpu.vector_load %arg20[%swap3A_508] {strides = array<i32>} : memref<512xf32, #tpu.memory_space<vmem>>, vector<16xf32>,
      tpu.vector_store %arg20[%swap3A_508], %select_n3A_507 {strides = array<i32>} : memref<512xf32, #tpu.memory_space<vmem>>, vector<16xf32>,
      %get3A_510 = arith.constant 240 : index
      %get3A_511 = tpu.vector_load %arg15[%get3A_510] {strides = array<i32>} : memref<512xi32, #tpu.memory_space<vmem>>, vector<16xi32>,
      %eq3A_512 = arith.constant -1 : i32
      %eq3A_513 = vector.broadcast %eq3A_512 : i32 to vector<16xi32>
      %eq3A_514 = arith.cmpi eq, %get3A_511, %eq3A_513 : vector<16xi32>
      %select_n3A_515 = arith.select %eq3A_514, %broadcast_in_dim3A_263, %select_n3A_507 : vector<16xi1>, vector<16xf32>
      %swap3A_516 = arith.constant 240 : index
      %swap3A_517 = tpu.vector_load %arg18[%swap3A_516] {strides = array<i32>} : memref<512xf32, #tpu.memory_space<vmem>>, vector<16xf32>,
      tpu.vector_store %arg18[%swap3A_516], %select_n3A_515 {strides = array<i32>} : memref<512xf32, #tpu.memory_space<vmem>>, vector<16xf32>,
      %get3A_518 = arith.constant 256 : index
      %get3A_519 = tpu.vector_load %arg16[%get3A_518] {strides = array<i32>} : memref<512xi32, #tpu.memory_space<vmem>>, vector<16xi32>,
      %eq3A_520 = arith.constant 0 : i32
      %eq3A_521 = vector.broadcast %eq3A_520 : i32 to vector<16xi32>
      %eq3A_522 = arith.cmpi eq, %get3A_519, %eq3A_521 : vector<16xi32>
      %select_n3A_523 = arith.select %eq3A_522, %broadcast_in_dim3A_261, %broadcast_in_dim3A_263 : vector<16xi1>, vector<16xf32>
      %swap3A_524 = arith.constant 256 : index
      %swap3A_525 = tpu.vector_load %arg20[%swap3A_524] {strides = array<i32>} : memref<512xf32, #tpu.memory_space<vmem>>, vector<16xf32>,
      tpu.vector_store %arg20[%swap3A_524], %select_n3A_523 {strides = array<i32>} : memref<512xf32, #tpu.memory_space<vmem>>, vector<16xf32>,
      %get3A_526 = arith.constant 256 : index
      %get3A_527 = tpu.vector_load %arg15[%get3A_526] {strides = array<i32>} : memref<512xi32, #tpu.memory_space<vmem>>, vector<16xi32>,
      %eq3A_528 = arith.constant -1 : i32
      %eq3A_529 = vector.broadcast %eq3A_528 : i32 to vector<16xi32>
      %eq3A_530 = arith.cmpi eq, %get3A_527, %eq3A_529 : vector<16xi32>
      %select_n3A_531 = arith.select %eq3A_530, %broadcast_in_dim3A_263, %select_n3A_523 : vector<16xi1>, vector<16xf32>
      %swap3A_532 = arith.constant 256 : index
      %swap3A_533 = tpu.vector_load %arg18[%swap3A_532] {strides = array<i32>} : memref<512xf32, #tpu.memory_space<vmem>>, vector<16xf32>,
      tpu.vector_store %arg18[%swap3A_532], %select_n3A_531 {strides = array<i32>} : memref<512xf32, #tpu.memory_space<vmem>>, vector<16xf32>,
      %get3A_534 = arith.constant 272 : index
      %get3A_535 = tpu.vector_load %arg16[%get3A_534] {strides = array<i32>} : memref<512xi32, #tpu.memory_space<vmem>>, vector<16xi32>,
      %eq3A_536 = arith.constant 0 : i32
      %eq3A_537 = vector.broadcast %eq3A_536 : i32 to vector<16xi32>
      %eq3A_538 = arith.cmpi eq, %get3A_535, %eq3A_537 : vector<16xi32>
      %select_n3A_539 = arith.select %eq3A_538, %broadcast_in_dim3A_261, %broadcast_in_dim3A_263 : vector<16xi1>, vector<16xf32>
      %swap3A_540 = arith.constant 272 : index
      %swap3A_541 = tpu.vector_load %arg20[%swap3A_540] {strides = array<i32>} : memref<512xf32, #tpu.memory_space<vmem>>, vector<16xf32>,
      tpu.vector_store %arg20[%swap3A_540], %select_n3A_539 {strides = array<i32>} : memref<512xf32, #tpu.memory_space<vmem>>, vector<16xf32>,
      %get3A_542 = arith.constant 272 : index
      %get3A_543 = tpu.vector_load %arg15[%get3A_542] {strides = array<i32>} : memref<512xi32, #tpu.memory_space<vmem>>, vector<16xi32>,
      %eq3A_544 = arith.constant -1 : i32
      %eq3A_545 = vector.broadcast %eq3A_544 : i32 to vector<16xi32>
      %eq3A_546 = arith.cmpi eq, %get3A_543, %eq3A_545 : vector<16xi32>
      %select_n3A_547 = arith.select %eq3A_546, %broadcast_in_dim3A_263, %select_n3A_539 : vector<16xi1>, vector<16xf32>
      %swap3A_548 = arith.constant 272 : index
      %swap3A_549 = tpu.vector_load %arg18[%swap3A_548] {strides = array<i32>} : memref<512xf32, #tpu.memory_space<vmem>>, vector<16xf32>,
      tpu.vector_store %arg18[%swap3A_548], %select_n3A_547 {strides = array<i32>} : memref<512xf32, #tpu.memory_space<vmem>>, vector<16xf32>,
      %get3A_550 = arith.constant 288 : index
      %get3A_551 = tpu.vector_load %arg16[%get3A_550] {strides = array<i32>} : memref<512xi32, #tpu.memory_space<vmem>>, vector<16xi32>,
      %eq3A_552 = arith.constant 0 : i32
      %eq3A_553 = vector.broadcast %eq3A_552 : i32 to vector<16xi32>
      %eq3A_554 = arith.cmpi eq, %get3A_551, %eq3A_553 : vector<16xi32>
      %select_n3A_555 = arith.select %eq3A_554, %broadcast_in_dim3A_261, %broadcast_in_dim3A_263 : vector<16xi1>, vector<16xf32>
      %swap3A_556 = arith.constant 288 : index
      %swap3A_557 = tpu.vector_load %arg20[%swap3A_556] {strides = array<i32>} : memref<512xf32, #tpu.memory_space<vmem>>, vector<16xf32>,
      tpu.vector_store %arg20[%swap3A_556], %select_n3A_555 {strides = array<i32>} : memref<512xf32, #tpu.memory_space<vmem>>, vector<16xf32>,
      %get3A_558 = arith.constant 288 : index
      %get3A_559 = tpu.vector_load %arg15[%get3A_558] {strides = array<i32>} : memref<512xi32, #tpu.memory_space<vmem>>, vector<16xi32>,
      %eq3A_560 = arith.constant -1 : i32
      %eq3A_561 = vector.broadcast %eq3A_560 : i32 to vector<16xi32>
      %eq3A_562 = arith.cmpi eq, %get3A_559, %eq3A_561 : vector<16xi32>
      %select_n3A_563 = arith.select %eq3A_562, %broadcast_in_dim3A_263, %select_n3A_555 : vector<16xi1>, vector<16xf32>
      %swap3A_564 = arith.constant 288 : index
      %swap3A_565 = tpu.vector_load %arg18[%swap3A_564] {strides = array<i32>} : memref<512xf32, #tpu.memory_space<vmem>>, vector<16xf32>,
      tpu.vector_store %arg18[%swap3A_564], %select_n3A_563 {strides = array<i32>} : memref<512xf32, #tpu.memory_space<vmem>>, vector<16xf32>,
      %get3A_566 = arith.constant 304 : index
      %get3A_567 = tpu.vector_load %arg16[%get3A_566] {strides = array<i32>} : memref<512xi32, #tpu.memory_space<vmem>>, vector<16xi32>,
      %eq3A_568 = arith.constant 0 : i32
      %eq3A_569 = vector.broadcast %eq3A_568 : i32 to vector<16xi32>
      %eq3A_570 = arith.cmpi eq, %get3A_567, %eq3A_569 : vector<16xi32>
      %select_n3A_571 = arith.select %eq3A_570, %broadcast_in_dim3A_261, %broadcast_in_dim3A_263 : vector<16xi1>, vector<16xf32>
      %swap3A_572 = arith.constant 304 : index
      %swap3A_573 = tpu.vector_load %arg20[%swap3A_572] {strides = array<i32>} : memref<512xf32, #tpu.memory_space<vmem>>, vector<16xf32>,
      tpu.vector_store %arg20[%swap3A_572], %select_n3A_571 {strides = array<i32>} : memref<512xf32, #tpu.memory_space<vmem>>, vector<16xf32>,
      %get3A_574 = arith.constant 304 : index
      %get3A_575 = tpu.vector_load %arg15[%get3A_574] {strides = array<i32>} : memref<512xi32, #tpu.memory_space<vmem>>, vector<16xi32>,
      %eq3A_576 = arith.constant -1 : i32
      %eq3A_577 = vector.broadcast %eq3A_576 : i32 to vector<16xi32>
      %eq3A_578 = arith.cmpi eq, %get3A_575, %eq3A_577 : vector<16xi32>
      %select_n3A_579 = arith.select %eq3A_578, %broadcast_in_dim3A_263, %select_n3A_571 : vector<16xi1>, vector<16xf32>
      %swap3A_580 = arith.constant 304 : index
      %swap3A_581 = tpu.vector_load %arg18[%swap3A_580] {strides = array<i32>} : memref<512xf32, #tpu.memory_space<vmem>>, vector<16xf32>,
      tpu.vector_store %arg18[%swap3A_580], %select_n3A_579 {strides = array<i32>} : memref<512xf32, #tpu.memory_space<vmem>>, vector<16xf32>,
      %get3A_582 = arith.constant 320 : index
      %get3A_583 = tpu.vector_load %arg16[%get3A_582] {strides = array<i32>} : memref<512xi32, #tpu.memory_space<vmem>>, vector<16xi32>,
      %eq3A_584 = arith.constant 0 : i32
      %eq3A_585 = vector.broadcast %eq3A_584 : i32 to vector<16xi32>
      %eq3A_586 = arith.cmpi eq, %get3A_583, %eq3A_585 : vector<16xi32>
      %select_n3A_587 = arith.select %eq3A_586, %broadcast_in_dim3A_261, %broadcast_in_dim3A_263 : vector<16xi1>, vector<16xf32>
      %swap3A_588 = arith.constant 320 : index
      %swap3A_589 = tpu.vector_load %arg20[%swap3A_588] {strides = array<i32>} : memref<512xf32, #tpu.memory_space<vmem>>, vector<16xf32>,
      tpu.vector_store %arg20[%swap3A_588], %select_n3A_587 {strides = array<i32>} : memref<512xf32, #tpu.memory_space<vmem>>, vector<16xf32>,
      %get3A_590 = arith.constant 320 : index
      %get3A_591 = tpu.vector_load %arg15[%get3A_590] {strides = array<i32>} : memref<512xi32, #tpu.memory_space<vmem>>, vector<16xi32>,
      %eq3A_592 = arith.constant -1 : i32
      %eq3A_593 = vector.broadcast %eq3A_592 : i32 to vector<16xi32>
      %eq3A_594 = arith.cmpi eq, %get3A_591, %eq3A_593 : vector<16xi32>
      %select_n3A_595 = arith.select %eq3A_594, %broadcast_in_dim3A_263, %select_n3A_587 : vector<16xi1>, vector<16xf32>
      %swap3A_596 = arith.constant 320 : index
      %swap3A_597 = tpu.vector_load %arg18[%swap3A_596] {strides = array<i32>} : memref<512xf32, #tpu.memory_space<vmem>>, vector<16xf32>,
      tpu.vector_store %arg18[%swap3A_596], %select_n3A_595 {strides = array<i32>} : memref<512xf32, #tpu.memory_space<vmem>>, vector<16xf32>,
      %get3A_598 = arith.constant 336 : index
      %get3A_599 = tpu.vector_load %arg16[%get3A_598] {strides = array<i32>} : memref<512xi32, #tpu.memory_space<vmem>>, vector<16xi32>,
      %eq3A_600 = arith.constant 0 : i32
      %eq3A_601 = vector.broadcast %eq3A_600 : i32 to vector<16xi32>
      %eq3A_602 = arith.cmpi eq, %get3A_599, %eq3A_601 : vector<16xi32>
      %select_n3A_603 = arith.select %eq3A_602, %broadcast_in_dim3A_261, %broadcast_in_dim3A_263 : vector<16xi1>, vector<16xf32>
      %swap3A_604 = arith.constant 336 : index
      %swap3A_605 = tpu.vector_load %arg20[%swap3A_604] {strides = array<i32>} : memref<512xf32, #tpu.memory_space<vmem>>, vector<16xf32>,
      tpu.vector_store %arg20[%swap3A_604], %select_n3A_603 {strides = array<i32>} : memref<512xf32, #tpu.memory_space<vmem>>, vector<16xf32>,
      %get3A_606 = arith.constant 336 : index
      %get3A_607 = tpu.vector_load %arg15[%get3A_606] {strides = array<i32>} : memref<512xi32, #tpu.memory_space<vmem>>, vector<16xi32>,
      %eq3A_608 = arith.constant -1 : i32
      %eq3A_609 = vector.broadcast %eq3A_608 : i32 to vector<16xi32>
      %eq3A_610 = arith.cmpi eq, %get3A_607, %eq3A_609 : vector<16xi32>
      %select_n3A_611 = arith.select %eq3A_610, %broadcast_in_dim3A_263, %select_n3A_603 : vector<16xi1>, vector<16xf32>
      %swap3A_612 = arith.constant 336 : index
      %swap3A_613 = tpu.vector_load %arg18[%swap3A_612] {strides = array<i32>} : memref<512xf32, #tpu.memory_space<vmem>>, vector<16xf32>,
      tpu.vector_store %arg18[%swap3A_612], %select_n3A_611 {strides = array<i32>} : memref<512xf32, #tpu.memory_space<vmem>>, vector<16xf32>,
      %get3A_614 = arith.constant 352 : index
      %get3A_615 = tpu.vector_load %arg16[%get3A_614] {strides = array<i32>} : memref<512xi32, #tpu.memory_space<vmem>>, vector<16xi32>,
      %eq3A_616 = arith.constant 0 : i32
      %eq3A_617 = vector.broadcast %eq3A_616 : i32 to vector<16xi32>
      %eq3A_618 = arith.cmpi eq, %get3A_615, %eq3A_617 : vector<16xi32>
      %select_n3A_619 = arith.select %eq3A_618, %broadcast_in_dim3A_261, %broadcast_in_dim3A_263 : vector<16xi1>, vector<16xf32>
      %swap3A_620 = arith.constant 352 : index
      %swap3A_621 = tpu.vector_load %arg20[%swap3A_620] {strides = array<i32>} : memref<512xf32, #tpu.memory_space<vmem>>, vector<16xf32>,
      tpu.vector_store %arg20[%swap3A_620], %select_n3A_619 {strides = array<i32>} : memref<512xf32, #tpu.memory_space<vmem>>, vector<16xf32>,
      %get3A_622 = arith.constant 352 : index
      %get3A_623 = tpu.vector_load %arg15[%get3A_622] {strides = array<i32>} : memref<512xi32, #tpu.memory_space<vmem>>, vector<16xi32>,
      %eq3A_624 = arith.constant -1 : i32
      %eq3A_625 = vector.broadcast %eq3A_624 : i32 to vector<16xi32>
      %eq3A_626 = arith.cmpi eq, %get3A_623, %eq3A_625 : vector<16xi32>
      %select_n3A_627 = arith.select %eq3A_626, %broadcast_in_dim3A_263, %select_n3A_619 : vector<16xi1>, vector<16xf32>
      %swap3A_628 = arith.constant 352 : index
      %swap3A_629 = tpu.vector_load %arg18[%swap3A_628] {strides = array<i32>} : memref<512xf32, #tpu.memory_space<vmem>>, vector<16xf32>,
      tpu.vector_store %arg18[%swap3A_628], %select_n3A_627 {strides = array<i32>} : memref<512xf32, #tpu.memory_space<vmem>>, vector<16xf32>,
      %get3A_630 = arith.constant 368 : index
      %get3A_631 = tpu.vector_load %arg16[%get3A_630] {strides = array<i32>} : memref<512xi32, #tpu.memory_space<vmem>>, vector<16xi32>,
      %eq3A_632 = arith.constant 0 : i32
      %eq3A_633 = vector.broadcast %eq3A_632 : i32 to vector<16xi32>
      %eq3A_634 = arith.cmpi eq, %get3A_631, %eq3A_633 : vector<16xi32>
      %select_n3A_635 = arith.select %eq3A_634, %broadcast_in_dim3A_261, %broadcast_in_dim3A_263 : vector<16xi1>, vector<16xf32>
      %swap3A_636 = arith.constant 368 : index
      %swap3A_637 = tpu.vector_load %arg20[%swap3A_636] {strides = array<i32>} : memref<512xf32, #tpu.memory_space<vmem>>, vector<16xf32>,
      tpu.vector_store %arg20[%swap3A_636], %select_n3A_635 {strides = array<i32>} : memref<512xf32, #tpu.memory_space<vmem>>, vector<16xf32>,
      %get3A_638 = arith.constant 368 : index
      %get3A_639 = tpu.vector_load %arg15[%get3A_638] {strides = array<i32>} : memref<512xi32, #tpu.memory_space<vmem>>, vector<16xi32>,
      %eq3A_640 = arith.constant -1 : i32
      %eq3A_641 = vector.broadcast %eq3A_640 : i32 to vector<16xi32>
      %eq3A_642 = arith.cmpi eq, %get3A_639, %eq3A_641 : vector<16xi32>
      %select_n3A_643 = arith.select %eq3A_642, %broadcast_in_dim3A_263, %select_n3A_635 : vector<16xi1>, vector<16xf32>
      %swap3A_644 = arith.constant 368 : index
      %swap3A_645 = tpu.vector_load %arg18[%swap3A_644] {strides = array<i32>} : memref<512xf32, #tpu.memory_space<vmem>>, vector<16xf32>,
      tpu.vector_store %arg18[%swap3A_644], %select_n3A_643 {strides = array<i32>} : memref<512xf32, #tpu.memory_space<vmem>>, vector<16xf32>,
      %get3A_646 = arith.constant 384 : index
      %get3A_647 = tpu.vector_load %arg16[%get3A_646] {strides = array<i32>} : memref<512xi32, #tpu.memory_space<vmem>>, vector<16xi32>,
      %eq3A_648 = arith.constant 0 : i32
      %eq3A_649 = vector.broadcast %eq3A_648 : i32 to vector<16xi32>
      %eq3A_650 = arith.cmpi eq, %get3A_647, %eq3A_649 : vector<16xi32>
      %select_n3A_651 = arith.select %eq3A_650, %broadcast_in_dim3A_261, %broadcast_in_dim3A_263 : vector<16xi1>, vector<16xf32>
      %swap3A_652 = arith.constant 384 : index
      %swap3A_653 = tpu.vector_load %arg20[%swap3A_652] {strides = array<i32>} : memref<512xf32, #tpu.memory_space<vmem>>, vector<16xf32>,
      tpu.vector_store %arg20[%swap3A_652], %select_n3A_651 {strides = array<i32>} : memref<512xf32, #tpu.memory_space<vmem>>, vector<16xf32>,
      %get3A_654 = arith.constant 384 : index
      %get3A_655 = tpu.vector_load %arg15[%get3A_654] {strides = array<i32>} : memref<512xi32, #tpu.memory_space<vmem>>, vector<16xi32>,
      %eq3A_656 = arith.constant -1 : i32
      %eq3A_657 = vector.broadcast %eq3A_656 : i32 to vector<16xi32>
      %eq3A_658 = arith.cmpi eq, %get3A_655, %eq3A_657 : vector<16xi32>
      %select_n3A_659 = arith.select %eq3A_658, %broadcast_in_dim3A_263, %select_n3A_651 : vector<16xi1>, vector<16xf32>
      %swap3A_660 = arith.constant 384 : index
      %swap3A_661 = tpu.vector_load %arg18[%swap3A_660] {strides = array<i32>} : memref<512xf32, #tpu.memory_space<vmem>>, vector<16xf32>,
      tpu.vector_store %arg18[%swap3A_660], %select_n3A_659 {strides = array<i32>} : memref<512xf32, #tpu.memory_space<vmem>>, vector<16xf32>,
      %get3A_662 = arith.constant 400 : index
      %get3A_663 = tpu.vector_load %arg16[%get3A_662] {strides = array<i32>} : memref<512xi32, #tpu.memory_space<vmem>>, vector<16xi32>,
      %eq3A_664 = arith.constant 0 : i32
      %eq3A_665 = vector.broadcast %eq3A_664 : i32 to vector<16xi32>
      %eq3A_666 = arith.cmpi eq, %get3A_663, %eq3A_665 : vector<16xi32>
      %select_n3A_667 = arith.select %eq3A_666, %broadcast_in_dim3A_261, %broadcast_in_dim3A_263 : vector<16xi1>, vector<16xf32>
      %swap3A_668 = arith.constant 400 : index
      %swap3A_669 = tpu.vector_load %arg20[%swap3A_668] {strides = array<i32>} : memref<512xf32, #tpu.memory_space<vmem>>, vector<16xf32>,
      tpu.vector_store %arg20[%swap3A_668], %select_n3A_667 {strides = array<i32>} : memref<512xf32, #tpu.memory_space<vmem>>, vector<16xf32>,
      %get3A_670 = arith.constant 400 : index
      %get3A_671 = tpu.vector_load %arg15[%get3A_670] {strides = array<i32>} : memref<512xi32, #tpu.memory_space<vmem>>, vector<16xi32>,
      %eq3A_672 = arith.constant -1 : i32
      %eq3A_673 = vector.broadcast %eq3A_672 : i32 to vector<16xi32>
      %eq3A_674 = arith.cmpi eq, %get3A_671, %eq3A_673 : vector<16xi32>
      %select_n3A_675 = arith.select %eq3A_674, %broadcast_in_dim3A_263, %select_n3A_667 : vector<16xi1>, vector<16xf32>
      %swap3A_676 = arith.constant 400 : index
      %swap3A_677 = tpu.vector_load %arg18[%swap3A_676] {strides = array<i32>} : memref<512xf32, #tpu.memory_space<vmem>>, vector<16xf32>,
      tpu.vector_store %arg18[%swap3A_676], %select_n3A_675 {strides = array<i32>} : memref<512xf32, #tpu.memory_space<vmem>>, vector<16xf32>,
      %get3A_678 = arith.constant 416 : index
      %get3A_679 = tpu.vector_load %arg16[%get3A_678] {strides = array<i32>} : memref<512xi32, #tpu.memory_space<vmem>>, vector<16xi32>,
      %eq3A_680 = arith.constant 0 : i32
      %eq3A_681 = vector.broadcast %eq3A_680 : i32 to vector<16xi32>
      %eq3A_682 = arith.cmpi eq, %get3A_679, %eq3A_681 : vector<16xi32>
      %select_n3A_683 = arith.select %eq3A_682, %broadcast_in_dim3A_261, %broadcast_in_dim3A_263 : vector<16xi1>, vector<16xf32>
      %swap3A_684 = arith.constant 416 : index
      %swap3A_685 = tpu.vector_load %arg20[%swap3A_684] {strides = array<i32>} : memref<512xf32, #tpu.memory_space<vmem>>, vector<16xf32>,
      tpu.vector_store %arg20[%swap3A_684], %select_n3A_683 {strides = array<i32>} : memref<512xf32, #tpu.memory_space<vmem>>, vector<16xf32>,
      %get3A_686 = arith.constant 416 : index
      %get3A_687 = tpu.vector_load %arg15[%get3A_686] {strides = array<i32>} : memref<512xi32, #tpu.memory_space<vmem>>, vector<16xi32>,
      %eq3A_688 = arith.constant -1 : i32
      %eq3A_689 = vector.broadcast %eq3A_688 : i32 to vector<16xi32>
      %eq3A_690 = arith.cmpi eq, %get3A_687, %eq3A_689 : vector<16xi32>
      %select_n3A_691 = arith.select %eq3A_690, %broadcast_in_dim3A_263, %select_n3A_683 : vector<16xi1>, vector<16xf32>
      %swap3A_692 = arith.constant 416 : index
      %swap3A_693 = tpu.vector_load %arg18[%swap3A_692] {strides = array<i32>} : memref<512xf32, #tpu.memory_space<vmem>>, vector<16xf32>,
      tpu.vector_store %arg18[%swap3A_692], %select_n3A_691 {strides = array<i32>} : memref<512xf32, #tpu.memory_space<vmem>>, vector<16xf32>,
      %get3A_694 = arith.constant 432 : index
      %get3A_695 = tpu.vector_load %arg16[%get3A_694] {strides = array<i32>} : memref<512xi32, #tpu.memory_space<vmem>>, vector<16xi32>,
      %eq3A_696 = arith.constant 0 : i32
      %eq3A_697 = vector.broadcast %eq3A_696 : i32 to vector<16xi32>
      %eq3A_698 = arith.cmpi eq, %get3A_695, %eq3A_697 : vector<16xi32>
      %select_n3A_699 = arith.select %eq3A_698, %broadcast_in_dim3A_261, %broadcast_in_dim3A_263 : vector<16xi1>, vector<16xf32>
      %swap3A_700 = arith.constant 432 : index
      %swap3A_701 = tpu.vector_load %arg20[%swap3A_700] {strides = array<i32>} : memref<512xf32, #tpu.memory_space<vmem>>, vector<16xf32>,
      tpu.vector_store %arg20[%swap3A_700], %select_n3A_699 {strides = array<i32>} : memref<512xf32, #tpu.memory_space<vmem>>, vector<16xf32>,
      %get3A_702 = arith.constant 432 : index
      %get3A_703 = tpu.vector_load %arg15[%get3A_702] {strides = array<i32>} : memref<512xi32, #tpu.memory_space<vmem>>, vector<16xi32>,
      %eq3A_704 = arith.constant -1 : i32
      %eq3A_705 = vector.broadcast %eq3A_704 : i32 to vector<16xi32>
      %eq3A_706 = arith.cmpi eq, %get3A_703, %eq3A_705 : vector<16xi32>
      %select_n3A_707 = arith.select %eq3A_706, %broadcast_in_dim3A_263, %select_n3A_699 : vector<16xi1>, vector<16xf32>
      %swap3A_708 = arith.constant 432 : index
      %swap3A_709 = tpu.vector_load %arg18[%swap3A_708] {strides = array<i32>} : memref<512xf32, #tpu.memory_space<vmem>>, vector<16xf32>,
      tpu.vector_store %arg18[%swap3A_708], %select_n3A_707 {strides = array<i32>} : memref<512xf32, #tpu.memory_space<vmem>>, vector<16xf32>,
      %get3A_710 = arith.constant 448 : index
      %get3A_711 = tpu.vector_load %arg16[%get3A_710] {strides = array<i32>} : memref<512xi32, #tpu.memory_space<vmem>>, vector<16xi32>,
      %eq3A_712 = arith.constant 0 : i32
      %eq3A_713 = vector.broadcast %eq3A_712 : i32 to vector<16xi32>
      %eq3A_714 = arith.cmpi eq, %get3A_711, %eq3A_713 : vector<16xi32>
      %select_n3A_715 = arith.select %eq3A_714, %broadcast_in_dim3A_261, %broadcast_in_dim3A_263 : vector<16xi1>, vector<16xf32>
      %swap3A_716 = arith.constant 448 : index
      %swap3A_717 = tpu.vector_load %arg20[%swap3A_716] {strides = array<i32>} : memref<512xf32, #tpu.memory_space<vmem>>, vector<16xf32>,
      tpu.vector_store %arg20[%swap3A_716], %select_n3A_715 {strides = array<i32>} : memref<512xf32, #tpu.memory_space<vmem>>, vector<16xf32>,
      %get3A_718 = arith.constant 448 : index
      %get3A_719 = tpu.vector_load %arg15[%get3A_718] {strides = array<i32>} : memref<512xi32, #tpu.memory_space<vmem>>, vector<16xi32>,
      %eq3A_720 = arith.constant -1 : i32
      %eq3A_721 = vector.broadcast %eq3A_720 : i32 to vector<16xi32>
      %eq3A_722 = arith.cmpi eq, %get3A_719, %eq3A_721 : vector<16xi32>
      %select_n3A_723 = arith.select %eq3A_722, %broadcast_in_dim3A_263, %select_n3A_715 : vector<16xi1>, vector<16xf32>
      %swap3A_724 = arith.constant 448 : index
      %swap3A_725 = tpu.vector_load %arg18[%swap3A_724] {strides = array<i32>} : memref<512xf32, #tpu.memory_space<vmem>>, vector<16xf32>,
      tpu.vector_store %arg18[%swap3A_724], %select_n3A_723 {strides = array<i32>} : memref<512xf32, #tpu.memory_space<vmem>>, vector<16xf32>,
      %get3A_726 = arith.constant 464 : index
      %get3A_727 = tpu.vector_load %arg16[%get3A_726] {strides = array<i32>} : memref<512xi32, #tpu.memory_space<vmem>>, vector<16xi32>,
      %eq3A_728 = arith.constant 0 : i32
      %eq3A_729 = vector.broadcast %eq3A_728 : i32 to vector<16xi32>
      %eq3A_730 = arith.cmpi eq, %get3A_727, %eq3A_729 : vector<16xi32>
      %select_n3A_731 = arith.select %eq3A_730, %broadcast_in_dim3A_261, %broadcast_in_dim3A_263 : vector<16xi1>, vector<16xf32>
      %swap3A_732 = arith.constant 464 : index
      %swap3A_733 = tpu.vector_load %arg20[%swap3A_732] {strides = array<i32>} : memref<512xf32, #tpu.memory_space<vmem>>, vector<16xf32>,
      tpu.vector_store %arg20[%swap3A_732], %select_n3A_731 {strides = array<i32>} : memref<512xf32, #tpu.memory_space<vmem>>, vector<16xf32>,
      %get3A_734 = arith.constant 464 : index
      %get3A_735 = tpu.vector_load %arg15[%get3A_734] {strides = array<i32>} : memref<512xi32, #tpu.memory_space<vmem>>, vector<16xi32>,
      %eq3A_736 = arith.constant -1 : i32
      %eq3A_737 = vector.broadcast %eq3A_736 : i32 to vector<16xi32>
      %eq3A_738 = arith.cmpi eq, %get3A_735, %eq3A_737 : vector<16xi32>
      %select_n3A_739 = arith.select %eq3A_738, %broadcast_in_dim3A_263, %select_n3A_731 : vector<16xi1>, vector<16xf32>
      %swap3A_740 = arith.constant 464 : index
      %swap3A_741 = tpu.vector_load %arg18[%swap3A_740] {strides = array<i32>} : memref<512xf32, #tpu.memory_space<vmem>>, vector<16xf32>,
      tpu.vector_store %arg18[%swap3A_740], %select_n3A_739 {strides = array<i32>} : memref<512xf32, #tpu.memory_space<vmem>>, vector<16xf32>,
      %get3A_742 = arith.constant 480 : index
      %get3A_743 = tpu.vector_load %arg16[%get3A_742] {strides = array<i32>} : memref<512xi32, #tpu.memory_space<vmem>>, vector<16xi32>,
      %eq3A_744 = arith.constant 0 : i32
      %eq3A_745 = vector.broadcast %eq3A_744 : i32 to vector<16xi32>
      %eq3A_746 = arith.cmpi eq, %get3A_743, %eq3A_745 : vector<16xi32>
      %select_n3A_747 = arith.select %eq3A_746, %broadcast_in_dim3A_261, %broadcast_in_dim3A_263 : vector<16xi1>, vector<16xf32>
      %swap3A_748 = arith.constant 480 : index
      %swap3A_749 = tpu.vector_load %arg20[%swap3A_748] {strides = array<i32>} : memref<512xf32, #tpu.memory_space<vmem>>, vector<16xf32>,
      tpu.vector_store %arg20[%swap3A_748], %select_n3A_747 {strides = array<i32>} : memref<512xf32, #tpu.memory_space<vmem>>, vector<16xf32>,
      %get3A_750 = arith.constant 480 : index
      %get3A_751 = tpu.vector_load %arg15[%get3A_750] {strides = array<i32>} : memref<512xi32, #tpu.memory_space<vmem>>, vector<16xi32>,
      %eq3A_752 = arith.constant -1 : i32
      %eq3A_753 = vector.broadcast %eq3A_752 : i32 to vector<16xi32>
      %eq3A_754 = arith.cmpi eq, %get3A_751, %eq3A_753 : vector<16xi32>
      %select_n3A_755 = arith.select %eq3A_754, %broadcast_in_dim3A_263, %select_n3A_747 : vector<16xi1>, vector<16xf32>
      %swap3A_756 = arith.constant 480 : index
      %swap3A_757 = tpu.vector_load %arg18[%swap3A_756] {strides = array<i32>} : memref<512xf32, #tpu.memory_space<vmem>>, vector<16xf32>,
      tpu.vector_store %arg18[%swap3A_756], %select_n3A_755 {strides = array<i32>} : memref<512xf32, #tpu.memory_space<vmem>>, vector<16xf32>,
      %get3A_758 = arith.constant 496 : index
      %get3A_759 = tpu.vector_load %arg16[%get3A_758] {strides = array<i32>} : memref<512xi32, #tpu.memory_space<vmem>>, vector<16xi32>,
      %eq3A_760 = arith.constant 0 : i32
      %eq3A_761 = vector.broadcast %eq3A_760 : i32 to vector<16xi32>
      %eq3A_762 = arith.cmpi eq, %get3A_759, %eq3A_761 : vector<16xi32>
      %select_n3A_763 = arith.select %eq3A_762, %broadcast_in_dim3A_261, %broadcast_in_dim3A_263 : vector<16xi1>, vector<16xf32>
      %swap3A_764 = arith.constant 496 : index
      %swap3A_765 = tpu.vector_load %arg20[%swap3A_764] {strides = array<i32>} : memref<512xf32, #tpu.memory_space<vmem>>, vector<16xf32>,
      tpu.vector_store %arg20[%swap3A_764], %select_n3A_763 {strides = array<i32>} : memref<512xf32, #tpu.memory_space<vmem>>, vector<16xf32>,
      %get3A_766 = arith.constant 496 : index
      %get3A_767 = tpu.vector_load %arg15[%get3A_766] {strides = array<i32>} : memref<512xi32, #tpu.memory_space<vmem>>, vector<16xi32>,
      %eq3A_768 = arith.constant -1 : i32
      %eq3A_769 = vector.broadcast %eq3A_768 : i32 to vector<16xi32>
      %eq3A_770 = arith.cmpi eq, %get3A_767, %eq3A_769 : vector<16xi32>
      %select_n3A_771 = arith.select %eq3A_770, %broadcast_in_dim3A_263, %select_n3A_763 : vector<16xi1>, vector<16xf32>
      %swap3A_772 = arith.constant 496 : index
      %swap3A_773 = tpu.vector_load %arg18[%swap3A_772] {strides = array<i32>} : memref<512xf32, #tpu.memory_space<vmem>>, vector<16xf32>,
      tpu.vector_store %arg18[%swap3A_772], %select_n3A_771 {strides = array<i32>} : memref<512xf32, #tpu.memory_space<vmem>>, vector<16xf32>,
      %get3A_774 = arith.constant 0 : index
      %get3A_775 = tpu.vector_load %arg11[%get3A_774] {strides = array<i32>} : memref<1024xi32, #tpu.memory_space<vmem>>, vector<16xi32>,
      %gather3A = tpu.vector_load_idx %arg18[%get3A_775] : memref<512xf32, #tpu.memory_space<vmem>>[vector<16xi32>], vector<16xf32>,
      %mul3A_776 = arith.constant 8.000000e-01 : f32
      %mul3A_777 = vector.broadcast %mul3A_776 : f32 to vector<16xf32>
      %mul3A_778 = arith.mulf %gather3A, %mul3A_777 : vector<16xf32>
      %get3A_779 = arith.constant 0 : index
      %get3A_780 = tpu.vector_load %arg14[%get3A_779] {strides = array<i32>} : memref<1024xf32, #tpu.memory_space<vmem>>, vector<16xf32>,
      %add3A_781 = arith.addf %mul3A_778, %get3A_780 : vector<16xf32>
      %get3A_782 = arith.constant 0 : index
      %get3A_783 = tpu.vector_load %arg13[%get3A_782] {strides = array<i32>} : memref<1024xi32, #tpu.memory_space<vmem>>, vector<16xi32>,
      %eq3A_784 = arith.constant -1 : i32
      %eq3A_785 = vector.broadcast %eq3A_784 : i32 to vector<16xi32>
      %eq3A_786 = arith.cmpi eq, %get3A_783, %eq3A_785 : vector<16xi32>
      %select_n3A_787 = arith.select %eq3A_786, %broadcast_in_dim3A_263, %add3A_781 : vector<16xi1>, vector<16xf32>
      %swap3A_788 = arith.constant 0 : index
      %swap3A_789 = tpu.vector_load %arg17[%swap3A_788] {strides = array<i32>} : memref<1024xf32, #tpu.memory_space<vmem>>, vector<16xf32>,
      tpu.vector_store %arg17[%swap3A_788], %select_n3A_787 {strides = array<i32>} : memref<1024xf32, #tpu.memory_space<vmem>>, vector<16xf32>,
      %get3A_790 = arith.constant 16 : index
      %get3A_791 = tpu.vector_load %arg11[%get3A_790] {strides = array<i32>} : memref<1024xi32, #tpu.memory_space<vmem>>, vector<16xi32>,
      %gather3A_792 = tpu.vector_load_idx %arg18[%get3A_791] : memref<512xf32, #tpu.memory_space<vmem>>[vector<16xi32>], vector<16xf32>,
      %mul3A_793 = arith.constant 8.000000e-01 : f32
      %mul3A_794 = vector.broadcast %mul3A_793 : f32 to vector<16xf32>
      %mul3A_795 = arith.mulf %gather3A_792, %mul3A_794 : vector<16xf32>
      %get3A_796 = arith.constant 16 : index
      %get3A_797 = tpu.vector_load %arg14[%get3A_796] {strides = array<i32>} : memref<1024xf32, #tpu.memory_space<vmem>>, vector<16xf32>,
      %add3A_798 = arith.addf %mul3A_795, %get3A_797 : vector<16xf32>
      %get3A_799 = arith.constant 16 : index
      %get3A_800 = tpu.vector_load %arg13[%get3A_799] {strides = array<i32>} : memref<1024xi32, #tpu.memory_space<vmem>>, vector<16xi32>,
      %eq3A_801 = arith.constant -1 : i32
      %eq3A_802 = vector.broadcast %eq3A_801 : i32 to vector<16xi32>
      %eq3A_803 = arith.cmpi eq, %get3A_800, %eq3A_802 : vector<16xi32>
      %select_n3A_804 = arith.select %eq3A_803, %broadcast_in_dim3A_263, %add3A_798 : vector<16xi1>, vector<16xf32>
      %swap3A_805 = arith.constant 16 : index
      %swap3A_806 = tpu.vector_load %arg17[%swap3A_805] {strides = array<i32>} : memref<1024xf32, #tpu.memory_space<vmem>>, vector<16xf32>,
      tpu.vector_store %arg17[%swap3A_805], %select_n3A_804 {strides = array<i32>} : memref<1024xf32, #tpu.memory_space<vmem>>, vector<16xf32>,
      %get3A_807 = arith.constant 32 : index
      %get3A_808 = tpu.vector_load %arg11[%get3A_807] {strides = array<i32>} : memref<1024xi32, #tpu.memory_space<vmem>>, vector<16xi32>,
      %gather3A_809 = tpu.vector_load_idx %arg18[%get3A_808] : memref<512xf32, #tpu.memory_space<vmem>>[vector<16xi32>], vector<16xf32>,
      %mul3A_810 = arith.constant 8.000000e-01 : f32
      %mul3A_811 = vector.broadcast %mul3A_810 : f32 to vector<16xf32>
      %mul3A_812 = arith.mulf %gather3A_809, %mul3A_811 : vector<16xf32>
      %get3A_813 = arith.constant 32 : index
      %get3A_814 = tpu.vector_load %arg14[%get3A_813] {strides = array<i32>} : memref<1024xf32, #tpu.memory_space<vmem>>, vector<16xf32>,
      %add3A_815 = arith.addf %mul3A_812, %get3A_814 : vector<16xf32>
      %get3A_816 = arith.constant 32 : index
      %get3A_817 = tpu.vector_load %arg13[%get3A_816] {strides = array<i32>} : memref<1024xi32, #tpu.memory_space<vmem>>, vector<16xi32>,
      %eq3A_818 = arith.constant -1 : i32
      %eq3A_819 = vector.broadcast %eq3A_818 : i32 to vector<16xi32>
      %eq3A_820 = arith.cmpi eq, %get3A_817, %eq3A_819 : vector<16xi32>
      %select_n3A_821 = arith.select %eq3A_820, %broadcast_in_dim3A_263, %add3A_815 : vector<16xi1>, vector<16xf32>
      %swap3A_822 = arith.constant 32 : index
      %swap3A_823 = tpu.vector_load %arg17[%swap3A_822] {strides = array<i32>} : memref<1024xf32, #tpu.memory_space<vmem>>, vector<16xf32>,
      tpu.vector_store %arg17[%swap3A_822], %select_n3A_821 {strides = array<i32>} : memref<1024xf32, #tpu.memory_space<vmem>>, vector<16xf32>,
      %get3A_824 = arith.constant 48 : index
      %get3A_825 = tpu.vector_load %arg11[%get3A_824] {strides = array<i32>} : memref<1024xi32, #tpu.memory_space<vmem>>, vector<16xi32>,
      %gather3A_826 = tpu.vector_load_idx %arg18[%get3A_825] : memref<512xf32, #tpu.memory_space<vmem>>[vector<16xi32>], vector<16xf32>,
      %mul3A_827 = arith.constant 8.000000e-01 : f32
      %mul3A_828 = vector.broadcast %mul3A_827 : f32 to vector<16xf32>
      %mul3A_829 = arith.mulf %gather3A_826, %mul3A_828 : vector<16xf32>
      %get3A_830 = arith.constant 48 : index
      %get3A_831 = tpu.vector_load %arg14[%get3A_830] {strides = array<i32>} : memref<1024xf32, #tpu.memory_space<vmem>>, vector<16xf32>,
      %add3A_832 = arith.addf %mul3A_829, %get3A_831 : vector<16xf32>
      %get3A_833 = arith.constant 48 : index
      %get3A_834 = tpu.vector_load %arg13[%get3A_833] {strides = array<i32>} : memref<1024xi32, #tpu.memory_space<vmem>>, vector<16xi32>,
      %eq3A_835 = arith.constant -1 : i32
      %eq3A_836 = vector.broadcast %eq3A_835 : i32 to vector<16xi32>
      %eq3A_837 = arith.cmpi eq, %get3A_834, %eq3A_836 : vector<16xi32>
      %select_n3A_838 = arith.select %eq3A_837, %broadcast_in_dim3A_263, %add3A_832 : vector<16xi1>, vector<16xf32>
      %swap3A_839 = arith.constant 48 : index
      %swap3A_840 = tpu.vector_load %arg17[%swap3A_839] {strides = array<i32>} : memref<1024xf32, #tpu.memory_space<vmem>>, vector<16xf32>,
      tpu.vector_store %arg17[%swap3A_839], %select_n3A_838 {strides = array<i32>} : memref<1024xf32, #tpu.memory_space<vmem>>, vector<16xf32>,
      %get3A_841 = arith.constant 64 : index
      %get3A_842 = tpu.vector_load %arg11[%get3A_841] {strides = array<i32>} : memref<1024xi32, #tpu.memory_space<vmem>>, vector<16xi32>,
      %gather3A_843 = tpu.vector_load_idx %arg18[%get3A_842] : memref<512xf32, #tpu.memory_space<vmem>>[vector<16xi32>], vector<16xf32>,
      %mul3A_844 = arith.constant 8.000000e-01 : f32
      %mul3A_845 = vector.broadcast %mul3A_844 : f32 to vector<16xf32>
      %mul3A_846 = arith.mulf %gather3A_843, %mul3A_845 : vector<16xf32>
      %get3A_847 = arith.constant 64 : index
      %get3A_848 = tpu.vector_load %arg14[%get3A_847] {strides = array<i32>} : memref<1024xf32, #tpu.memory_space<vmem>>, vector<16xf32>,
      %add3A_849 = arith.addf %mul3A_846, %get3A_848 : vector<16xf32>
      %get3A_850 = arith.constant 64 : index
      %get3A_851 = tpu.vector_load %arg13[%get3A_850] {strides = array<i32>} : memref<1024xi32, #tpu.memory_space<vmem>>, vector<16xi32>,
      %eq3A_852 = arith.constant -1 : i32
      %eq3A_853 = vector.broadcast %eq3A_852 : i32 to vector<16xi32>
      %eq3A_854 = arith.cmpi eq, %get3A_851, %eq3A_853 : vector<16xi32>
      %select_n3A_855 = arith.select %eq3A_854, %broadcast_in_dim3A_263, %add3A_849 : vector<16xi1>, vector<16xf32>
      %swap3A_856 = arith.constant 64 : index
      %swap3A_857 = tpu.vector_load %arg17[%swap3A_856] {strides = array<i32>} : memref<1024xf32, #tpu.memory_space<vmem>>, vector<16xf32>,
      tpu.vector_store %arg17[%swap3A_856], %select_n3A_855 {strides = array<i32>} : memref<1024xf32, #tpu.memory_space<vmem>>, vector<16xf32>,
      %get3A_858 = arith.constant 80 : index
      %get3A_859 = tpu.vector_load %arg11[%get3A_858] {strides = array<i32>} : memref<1024xi32, #tpu.memory_space<vmem>>, vector<16xi32>,
      %gather3A_860 = tpu.vector_load_idx %arg18[%get3A_859] : memref<512xf32, #tpu.memory_space<vmem>>[vector<16xi32>], vector<16xf32>,
      %mul3A_861 = arith.constant 8.000000e-01 : f32
      %mul3A_862 = vector.broadcast %mul3A_861 : f32 to vector<16xf32>
      %mul3A_863 = arith.mulf %gather3A_860, %mul3A_862 : vector<16xf32>
      %get3A_864 = arith.constant 80 : index
      %get3A_865 = tpu.vector_load %arg14[%get3A_864] {strides = array<i32>} : memref<1024xf32, #tpu.memory_space<vmem>>, vector<16xf32>,
      %add3A_866 = arith.addf %mul3A_863, %get3A_865 : vector<16xf32>
      %get3A_867 = arith.constant 80 : index
      %get3A_868 = tpu.vector_load %arg13[%get3A_867] {strides = array<i32>} : memref<1024xi32, #tpu.memory_space<vmem>>, vector<16xi32>,
      %eq3A_869 = arith.constant -1 : i32
      %eq3A_870 = vector.broadcast %eq3A_869 : i32 to vector<16xi32>
      %eq3A_871 = arith.cmpi eq, %get3A_868, %eq3A_870 : vector<16xi32>
      %select_n3A_872 = arith.select %eq3A_871, %broadcast_in_dim3A_263, %add3A_866 : vector<16xi1>, vector<16xf32>
      %swap3A_873 = arith.constant 80 : index
      %swap3A_874 = tpu.vector_load %arg17[%swap3A_873] {strides = array<i32>} : memref<1024xf32, #tpu.memory_space<vmem>>, vector<16xf32>,
      tpu.vector_store %arg17[%swap3A_873], %select_n3A_872 {strides = array<i32>} : memref<1024xf32, #tpu.memory_space<vmem>>, vector<16xf32>,
      %get3A_875 = arith.constant 96 : index
      %get3A_876 = tpu.vector_load %arg11[%get3A_875] {strides = array<i32>} : memref<1024xi32, #tpu.memory_space<vmem>>, vector<16xi32>,
      %gather3A_877 = tpu.vector_load_idx %arg18[%get3A_876] : memref<512xf32, #tpu.memory_space<vmem>>[vector<16xi32>], vector<16xf32>,
      %mul3A_878 = arith.constant 8.000000e-01 : f32
      %mul3A_879 = vector.broadcast %mul3A_878 : f32 to vector<16xf32>
      %mul3A_880 = arith.mulf %gather3A_877, %mul3A_879 : vector<16xf32>
      %get3A_881 = arith.constant 96 : index
      %get3A_882 = tpu.vector_load %arg14[%get3A_881] {strides = array<i32>} : memref<1024xf32, #tpu.memory_space<vmem>>, vector<16xf32>,
      %add3A_883 = arith.addf %mul3A_880, %get3A_882 : vector<16xf32>
      %get3A_884 = arith.constant 96 : index
      %get3A_885 = tpu.vector_load %arg13[%get3A_884] {strides = array<i32>} : memref<1024xi32, #tpu.memory_space<vmem>>, vector<16xi32>,
      %eq3A_886 = arith.constant -1 : i32
      %eq3A_887 = vector.broadcast %eq3A_886 : i32 to vector<16xi32>
      %eq3A_888 = arith.cmpi eq, %get3A_885, %eq3A_887 : vector<16xi32>
      %select_n3A_889 = arith.select %eq3A_888, %broadcast_in_dim3A_263, %add3A_883 : vector<16xi1>, vector<16xf32>
      %swap3A_890 = arith.constant 96 : index
      %swap3A_891 = tpu.vector_load %arg17[%swap3A_890] {strides = array<i32>} : memref<1024xf32, #tpu.memory_space<vmem>>, vector<16xf32>,
      tpu.vector_store %arg17[%swap3A_890], %select_n3A_889 {strides = array<i32>} : memref<1024xf32, #tpu.memory_space<vmem>>, vector<16xf32>,
      %get3A_892 = arith.constant 112 : index
      %get3A_893 = tpu.vector_load %arg11[%get3A_892] {strides = array<i32>} : memref<1024xi32, #tpu.memory_space<vmem>>, vector<16xi32>,
      %gather3A_894 = tpu.vector_load_idx %arg18[%get3A_893] : memref<512xf32, #tpu.memory_space<vmem>>[vector<16xi32>], vector<16xf32>,
      %mul3A_895 = arith.constant 8.000000e-01 : f32
      %mul3A_896 = vector.broadcast %mul3A_895 : f32 to vector<16xf32>
      %mul3A_897 = arith.mulf %gather3A_894, %mul3A_896 : vector<16xf32>
      %get3A_898 = arith.constant 112 : index
      %get3A_899 = tpu.vector_load %arg14[%get3A_898] {strides = array<i32>} : memref<1024xf32, #tpu.memory_space<vmem>>, vector<16xf32>,
      %add3A_900 = arith.addf %mul3A_897, %get3A_899 : vector<16xf32>
      %get3A_901 = arith.constant 112 : index
      %get3A_902 = tpu.vector_load %arg13[%get3A_901] {strides = array<i32>} : memref<1024xi32, #tpu.memory_space<vmem>>, vector<16xi32>,
      %eq3A_903 = arith.constant -1 : i32
      %eq3A_904 = vector.broadcast %eq3A_903 : i32 to vector<16xi32>
      %eq3A_905 = arith.cmpi eq, %get3A_902, %eq3A_904 : vector<16xi32>
      %select_n3A_906 = arith.select %eq3A_905, %broadcast_in_dim3A_263, %add3A_900 : vector<16xi1>, vector<16xf32>
      %swap3A_907 = arith.constant 112 : index
      %swap3A_908 = tpu.vector_load %arg17[%swap3A_907] {strides = array<i32>} : memref<1024xf32, #tpu.memory_space<vmem>>, vector<16xf32>,
      tpu.vector_store %arg17[%swap3A_907], %select_n3A_906 {strides = array<i32>} : memref<1024xf32, #tpu.memory_space<vmem>>, vector<16xf32>,
      %get3A_909 = arith.constant 128 : index
      %get3A_910 = tpu.vector_load %arg11[%get3A_909] {strides = array<i32>} : memref<1024xi32, #tpu.memory_space<vmem>>, vector<16xi32>,
      %gather3A_911 = tpu.vector_load_idx %arg18[%get3A_910] : memref<512xf32, #tpu.memory_space<vmem>>[vector<16xi32>], vector<16xf32>,
      %mul3A_912 = arith.constant 8.000000e-01 : f32
      %mul3A_913 = vector.broadcast %mul3A_912 : f32 to vector<16xf32>
      %mul3A_914 = arith.mulf %gather3A_911, %mul3A_913 : vector<16xf32>
      %get3A_915 = arith.constant 128 : index
      %get3A_916 = tpu.vector_load %arg14[%get3A_915] {strides = array<i32>} : memref<1024xf32, #tpu.memory_space<vmem>>, vector<16xf32>,
      %add3A_917 = arith.addf %mul3A_914, %get3A_916 : vector<16xf32>
      %get3A_918 = arith.constant 128 : index
      %get3A_919 = tpu.vector_load %arg13[%get3A_918] {strides = array<i32>} : memref<1024xi32, #tpu.memory_space<vmem>>, vector<16xi32>,
      %eq3A_920 = arith.constant -1 : i32
      %eq3A_921 = vector.broadcast %eq3A_920 : i32 to vector<16xi32>
      %eq3A_922 = arith.cmpi eq, %get3A_919, %eq3A_921 : vector<16xi32>
      %select_n3A_923 = arith.select %eq3A_922, %broadcast_in_dim3A_263, %add3A_917 : vector<16xi1>, vector<16xf32>
      %swap3A_924 = arith.constant 128 : index
      %swap3A_925 = tpu.vector_load %arg17[%swap3A_924] {strides = array<i32>} : memref<1024xf32, #tpu.memory_space<vmem>>, vector<16xf32>,
      tpu.vector_store %arg17[%swap3A_924], %select_n3A_923 {strides = array<i32>} : memref<1024xf32, #tpu.memory_space<vmem>>, vector<16xf32>,
      %get3A_926 = arith.constant 144 : index
      %get3A_927 = tpu.vector_load %arg11[%get3A_926] {strides = array<i32>} : memref<1024xi32, #tpu.memory_space<vmem>>, vector<16xi32>,
      %gather3A_928 = tpu.vector_load_idx %arg18[%get3A_927] : memref<512xf32, #tpu.memory_space<vmem>>[vector<16xi32>], vector<16xf32>,
      %mul3A_929 = arith.constant 8.000000e-01 : f32
      %mul3A_930 = vector.broadcast %mul3A_929 : f32 to vector<16xf32>
      %mul3A_931 = arith.mulf %gather3A_928, %mul3A_930 : vector<16xf32>
      %get3A_932 = arith.constant 144 : index
      %get3A_933 = tpu.vector_load %arg14[%get3A_932] {strides = array<i32>} : memref<1024xf32, #tpu.memory_space<vmem>>, vector<16xf32>,
      %add3A_934 = arith.addf %mul3A_931, %get3A_933 : vector<16xf32>
      %get3A_935 = arith.constant 144 : index
      %get3A_936 = tpu.vector_load %arg13[%get3A_935] {strides = array<i32>} : memref<1024xi32, #tpu.memory_space<vmem>>, vector<16xi32>,
      %eq3A_937 = arith.constant -1 : i32
      %eq3A_938 = vector.broadcast %eq3A_937 : i32 to vector<16xi32>
      %eq3A_939 = arith.cmpi eq, %get3A_936, %eq3A_938 : vector<16xi32>
      %select_n3A_940 = arith.select %eq3A_939, %broadcast_in_dim3A_263, %add3A_934 : vector<16xi1>, vector<16xf32>
      %swap3A_941 = arith.constant 144 : index
      %swap3A_942 = tpu.vector_load %arg17[%swap3A_941] {strides = array<i32>} : memref<1024xf32, #tpu.memory_space<vmem>>, vector<16xf32>,
      tpu.vector_store %arg17[%swap3A_941], %select_n3A_940 {strides = array<i32>} : memref<1024xf32, #tpu.memory_space<vmem>>, vector<16xf32>,
      %get3A_943 = arith.constant 160 : index
      %get3A_944 = tpu.vector_load %arg11[%get3A_943] {strides = array<i32>} : memref<1024xi32, #tpu.memory_space<vmem>>, vector<16xi32>,
      %gather3A_945 = tpu.vector_load_idx %arg18[%get3A_944] : memref<512xf32, #tpu.memory_space<vmem>>[vector<16xi32>], vector<16xf32>,
      %mul3A_946 = arith.constant 8.000000e-01 : f32
      %mul3A_947 = vector.broadcast %mul3A_946 : f32 to vector<16xf32>
      %mul3A_948 = arith.mulf %gather3A_945, %mul3A_947 : vector<16xf32>
      %get3A_949 = arith.constant 160 : index
      %get3A_950 = tpu.vector_load %arg14[%get3A_949] {strides = array<i32>} : memref<1024xf32, #tpu.memory_space<vmem>>, vector<16xf32>,
      %add3A_951 = arith.addf %mul3A_948, %get3A_950 : vector<16xf32>
      %get3A_952 = arith.constant 160 : index
      %get3A_953 = tpu.vector_load %arg13[%get3A_952] {strides = array<i32>} : memref<1024xi32, #tpu.memory_space<vmem>>, vector<16xi32>,
      %eq3A_954 = arith.constant -1 : i32
      %eq3A_955 = vector.broadcast %eq3A_954 : i32 to vector<16xi32>
      %eq3A_956 = arith.cmpi eq, %get3A_953, %eq3A_955 : vector<16xi32>
      %select_n3A_957 = arith.select %eq3A_956, %broadcast_in_dim3A_263, %add3A_951 : vector<16xi1>, vector<16xf32>
      %swap3A_958 = arith.constant 160 : index
      %swap3A_959 = tpu.vector_load %arg17[%swap3A_958] {strides = array<i32>} : memref<1024xf32, #tpu.memory_space<vmem>>, vector<16xf32>,
      tpu.vector_store %arg17[%swap3A_958], %select_n3A_957 {strides = array<i32>} : memref<1024xf32, #tpu.memory_space<vmem>>, vector<16xf32>,
      %get3A_960 = arith.constant 176 : index
      %get3A_961 = tpu.vector_load %arg11[%get3A_960] {strides = array<i32>} : memref<1024xi32, #tpu.memory_space<vmem>>, vector<16xi32>,
      %gather3A_962 = tpu.vector_load_idx %arg18[%get3A_961] : memref<512xf32, #tpu.memory_space<vmem>>[vector<16xi32>], vector<16xf32>,
      %mul3A_963 = arith.constant 8.000000e-01 : f32
      %mul3A_964 = vector.broadcast %mul3A_963 : f32 to vector<16xf32>
      %mul3A_965 = arith.mulf %gather3A_962, %mul3A_964 : vector<16xf32>
      %get3A_966 = arith.constant 176 : index
      %get3A_967 = tpu.vector_load %arg14[%get3A_966] {strides = array<i32>} : memref<1024xf32, #tpu.memory_space<vmem>>, vector<16xf32>,
      %add3A_968 = arith.addf %mul3A_965, %get3A_967 : vector<16xf32>
      %get3A_969 = arith.constant 176 : index
      %get3A_970 = tpu.vector_load %arg13[%get3A_969] {strides = array<i32>} : memref<1024xi32, #tpu.memory_space<vmem>>, vector<16xi32>,
      %eq3A_971 = arith.constant -1 : i32
      %eq3A_972 = vector.broadcast %eq3A_971 : i32 to vector<16xi32>
      %eq3A_973 = arith.cmpi eq, %get3A_970, %eq3A_972 : vector<16xi32>
      %select_n3A_974 = arith.select %eq3A_973, %broadcast_in_dim3A_263, %add3A_968 : vector<16xi1>, vector<16xf32>
      %swap3A_975 = arith.constant 176 : index
      %swap3A_976 = tpu.vector_load %arg17[%swap3A_975] {strides = array<i32>} : memref<1024xf32, #tpu.memory_space<vmem>>, vector<16xf32>,
      tpu.vector_store %arg17[%swap3A_975], %select_n3A_974 {strides = array<i32>} : memref<1024xf32, #tpu.memory_space<vmem>>, vector<16xf32>,
      %get3A_977 = arith.constant 192 : index
      %get3A_978 = tpu.vector_load %arg11[%get3A_977] {strides = array<i32>} : memref<1024xi32, #tpu.memory_space<vmem>>, vector<16xi32>,
      %gather3A_979 = tpu.vector_load_idx %arg18[%get3A_978] : memref<512xf32, #tpu.memory_space<vmem>>[vector<16xi32>], vector<16xf32>,
      %mul3A_980 = arith.constant 8.000000e-01 : f32
      %mul3A_981 = vector.broadcast %mul3A_980 : f32 to vector<16xf32>
      %mul3A_982 = arith.mulf %gather3A_979, %mul3A_981 : vector<16xf32>
      %get3A_983 = arith.constant 192 : index
      %get3A_984 = tpu.vector_load %arg14[%get3A_983] {strides = array<i32>} : memref<1024xf32, #tpu.memory_space<vmem>>, vector<16xf32>,
      %add3A_985 = arith.addf %mul3A_982, %get3A_984 : vector<16xf32>
      %get3A_986 = arith.constant 192 : index
      %get3A_987 = tpu.vector_load %arg13[%get3A_986] {strides = array<i32>} : memref<1024xi32, #tpu.memory_space<vmem>>, vector<16xi32>,
      %eq3A_988 = arith.constant -1 : i32
      %eq3A_989 = vector.broadcast %eq3A_988 : i32 to vector<16xi32>
      %eq3A_990 = arith.cmpi eq, %get3A_987, %eq3A_989 : vector<16xi32>
      %select_n3A_991 = arith.select %eq3A_990, %broadcast_in_dim3A_263, %add3A_985 : vector<16xi1>, vector<16xf32>
      %swap3A_992 = arith.constant 192 : index
      %swap3A_993 = tpu.vector_load %arg17[%swap3A_992] {strides = array<i32>} : memref<1024xf32, #tpu.memory_space<vmem>>, vector<16xf32>,
      tpu.vector_store %arg17[%swap3A_992], %select_n3A_991 {strides = array<i32>} : memref<1024xf32, #tpu.memory_space<vmem>>, vector<16xf32>,
      %get3A_994 = arith.constant 208 : index
      %get3A_995 = tpu.vector_load %arg11[%get3A_994] {strides = array<i32>} : memref<1024xi32, #tpu.memory_space<vmem>>, vector<16xi32>,
      %gather3A_996 = tpu.vector_load_idx %arg18[%get3A_995] : memref<512xf32, #tpu.memory_space<vmem>>[vector<16xi32>], vector<16xf32>,
      %mul3A_997 = arith.constant 8.000000e-01 : f32
      %mul3A_998 = vector.broadcast %mul3A_997 : f32 to vector<16xf32>
      %mul3A_999 = arith.mulf %gather3A_996, %mul3A_998 : vector<16xf32>
      %get3A_1000 = arith.constant 208 : index
      %get3A_1001 = tpu.vector_load %arg14[%get3A_1000] {strides = array<i32>} : memref<1024xf32, #tpu.memory_space<vmem>>, vector<16xf32>,
      %add3A_1002 = arith.addf %mul3A_999, %get3A_1001 : vector<16xf32>
      %get3A_1003 = arith.constant 208 : index
      %get3A_1004 = tpu.vector_load %arg13[%get3A_1003] {strides = array<i32>} : memref<1024xi32, #tpu.memory_space<vmem>>, vector<16xi32>,
      %eq3A_1005 = arith.constant -1 : i32
      %eq3A_1006 = vector.broadcast %eq3A_1005 : i32 to vector<16xi32>
      %eq3A_1007 = arith.cmpi eq, %get3A_1004, %eq3A_1006 : vector<16xi32>
      %select_n3A_1008 = arith.select %eq3A_1007, %broadcast_in_dim3A_263, %add3A_1002 : vector<16xi1>, vector<16xf32>
      %swap3A_1009 = arith.constant 208 : index
      %swap3A_1010 = tpu.vector_load %arg17[%swap3A_1009] {strides = array<i32>} : memref<1024xf32, #tpu.memory_space<vmem>>, vector<16xf32>,
      tpu.vector_store %arg17[%swap3A_1009], %select_n3A_1008 {strides = array<i32>} : memref<1024xf32, #tpu.memory_space<vmem>>, vector<16xf32>,
      %get3A_1011 = arith.constant 224 : index
      %get3A_1012 = tpu.vector_load %arg11[%get3A_1011] {strides = array<i32>} : memref<1024xi32, #tpu.memory_space<vmem>>, vector<16xi32>,
      %gather3A_1013 = tpu.vector_load_idx %arg18[%get3A_1012] : memref<512xf32, #tpu.memory_space<vmem>>[vector<16xi32>], vector<16xf32>,
      %mul3A_1014 = arith.constant 8.000000e-01 : f32
      %mul3A_1015 = vector.broadcast %mul3A_1014 : f32 to vector<16xf32>
      %mul3A_1016 = arith.mulf %gather3A_1013, %mul3A_1015 : vector<16xf32>
      %get3A_1017 = arith.constant 224 : index
      %get3A_1018 = tpu.vector_load %arg14[%get3A_1017] {strides = array<i32>} : memref<1024xf32, #tpu.memory_space<vmem>>, vector<16xf32>,
      %add3A_1019 = arith.addf %mul3A_1016, %get3A_1018 : vector<16xf32>
      %get3A_1020 = arith.constant 224 : index
      %get3A_1021 = tpu.vector_load %arg13[%get3A_1020] {strides = array<i32>} : memref<1024xi32, #tpu.memory_space<vmem>>, vector<16xi32>,
      %eq3A_1022 = arith.constant -1 : i32
      %eq3A_1023 = vector.broadcast %eq3A_1022 : i32 to vector<16xi32>
      %eq3A_1024 = arith.cmpi eq, %get3A_1021, %eq3A_1023 : vector<16xi32>
      %select_n3A_1025 = arith.select %eq3A_1024, %broadcast_in_dim3A_263, %add3A_1019 : vector<16xi1>, vector<16xf32>
      %swap3A_1026 = arith.constant 224 : index
      %swap3A_1027 = tpu.vector_load %arg17[%swap3A_1026] {strides = array<i32>} : memref<1024xf32, #tpu.memory_space<vmem>>, vector<16xf32>,
      tpu.vector_store %arg17[%swap3A_1026], %select_n3A_1025 {strides = array<i32>} : memref<1024xf32, #tpu.memory_space<vmem>>, vector<16xf32>,
      %get3A_1028 = arith.constant 240 : index
      %get3A_1029 = tpu.vector_load %arg11[%get3A_1028] {strides = array<i32>} : memref<1024xi32, #tpu.memory_space<vmem>>, vector<16xi32>,
      %gather3A_1030 = tpu.vector_load_idx %arg18[%get3A_1029] : memref<512xf32, #tpu.memory_space<vmem>>[vector<16xi32>], vector<16xf32>,
      %mul3A_1031 = arith.constant 8.000000e-01 : f32
      %mul3A_1032 = vector.broadcast %mul3A_1031 : f32 to vector<16xf32>
      %mul3A_1033 = arith.mulf %gather3A_1030, %mul3A_1032 : vector<16xf32>
      %get3A_1034 = arith.constant 240 : index
      %get3A_1035 = tpu.vector_load %arg14[%get3A_1034] {strides = array<i32>} : memref<1024xf32, #tpu.memory_space<vmem>>, vector<16xf32>,
      %add3A_1036 = arith.addf %mul3A_1033, %get3A_1035 : vector<16xf32>
      %get3A_1037 = arith.constant 240 : index
      %get3A_1038 = tpu.vector_load %arg13[%get3A_1037] {strides = array<i32>} : memref<1024xi32, #tpu.memory_space<vmem>>, vector<16xi32>,
      %eq3A_1039 = arith.constant -1 : i32
      %eq3A_1040 = vector.broadcast %eq3A_1039 : i32 to vector<16xi32>
      %eq3A_1041 = arith.cmpi eq, %get3A_1038, %eq3A_1040 : vector<16xi32>
      %select_n3A_1042 = arith.select %eq3A_1041, %broadcast_in_dim3A_263, %add3A_1036 : vector<16xi1>, vector<16xf32>
      %swap3A_1043 = arith.constant 240 : index
      %swap3A_1044 = tpu.vector_load %arg17[%swap3A_1043] {strides = array<i32>} : memref<1024xf32, #tpu.memory_space<vmem>>, vector<16xf32>,
      tpu.vector_store %arg17[%swap3A_1043], %select_n3A_1042 {strides = array<i32>} : memref<1024xf32, #tpu.memory_space<vmem>>, vector<16xf32>,
      %get3A_1045 = arith.constant 256 : index
      %get3A_1046 = tpu.vector_load %arg11[%get3A_1045] {strides = array<i32>} : memref<1024xi32, #tpu.memory_space<vmem>>, vector<16xi32>,
      %gather3A_1047 = tpu.vector_load_idx %arg18[%get3A_1046] : memref<512xf32, #tpu.memory_space<vmem>>[vector<16xi32>], vector<16xf32>,
      %mul3A_1048 = arith.constant 8.000000e-01 : f32
      %mul3A_1049 = vector.broadcast %mul3A_1048 : f32 to vector<16xf32>
      %mul3A_1050 = arith.mulf %gather3A_1047, %mul3A_1049 : vector<16xf32>
      %get3A_1051 = arith.constant 256 : index
      %get3A_1052 = tpu.vector_load %arg14[%get3A_1051] {strides = array<i32>} : memref<1024xf32, #tpu.memory_space<vmem>>, vector<16xf32>,
      %add3A_1053 = arith.addf %mul3A_1050, %get3A_1052 : vector<16xf32>
      %get3A_1054 = arith.constant 256 : index
      %get3A_1055 = tpu.vector_load %arg13[%get3A_1054] {strides = array<i32>} : memref<1024xi32, #tpu.memory_space<vmem>>, vector<16xi32>,
      %eq3A_1056 = arith.constant -1 : i32
      %eq3A_1057 = vector.broadcast %eq3A_1056 : i32 to vector<16xi32>
      %eq3A_1058 = arith.cmpi eq, %get3A_1055, %eq3A_1057 : vector<16xi32>
      %select_n3A_1059 = arith.select %eq3A_1058, %broadcast_in_dim3A_263, %add3A_1053 : vector<16xi1>, vector<16xf32>
      %swap3A_1060 = arith.constant 256 : index
      %swap3A_1061 = tpu.vector_load %arg17[%swap3A_1060] {strides = array<i32>} : memref<1024xf32, #tpu.memory_space<vmem>>, vector<16xf32>,
      tpu.vector_store %arg17[%swap3A_1060], %select_n3A_1059 {strides = array<i32>} : memref<1024xf32, #tpu.memory_space<vmem>>, vector<16xf32>,
      %get3A_1062 = arith.constant 272 : index
      %get3A_1063 = tpu.vector_load %arg11[%get3A_1062] {strides = array<i32>} : memref<1024xi32, #tpu.memory_space<vmem>>, vector<16xi32>,
      %gather3A_1064 = tpu.vector_load_idx %arg18[%get3A_1063] : memref<512xf32, #tpu.memory_space<vmem>>[vector<16xi32>], vector<16xf32>,
      %mul3A_1065 = arith.constant 8.000000e-01 : f32
      %mul3A_1066 = vector.broadcast %mul3A_1065 : f32 to vector<16xf32>
      %mul3A_1067 = arith.mulf %gather3A_1064, %mul3A_1066 : vector<16xf32>
      %get3A_1068 = arith.constant 272 : index
      %get3A_1069 = tpu.vector_load %arg14[%get3A_1068] {strides = array<i32>} : memref<1024xf32, #tpu.memory_space<vmem>>, vector<16xf32>,
      %add3A_1070 = arith.addf %mul3A_1067, %get3A_1069 : vector<16xf32>
      %get3A_1071 = arith.constant 272 : index
      %get3A_1072 = tpu.vector_load %arg13[%get3A_1071] {strides = array<i32>} : memref<1024xi32, #tpu.memory_space<vmem>>, vector<16xi32>,
      %eq3A_1073 = arith.constant -1 : i32
      %eq3A_1074 = vector.broadcast %eq3A_1073 : i32 to vector<16xi32>
      %eq3A_1075 = arith.cmpi eq, %get3A_1072, %eq3A_1074 : vector<16xi32>
      %select_n3A_1076 = arith.select %eq3A_1075, %broadcast_in_dim3A_263, %add3A_1070 : vector<16xi1>, vector<16xf32>
      %swap3A_1077 = arith.constant 272 : index
      %swap3A_1078 = tpu.vector_load %arg17[%swap3A_1077] {strides = array<i32>} : memref<1024xf32, #tpu.memory_space<vmem>>, vector<16xf32>,
      tpu.vector_store %arg17[%swap3A_1077], %select_n3A_1076 {strides = array<i32>} : memref<1024xf32, #tpu.memory_space<vmem>>, vector<16xf32>,
      %get3A_1079 = arith.constant 288 : index
      %get3A_1080 = tpu.vector_load %arg11[%get3A_1079] {strides = array<i32>} : memref<1024xi32, #tpu.memory_space<vmem>>, vector<16xi32>,
      %gather3A_1081 = tpu.vector_load_idx %arg18[%get3A_1080] : memref<512xf32, #tpu.memory_space<vmem>>[vector<16xi32>], vector<16xf32>,
      %mul3A_1082 = arith.constant 8.000000e-01 : f32
      %mul3A_1083 = vector.broadcast %mul3A_1082 : f32 to vector<16xf32>
      %mul3A_1084 = arith.mulf %gather3A_1081, %mul3A_1083 : vector<16xf32>
      %get3A_1085 = arith.constant 288 : index
      %get3A_1086 = tpu.vector_load %arg14[%get3A_1085] {strides = array<i32>} : memref<1024xf32, #tpu.memory_space<vmem>>, vector<16xf32>,
      %add3A_1087 = arith.addf %mul3A_1084, %get3A_1086 : vector<16xf32>
      %get3A_1088 = arith.constant 288 : index
      %get3A_1089 = tpu.vector_load %arg13[%get3A_1088] {strides = array<i32>} : memref<1024xi32, #tpu.memory_space<vmem>>, vector<16xi32>,
      %eq3A_1090 = arith.constant -1 : i32
      %eq3A_1091 = vector.broadcast %eq3A_1090 : i32 to vector<16xi32>
      %eq3A_1092 = arith.cmpi eq, %get3A_1089, %eq3A_1091 : vector<16xi32>
      %select_n3A_1093 = arith.select %eq3A_1092, %broadcast_in_dim3A_263, %add3A_1087 : vector<16xi1>, vector<16xf32>
      %swap3A_1094 = arith.constant 288 : index
      %swap3A_1095 = tpu.vector_load %arg17[%swap3A_1094] {strides = array<i32>} : memref<1024xf32, #tpu.memory_space<vmem>>, vector<16xf32>,
      tpu.vector_store %arg17[%swap3A_1094], %select_n3A_1093 {strides = array<i32>} : memref<1024xf32, #tpu.memory_space<vmem>>, vector<16xf32>,
      %get3A_1096 = arith.constant 304 : index
      %get3A_1097 = tpu.vector_load %arg11[%get3A_1096] {strides = array<i32>} : memref<1024xi32, #tpu.memory_space<vmem>>, vector<16xi32>,
      %gather3A_1098 = tpu.vector_load_idx %arg18[%get3A_1097] : memref<512xf32, #tpu.memory_space<vmem>>[vector<16xi32>], vector<16xf32>,
      %mul3A_1099 = arith.constant 8.000000e-01 : f32
      %mul3A_1100 = vector.broadcast %mul3A_1099 : f32 to vector<16xf32>
      %mul3A_1101 = arith.mulf %gather3A_1098, %mul3A_1100 : vector<16xf32>
      %get3A_1102 = arith.constant 304 : index
      %get3A_1103 = tpu.vector_load %arg14[%get3A_1102] {strides = array<i32>} : memref<1024xf32, #tpu.memory_space<vmem>>, vector<16xf32>,
      %add3A_1104 = arith.addf %mul3A_1101, %get3A_1103 : vector<16xf32>
      %get3A_1105 = arith.constant 304 : index
      %get3A_1106 = tpu.vector_load %arg13[%get3A_1105] {strides = array<i32>} : memref<1024xi32, #tpu.memory_space<vmem>>, vector<16xi32>,
      %eq3A_1107 = arith.constant -1 : i32
      %eq3A_1108 = vector.broadcast %eq3A_1107 : i32 to vector<16xi32>
      %eq3A_1109 = arith.cmpi eq, %get3A_1106, %eq3A_1108 : vector<16xi32>
      %select_n3A_1110 = arith.select %eq3A_1109, %broadcast_in_dim3A_263, %add3A_1104 : vector<16xi1>, vector<16xf32>
      %swap3A_1111 = arith.constant 304 : index
      %swap3A_1112 = tpu.vector_load %arg17[%swap3A_1111] {strides = array<i32>} : memref<1024xf32, #tpu.memory_space<vmem>>, vector<16xf32>,
      tpu.vector_store %arg17[%swap3A_1111], %select_n3A_1110 {strides = array<i32>} : memref<1024xf32, #tpu.memory_space<vmem>>, vector<16xf32>,
      %get3A_1113 = arith.constant 320 : index
      %get3A_1114 = tpu.vector_load %arg11[%get3A_1113] {strides = array<i32>} : memref<1024xi32, #tpu.memory_space<vmem>>, vector<16xi32>,
      %gather3A_1115 = tpu.vector_load_idx %arg18[%get3A_1114] : memref<512xf32, #tpu.memory_space<vmem>>[vector<16xi32>], vector<16xf32>,
      %mul3A_1116 = arith.constant 8.000000e-01 : f32
      %mul3A_1117 = vector.broadcast %mul3A_1116 : f32 to vector<16xf32>
      %mul3A_1118 = arith.mulf %gather3A_1115, %mul3A_1117 : vector<16xf32>
      %get3A_1119 = arith.constant 320 : index
      %get3A_1120 = tpu.vector_load %arg14[%get3A_1119] {strides = array<i32>} : memref<1024xf32, #tpu.memory_space<vmem>>, vector<16xf32>,
      %add3A_1121 = arith.addf %mul3A_1118, %get3A_1120 : vector<16xf32>
      %get3A_1122 = arith.constant 320 : index
      %get3A_1123 = tpu.vector_load %arg13[%get3A_1122] {strides = array<i32>} : memref<1024xi32, #tpu.memory_space<vmem>>, vector<16xi32>,
      %eq3A_1124 = arith.constant -1 : i32
      %eq3A_1125 = vector.broadcast %eq3A_1124 : i32 to vector<16xi32>
      %eq3A_1126 = arith.cmpi eq, %get3A_1123, %eq3A_1125 : vector<16xi32>
      %select_n3A_1127 = arith.select %eq3A_1126, %broadcast_in_dim3A_263, %add3A_1121 : vector<16xi1>, vector<16xf32>
      %swap3A_1128 = arith.constant 320 : index
      %swap3A_1129 = tpu.vector_load %arg17[%swap3A_1128] {strides = array<i32>} : memref<1024xf32, #tpu.memory_space<vmem>>, vector<16xf32>,
      tpu.vector_store %arg17[%swap3A_1128], %select_n3A_1127 {strides = array<i32>} : memref<1024xf32, #tpu.memory_space<vmem>>, vector<16xf32>,
      %get3A_1130 = arith.constant 336 : index
      %get3A_1131 = tpu.vector_load %arg11[%get3A_1130] {strides = array<i32>} : memref<1024xi32, #tpu.memory_space<vmem>>, vector<16xi32>,
      %gather3A_1132 = tpu.vector_load_idx %arg18[%get3A_1131] : memref<512xf32, #tpu.memory_space<vmem>>[vector<16xi32>], vector<16xf32>,
      %mul3A_1133 = arith.constant 8.000000e-01 : f32
      %mul3A_1134 = vector.broadcast %mul3A_1133 : f32 to vector<16xf32>
      %mul3A_1135 = arith.mulf %gather3A_1132, %mul3A_1134 : vector<16xf32>
      %get3A_1136 = arith.constant 336 : index
      %get3A_1137 = tpu.vector_load %arg14[%get3A_1136] {strides = array<i32>} : memref<1024xf32, #tpu.memory_space<vmem>>, vector<16xf32>,
      %add3A_1138 = arith.addf %mul3A_1135, %get3A_1137 : vector<16xf32>
      %get3A_1139 = arith.constant 336 : index
      %get3A_1140 = tpu.vector_load %arg13[%get3A_1139] {strides = array<i32>} : memref<1024xi32, #tpu.memory_space<vmem>>, vector<16xi32>,
      %eq3A_1141 = arith.constant -1 : i32
      %eq3A_1142 = vector.broadcast %eq3A_1141 : i32 to vector<16xi32>
      %eq3A_1143 = arith.cmpi eq, %get3A_1140, %eq3A_1142 : vector<16xi32>
      %select_n3A_1144 = arith.select %eq3A_1143, %broadcast_in_dim3A_263, %add3A_1138 : vector<16xi1>, vector<16xf32>
      %swap3A_1145 = arith.constant 336 : index
      %swap3A_1146 = tpu.vector_load %arg17[%swap3A_1145] {strides = array<i32>} : memref<1024xf32, #tpu.memory_space<vmem>>, vector<16xf32>,
      tpu.vector_store %arg17[%swap3A_1145], %select_n3A_1144 {strides = array<i32>} : memref<1024xf32, #tpu.memory_space<vmem>>, vector<16xf32>,
      %get3A_1147 = arith.constant 352 : index
      %get3A_1148 = tpu.vector_load %arg11[%get3A_1147] {strides = array<i32>} : memref<1024xi32, #tpu.memory_space<vmem>>, vector<16xi32>,
      %gather3A_1149 = tpu.vector_load_idx %arg18[%get3A_1148] : memref<512xf32, #tpu.memory_space<vmem>>[vector<16xi32>], vector<16xf32>,
      %mul3A_1150 = arith.constant 8.000000e-01 : f32
      %mul3A_1151 = vector.broadcast %mul3A_1150 : f32 to vector<16xf32>
      %mul3A_1152 = arith.mulf %gather3A_1149, %mul3A_1151 : vector<16xf32>
      %get3A_1153 = arith.constant 352 : index
      %get3A_1154 = tpu.vector_load %arg14[%get3A_1153] {strides = array<i32>} : memref<1024xf32, #tpu.memory_space<vmem>>, vector<16xf32>,
      %add3A_1155 = arith.addf %mul3A_1152, %get3A_1154 : vector<16xf32>
      %get3A_1156 = arith.constant 352 : index
      %get3A_1157 = tpu.vector_load %arg13[%get3A_1156] {strides = array<i32>} : memref<1024xi32, #tpu.memory_space<vmem>>, vector<16xi32>,
      %eq3A_1158 = arith.constant -1 : i32
      %eq3A_1159 = vector.broadcast %eq3A_1158 : i32 to vector<16xi32>
      %eq3A_1160 = arith.cmpi eq, %get3A_1157, %eq3A_1159 : vector<16xi32>
      %select_n3A_1161 = arith.select %eq3A_1160, %broadcast_in_dim3A_263, %add3A_1155 : vector<16xi1>, vector<16xf32>
      %swap3A_1162 = arith.constant 352 : index
      %swap3A_1163 = tpu.vector_load %arg17[%swap3A_1162] {strides = array<i32>} : memref<1024xf32, #tpu.memory_space<vmem>>, vector<16xf32>,
      tpu.vector_store %arg17[%swap3A_1162], %select_n3A_1161 {strides = array<i32>} : memref<1024xf32, #tpu.memory_space<vmem>>, vector<16xf32>,
      %get3A_1164 = arith.constant 368 : index
      %get3A_1165 = tpu.vector_load %arg11[%get3A_1164] {strides = array<i32>} : memref<1024xi32, #tpu.memory_space<vmem>>, vector<16xi32>,
      %gather3A_1166 = tpu.vector_load_idx %arg18[%get3A_1165] : memref<512xf32, #tpu.memory_space<vmem>>[vector<16xi32>], vector<16xf32>,
      %mul3A_1167 = arith.constant 8.000000e-01 : f32
      %mul3A_1168 = vector.broadcast %mul3A_1167 : f32 to vector<16xf32>
      %mul3A_1169 = arith.mulf %gather3A_1166, %mul3A_1168 : vector<16xf32>
      %get3A_1170 = arith.constant 368 : index
      %get3A_1171 = tpu.vector_load %arg14[%get3A_1170] {strides = array<i32>} : memref<1024xf32, #tpu.memory_space<vmem>>, vector<16xf32>,
      %add3A_1172 = arith.addf %mul3A_1169, %get3A_1171 : vector<16xf32>
      %get3A_1173 = arith.constant 368 : index
      %get3A_1174 = tpu.vector_load %arg13[%get3A_1173] {strides = array<i32>} : memref<1024xi32, #tpu.memory_space<vmem>>, vector<16xi32>,
      %eq3A_1175 = arith.constant -1 : i32
      %eq3A_1176 = vector.broadcast %eq3A_1175 : i32 to vector<16xi32>
      %eq3A_1177 = arith.cmpi eq, %get3A_1174, %eq3A_1176 : vector<16xi32>
      %select_n3A_1178 = arith.select %eq3A_1177, %broadcast_in_dim3A_263, %add3A_1172 : vector<16xi1>, vector<16xf32>
      %swap3A_1179 = arith.constant 368 : index
      %swap3A_1180 = tpu.vector_load %arg17[%swap3A_1179] {strides = array<i32>} : memref<1024xf32, #tpu.memory_space<vmem>>, vector<16xf32>,
      tpu.vector_store %arg17[%swap3A_1179], %select_n3A_1178 {strides = array<i32>} : memref<1024xf32, #tpu.memory_space<vmem>>, vector<16xf32>,
      %get3A_1181 = arith.constant 384 : index
      %get3A_1182 = tpu.vector_load %arg11[%get3A_1181] {strides = array<i32>} : memref<1024xi32, #tpu.memory_space<vmem>>, vector<16xi32>,
      %gather3A_1183 = tpu.vector_load_idx %arg18[%get3A_1182] : memref<512xf32, #tpu.memory_space<vmem>>[vector<16xi32>], vector<16xf32>,
      %mul3A_1184 = arith.constant 8.000000e-01 : f32
      %mul3A_1185 = vector.broadcast %mul3A_1184 : f32 to vector<16xf32>
      %mul3A_1186 = arith.mulf %gather3A_1183, %mul3A_1185 : vector<16xf32>
      %get3A_1187 = arith.constant 384 : index
      %get3A_1188 = tpu.vector_load %arg14[%get3A_1187] {strides = array<i32>} : memref<1024xf32, #tpu.memory_space<vmem>>, vector<16xf32>,
      %add3A_1189 = arith.addf %mul3A_1186, %get3A_1188 : vector<16xf32>
      %get3A_1190 = arith.constant 384 : index
      %get3A_1191 = tpu.vector_load %arg13[%get3A_1190] {strides = array<i32>} : memref<1024xi32, #tpu.memory_space<vmem>>, vector<16xi32>,
      %eq3A_1192 = arith.constant -1 : i32
      %eq3A_1193 = vector.broadcast %eq3A_1192 : i32 to vector<16xi32>
      %eq3A_1194 = arith.cmpi eq, %get3A_1191, %eq3A_1193 : vector<16xi32>
      %select_n3A_1195 = arith.select %eq3A_1194, %broadcast_in_dim3A_263, %add3A_1189 : vector<16xi1>, vector<16xf32>
      %swap3A_1196 = arith.constant 384 : index
      %swap3A_1197 = tpu.vector_load %arg17[%swap3A_1196] {strides = array<i32>} : memref<1024xf32, #tpu.memory_space<vmem>>, vector<16xf32>,
      tpu.vector_store %arg17[%swap3A_1196], %select_n3A_1195 {strides = array<i32>} : memref<1024xf32, #tpu.memory_space<vmem>>, vector<16xf32>,
      %get3A_1198 = arith.constant 400 : index
      %get3A_1199 = tpu.vector_load %arg11[%get3A_1198] {strides = array<i32>} : memref<1024xi32, #tpu.memory_space<vmem>>, vector<16xi32>,
      %gather3A_1200 = tpu.vector_load_idx %arg18[%get3A_1199] : memref<512xf32, #tpu.memory_space<vmem>>[vector<16xi32>], vector<16xf32>,
      %mul3A_1201 = arith.constant 8.000000e-01 : f32
      %mul3A_1202 = vector.broadcast %mul3A_1201 : f32 to vector<16xf32>
      %mul3A_1203 = arith.mulf %gather3A_1200, %mul3A_1202 : vector<16xf32>
      %get3A_1204 = arith.constant 400 : index
      %get3A_1205 = tpu.vector_load %arg14[%get3A_1204] {strides = array<i32>} : memref<1024xf32, #tpu.memory_space<vmem>>, vector<16xf32>,
      %add3A_1206 = arith.addf %mul3A_1203, %get3A_1205 : vector<16xf32>
      %get3A_1207 = arith.constant 400 : index
      %get3A_1208 = tpu.vector_load %arg13[%get3A_1207] {strides = array<i32>} : memref<1024xi32, #tpu.memory_space<vmem>>, vector<16xi32>,
      %eq3A_1209 = arith.constant -1 : i32
      %eq3A_1210 = vector.broadcast %eq3A_1209 : i32 to vector<16xi32>
      %eq3A_1211 = arith.cmpi eq, %get3A_1208, %eq3A_1210 : vector<16xi32>
      %select_n3A_1212 = arith.select %eq3A_1211, %broadcast_in_dim3A_263, %add3A_1206 : vector<16xi1>, vector<16xf32>
      %swap3A_1213 = arith.constant 400 : index
      %swap3A_1214 = tpu.vector_load %arg17[%swap3A_1213] {strides = array<i32>} : memref<1024xf32, #tpu.memory_space<vmem>>, vector<16xf32>,
      tpu.vector_store %arg17[%swap3A_1213], %select_n3A_1212 {strides = array<i32>} : memref<1024xf32, #tpu.memory_space<vmem>>, vector<16xf32>,
      %get3A_1215 = arith.constant 416 : index
      %get3A_1216 = tpu.vector_load %arg11[%get3A_1215] {strides = array<i32>} : memref<1024xi32, #tpu.memory_space<vmem>>, vector<16xi32>,
      %gather3A_1217 = tpu.vector_load_idx %arg18[%get3A_1216] : memref<512xf32, #tpu.memory_space<vmem>>[vector<16xi32>], vector<16xf32>,
      %mul3A_1218 = arith.constant 8.000000e-01 : f32
      %mul3A_1219 = vector.broadcast %mul3A_1218 : f32 to vector<16xf32>
      %mul3A_1220 = arith.mulf %gather3A_1217, %mul3A_1219 : vector<16xf32>
      %get3A_1221 = arith.constant 416 : index
      %get3A_1222 = tpu.vector_load %arg14[%get3A_1221] {strides = array<i32>} : memref<1024xf32, #tpu.memory_space<vmem>>, vector<16xf32>,
      %add3A_1223 = arith.addf %mul3A_1220, %get3A_1222 : vector<16xf32>
      %get3A_1224 = arith.constant 416 : index
      %get3A_1225 = tpu.vector_load %arg13[%get3A_1224] {strides = array<i32>} : memref<1024xi32, #tpu.memory_space<vmem>>, vector<16xi32>,
      %eq3A_1226 = arith.constant -1 : i32
      %eq3A_1227 = vector.broadcast %eq3A_1226 : i32 to vector<16xi32>
      %eq3A_1228 = arith.cmpi eq, %get3A_1225, %eq3A_1227 : vector<16xi32>
      %select_n3A_1229 = arith.select %eq3A_1228, %broadcast_in_dim3A_263, %add3A_1223 : vector<16xi1>, vector<16xf32>
      %swap3A_1230 = arith.constant 416 : index
      %swap3A_1231 = tpu.vector_load %arg17[%swap3A_1230] {strides = array<i32>} : memref<1024xf32, #tpu.memory_space<vmem>>, vector<16xf32>,
      tpu.vector_store %arg17[%swap3A_1230], %select_n3A_1229 {strides = array<i32>} : memref<1024xf32, #tpu.memory_space<vmem>>, vector<16xf32>,
      %get3A_1232 = arith.constant 432 : index
      %get3A_1233 = tpu.vector_load %arg11[%get3A_1232] {strides = array<i32>} : memref<1024xi32, #tpu.memory_space<vmem>>, vector<16xi32>,
      %gather3A_1234 = tpu.vector_load_idx %arg18[%get3A_1233] : memref<512xf32, #tpu.memory_space<vmem>>[vector<16xi32>], vector<16xf32>,
      %mul3A_1235 = arith.constant 8.000000e-01 : f32
      %mul3A_1236 = vector.broadcast %mul3A_1235 : f32 to vector<16xf32>
      %mul3A_1237 = arith.mulf %gather3A_1234, %mul3A_1236 : vector<16xf32>
      %get3A_1238 = arith.constant 432 : index
      %get3A_1239 = tpu.vector_load %arg14[%get3A_1238] {strides = array<i32>} : memref<1024xf32, #tpu.memory_space<vmem>>, vector<16xf32>,
      %add3A_1240 = arith.addf %mul3A_1237, %get3A_1239 : vector<16xf32>
      %get3A_1241 = arith.constant 432 : index
      %get3A_1242 = tpu.vector_load %arg13[%get3A_1241] {strides = array<i32>} : memref<1024xi32, #tpu.memory_space<vmem>>, vector<16xi32>,
      %eq3A_1243 = arith.constant -1 : i32
      %eq3A_1244 = vector.broadcast %eq3A_1243 : i32 to vector<16xi32>
      %eq3A_1245 = arith.cmpi eq, %get3A_1242, %eq3A_1244 : vector<16xi32>
      %select_n3A_1246 = arith.select %eq3A_1245, %broadcast_in_dim3A_263, %add3A_1240 : vector<16xi1>, vector<16xf32>
      %swap3A_1247 = arith.constant 432 : index
      %swap3A_1248 = tpu.vector_load %arg17[%swap3A_1247] {strides = array<i32>} : memref<1024xf32, #tpu.memory_space<vmem>>, vector<16xf32>,
      tpu.vector_store %arg17[%swap3A_1247], %select_n3A_1246 {strides = array<i32>} : memref<1024xf32, #tpu.memory_space<vmem>>, vector<16xf32>,
      %get3A_1249 = arith.constant 448 : index
      %get3A_1250 = tpu.vector_load %arg11[%get3A_1249] {strides = array<i32>} : memref<1024xi32, #tpu.memory_space<vmem>>, vector<16xi32>,
      %gather3A_1251 = tpu.vector_load_idx %arg18[%get3A_1250] : memref<512xf32, #tpu.memory_space<vmem>>[vector<16xi32>], vector<16xf32>,
      %mul3A_1252 = arith.constant 8.000000e-01 : f32
      %mul3A_1253 = vector.broadcast %mul3A_1252 : f32 to vector<16xf32>
      %mul3A_1254 = arith.mulf %gather3A_1251, %mul3A_1253 : vector<16xf32>
      %get3A_1255 = arith.constant 448 : index
      %get3A_1256 = tpu.vector_load %arg14[%get3A_1255] {strides = array<i32>} : memref<1024xf32, #tpu.memory_space<vmem>>, vector<16xf32>,
      %add3A_1257 = arith.addf %mul3A_1254, %get3A_1256 : vector<16xf32>
      %get3A_1258 = arith.constant 448 : index
      %get3A_1259 = tpu.vector_load %arg13[%get3A_1258] {strides = array<i32>} : memref<1024xi32, #tpu.memory_space<vmem>>, vector<16xi32>,
      %eq3A_1260 = arith.constant -1 : i32
      %eq3A_1261 = vector.broadcast %eq3A_1260 : i32 to vector<16xi32>
      %eq3A_1262 = arith.cmpi eq, %get3A_1259, %eq3A_1261 : vector<16xi32>
      %select_n3A_1263 = arith.select %eq3A_1262, %broadcast_in_dim3A_263, %add3A_1257 : vector<16xi1>, vector<16xf32>
      %swap3A_1264 = arith.constant 448 : index
      %swap3A_1265 = tpu.vector_load %arg17[%swap3A_1264] {strides = array<i32>} : memref<1024xf32, #tpu.memory_space<vmem>>, vector<16xf32>,
      tpu.vector_store %arg17[%swap3A_1264], %select_n3A_1263 {strides = array<i32>} : memref<1024xf32, #tpu.memory_space<vmem>>, vector<16xf32>,
      %get3A_1266 = arith.constant 464 : index
      %get3A_1267 = tpu.vector_load %arg11[%get3A_1266] {strides = array<i32>} : memref<1024xi32, #tpu.memory_space<vmem>>, vector<16xi32>,
      %gather3A_1268 = tpu.vector_load_idx %arg18[%get3A_1267] : memref<512xf32, #tpu.memory_space<vmem>>[vector<16xi32>], vector<16xf32>,
      %mul3A_1269 = arith.constant 8.000000e-01 : f32
      %mul3A_1270 = vector.broadcast %mul3A_1269 : f32 to vector<16xf32>
      %mul3A_1271 = arith.mulf %gather3A_1268, %mul3A_1270 : vector<16xf32>
      %get3A_1272 = arith.constant 464 : index
      %get3A_1273 = tpu.vector_load %arg14[%get3A_1272] {strides = array<i32>} : memref<1024xf32, #tpu.memory_space<vmem>>, vector<16xf32>,
      %add3A_1274 = arith.addf %mul3A_1271, %get3A_1273 : vector<16xf32>
      %get3A_1275 = arith.constant 464 : index
      %get3A_1276 = tpu.vector_load %arg13[%get3A_1275] {strides = array<i32>} : memref<1024xi32, #tpu.memory_space<vmem>>, vector<16xi32>,
      %eq3A_1277 = arith.constant -1 : i32
      %eq3A_1278 = vector.broadcast %eq3A_1277 : i32 to vector<16xi32>
      %eq3A_1279 = arith.cmpi eq, %get3A_1276, %eq3A_1278 : vector<16xi32>
      %select_n3A_1280 = arith.select %eq3A_1279, %broadcast_in_dim3A_263, %add3A_1274 : vector<16xi1>, vector<16xf32>
      %swap3A_1281 = arith.constant 464 : index
      %swap3A_1282 = tpu.vector_load %arg17[%swap3A_1281] {strides = array<i32>} : memref<1024xf32, #tpu.memory_space<vmem>>, vector<16xf32>,
      tpu.vector_store %arg17[%swap3A_1281], %select_n3A_1280 {strides = array<i32>} : memref<1024xf32, #tpu.memory_space<vmem>>, vector<16xf32>,
      %get3A_1283 = arith.constant 480 : index
      %get3A_1284 = tpu.vector_load %arg11[%get3A_1283] {strides = array<i32>} : memref<1024xi32, #tpu.memory_space<vmem>>, vector<16xi32>,
      %gather3A_1285 = tpu.vector_load_idx %arg18[%get3A_1284] : memref<512xf32, #tpu.memory_space<vmem>>[vector<16xi32>], vector<16xf32>,
      %mul3A_1286 = arith.constant 8.000000e-01 : f32
      %mul3A_1287 = vector.broadcast %mul3A_1286 : f32 to vector<16xf32>
      %mul3A_1288 = arith.mulf %gather3A_1285, %mul3A_1287 : vector<16xf32>
      %get3A_1289 = arith.constant 480 : index
      %get3A_1290 = tpu.vector_load %arg14[%get3A_1289] {strides = array<i32>} : memref<1024xf32, #tpu.memory_space<vmem>>, vector<16xf32>,
      %add3A_1291 = arith.addf %mul3A_1288, %get3A_1290 : vector<16xf32>
      %get3A_1292 = arith.constant 480 : index
      %get3A_1293 = tpu.vector_load %arg13[%get3A_1292] {strides = array<i32>} : memref<1024xi32, #tpu.memory_space<vmem>>, vector<16xi32>,
      %eq3A_1294 = arith.constant -1 : i32
      %eq3A_1295 = vector.broadcast %eq3A_1294 : i32 to vector<16xi32>
      %eq3A_1296 = arith.cmpi eq, %get3A_1293, %eq3A_1295 : vector<16xi32>
      %select_n3A_1297 = arith.select %eq3A_1296, %broadcast_in_dim3A_263, %add3A_1291 : vector<16xi1>, vector<16xf32>
      %swap3A_1298 = arith.constant 480 : index
      %swap3A_1299 = tpu.vector_load %arg17[%swap3A_1298] {strides = array<i32>} : memref<1024xf32, #tpu.memory_space<vmem>>, vector<16xf32>,
      tpu.vector_store %arg17[%swap3A_1298], %select_n3A_1297 {strides = array<i32>} : memref<1024xf32, #tpu.memory_space<vmem>>, vector<16xf32>,
      %get3A_1300 = arith.constant 496 : index
      %get3A_1301 = tpu.vector_load %arg11[%get3A_1300] {strides = array<i32>} : memref<1024xi32, #tpu.memory_space<vmem>>, vector<16xi32>,
      %gather3A_1302 = tpu.vector_load_idx %arg18[%get3A_1301] : memref<512xf32, #tpu.memory_space<vmem>>[vector<16xi32>], vector<16xf32>,
      %mul3A_1303 = arith.constant 8.000000e-01 : f32
      %mul3A_1304 = vector.broadcast %mul3A_1303 : f32 to vector<16xf32>
      %mul3A_1305 = arith.mulf %gather3A_1302, %mul3A_1304 : vector<16xf32>
      %get3A_1306 = arith.constant 496 : index
      %get3A_1307 = tpu.vector_load %arg14[%get3A_1306] {strides = array<i32>} : memref<1024xf32, #tpu.memory_space<vmem>>, vector<16xf32>,
      %add3A_1308 = arith.addf %mul3A_1305, %get3A_1307 : vector<16xf32>
      %get3A_1309 = arith.constant 496 : index
      %get3A_1310 = tpu.vector_load %arg13[%get3A_1309] {strides = array<i32>} : memref<1024xi32, #tpu.memory_space<vmem>>, vector<16xi32>,
      %eq3A_1311 = arith.constant -1 : i32
      %eq3A_1312 = vector.broadcast %eq3A_1311 : i32 to vector<16xi32>
      %eq3A_1313 = arith.cmpi eq, %get3A_1310, %eq3A_1312 : vector<16xi32>
      %select_n3A_1314 = arith.select %eq3A_1313, %broadcast_in_dim3A_263, %add3A_1308 : vector<16xi1>, vector<16xf32>
      %swap3A_1315 = arith.constant 496 : index
      %swap3A_1316 = tpu.vector_load %arg17[%swap3A_1315] {strides = array<i32>} : memref<1024xf32, #tpu.memory_space<vmem>>, vector<16xf32>,
      tpu.vector_store %arg17[%swap3A_1315], %select_n3A_1314 {strides = array<i32>} : memref<1024xf32, #tpu.memory_space<vmem>>, vector<16xf32>,
      %get3A_1317 = arith.constant 512 : index
      %get3A_1318 = tpu.vector_load %arg11[%get3A_1317] {strides = array<i32>} : memref<1024xi32, #tpu.memory_space<vmem>>, vector<16xi32>,
      %gather3A_1319 = tpu.vector_load_idx %arg18[%get3A_1318] : memref<512xf32, #tpu.memory_space<vmem>>[vector<16xi32>], vector<16xf32>,
      %mul3A_1320 = arith.constant 8.000000e-01 : f32
      %mul3A_1321 = vector.broadcast %mul3A_1320 : f32 to vector<16xf32>
      %mul3A_1322 = arith.mulf %gather3A_1319, %mul3A_1321 : vector<16xf32>
      %get3A_1323 = arith.constant 512 : index
      %get3A_1324 = tpu.vector_load %arg14[%get3A_1323] {strides = array<i32>} : memref<1024xf32, #tpu.memory_space<vmem>>, vector<16xf32>,
      %add3A_1325 = arith.addf %mul3A_1322, %get3A_1324 : vector<16xf32>
      %get3A_1326 = arith.constant 512 : index
      %get3A_1327 = tpu.vector_load %arg13[%get3A_1326] {strides = array<i32>} : memref<1024xi32, #tpu.memory_space<vmem>>, vector<16xi32>,
      %eq3A_1328 = arith.constant -1 : i32
      %eq3A_1329 = vector.broadcast %eq3A_1328 : i32 to vector<16xi32>
      %eq3A_1330 = arith.cmpi eq, %get3A_1327, %eq3A_1329 : vector<16xi32>
      %select_n3A_1331 = arith.select %eq3A_1330, %broadcast_in_dim3A_263, %add3A_1325 : vector<16xi1>, vector<16xf32>
      %swap3A_1332 = arith.constant 512 : index
      %swap3A_1333 = tpu.vector_load %arg17[%swap3A_1332] {strides = array<i32>} : memref<1024xf32, #tpu.memory_space<vmem>>, vector<16xf32>,
      tpu.vector_store %arg17[%swap3A_1332], %select_n3A_1331 {strides = array<i32>} : memref<1024xf32, #tpu.memory_space<vmem>>, vector<16xf32>,
      %get3A_1334 = arith.constant 528 : index
      %get3A_1335 = tpu.vector_load %arg11[%get3A_1334] {strides = array<i32>} : memref<1024xi32, #tpu.memory_space<vmem>>, vector<16xi32>,
      %gather3A_1336 = tpu.vector_load_idx %arg18[%get3A_1335] : memref<512xf32, #tpu.memory_space<vmem>>[vector<16xi32>], vector<16xf32>,
      %mul3A_1337 = arith.constant 8.000000e-01 : f32
      %mul3A_1338 = vector.broadcast %mul3A_1337 : f32 to vector<16xf32>
      %mul3A_1339 = arith.mulf %gather3A_1336, %mul3A_1338 : vector<16xf32>
      %get3A_1340 = arith.constant 528 : index
      %get3A_1341 = tpu.vector_load %arg14[%get3A_1340] {strides = array<i32>} : memref<1024xf32, #tpu.memory_space<vmem>>, vector<16xf32>,
      %add3A_1342 = arith.addf %mul3A_1339, %get3A_1341 : vector<16xf32>
      %get3A_1343 = arith.constant 528 : index
      %get3A_1344 = tpu.vector_load %arg13[%get3A_1343] {strides = array<i32>} : memref<1024xi32, #tpu.memory_space<vmem>>, vector<16xi32>,
      %eq3A_1345 = arith.constant -1 : i32
      %eq3A_1346 = vector.broadcast %eq3A_1345 : i32 to vector<16xi32>
      %eq3A_1347 = arith.cmpi eq, %get3A_1344, %eq3A_1346 : vector<16xi32>
      %select_n3A_1348 = arith.select %eq3A_1347, %broadcast_in_dim3A_263, %add3A_1342 : vector<16xi1>, vector<16xf32>
      %swap3A_1349 = arith.constant 528 : index
      %swap3A_1350 = tpu.vector_load %arg17[%swap3A_1349] {strides = array<i32>} : memref<1024xf32, #tpu.memory_space<vmem>>, vector<16xf32>,
      tpu.vector_store %arg17[%swap3A_1349], %select_n3A_1348 {strides = array<i32>} : memref<1024xf32, #tpu.memory_space<vmem>>, vector<16xf32>,
      %get3A_1351 = arith.constant 544 : index
      %get3A_1352 = tpu.vector_load %arg11[%get3A_1351] {strides = array<i32>} : memref<1024xi32, #tpu.memory_space<vmem>>, vector<16xi32>,
      %gather3A_1353 = tpu.vector_load_idx %arg18[%get3A_1352] : memref<512xf32, #tpu.memory_space<vmem>>[vector<16xi32>], vector<16xf32>,
      %mul3A_1354 = arith.constant 8.000000e-01 : f32
      %mul3A_1355 = vector.broadcast %mul3A_1354 : f32 to vector<16xf32>
      %mul3A_1356 = arith.mulf %gather3A_1353, %mul3A_1355 : vector<16xf32>
      %get3A_1357 = arith.constant 544 : index
      %get3A_1358 = tpu.vector_load %arg14[%get3A_1357] {strides = array<i32>} : memref<1024xf32, #tpu.memory_space<vmem>>, vector<16xf32>,
      %add3A_1359 = arith.addf %mul3A_1356, %get3A_1358 : vector<16xf32>
      %get3A_1360 = arith.constant 544 : index
      %get3A_1361 = tpu.vector_load %arg13[%get3A_1360] {strides = array<i32>} : memref<1024xi32, #tpu.memory_space<vmem>>, vector<16xi32>,
      %eq3A_1362 = arith.constant -1 : i32
      %eq3A_1363 = vector.broadcast %eq3A_1362 : i32 to vector<16xi32>
      %eq3A_1364 = arith.cmpi eq, %get3A_1361, %eq3A_1363 : vector<16xi32>
      %select_n3A_1365 = arith.select %eq3A_1364, %broadcast_in_dim3A_263, %add3A_1359 : vector<16xi1>, vector<16xf32>
      %swap3A_1366 = arith.constant 544 : index
      %swap3A_1367 = tpu.vector_load %arg17[%swap3A_1366] {strides = array<i32>} : memref<1024xf32, #tpu.memory_space<vmem>>, vector<16xf32>,
      tpu.vector_store %arg17[%swap3A_1366], %select_n3A_1365 {strides = array<i32>} : memref<1024xf32, #tpu.memory_space<vmem>>, vector<16xf32>,
      %get3A_1368 = arith.constant 560 : index
      %get3A_1369 = tpu.vector_load %arg11[%get3A_1368] {strides = array<i32>} : memref<1024xi32, #tpu.memory_space<vmem>>, vector<16xi32>,
      %gather3A_1370 = tpu.vector_load_idx %arg18[%get3A_1369] : memref<512xf32, #tpu.memory_space<vmem>>[vector<16xi32>], vector<16xf32>,
      %mul3A_1371 = arith.constant 8.000000e-01 : f32
      %mul3A_1372 = vector.broadcast %mul3A_1371 : f32 to vector<16xf32>
      %mul3A_1373 = arith.mulf %gather3A_1370, %mul3A_1372 : vector<16xf32>
      %get3A_1374 = arith.constant 560 : index
      %get3A_1375 = tpu.vector_load %arg14[%get3A_1374] {strides = array<i32>} : memref<1024xf32, #tpu.memory_space<vmem>>, vector<16xf32>,
      %add3A_1376 = arith.addf %mul3A_1373, %get3A_1375 : vector<16xf32>
      %get3A_1377 = arith.constant 560 : index
      %get3A_1378 = tpu.vector_load %arg13[%get3A_1377] {strides = array<i32>} : memref<1024xi32, #tpu.memory_space<vmem>>, vector<16xi32>,
      %eq3A_1379 = arith.constant -1 : i32
      %eq3A_1380 = vector.broadcast %eq3A_1379 : i32 to vector<16xi32>
      %eq3A_1381 = arith.cmpi eq, %get3A_1378, %eq3A_1380 : vector<16xi32>
      %select_n3A_1382 = arith.select %eq3A_1381, %broadcast_in_dim3A_263, %add3A_1376 : vector<16xi1>, vector<16xf32>
      %swap3A_1383 = arith.constant 560 : index
      %swap3A_1384 = tpu.vector_load %arg17[%swap3A_1383] {strides = array<i32>} : memref<1024xf32, #tpu.memory_space<vmem>>, vector<16xf32>,
      tpu.vector_store %arg17[%swap3A_1383], %select_n3A_1382 {strides = array<i32>} : memref<1024xf32, #tpu.memory_space<vmem>>, vector<16xf32>,
      %get3A_1385 = arith.constant 576 : index
      %get3A_1386 = tpu.vector_load %arg11[%get3A_1385] {strides = array<i32>} : memref<1024xi32, #tpu.memory_space<vmem>>, vector<16xi32>,
      %gather3A_1387 = tpu.vector_load_idx %arg18[%get3A_1386] : memref<512xf32, #tpu.memory_space<vmem>>[vector<16xi32>], vector<16xf32>,
      %mul3A_1388 = arith.constant 8.000000e-01 : f32
      %mul3A_1389 = vector.broadcast %mul3A_1388 : f32 to vector<16xf32>
      %mul3A_1390 = arith.mulf %gather3A_1387, %mul3A_1389 : vector<16xf32>
      %get3A_1391 = arith.constant 576 : index
      %get3A_1392 = tpu.vector_load %arg14[%get3A_1391] {strides = array<i32>} : memref<1024xf32, #tpu.memory_space<vmem>>, vector<16xf32>,
      %add3A_1393 = arith.addf %mul3A_1390, %get3A_1392 : vector<16xf32>
      %get3A_1394 = arith.constant 576 : index
      %get3A_1395 = tpu.vector_load %arg13[%get3A_1394] {strides = array<i32>} : memref<1024xi32, #tpu.memory_space<vmem>>, vector<16xi32>,
      %eq3A_1396 = arith.constant -1 : i32
      %eq3A_1397 = vector.broadcast %eq3A_1396 : i32 to vector<16xi32>
      %eq3A_1398 = arith.cmpi eq, %get3A_1395, %eq3A_1397 : vector<16xi32>
      %select_n3A_1399 = arith.select %eq3A_1398, %broadcast_in_dim3A_263, %add3A_1393 : vector<16xi1>, vector<16xf32>
      %swap3A_1400 = arith.constant 576 : index
      %swap3A_1401 = tpu.vector_load %arg17[%swap3A_1400] {strides = array<i32>} : memref<1024xf32, #tpu.memory_space<vmem>>, vector<16xf32>,
      tpu.vector_store %arg17[%swap3A_1400], %select_n3A_1399 {strides = array<i32>} : memref<1024xf32, #tpu.memory_space<vmem>>, vector<16xf32>,
      %get3A_1402 = arith.constant 592 : index
      %get3A_1403 = tpu.vector_load %arg11[%get3A_1402] {strides = array<i32>} : memref<1024xi32, #tpu.memory_space<vmem>>, vector<16xi32>,
      %gather3A_1404 = tpu.vector_load_idx %arg18[%get3A_1403] : memref<512xf32, #tpu.memory_space<vmem>>[vector<16xi32>], vector<16xf32>,
      %mul3A_1405 = arith.constant 8.000000e-01 : f32
      %mul3A_1406 = vector.broadcast %mul3A_1405 : f32 to vector<16xf32>
      %mul3A_1407 = arith.mulf %gather3A_1404, %mul3A_1406 : vector<16xf32>
      %get3A_1408 = arith.constant 592 : index
      %get3A_1409 = tpu.vector_load %arg14[%get3A_1408] {strides = array<i32>} : memref<1024xf32, #tpu.memory_space<vmem>>, vector<16xf32>,
      %add3A_1410 = arith.addf %mul3A_1407, %get3A_1409 : vector<16xf32>
      %get3A_1411 = arith.constant 592 : index
      %get3A_1412 = tpu.vector_load %arg13[%get3A_1411] {strides = array<i32>} : memref<1024xi32, #tpu.memory_space<vmem>>, vector<16xi32>,
      %eq3A_1413 = arith.constant -1 : i32
      %eq3A_1414 = vector.broadcast %eq3A_1413 : i32 to vector<16xi32>
      %eq3A_1415 = arith.cmpi eq, %get3A_1412, %eq3A_1414 : vector<16xi32>
      %select_n3A_1416 = arith.select %eq3A_1415, %broadcast_in_dim3A_263, %add3A_1410 : vector<16xi1>, vector<16xf32>
      %swap3A_1417 = arith.constant 592 : index
      %swap3A_1418 = tpu.vector_load %arg17[%swap3A_1417] {strides = array<i32>} : memref<1024xf32, #tpu.memory_space<vmem>>, vector<16xf32>,
      tpu.vector_store %arg17[%swap3A_1417], %select_n3A_1416 {strides = array<i32>} : memref<1024xf32, #tpu.memory_space<vmem>>, vector<16xf32>,
      %get3A_1419 = arith.constant 608 : index
      %get3A_1420 = tpu.vector_load %arg11[%get3A_1419] {strides = array<i32>} : memref<1024xi32, #tpu.memory_space<vmem>>, vector<16xi32>,
      %gather3A_1421 = tpu.vector_load_idx %arg18[%get3A_1420] : memref<512xf32, #tpu.memory_space<vmem>>[vector<16xi32>], vector<16xf32>,
      %mul3A_1422 = arith.constant 8.000000e-01 : f32
      %mul3A_1423 = vector.broadcast %mul3A_1422 : f32 to vector<16xf32>
      %mul3A_1424 = arith.mulf %gather3A_1421, %mul3A_1423 : vector<16xf32>
      %get3A_1425 = arith.constant 608 : index
      %get3A_1426 = tpu.vector_load %arg14[%get3A_1425] {strides = array<i32>} : memref<1024xf32, #tpu.memory_space<vmem>>, vector<16xf32>,
      %add3A_1427 = arith.addf %mul3A_1424, %get3A_1426 : vector<16xf32>
      %get3A_1428 = arith.constant 608 : index
      %get3A_1429 = tpu.vector_load %arg13[%get3A_1428] {strides = array<i32>} : memref<1024xi32, #tpu.memory_space<vmem>>, vector<16xi32>,
      %eq3A_1430 = arith.constant -1 : i32
      %eq3A_1431 = vector.broadcast %eq3A_1430 : i32 to vector<16xi32>
      %eq3A_1432 = arith.cmpi eq, %get3A_1429, %eq3A_1431 : vector<16xi32>
      %select_n3A_1433 = arith.select %eq3A_1432, %broadcast_in_dim3A_263, %add3A_1427 : vector<16xi1>, vector<16xf32>
      %swap3A_1434 = arith.constant 608 : index
      %swap3A_1435 = tpu.vector_load %arg17[%swap3A_1434] {strides = array<i32>} : memref<1024xf32, #tpu.memory_space<vmem>>, vector<16xf32>,
      tpu.vector_store %arg17[%swap3A_1434], %select_n3A_1433 {strides = array<i32>} : memref<1024xf32, #tpu.memory_space<vmem>>, vector<16xf32>,
      %get3A_1436 = arith.constant 624 : index
      %get3A_1437 = tpu.vector_load %arg11[%get3A_1436] {strides = array<i32>} : memref<1024xi32, #tpu.memory_space<vmem>>, vector<16xi32>,
      %gather3A_1438 = tpu.vector_load_idx %arg18[%get3A_1437] : memref<512xf32, #tpu.memory_space<vmem>>[vector<16xi32>], vector<16xf32>,
      %mul3A_1439 = arith.constant 8.000000e-01 : f32
      %mul3A_1440 = vector.broadcast %mul3A_1439 : f32 to vector<16xf32>
      %mul3A_1441 = arith.mulf %gather3A_1438, %mul3A_1440 : vector<16xf32>
      %get3A_1442 = arith.constant 624 : index
      %get3A_1443 = tpu.vector_load %arg14[%get3A_1442] {strides = array<i32>} : memref<1024xf32, #tpu.memory_space<vmem>>, vector<16xf32>,
      %add3A_1444 = arith.addf %mul3A_1441, %get3A_1443 : vector<16xf32>
      %get3A_1445 = arith.constant 624 : index
      %get3A_1446 = tpu.vector_load %arg13[%get3A_1445] {strides = array<i32>} : memref<1024xi32, #tpu.memory_space<vmem>>, vector<16xi32>,
      %eq3A_1447 = arith.constant -1 : i32
      %eq3A_1448 = vector.broadcast %eq3A_1447 : i32 to vector<16xi32>
      %eq3A_1449 = arith.cmpi eq, %get3A_1446, %eq3A_1448 : vector<16xi32>
      %select_n3A_1450 = arith.select %eq3A_1449, %broadcast_in_dim3A_263, %add3A_1444 : vector<16xi1>, vector<16xf32>
      %swap3A_1451 = arith.constant 624 : index
      %swap3A_1452 = tpu.vector_load %arg17[%swap3A_1451] {strides = array<i32>} : memref<1024xf32, #tpu.memory_space<vmem>>, vector<16xf32>,
      tpu.vector_store %arg17[%swap3A_1451], %select_n3A_1450 {strides = array<i32>} : memref<1024xf32, #tpu.memory_space<vmem>>, vector<16xf32>,
      %get3A_1453 = arith.constant 640 : index
      %get3A_1454 = tpu.vector_load %arg11[%get3A_1453] {strides = array<i32>} : memref<1024xi32, #tpu.memory_space<vmem>>, vector<16xi32>,
      %gather3A_1455 = tpu.vector_load_idx %arg18[%get3A_1454] : memref<512xf32, #tpu.memory_space<vmem>>[vector<16xi32>], vector<16xf32>,
      %mul3A_1456 = arith.constant 8.000000e-01 : f32
      %mul3A_1457 = vector.broadcast %mul3A_1456 : f32 to vector<16xf32>
      %mul3A_1458 = arith.mulf %gather3A_1455, %mul3A_1457 : vector<16xf32>
      %get3A_1459 = arith.constant 640 : index
      %get3A_1460 = tpu.vector_load %arg14[%get3A_1459] {strides = array<i32>} : memref<1024xf32, #tpu.memory_space<vmem>>, vector<16xf32>,
      %add3A_1461 = arith.addf %mul3A_1458, %get3A_1460 : vector<16xf32>
      %get3A_1462 = arith.constant 640 : index
      %get3A_1463 = tpu.vector_load %arg13[%get3A_1462] {strides = array<i32>} : memref<1024xi32, #tpu.memory_space<vmem>>, vector<16xi32>,
      %eq3A_1464 = arith.constant -1 : i32
      %eq3A_1465 = vector.broadcast %eq3A_1464 : i32 to vector<16xi32>
      %eq3A_1466 = arith.cmpi eq, %get3A_1463, %eq3A_1465 : vector<16xi32>
      %select_n3A_1467 = arith.select %eq3A_1466, %broadcast_in_dim3A_263, %add3A_1461 : vector<16xi1>, vector<16xf32>
      %swap3A_1468 = arith.constant 640 : index
      %swap3A_1469 = tpu.vector_load %arg17[%swap3A_1468] {strides = array<i32>} : memref<1024xf32, #tpu.memory_space<vmem>>, vector<16xf32>,
      tpu.vector_store %arg17[%swap3A_1468], %select_n3A_1467 {strides = array<i32>} : memref<1024xf32, #tpu.memory_space<vmem>>, vector<16xf32>,
      %get3A_1470 = arith.constant 656 : index
      %get3A_1471 = tpu.vector_load %arg11[%get3A_1470] {strides = array<i32>} : memref<1024xi32, #tpu.memory_space<vmem>>, vector<16xi32>,
      %gather3A_1472 = tpu.vector_load_idx %arg18[%get3A_1471] : memref<512xf32, #tpu.memory_space<vmem>>[vector<16xi32>], vector<16xf32>,
      %mul3A_1473 = arith.constant 8.000000e-01 : f32
      %mul3A_1474 = vector.broadcast %mul3A_1473 : f32 to vector<16xf32>
      %mul3A_1475 = arith.mulf %gather3A_1472, %mul3A_1474 : vector<16xf32>
      %get3A_1476 = arith.constant 656 : index
      %get3A_1477 = tpu.vector_load %arg14[%get3A_1476] {strides = array<i32>} : memref<1024xf32, #tpu.memory_space<vmem>>, vector<16xf32>,
      %add3A_1478 = arith.addf %mul3A_1475, %get3A_1477 : vector<16xf32>
      %get3A_1479 = arith.constant 656 : index
      %get3A_1480 = tpu.vector_load %arg13[%get3A_1479] {strides = array<i32>} : memref<1024xi32, #tpu.memory_space<vmem>>, vector<16xi32>,
      %eq3A_1481 = arith.constant -1 : i32
      %eq3A_1482 = vector.broadcast %eq3A_1481 : i32 to vector<16xi32>
      %eq3A_1483 = arith.cmpi eq, %get3A_1480, %eq3A_1482 : vector<16xi32>
      %select_n3A_1484 = arith.select %eq3A_1483, %broadcast_in_dim3A_263, %add3A_1478 : vector<16xi1>, vector<16xf32>
      %swap3A_1485 = arith.constant 656 : index
      %swap3A_1486 = tpu.vector_load %arg17[%swap3A_1485] {strides = array<i32>} : memref<1024xf32, #tpu.memory_space<vmem>>, vector<16xf32>,
      tpu.vector_store %arg17[%swap3A_1485], %select_n3A_1484 {strides = array<i32>} : memref<1024xf32, #tpu.memory_space<vmem>>, vector<16xf32>,
      %get3A_1487 = arith.constant 672 : index
      %get3A_1488 = tpu.vector_load %arg11[%get3A_1487] {strides = array<i32>} : memref<1024xi32, #tpu.memory_space<vmem>>, vector<16xi32>,
      %gather3A_1489 = tpu.vector_load_idx %arg18[%get3A_1488] : memref<512xf32, #tpu.memory_space<vmem>>[vector<16xi32>], vector<16xf32>,
      %mul3A_1490 = arith.constant 8.000000e-01 : f32
      %mul3A_1491 = vector.broadcast %mul3A_1490 : f32 to vector<16xf32>
      %mul3A_1492 = arith.mulf %gather3A_1489, %mul3A_1491 : vector<16xf32>
      %get3A_1493 = arith.constant 672 : index
      %get3A_1494 = tpu.vector_load %arg14[%get3A_1493] {strides = array<i32>} : memref<1024xf32, #tpu.memory_space<vmem>>, vector<16xf32>,
      %add3A_1495 = arith.addf %mul3A_1492, %get3A_1494 : vector<16xf32>
      %get3A_1496 = arith.constant 672 : index
      %get3A_1497 = tpu.vector_load %arg13[%get3A_1496] {strides = array<i32>} : memref<1024xi32, #tpu.memory_space<vmem>>, vector<16xi32>,
      %eq3A_1498 = arith.constant -1 : i32
      %eq3A_1499 = vector.broadcast %eq3A_1498 : i32 to vector<16xi32>
      %eq3A_1500 = arith.cmpi eq, %get3A_1497, %eq3A_1499 : vector<16xi32>
      %select_n3A_1501 = arith.select %eq3A_1500, %broadcast_in_dim3A_263, %add3A_1495 : vector<16xi1>, vector<16xf32>
      %swap3A_1502 = arith.constant 672 : index
      %swap3A_1503 = tpu.vector_load %arg17[%swap3A_1502] {strides = array<i32>} : memref<1024xf32, #tpu.memory_space<vmem>>, vector<16xf32>,
      tpu.vector_store %arg17[%swap3A_1502], %select_n3A_1501 {strides = array<i32>} : memref<1024xf32, #tpu.memory_space<vmem>>, vector<16xf32>,
      %get3A_1504 = arith.constant 688 : index
      %get3A_1505 = tpu.vector_load %arg11[%get3A_1504] {strides = array<i32>} : memref<1024xi32, #tpu.memory_space<vmem>>, vector<16xi32>,
      %gather3A_1506 = tpu.vector_load_idx %arg18[%get3A_1505] : memref<512xf32, #tpu.memory_space<vmem>>[vector<16xi32>], vector<16xf32>,
      %mul3A_1507 = arith.constant 8.000000e-01 : f32
      %mul3A_1508 = vector.broadcast %mul3A_1507 : f32 to vector<16xf32>
      %mul3A_1509 = arith.mulf %gather3A_1506, %mul3A_1508 : vector<16xf32>
      %get3A_1510 = arith.constant 688 : index
      %get3A_1511 = tpu.vector_load %arg14[%get3A_1510] {strides = array<i32>} : memref<1024xf32, #tpu.memory_space<vmem>>, vector<16xf32>,
      %add3A_1512 = arith.addf %mul3A_1509, %get3A_1511 : vector<16xf32>
      %get3A_1513 = arith.constant 688 : index
      %get3A_1514 = tpu.vector_load %arg13[%get3A_1513] {strides = array<i32>} : memref<1024xi32, #tpu.memory_space<vmem>>, vector<16xi32>,
      %eq3A_1515 = arith.constant -1 : i32
      %eq3A_1516 = vector.broadcast %eq3A_1515 : i32 to vector<16xi32>
      %eq3A_1517 = arith.cmpi eq, %get3A_1514, %eq3A_1516 : vector<16xi32>
      %select_n3A_1518 = arith.select %eq3A_1517, %broadcast_in_dim3A_263, %add3A_1512 : vector<16xi1>, vector<16xf32>
      %swap3A_1519 = arith.constant 688 : index
      %swap3A_1520 = tpu.vector_load %arg17[%swap3A_1519] {strides = array<i32>} : memref<1024xf32, #tpu.memory_space<vmem>>, vector<16xf32>,
      tpu.vector_store %arg17[%swap3A_1519], %select_n3A_1518 {strides = array<i32>} : memref<1024xf32, #tpu.memory_space<vmem>>, vector<16xf32>,
      %get3A_1521 = arith.constant 704 : index
      %get3A_1522 = tpu.vector_load %arg11[%get3A_1521] {strides = array<i32>} : memref<1024xi32, #tpu.memory_space<vmem>>, vector<16xi32>,
      %gather3A_1523 = tpu.vector_load_idx %arg18[%get3A_1522] : memref<512xf32, #tpu.memory_space<vmem>>[vector<16xi32>], vector<16xf32>,
      %mul3A_1524 = arith.constant 8.000000e-01 : f32
      %mul3A_1525 = vector.broadcast %mul3A_1524 : f32 to vector<16xf32>
      %mul3A_1526 = arith.mulf %gather3A_1523, %mul3A_1525 : vector<16xf32>
      %get3A_1527 = arith.constant 704 : index
      %get3A_1528 = tpu.vector_load %arg14[%get3A_1527] {strides = array<i32>} : memref<1024xf32, #tpu.memory_space<vmem>>, vector<16xf32>,
      %add3A_1529 = arith.addf %mul3A_1526, %get3A_1528 : vector<16xf32>
      %get3A_1530 = arith.constant 704 : index
      %get3A_1531 = tpu.vector_load %arg13[%get3A_1530] {strides = array<i32>} : memref<1024xi32, #tpu.memory_space<vmem>>, vector<16xi32>,
      %eq3A_1532 = arith.constant -1 : i32
      %eq3A_1533 = vector.broadcast %eq3A_1532 : i32 to vector<16xi32>
      %eq3A_1534 = arith.cmpi eq, %get3A_1531, %eq3A_1533 : vector<16xi32>
      %select_n3A_1535 = arith.select %eq3A_1534, %broadcast_in_dim3A_263, %add3A_1529 : vector<16xi1>, vector<16xf32>
      %swap3A_1536 = arith.constant 704 : index
      %swap3A_1537 = tpu.vector_load %arg17[%swap3A_1536] {strides = array<i32>} : memref<1024xf32, #tpu.memory_space<vmem>>, vector<16xf32>,
      tpu.vector_store %arg17[%swap3A_1536], %select_n3A_1535 {strides = array<i32>} : memref<1024xf32, #tpu.memory_space<vmem>>, vector<16xf32>,
      %get3A_1538 = arith.constant 720 : index
      %get3A_1539 = tpu.vector_load %arg11[%get3A_1538] {strides = array<i32>} : memref<1024xi32, #tpu.memory_space<vmem>>, vector<16xi32>,
      %gather3A_1540 = tpu.vector_load_idx %arg18[%get3A_1539] : memref<512xf32, #tpu.memory_space<vmem>>[vector<16xi32>], vector<16xf32>,
      %mul3A_1541 = arith.constant 8.000000e-01 : f32
      %mul3A_1542 = vector.broadcast %mul3A_1541 : f32 to vector<16xf32>
      %mul3A_1543 = arith.mulf %gather3A_1540, %mul3A_1542 : vector<16xf32>
      %get3A_1544 = arith.constant 720 : index
      %get3A_1545 = tpu.vector_load %arg14[%get3A_1544] {strides = array<i32>} : memref<1024xf32, #tpu.memory_space<vmem>>, vector<16xf32>,
      %add3A_1546 = arith.addf %mul3A_1543, %get3A_1545 : vector<16xf32>
      %get3A_1547 = arith.constant 720 : index
      %get3A_1548 = tpu.vector_load %arg13[%get3A_1547] {strides = array<i32>} : memref<1024xi32, #tpu.memory_space<vmem>>, vector<16xi32>,
      %eq3A_1549 = arith.constant -1 : i32
      %eq3A_1550 = vector.broadcast %eq3A_1549 : i32 to vector<16xi32>
      %eq3A_1551 = arith.cmpi eq, %get3A_1548, %eq3A_1550 : vector<16xi32>
      %select_n3A_1552 = arith.select %eq3A_1551, %broadcast_in_dim3A_263, %add3A_1546 : vector<16xi1>, vector<16xf32>
      %swap3A_1553 = arith.constant 720 : index
      %swap3A_1554 = tpu.vector_load %arg17[%swap3A_1553] {strides = array<i32>} : memref<1024xf32, #tpu.memory_space<vmem>>, vector<16xf32>,
      tpu.vector_store %arg17[%swap3A_1553], %select_n3A_1552 {strides = array<i32>} : memref<1024xf32, #tpu.memory_space<vmem>>, vector<16xf32>,
      %get3A_1555 = arith.constant 736 : index
      %get3A_1556 = tpu.vector_load %arg11[%get3A_1555] {strides = array<i32>} : memref<1024xi32, #tpu.memory_space<vmem>>, vector<16xi32>,
      %gather3A_1557 = tpu.vector_load_idx %arg18[%get3A_1556] : memref<512xf32, #tpu.memory_space<vmem>>[vector<16xi32>], vector<16xf32>,
      %mul3A_1558 = arith.constant 8.000000e-01 : f32
      %mul3A_1559 = vector.broadcast %mul3A_1558 : f32 to vector<16xf32>
      %mul3A_1560 = arith.mulf %gather3A_1557, %mul3A_1559 : vector<16xf32>
      %get3A_1561 = arith.constant 736 : index
      %get3A_1562 = tpu.vector_load %arg14[%get3A_1561] {strides = array<i32>} : memref<1024xf32, #tpu.memory_space<vmem>>, vector<16xf32>,
      %add3A_1563 = arith.addf %mul3A_1560, %get3A_1562 : vector<16xf32>
      %get3A_1564 = arith.constant 736 : index
      %get3A_1565 = tpu.vector_load %arg13[%get3A_1564] {strides = array<i32>} : memref<1024xi32, #tpu.memory_space<vmem>>, vector<16xi32>,
      %eq3A_1566 = arith.constant -1 : i32
      %eq3A_1567 = vector.broadcast %eq3A_1566 : i32 to vector<16xi32>
      %eq3A_1568 = arith.cmpi eq, %get3A_1565, %eq3A_1567 : vector<16xi32>
      %select_n3A_1569 = arith.select %eq3A_1568, %broadcast_in_dim3A_263, %add3A_1563 : vector<16xi1>, vector<16xf32>
      %swap3A_1570 = arith.constant 736 : index
      %swap3A_1571 = tpu.vector_load %arg17[%swap3A_1570] {strides = array<i32>} : memref<1024xf32, #tpu.memory_space<vmem>>, vector<16xf32>,
      tpu.vector_store %arg17[%swap3A_1570], %select_n3A_1569 {strides = array<i32>} : memref<1024xf32, #tpu.memory_space<vmem>>, vector<16xf32>,
      %get3A_1572 = arith.constant 752 : index
      %get3A_1573 = tpu.vector_load %arg11[%get3A_1572] {strides = array<i32>} : memref<1024xi32, #tpu.memory_space<vmem>>, vector<16xi32>,
      %gather3A_1574 = tpu.vector_load_idx %arg18[%get3A_1573] : memref<512xf32, #tpu.memory_space<vmem>>[vector<16xi32>], vector<16xf32>,
      %mul3A_1575 = arith.constant 8.000000e-01 : f32
      %mul3A_1576 = vector.broadcast %mul3A_1575 : f32 to vector<16xf32>
      %mul3A_1577 = arith.mulf %gather3A_1574, %mul3A_1576 : vector<16xf32>
      %get3A_1578 = arith.constant 752 : index
      %get3A_1579 = tpu.vector_load %arg14[%get3A_1578] {strides = array<i32>} : memref<1024xf32, #tpu.memory_space<vmem>>, vector<16xf32>,
      %add3A_1580 = arith.addf %mul3A_1577, %get3A_1579 : vector<16xf32>
      %get3A_1581 = arith.constant 752 : index
      %get3A_1582 = tpu.vector_load %arg13[%get3A_1581] {strides = array<i32>} : memref<1024xi32, #tpu.memory_space<vmem>>, vector<16xi32>,
      %eq3A_1583 = arith.constant -1 : i32
      %eq3A_1584 = vector.broadcast %eq3A_1583 : i32 to vector<16xi32>
      %eq3A_1585 = arith.cmpi eq, %get3A_1582, %eq3A_1584 : vector<16xi32>
      %select_n3A_1586 = arith.select %eq3A_1585, %broadcast_in_dim3A_263, %add3A_1580 : vector<16xi1>, vector<16xf32>
      %swap3A_1587 = arith.constant 752 : index
      %swap3A_1588 = tpu.vector_load %arg17[%swap3A_1587] {strides = array<i32>} : memref<1024xf32, #tpu.memory_space<vmem>>, vector<16xf32>,
      tpu.vector_store %arg17[%swap3A_1587], %select_n3A_1586 {strides = array<i32>} : memref<1024xf32, #tpu.memory_space<vmem>>, vector<16xf32>,
      %get3A_1589 = arith.constant 768 : index
      %get3A_1590 = tpu.vector_load %arg11[%get3A_1589] {strides = array<i32>} : memref<1024xi32, #tpu.memory_space<vmem>>, vector<16xi32>,
      %gather3A_1591 = tpu.vector_load_idx %arg18[%get3A_1590] : memref<512xf32, #tpu.memory_space<vmem>>[vector<16xi32>], vector<16xf32>,
      %mul3A_1592 = arith.constant 8.000000e-01 : f32
      %mul3A_1593 = vector.broadcast %mul3A_1592 : f32 to vector<16xf32>
      %mul3A_1594 = arith.mulf %gather3A_1591, %mul3A_1593 : vector<16xf32>
      %get3A_1595 = arith.constant 768 : index
      %get3A_1596 = tpu.vector_load %arg14[%get3A_1595] {strides = array<i32>} : memref<1024xf32, #tpu.memory_space<vmem>>, vector<16xf32>,
      %add3A_1597 = arith.addf %mul3A_1594, %get3A_1596 : vector<16xf32>
      %get3A_1598 = arith.constant 768 : index
      %get3A_1599 = tpu.vector_load %arg13[%get3A_1598] {strides = array<i32>} : memref<1024xi32, #tpu.memory_space<vmem>>, vector<16xi32>,
      %eq3A_1600 = arith.constant -1 : i32
      %eq3A_1601 = vector.broadcast %eq3A_1600 : i32 to vector<16xi32>
      %eq3A_1602 = arith.cmpi eq, %get3A_1599, %eq3A_1601 : vector<16xi32>
      %select_n3A_1603 = arith.select %eq3A_1602, %broadcast_in_dim3A_263, %add3A_1597 : vector<16xi1>, vector<16xf32>
      %swap3A_1604 = arith.constant 768 : index
      %swap3A_1605 = tpu.vector_load %arg17[%swap3A_1604] {strides = array<i32>} : memref<1024xf32, #tpu.memory_space<vmem>>, vector<16xf32>,
      tpu.vector_store %arg17[%swap3A_1604], %select_n3A_1603 {strides = array<i32>} : memref<1024xf32, #tpu.memory_space<vmem>>, vector<16xf32>,
      %get3A_1606 = arith.constant 784 : index
      %get3A_1607 = tpu.vector_load %arg11[%get3A_1606] {strides = array<i32>} : memref<1024xi32, #tpu.memory_space<vmem>>, vector<16xi32>,
      %gather3A_1608 = tpu.vector_load_idx %arg18[%get3A_1607] : memref<512xf32, #tpu.memory_space<vmem>>[vector<16xi32>], vector<16xf32>,
      %mul3A_1609 = arith.constant 8.000000e-01 : f32
      %mul3A_1610 = vector.broadcast %mul3A_1609 : f32 to vector<16xf32>
      %mul3A_1611 = arith.mulf %gather3A_1608, %mul3A_1610 : vector<16xf32>
      %get3A_1612 = arith.constant 784 : index
      %get3A_1613 = tpu.vector_load %arg14[%get3A_1612] {strides = array<i32>} : memref<1024xf32, #tpu.memory_space<vmem>>, vector<16xf32>,
      %add3A_1614 = arith.addf %mul3A_1611, %get3A_1613 : vector<16xf32>
      %get3A_1615 = arith.constant 784 : index
      %get3A_1616 = tpu.vector_load %arg13[%get3A_1615] {strides = array<i32>} : memref<1024xi32, #tpu.memory_space<vmem>>, vector<16xi32>,
      %eq3A_1617 = arith.constant -1 : i32
      %eq3A_1618 = vector.broadcast %eq3A_1617 : i32 to vector<16xi32>
      %eq3A_1619 = arith.cmpi eq, %get3A_1616, %eq3A_1618 : vector<16xi32>
      %select_n3A_1620 = arith.select %eq3A_1619, %broadcast_in_dim3A_263, %add3A_1614 : vector<16xi1>, vector<16xf32>
      %swap3A_1621 = arith.constant 784 : index
      %swap3A_1622 = tpu.vector_load %arg17[%swap3A_1621] {strides = array<i32>} : memref<1024xf32, #tpu.memory_space<vmem>>, vector<16xf32>,
      tpu.vector_store %arg17[%swap3A_1621], %select_n3A_1620 {strides = array<i32>} : memref<1024xf32, #tpu.memory_space<vmem>>, vector<16xf32>,
      %get3A_1623 = arith.constant 800 : index
      %get3A_1624 = tpu.vector_load %arg11[%get3A_1623] {strides = array<i32>} : memref<1024xi32, #tpu.memory_space<vmem>>, vector<16xi32>,
      %gather3A_1625 = tpu.vector_load_idx %arg18[%get3A_1624] : memref<512xf32, #tpu.memory_space<vmem>>[vector<16xi32>], vector<16xf32>,
      %mul3A_1626 = arith.constant 8.000000e-01 : f32
      %mul3A_1627 = vector.broadcast %mul3A_1626 : f32 to vector<16xf32>
      %mul3A_1628 = arith.mulf %gather3A_1625, %mul3A_1627 : vector<16xf32>
      %get3A_1629 = arith.constant 800 : index
      %get3A_1630 = tpu.vector_load %arg14[%get3A_1629] {strides = array<i32>} : memref<1024xf32, #tpu.memory_space<vmem>>, vector<16xf32>,
      %add3A_1631 = arith.addf %mul3A_1628, %get3A_1630 : vector<16xf32>
      %get3A_1632 = arith.constant 800 : index
      %get3A_1633 = tpu.vector_load %arg13[%get3A_1632] {strides = array<i32>} : memref<1024xi32, #tpu.memory_space<vmem>>, vector<16xi32>,
      %eq3A_1634 = arith.constant -1 : i32
      %eq3A_1635 = vector.broadcast %eq3A_1634 : i32 to vector<16xi32>
      %eq3A_1636 = arith.cmpi eq, %get3A_1633, %eq3A_1635 : vector<16xi32>
      %select_n3A_1637 = arith.select %eq3A_1636, %broadcast_in_dim3A_263, %add3A_1631 : vector<16xi1>, vector<16xf32>
      %swap3A_1638 = arith.constant 800 : index
      %swap3A_1639 = tpu.vector_load %arg17[%swap3A_1638] {strides = array<i32>} : memref<1024xf32, #tpu.memory_space<vmem>>, vector<16xf32>,
      tpu.vector_store %arg17[%swap3A_1638], %select_n3A_1637 {strides = array<i32>} : memref<1024xf32, #tpu.memory_space<vmem>>, vector<16xf32>,
      %get3A_1640 = arith.constant 816 : index
      %get3A_1641 = tpu.vector_load %arg11[%get3A_1640] {strides = array<i32>} : memref<1024xi32, #tpu.memory_space<vmem>>, vector<16xi32>,
      %gather3A_1642 = tpu.vector_load_idx %arg18[%get3A_1641] : memref<512xf32, #tpu.memory_space<vmem>>[vector<16xi32>], vector<16xf32>,
      %mul3A_1643 = arith.constant 8.000000e-01 : f32
      %mul3A_1644 = vector.broadcast %mul3A_1643 : f32 to vector<16xf32>
      %mul3A_1645 = arith.mulf %gather3A_1642, %mul3A_1644 : vector<16xf32>
      %get3A_1646 = arith.constant 816 : index
      %get3A_1647 = tpu.vector_load %arg14[%get3A_1646] {strides = array<i32>} : memref<1024xf32, #tpu.memory_space<vmem>>, vector<16xf32>,
      %add3A_1648 = arith.addf %mul3A_1645, %get3A_1647 : vector<16xf32>
      %get3A_1649 = arith.constant 816 : index
      %get3A_1650 = tpu.vector_load %arg13[%get3A_1649] {strides = array<i32>} : memref<1024xi32, #tpu.memory_space<vmem>>, vector<16xi32>,
      %eq3A_1651 = arith.constant -1 : i32
      %eq3A_1652 = vector.broadcast %eq3A_1651 : i32 to vector<16xi32>
      %eq3A_1653 = arith.cmpi eq, %get3A_1650, %eq3A_1652 : vector<16xi32>
      %select_n3A_1654 = arith.select %eq3A_1653, %broadcast_in_dim3A_263, %add3A_1648 : vector<16xi1>, vector<16xf32>
      %swap3A_1655 = arith.constant 816 : index
      %swap3A_1656 = tpu.vector_load %arg17[%swap3A_1655] {strides = array<i32>} : memref<1024xf32, #tpu.memory_space<vmem>>, vector<16xf32>,
      tpu.vector_store %arg17[%swap3A_1655], %select_n3A_1654 {strides = array<i32>} : memref<1024xf32, #tpu.memory_space<vmem>>, vector<16xf32>,
      %get3A_1657 = arith.constant 832 : index
      %get3A_1658 = tpu.vector_load %arg11[%get3A_1657] {strides = array<i32>} : memref<1024xi32, #tpu.memory_space<vmem>>, vector<16xi32>,
      %gather3A_1659 = tpu.vector_load_idx %arg18[%get3A_1658] : memref<512xf32, #tpu.memory_space<vmem>>[vector<16xi32>], vector<16xf32>,
      %mul3A_1660 = arith.constant 8.000000e-01 : f32
      %mul3A_1661 = vector.broadcast %mul3A_1660 : f32 to vector<16xf32>
      %mul3A_1662 = arith.mulf %gather3A_1659, %mul3A_1661 : vector<16xf32>
      %get3A_1663 = arith.constant 832 : index
      %get3A_1664 = tpu.vector_load %arg14[%get3A_1663] {strides = array<i32>} : memref<1024xf32, #tpu.memory_space<vmem>>, vector<16xf32>,
      %add3A_1665 = arith.addf %mul3A_1662, %get3A_1664 : vector<16xf32>
      %get3A_1666 = arith.constant 832 : index
      %get3A_1667 = tpu.vector_load %arg13[%get3A_1666] {strides = array<i32>} : memref<1024xi32, #tpu.memory_space<vmem>>, vector<16xi32>,
      %eq3A_1668 = arith.constant -1 : i32
      %eq3A_1669 = vector.broadcast %eq3A_1668 : i32 to vector<16xi32>
      %eq3A_1670 = arith.cmpi eq, %get3A_1667, %eq3A_1669 : vector<16xi32>
      %select_n3A_1671 = arith.select %eq3A_1670, %broadcast_in_dim3A_263, %add3A_1665 : vector<16xi1>, vector<16xf32>
      %swap3A_1672 = arith.constant 832 : index
      %swap3A_1673 = tpu.vector_load %arg17[%swap3A_1672] {strides = array<i32>} : memref<1024xf32, #tpu.memory_space<vmem>>, vector<16xf32>,
      tpu.vector_store %arg17[%swap3A_1672], %select_n3A_1671 {strides = array<i32>} : memref<1024xf32, #tpu.memory_space<vmem>>, vector<16xf32>,
      %get3A_1674 = arith.constant 848 : index
      %get3A_1675 = tpu.vector_load %arg11[%get3A_1674] {strides = array<i32>} : memref<1024xi32, #tpu.memory_space<vmem>>, vector<16xi32>,
      %gather3A_1676 = tpu.vector_load_idx %arg18[%get3A_1675] : memref<512xf32, #tpu.memory_space<vmem>>[vector<16xi32>], vector<16xf32>,
      %mul3A_1677 = arith.constant 8.000000e-01 : f32
      %mul3A_1678 = vector.broadcast %mul3A_1677 : f32 to vector<16xf32>
      %mul3A_1679 = arith.mulf %gather3A_1676, %mul3A_1678 : vector<16xf32>
      %get3A_1680 = arith.constant 848 : index
      %get3A_1681 = tpu.vector_load %arg14[%get3A_1680] {strides = array<i32>} : memref<1024xf32, #tpu.memory_space<vmem>>, vector<16xf32>,
      %add3A_1682 = arith.addf %mul3A_1679, %get3A_1681 : vector<16xf32>
      %get3A_1683 = arith.constant 848 : index
      %get3A_1684 = tpu.vector_load %arg13[%get3A_1683] {strides = array<i32>} : memref<1024xi32, #tpu.memory_space<vmem>>, vector<16xi32>,
      %eq3A_1685 = arith.constant -1 : i32
      %eq3A_1686 = vector.broadcast %eq3A_1685 : i32 to vector<16xi32>
      %eq3A_1687 = arith.cmpi eq, %get3A_1684, %eq3A_1686 : vector<16xi32>
      %select_n3A_1688 = arith.select %eq3A_1687, %broadcast_in_dim3A_263, %add3A_1682 : vector<16xi1>, vector<16xf32>
      %swap3A_1689 = arith.constant 848 : index
      %swap3A_1690 = tpu.vector_load %arg17[%swap3A_1689] {strides = array<i32>} : memref<1024xf32, #tpu.memory_space<vmem>>, vector<16xf32>,
      tpu.vector_store %arg17[%swap3A_1689], %select_n3A_1688 {strides = array<i32>} : memref<1024xf32, #tpu.memory_space<vmem>>, vector<16xf32>,
      %get3A_1691 = arith.constant 864 : index
      %get3A_1692 = tpu.vector_load %arg11[%get3A_1691] {strides = array<i32>} : memref<1024xi32, #tpu.memory_space<vmem>>, vector<16xi32>,
      %gather3A_1693 = tpu.vector_load_idx %arg18[%get3A_1692] : memref<512xf32, #tpu.memory_space<vmem>>[vector<16xi32>], vector<16xf32>,
      %mul3A_1694 = arith.constant 8.000000e-01 : f32
      %mul3A_1695 = vector.broadcast %mul3A_1694 : f32 to vector<16xf32>
      %mul3A_1696 = arith.mulf %gather3A_1693, %mul3A_1695 : vector<16xf32>
      %get3A_1697 = arith.constant 864 : index
      %get3A_1698 = tpu.vector_load %arg14[%get3A_1697] {strides = array<i32>} : memref<1024xf32, #tpu.memory_space<vmem>>, vector<16xf32>,
      %add3A_1699 = arith.addf %mul3A_1696, %get3A_1698 : vector<16xf32>
      %get3A_1700 = arith.constant 864 : index
      %get3A_1701 = tpu.vector_load %arg13[%get3A_1700] {strides = array<i32>} : memref<1024xi32, #tpu.memory_space<vmem>>, vector<16xi32>,
      %eq3A_1702 = arith.constant -1 : i32
      %eq3A_1703 = vector.broadcast %eq3A_1702 : i32 to vector<16xi32>
      %eq3A_1704 = arith.cmpi eq, %get3A_1701, %eq3A_1703 : vector<16xi32>
      %select_n3A_1705 = arith.select %eq3A_1704, %broadcast_in_dim3A_263, %add3A_1699 : vector<16xi1>, vector<16xf32>
      %swap3A_1706 = arith.constant 864 : index
      %swap3A_1707 = tpu.vector_load %arg17[%swap3A_1706] {strides = array<i32>} : memref<1024xf32, #tpu.memory_space<vmem>>, vector<16xf32>,
      tpu.vector_store %arg17[%swap3A_1706], %select_n3A_1705 {strides = array<i32>} : memref<1024xf32, #tpu.memory_space<vmem>>, vector<16xf32>,
      %get3A_1708 = arith.constant 880 : index
      %get3A_1709 = tpu.vector_load %arg11[%get3A_1708] {strides = array<i32>} : memref<1024xi32, #tpu.memory_space<vmem>>, vector<16xi32>,
      %gather3A_1710 = tpu.vector_load_idx %arg18[%get3A_1709] : memref<512xf32, #tpu.memory_space<vmem>>[vector<16xi32>], vector<16xf32>,
      %mul3A_1711 = arith.constant 8.000000e-01 : f32
      %mul3A_1712 = vector.broadcast %mul3A_1711 : f32 to vector<16xf32>
      %mul3A_1713 = arith.mulf %gather3A_1710, %mul3A_1712 : vector<16xf32>
      %get3A_1714 = arith.constant 880 : index
      %get3A_1715 = tpu.vector_load %arg14[%get3A_1714] {strides = array<i32>} : memref<1024xf32, #tpu.memory_space<vmem>>, vector<16xf32>,
      %add3A_1716 = arith.addf %mul3A_1713, %get3A_1715 : vector<16xf32>
      %get3A_1717 = arith.constant 880 : index
      %get3A_1718 = tpu.vector_load %arg13[%get3A_1717] {strides = array<i32>} : memref<1024xi32, #tpu.memory_space<vmem>>, vector<16xi32>,
      %eq3A_1719 = arith.constant -1 : i32
      %eq3A_1720 = vector.broadcast %eq3A_1719 : i32 to vector<16xi32>
      %eq3A_1721 = arith.cmpi eq, %get3A_1718, %eq3A_1720 : vector<16xi32>
      %select_n3A_1722 = arith.select %eq3A_1721, %broadcast_in_dim3A_263, %add3A_1716 : vector<16xi1>, vector<16xf32>
      %swap3A_1723 = arith.constant 880 : index
      %swap3A_1724 = tpu.vector_load %arg17[%swap3A_1723] {strides = array<i32>} : memref<1024xf32, #tpu.memory_space<vmem>>, vector<16xf32>,
      tpu.vector_store %arg17[%swap3A_1723], %select_n3A_1722 {strides = array<i32>} : memref<1024xf32, #tpu.memory_space<vmem>>, vector<16xf32>,
      %get3A_1725 = arith.constant 896 : index
      %get3A_1726 = tpu.vector_load %arg11[%get3A_1725] {strides = array<i32>} : memref<1024xi32, #tpu.memory_space<vmem>>, vector<16xi32>,
      %gather3A_1727 = tpu.vector_load_idx %arg18[%get3A_1726] : memref<512xf32, #tpu.memory_space<vmem>>[vector<16xi32>], vector<16xf32>,
      %mul3A_1728 = arith.constant 8.000000e-01 : f32
      %mul3A_1729 = vector.broadcast %mul3A_1728 : f32 to vector<16xf32>
      %mul3A_1730 = arith.mulf %gather3A_1727, %mul3A_1729 : vector<16xf32>
      %get3A_1731 = arith.constant 896 : index
      %get3A_1732 = tpu.vector_load %arg14[%get3A_1731] {strides = array<i32>} : memref<1024xf32, #tpu.memory_space<vmem>>, vector<16xf32>,
      %add3A_1733 = arith.addf %mul3A_1730, %get3A_1732 : vector<16xf32>
      %get3A_1734 = arith.constant 896 : index
      %get3A_1735 = tpu.vector_load %arg13[%get3A_1734] {strides = array<i32>} : memref<1024xi32, #tpu.memory_space<vmem>>, vector<16xi32>,
      %eq3A_1736 = arith.constant -1 : i32
      %eq3A_1737 = vector.broadcast %eq3A_1736 : i32 to vector<16xi32>
      %eq3A_1738 = arith.cmpi eq, %get3A_1735, %eq3A_1737 : vector<16xi32>
      %select_n3A_1739 = arith.select %eq3A_1738, %broadcast_in_dim3A_263, %add3A_1733 : vector<16xi1>, vector<16xf32>
      %swap3A_1740 = arith.constant 896 : index
      %swap3A_1741 = tpu.vector_load %arg17[%swap3A_1740] {strides = array<i32>} : memref<1024xf32, #tpu.memory_space<vmem>>, vector<16xf32>,
      tpu.vector_store %arg17[%swap3A_1740], %select_n3A_1739 {strides = array<i32>} : memref<1024xf32, #tpu.memory_space<vmem>>, vector<16xf32>,
      %get3A_1742 = arith.constant 912 : index
      %get3A_1743 = tpu.vector_load %arg11[%get3A_1742] {strides = array<i32>} : memref<1024xi32, #tpu.memory_space<vmem>>, vector<16xi32>,
      %gather3A_1744 = tpu.vector_load_idx %arg18[%get3A_1743] : memref<512xf32, #tpu.memory_space<vmem>>[vector<16xi32>], vector<16xf32>,
      %mul3A_1745 = arith.constant 8.000000e-01 : f32
      %mul3A_1746 = vector.broadcast %mul3A_1745 : f32 to vector<16xf32>
      %mul3A_1747 = arith.mulf %gather3A_1744, %mul3A_1746 : vector<16xf32>
      %get3A_1748 = arith.constant 912 : index
      %get3A_1749 = tpu.vector_load %arg14[%get3A_1748] {strides = array<i32>} : memref<1024xf32, #tpu.memory_space<vmem>>, vector<16xf32>,
      %add3A_1750 = arith.addf %mul3A_1747, %get3A_1749 : vector<16xf32>
      %get3A_1751 = arith.constant 912 : index
      %get3A_1752 = tpu.vector_load %arg13[%get3A_1751] {strides = array<i32>} : memref<1024xi32, #tpu.memory_space<vmem>>, vector<16xi32>,
      %eq3A_1753 = arith.constant -1 : i32
      %eq3A_1754 = vector.broadcast %eq3A_1753 : i32 to vector<16xi32>
      %eq3A_1755 = arith.cmpi eq, %get3A_1752, %eq3A_1754 : vector<16xi32>
      %select_n3A_1756 = arith.select %eq3A_1755, %broadcast_in_dim3A_263, %add3A_1750 : vector<16xi1>, vector<16xf32>
      %swap3A_1757 = arith.constant 912 : index
      %swap3A_1758 = tpu.vector_load %arg17[%swap3A_1757] {strides = array<i32>} : memref<1024xf32, #tpu.memory_space<vmem>>, vector<16xf32>,
      tpu.vector_store %arg17[%swap3A_1757], %select_n3A_1756 {strides = array<i32>} : memref<1024xf32, #tpu.memory_space<vmem>>, vector<16xf32>,
      %get3A_1759 = arith.constant 928 : index
      %get3A_1760 = tpu.vector_load %arg11[%get3A_1759] {strides = array<i32>} : memref<1024xi32, #tpu.memory_space<vmem>>, vector<16xi32>,
      %gather3A_1761 = tpu.vector_load_idx %arg18[%get3A_1760] : memref<512xf32, #tpu.memory_space<vmem>>[vector<16xi32>], vector<16xf32>,
      %mul3A_1762 = arith.constant 8.000000e-01 : f32
      %mul3A_1763 = vector.broadcast %mul3A_1762 : f32 to vector<16xf32>
      %mul3A_1764 = arith.mulf %gather3A_1761, %mul3A_1763 : vector<16xf32>
      %get3A_1765 = arith.constant 928 : index
      %get3A_1766 = tpu.vector_load %arg14[%get3A_1765] {strides = array<i32>} : memref<1024xf32, #tpu.memory_space<vmem>>, vector<16xf32>,
      %add3A_1767 = arith.addf %mul3A_1764, %get3A_1766 : vector<16xf32>
      %get3A_1768 = arith.constant 928 : index
      %get3A_1769 = tpu.vector_load %arg13[%get3A_1768] {strides = array<i32>} : memref<1024xi32, #tpu.memory_space<vmem>>, vector<16xi32>,
      %eq3A_1770 = arith.constant -1 : i32
      %eq3A_1771 = vector.broadcast %eq3A_1770 : i32 to vector<16xi32>
      %eq3A_1772 = arith.cmpi eq, %get3A_1769, %eq3A_1771 : vector<16xi32>
      %select_n3A_1773 = arith.select %eq3A_1772, %broadcast_in_dim3A_263, %add3A_1767 : vector<16xi1>, vector<16xf32>
      %swap3A_1774 = arith.constant 928 : index
      %swap3A_1775 = tpu.vector_load %arg17[%swap3A_1774] {strides = array<i32>} : memref<1024xf32, #tpu.memory_space<vmem>>, vector<16xf32>,
      tpu.vector_store %arg17[%swap3A_1774], %select_n3A_1773 {strides = array<i32>} : memref<1024xf32, #tpu.memory_space<vmem>>, vector<16xf32>,
      %get3A_1776 = arith.constant 944 : index
      %get3A_1777 = tpu.vector_load %arg11[%get3A_1776] {strides = array<i32>} : memref<1024xi32, #tpu.memory_space<vmem>>, vector<16xi32>,
      %gather3A_1778 = tpu.vector_load_idx %arg18[%get3A_1777] : memref<512xf32, #tpu.memory_space<vmem>>[vector<16xi32>], vector<16xf32>,
      %mul3A_1779 = arith.constant 8.000000e-01 : f32
      %mul3A_1780 = vector.broadcast %mul3A_1779 : f32 to vector<16xf32>
      %mul3A_1781 = arith.mulf %gather3A_1778, %mul3A_1780 : vector<16xf32>
      %get3A_1782 = arith.constant 944 : index
      %get3A_1783 = tpu.vector_load %arg14[%get3A_1782] {strides = array<i32>} : memref<1024xf32, #tpu.memory_space<vmem>>, vector<16xf32>,
      %add3A_1784 = arith.addf %mul3A_1781, %get3A_1783 : vector<16xf32>
      %get3A_1785 = arith.constant 944 : index
      %get3A_1786 = tpu.vector_load %arg13[%get3A_1785] {strides = array<i32>} : memref<1024xi32, #tpu.memory_space<vmem>>, vector<16xi32>,
      %eq3A_1787 = arith.constant -1 : i32
      %eq3A_1788 = vector.broadcast %eq3A_1787 : i32 to vector<16xi32>
      %eq3A_1789 = arith.cmpi eq, %get3A_1786, %eq3A_1788 : vector<16xi32>
      %select_n3A_1790 = arith.select %eq3A_1789, %broadcast_in_dim3A_263, %add3A_1784 : vector<16xi1>, vector<16xf32>
      %swap3A_1791 = arith.constant 944 : index
      %swap3A_1792 = tpu.vector_load %arg17[%swap3A_1791] {strides = array<i32>} : memref<1024xf32, #tpu.memory_space<vmem>>, vector<16xf32>,
      tpu.vector_store %arg17[%swap3A_1791], %select_n3A_1790 {strides = array<i32>} : memref<1024xf32, #tpu.memory_space<vmem>>, vector<16xf32>,
      %get3A_1793 = arith.constant 960 : index
      %get3A_1794 = tpu.vector_load %arg11[%get3A_1793] {strides = array<i32>} : memref<1024xi32, #tpu.memory_space<vmem>>, vector<16xi32>,
      %gather3A_1795 = tpu.vector_load_idx %arg18[%get3A_1794] : memref<512xf32, #tpu.memory_space<vmem>>[vector<16xi32>], vector<16xf32>,
      %mul3A_1796 = arith.constant 8.000000e-01 : f32
      %mul3A_1797 = vector.broadcast %mul3A_1796 : f32 to vector<16xf32>
      %mul3A_1798 = arith.mulf %gather3A_1795, %mul3A_1797 : vector<16xf32>
      %get3A_1799 = arith.constant 960 : index
      %get3A_1800 = tpu.vector_load %arg14[%get3A_1799] {strides = array<i32>} : memref<1024xf32, #tpu.memory_space<vmem>>, vector<16xf32>,
      %add3A_1801 = arith.addf %mul3A_1798, %get3A_1800 : vector<16xf32>
      %get3A_1802 = arith.constant 960 : index
      %get3A_1803 = tpu.vector_load %arg13[%get3A_1802] {strides = array<i32>} : memref<1024xi32, #tpu.memory_space<vmem>>, vector<16xi32>,
      %eq3A_1804 = arith.constant -1 : i32
      %eq3A_1805 = vector.broadcast %eq3A_1804 : i32 to vector<16xi32>
      %eq3A_1806 = arith.cmpi eq, %get3A_1803, %eq3A_1805 : vector<16xi32>
      %select_n3A_1807 = arith.select %eq3A_1806, %broadcast_in_dim3A_263, %add3A_1801 : vector<16xi1>, vector<16xf32>
      %swap3A_1808 = arith.constant 960 : index
      %swap3A_1809 = tpu.vector_load %arg17[%swap3A_1808] {strides = array<i32>} : memref<1024xf32, #tpu.memory_space<vmem>>, vector<16xf32>,
      tpu.vector_store %arg17[%swap3A_1808], %select_n3A_1807 {strides = array<i32>} : memref<1024xf32, #tpu.memory_space<vmem>>, vector<16xf32>,
      %get3A_1810 = arith.constant 976 : index
      %get3A_1811 = tpu.vector_load %arg11[%get3A_1810] {strides = array<i32>} : memref<1024xi32, #tpu.memory_space<vmem>>, vector<16xi32>,
      %gather3A_1812 = tpu.vector_load_idx %arg18[%get3A_1811] : memref<512xf32, #tpu.memory_space<vmem>>[vector<16xi32>], vector<16xf32>,
      %mul3A_1813 = arith.constant 8.000000e-01 : f32
      %mul3A_1814 = vector.broadcast %mul3A_1813 : f32 to vector<16xf32>
      %mul3A_1815 = arith.mulf %gather3A_1812, %mul3A_1814 : vector<16xf32>
      %get3A_1816 = arith.constant 976 : index
      %get3A_1817 = tpu.vector_load %arg14[%get3A_1816] {strides = array<i32>} : memref<1024xf32, #tpu.memory_space<vmem>>, vector<16xf32>,
      %add3A_1818 = arith.addf %mul3A_1815, %get3A_1817 : vector<16xf32>
      %get3A_1819 = arith.constant 976 : index
      %get3A_1820 = tpu.vector_load %arg13[%get3A_1819] {strides = array<i32>} : memref<1024xi32, #tpu.memory_space<vmem>>, vector<16xi32>,
      %eq3A_1821 = arith.constant -1 : i32
      %eq3A_1822 = vector.broadcast %eq3A_1821 : i32 to vector<16xi32>
      %eq3A_1823 = arith.cmpi eq, %get3A_1820, %eq3A_1822 : vector<16xi32>
      %select_n3A_1824 = arith.select %eq3A_1823, %broadcast_in_dim3A_263, %add3A_1818 : vector<16xi1>, vector<16xf32>
      %swap3A_1825 = arith.constant 976 : index
      %swap3A_1826 = tpu.vector_load %arg17[%swap3A_1825] {strides = array<i32>} : memref<1024xf32, #tpu.memory_space<vmem>>, vector<16xf32>,
      tpu.vector_store %arg17[%swap3A_1825], %select_n3A_1824 {strides = array<i32>} : memref<1024xf32, #tpu.memory_space<vmem>>, vector<16xf32>,
      %get3A_1827 = arith.constant 992 : index
      %get3A_1828 = tpu.vector_load %arg11[%get3A_1827] {strides = array<i32>} : memref<1024xi32, #tpu.memory_space<vmem>>, vector<16xi32>,
      %gather3A_1829 = tpu.vector_load_idx %arg18[%get3A_1828] : memref<512xf32, #tpu.memory_space<vmem>>[vector<16xi32>], vector<16xf32>,
      %mul3A_1830 = arith.constant 8.000000e-01 : f32
      %mul3A_1831 = vector.broadcast %mul3A_1830 : f32 to vector<16xf32>
      %mul3A_1832 = arith.mulf %gather3A_1829, %mul3A_1831 : vector<16xf32>
      %get3A_1833 = arith.constant 992 : index
      %get3A_1834 = tpu.vector_load %arg14[%get3A_1833] {strides = array<i32>} : memref<1024xf32, #tpu.memory_space<vmem>>, vector<16xf32>,
      %add3A_1835 = arith.addf %mul3A_1832, %get3A_1834 : vector<16xf32>
      %get3A_1836 = arith.constant 992 : index
      %get3A_1837 = tpu.vector_load %arg13[%get3A_1836] {strides = array<i32>} : memref<1024xi32, #tpu.memory_space<vmem>>, vector<16xi32>,
      %eq3A_1838 = arith.constant -1 : i32
      %eq3A_1839 = vector.broadcast %eq3A_1838 : i32 to vector<16xi32>
      %eq3A_1840 = arith.cmpi eq, %get3A_1837, %eq3A_1839 : vector<16xi32>
      %select_n3A_1841 = arith.select %eq3A_1840, %broadcast_in_dim3A_263, %add3A_1835 : vector<16xi1>, vector<16xf32>
      %swap3A_1842 = arith.constant 992 : index
      %swap3A_1843 = tpu.vector_load %arg17[%swap3A_1842] {strides = array<i32>} : memref<1024xf32, #tpu.memory_space<vmem>>, vector<16xf32>,
      tpu.vector_store %arg17[%swap3A_1842], %select_n3A_1841 {strides = array<i32>} : memref<1024xf32, #tpu.memory_space<vmem>>, vector<16xf32>,
      %get3A_1844 = arith.constant 1008 : index
      %get3A_1845 = tpu.vector_load %arg11[%get3A_1844] {strides = array<i32>} : memref<1024xi32, #tpu.memory_space<vmem>>, vector<16xi32>,
      %gather3A_1846 = tpu.vector_load_idx %arg18[%get3A_1845] : memref<512xf32, #tpu.memory_space<vmem>>[vector<16xi32>], vector<16xf32>,
      %mul3A_1847 = arith.constant 8.000000e-01 : f32
      %mul3A_1848 = vector.broadcast %mul3A_1847 : f32 to vector<16xf32>
      %mul3A_1849 = arith.mulf %gather3A_1846, %mul3A_1848 : vector<16xf32>
      %get3A_1850 = arith.constant 1008 : index
      %get3A_1851 = tpu.vector_load %arg14[%get3A_1850] {strides = array<i32>} : memref<1024xf32, #tpu.memory_space<vmem>>, vector<16xf32>,
      %add3A_1852 = arith.addf %mul3A_1849, %get3A_1851 : vector<16xf32>
      %get3A_1853 = arith.constant 1008 : index
      %get3A_1854 = tpu.vector_load %arg13[%get3A_1853] {strides = array<i32>} : memref<1024xi32, #tpu.memory_space<vmem>>, vector<16xi32>,
      %eq3A_1855 = arith.constant -1 : i32
      %eq3A_1856 = vector.broadcast %eq3A_1855 : i32 to vector<16xi32>
      %eq3A_1857 = arith.cmpi eq, %get3A_1854, %eq3A_1856 : vector<16xi32>
      %select_n3A_1858 = arith.select %eq3A_1857, %broadcast_in_dim3A_263, %add3A_1852 : vector<16xi1>, vector<16xf32>
      %swap3A_1859 = arith.constant 1008 : index
      %swap3A_1860 = tpu.vector_load %arg17[%swap3A_1859] {strides = array<i32>} : memref<1024xf32, #tpu.memory_space<vmem>>, vector<16xf32>,
      tpu.vector_store %arg17[%swap3A_1859], %select_n3A_1858 {strides = array<i32>} : memref<1024xf32, #tpu.memory_space<vmem>>, vector<16xf32>,
      %scan3A_1861 = arith.constant 0 : i32
      %scan3A_1862 = arith.constant 0 : i32
      %scan3A_1863 = arith.constant 512 : i32
      %scan3A_1864 = arith.addi %scan3A_1862, %scan3A_1863 : i32
      %scan3A_1865 = arith.constant 1 : i32
      scf.for %scan3A_3505 = %scan3A_1862 to %scan3A_1864 step %scan3A_1865  : i32 {
        %mul3A_3506 = arith.constant 16 : i32
        %mul3A_3507 = arith.muli %scan3A_3505, %mul3A_3506 : i32
        %swap3A_3508 = arith.index_cast %mul3A_3507 : i32 to index
        %swap3A_3509 = tpu.vector_load %arg19[%swap3A_3508] {strides = array<i32>} : memref<8192xf32, #tpu.memory_space<vmem>>, vector<16xf32>,
        tpu.vector_store %arg19[%swap3A_3508], %broadcast_in_dim3A_263 {strides = array<i32>} : memref<8192xf32, #tpu.memory_space<vmem>>, vector<16xf32>,
      }
      %scan3A_1866 = arith.constant 512 : i32
      %scan3A_1867 = arith.constant 0 : i32
      %scan3A_1868 = arith.constant 0 : i32
      %scan3A_1869 = arith.constant 64 : i32
      %scan3A_1870 = arith.addi %scan3A_1868, %scan3A_1869 : i32
      %scan3A_1871 = arith.constant 1 : i32
      scf.for %scan3A_3505 = %scan3A_1868 to %scan3A_1870 step %scan3A_1871  : i32 {
        %mul3A_3506 = arith.constant 16 : i32
        %mul3A_3507 = arith.muli %scan3A_3505, %mul3A_3506 : i32
        %mul3A_3508 = arith.constant 512 : i32
        %mul3A_3509 = vector.broadcast %mul3A_3508 : i32 to vector<16xi32>
        %mul3A_3510 = arith.muli %iota3A, %mul3A_3509 : vector<16xi32>
        %get3A_3511 = arith.index_cast %mul3A_3507 : i32 to index
        %get3A_3512 = tpu.vector_load %arg12[%get3A_3511] {strides = array<i32>} : memref<1024xi32, #tpu.memory_space<vmem>>, vector<16xi32>,
        %add3A_3513 = arith.addi %mul3A_3510, %get3A_3512 : vector<16xi32>
        %gather3A_3514 = tpu.vector_load_idx %arg19[%add3A_3513] : memref<8192xf32, #tpu.memory_space<vmem>>[vector<16xi32>], vector<16xf32>,
        %get3A_3515 = arith.index_cast %mul3A_3507 : i32 to index
        %get3A_3516 = tpu.vector_load %arg17[%get3A_3515] {strides = array<i32>} : memref<1024xf32, #tpu.memory_space<vmem>>, vector<16xf32>,
        %max3A_3517 = arith.maximumf %gather3A_3514, %get3A_3516 : vector<16xf32>
        tpu.vector_store_idx %arg19[%add3A_3513], %max3A_3517 : memref<8192xf32, #tpu.memory_space<vmem>>[vector<16xi32>], vector<16xf32>,
      }
      %scan3A_1872 = arith.constant 64 : i32
      %scan3A_1873 = arith.constant 0 : i32
      %scan3A_1874 = arith.constant 0 : i32
      %scan3A_1875 = arith.constant 32 : i32
      %scan3A_1876 = arith.addi %scan3A_1874, %scan3A_1875 : i32
      %scan3A_1877 = arith.constant 1 : i32
      scf.for %scan3A_3505 = %scan3A_1874 to %scan3A_1876 step %scan3A_1877  : i32 {
        %mul3A_3506 = arith.constant 16 : i32
        %mul3A_3507 = arith.muli %scan3A_3505, %mul3A_3506 : i32
        %get3A_3508 = arith.index_cast %mul3A_3507 : i32 to index
        %get3A_3509 = tpu.vector_load %arg19[%get3A_3508] {strides = array<i32>} : memref<8192xf32, #tpu.memory_space<vmem>>, vector<16xf32>,
        %mul3A_3510 = arith.constant 16 : i32
        %mul3A_3511 = arith.muli %scan3A_3505, %mul3A_3510 : i32
        %add3A_3512 = arith.constant 512 : i32
        %add3A_3513 = arith.addi %add3A_3512, %mul3A_3511 : i32
        %get3A_3514 = arith.index_cast %add3A_3513 : i32 to index
        %get3A_3515 = tpu.vector_load %arg19[%get3A_3514] {strides = array<i32>} : memref<8192xf32, #tpu.memory_space<vmem>>, vector<16xf32>,
        %max3A_3516 = arith.maximumf %get3A_3509, %get3A_3515 : vector<16xf32>
        %mul3A_3517 = arith.constant 16 : i32
        %mul3A_3518 = arith.muli %scan3A_3505, %mul3A_3517 : i32
        %add3A_3519 = arith.constant 1024 : i32
        %add3A_3520 = arith.addi %add3A_3519, %mul3A_3518 : i32
        %get3A_3521 = arith.index_cast %add3A_3520 : i32 to index
        %get3A_3522 = tpu.vector_load %arg19[%get3A_3521] {strides = array<i32>} : memref<8192xf32, #tpu.memory_space<vmem>>, vector<16xf32>,
        %max3A_3523 = arith.maximumf %max3A_3516, %get3A_3522 : vector<16xf32>
        %mul3A_3524 = arith.constant 16 : i32
        %mul3A_3525 = arith.muli %scan3A_3505, %mul3A_3524 : i32
        %add3A_3526 = arith.constant 1536 : i32
        %add3A_3527 = arith.addi %add3A_3526, %mul3A_3525 : i32
        %get3A_3528 = arith.index_cast %add3A_3527 : i32 to index
        %get3A_3529 = tpu.vector_load %arg19[%get3A_3528] {strides = array<i32>} : memref<8192xf32, #tpu.memory_space<vmem>>, vector<16xf32>,
        %max3A_3530 = arith.maximumf %max3A_3523, %get3A_3529 : vector<16xf32>
        %mul3A_3531 = arith.constant 16 : i32
        %mul3A_3532 = arith.muli %scan3A_3505, %mul3A_3531 : i32
        %add3A_3533 = arith.constant 2048 : i32
        %add3A_3534 = arith.addi %add3A_3533, %mul3A_3532 : i32
        %get3A_3535 = arith.index_cast %add3A_3534 : i32 to index
        %get3A_3536 = tpu.vector_load %arg19[%get3A_3535] {strides = array<i32>} : memref<8192xf32, #tpu.memory_space<vmem>>, vector<16xf32>,
        %max3A_3537 = arith.maximumf %max3A_3530, %get3A_3536 : vector<16xf32>
        %mul3A_3538 = arith.constant 16 : i32
        %mul3A_3539 = arith.muli %scan3A_3505, %mul3A_3538 : i32
        %add3A_3540 = arith.constant 2560 : i32
        %add3A_3541 = arith.addi %add3A_3540, %mul3A_3539 : i32
        %get3A_3542 = arith.index_cast %add3A_3541 : i32 to index
        %get3A_3543 = tpu.vector_load %arg19[%get3A_3542] {strides = array<i32>} : memref<8192xf32, #tpu.memory_space<vmem>>, vector<16xf32>,
        %max3A_3544 = arith.maximumf %max3A_3537, %get3A_3543 : vector<16xf32>
        %mul3A_3545 = arith.constant 16 : i32
        %mul3A_3546 = arith.muli %scan3A_3505, %mul3A_3545 : i32
        %add3A_3547 = arith.constant 3072 : i32
        %add3A_3548 = arith.addi %add3A_3547, %mul3A_3546 : i32
        %get3A_3549 = arith.index_cast %add3A_3548 : i32 to index
        %get3A_3550 = tpu.vector_load %arg19[%get3A_3549] {strides = array<i32>} : memref<8192xf32, #tpu.memory_space<vmem>>, vector<16xf32>,
        %max3A_3551 = arith.maximumf %max3A_3544, %get3A_3550 : vector<16xf32>
        %mul3A_3552 = arith.constant 16 : i32
        %mul3A_3553 = arith.muli %scan3A_3505, %mul3A_3552 : i32
        %add3A_3554 = arith.constant 3584 : i32
        %add3A_3555 = arith.addi %add3A_3554, %mul3A_3553 : i32
        %get3A_3556 = arith.index_cast %add3A_3555 : i32 to index
        %get3A_3557 = tpu.vector_load %arg19[%get3A_3556] {strides = array<i32>} : memref<8192xf32, #tpu.memory_space<vmem>>, vector<16xf32>,
        %max3A_3558 = arith.maximumf %max3A_3551, %get3A_3557 : vector<16xf32>
        %mul3A_3559 = arith.constant 16 : i32
        %mul3A_3560 = arith.muli %scan3A_3505, %mul3A_3559 : i32
        %add3A_3561 = arith.constant 4096 : i32
        %add3A_3562 = arith.addi %add3A_3561, %mul3A_3560 : i32
        %get3A_3563 = arith.index_cast %add3A_3562 : i32 to index
        %get3A_3564 = tpu.vector_load %arg19[%get3A_3563] {strides = array<i32>} : memref<8192xf32, #tpu.memory_space<vmem>>, vector<16xf32>,
        %max3A_3565 = arith.maximumf %max3A_3558, %get3A_3564 : vector<16xf32>
        %mul3A_3566 = arith.constant 16 : i32
        %mul3A_3567 = arith.muli %scan3A_3505, %mul3A_3566 : i32
        %add3A_3568 = arith.constant 4608 : i32
        %add3A_3569 = arith.addi %add3A_3568, %mul3A_3567 : i32
        %get3A_3570 = arith.index_cast %add3A_3569 : i32 to index
        %get3A_3571 = tpu.vector_load %arg19[%get3A_3570] {strides = array<i32>} : memref<8192xf32, #tpu.memory_space<vmem>>, vector<16xf32>,
        %max3A_3572 = arith.maximumf %max3A_3565, %get3A_3571 : vector<16xf32>
        %mul3A_3573 = arith.constant 16 : i32
        %mul3A_3574 = arith.muli %scan3A_3505, %mul3A_3573 : i32
        %add3A_3575 = arith.constant 5120 : i32
        %add3A_3576 = arith.addi %add3A_3575, %mul3A_3574 : i32
        %get3A_3577 = arith.index_cast %add3A_3576 : i32 to index
        %get3A_3578 = tpu.vector_load %arg19[%get3A_3577] {strides = array<i32>} : memref<8192xf32, #tpu.memory_space<vmem>>, vector<16xf32>,
        %max3A_3579 = arith.maximumf %max3A_3572, %get3A_3578 : vector<16xf32>
        %mul3A_3580 = arith.constant 16 : i32
        %mul3A_3581 = arith.muli %scan3A_3505, %mul3A_3580 : i32
        %add3A_3582 = arith.constant 5632 : i32
        %add3A_3583 = arith.addi %add3A_3582, %mul3A_3581 : i32
        %get3A_3584 = arith.index_cast %add3A_3583 : i32 to index
        %get3A_3585 = tpu.vector_load %arg19[%get3A_3584] {strides = array<i32>} : memref<8192xf32, #tpu.memory_space<vmem>>, vector<16xf32>,
        %max3A_3586 = arith.maximumf %max3A_3579, %get3A_3585 : vector<16xf32>
        %mul3A_3587 = arith.constant 16 : i32
        %mul3A_3588 = arith.muli %scan3A_3505, %mul3A_3587 : i32
        %add3A_3589 = arith.constant 6144 : i32
        %add3A_3590 = arith.addi %add3A_3589, %mul3A_3588 : i32
        %get3A_3591 = arith.index_cast %add3A_3590 : i32 to index
        %get3A_3592 = tpu.vector_load %arg19[%get3A_3591] {strides = array<i32>} : memref<8192xf32, #tpu.memory_space<vmem>>, vector<16xf32>,
        %max3A_3593 = arith.maximumf %max3A_3586, %get3A_3592 : vector<16xf32>
        %mul3A_3594 = arith.constant 16 : i32
        %mul3A_3595 = arith.muli %scan3A_3505, %mul3A_3594 : i32
        %add3A_3596 = arith.constant 6656 : i32
        %add3A_3597 = arith.addi %add3A_3596, %mul3A_3595 : i32
        %get3A_3598 = arith.index_cast %add3A_3597 : i32 to index
        %get3A_3599 = tpu.vector_load %arg19[%get3A_3598] {strides = array<i32>} : memref<8192xf32, #tpu.memory_space<vmem>>, vector<16xf32>,
        %max3A_3600 = arith.maximumf %max3A_3593, %get3A_3599 : vector<16xf32>
        %mul3A_3601 = arith.constant 16 : i32
        %mul3A_3602 = arith.muli %scan3A_3505, %mul3A_3601 : i32
        %add3A_3603 = arith.constant 7168 : i32
        %add3A_3604 = arith.addi %add3A_3603, %mul3A_3602 : i32
        %get3A_3605 = arith.index_cast %add3A_3604 : i32 to index
        %get3A_3606 = tpu.vector_load %arg19[%get3A_3605] {strides = array<i32>} : memref<8192xf32, #tpu.memory_space<vmem>>, vector<16xf32>,
        %max3A_3607 = arith.maximumf %max3A_3600, %get3A_3606 : vector<16xf32>
        %mul3A_3608 = arith.constant 16 : i32
        %mul3A_3609 = arith.muli %scan3A_3505, %mul3A_3608 : i32
        %add3A_3610 = arith.constant 7680 : i32
        %add3A_3611 = arith.addi %add3A_3610, %mul3A_3609 : i32
        %get3A_3612 = arith.index_cast %add3A_3611 : i32 to index
        %get3A_3613 = tpu.vector_load %arg19[%get3A_3612] {strides = array<i32>} : memref<8192xf32, #tpu.memory_space<vmem>>, vector<16xf32>,
        %max3A_3614 = arith.maximumf %max3A_3607, %get3A_3613 : vector<16xf32>
        %get3A_3615 = arith.index_cast %mul3A_3507 : i32 to index
        %get3A_3616 = tpu.vector_load %arg15[%get3A_3615] {strides = array<i32>} : memref<512xi32, #tpu.memory_space<vmem>>, vector<16xi32>,
        %eq3A_3617 = arith.constant -1 : i32
        %eq3A_3618 = vector.broadcast %eq3A_3617 : i32 to vector<16xi32>
        %eq3A_3619 = arith.cmpi eq, %get3A_3616, %eq3A_3618 : vector<16xi32>
        %select_n3A_3620 = arith.select %eq3A_3619, %broadcast_in_dim3A_263, %max3A_3614 : vector<16xi1>, vector<16xf32>
        %swap3A_3621 = arith.index_cast %mul3A_3507 : i32 to index
        %swap3A_3622 = tpu.vector_load %arg18[%swap3A_3621] {strides = array<i32>} : memref<512xf32, #tpu.memory_space<vmem>>, vector<16xf32>,
        tpu.vector_store %arg18[%swap3A_3621], %select_n3A_3620 {strides = array<i32>} : memref<512xf32, #tpu.memory_space<vmem>>, vector<16xf32>,
        %get3A_3623 = arith.index_cast %mul3A_3507 : i32 to index
        %get3A_3624 = tpu.vector_load %arg20[%get3A_3623] {strides = array<i32>} : memref<512xf32, #tpu.memory_space<vmem>>, vector<16xf32>,
        %add3A_3625 = arith.addf %get3A_3624, %select_n3A_3620 : vector<16xf32>
        %swap3A_3626 = arith.index_cast %mul3A_3507 : i32 to index
        %swap3A_3627 = tpu.vector_load %arg20[%swap3A_3626] {strides = array<i32>} : memref<512xf32, #tpu.memory_space<vmem>>, vector<16xf32>,
        tpu.vector_store %arg20[%swap3A_3626], %add3A_3625 {strides = array<i32>} : memref<512xf32, #tpu.memory_space<vmem>>, vector<16xf32>,
      }
      %scan3A_1878 = arith.constant 32 : i32
      %get3A_1879 = arith.constant 0 : index
      %get3A_1880 = tpu.vector_load %arg11[%get3A_1879] {strides = array<i32>} : memref<1024xi32, #tpu.memory_space<vmem>>, vector<16xi32>,
      %gather3A_1881 = tpu.vector_load_idx %arg18[%get3A_1880] : memref<512xf32, #tpu.memory_space<vmem>>[vector<16xi32>], vector<16xf32>,
      %mul3A_1882 = arith.constant 8.000000e-01 : f32
      %mul3A_1883 = vector.broadcast %mul3A_1882 : f32 to vector<16xf32>
      %mul3A_1884 = arith.mulf %gather3A_1881, %mul3A_1883 : vector<16xf32>
      %get3A_1885 = arith.constant 0 : index
      %get3A_1886 = tpu.vector_load %arg14[%get3A_1885] {strides = array<i32>} : memref<1024xf32, #tpu.memory_space<vmem>>, vector<16xf32>,
      %add3A_1887 = arith.addf %mul3A_1884, %get3A_1886 : vector<16xf32>
      %get3A_1888 = arith.constant 0 : index
      %get3A_1889 = tpu.vector_load %arg13[%get3A_1888] {strides = array<i32>} : memref<1024xi32, #tpu.memory_space<vmem>>, vector<16xi32>,
      %eq3A_1890 = arith.constant -1 : i32
      %eq3A_1891 = vector.broadcast %eq3A_1890 : i32 to vector<16xi32>
      %eq3A_1892 = arith.cmpi eq, %get3A_1889, %eq3A_1891 : vector<16xi32>
      %select_n3A_1893 = arith.select %eq3A_1892, %broadcast_in_dim3A_263, %add3A_1887 : vector<16xi1>, vector<16xf32>
      %swap3A_1894 = arith.constant 0 : index
      %swap3A_1895 = tpu.vector_load %arg17[%swap3A_1894] {strides = array<i32>} : memref<1024xf32, #tpu.memory_space<vmem>>, vector<16xf32>,
      tpu.vector_store %arg17[%swap3A_1894], %select_n3A_1893 {strides = array<i32>} : memref<1024xf32, #tpu.memory_space<vmem>>, vector<16xf32>,
      %get3A_1896 = arith.constant 16 : index
      %get3A_1897 = tpu.vector_load %arg11[%get3A_1896] {strides = array<i32>} : memref<1024xi32, #tpu.memory_space<vmem>>, vector<16xi32>,
      %gather3A_1898 = tpu.vector_load_idx %arg18[%get3A_1897] : memref<512xf32, #tpu.memory_space<vmem>>[vector<16xi32>], vector<16xf32>,
      %mul3A_1899 = arith.constant 8.000000e-01 : f32
      %mul3A_1900 = vector.broadcast %mul3A_1899 : f32 to vector<16xf32>
      %mul3A_1901 = arith.mulf %gather3A_1898, %mul3A_1900 : vector<16xf32>
      %get3A_1902 = arith.constant 16 : index
      %get3A_1903 = tpu.vector_load %arg14[%get3A_1902] {strides = array<i32>} : memref<1024xf32, #tpu.memory_space<vmem>>, vector<16xf32>,
      %add3A_1904 = arith.addf %mul3A_1901, %get3A_1903 : vector<16xf32>
      %get3A_1905 = arith.constant 16 : index
      %get3A_1906 = tpu.vector_load %arg13[%get3A_1905] {strides = array<i32>} : memref<1024xi32, #tpu.memory_space<vmem>>, vector<16xi32>,
      %eq3A_1907 = arith.constant -1 : i32
      %eq3A_1908 = vector.broadcast %eq3A_1907 : i32 to vector<16xi32>
      %eq3A_1909 = arith.cmpi eq, %get3A_1906, %eq3A_1908 : vector<16xi32>
      %select_n3A_1910 = arith.select %eq3A_1909, %broadcast_in_dim3A_263, %add3A_1904 : vector<16xi1>, vector<16xf32>
      %swap3A_1911 = arith.constant 16 : index
      %swap3A_1912 = tpu.vector_load %arg17[%swap3A_1911] {strides = array<i32>} : memref<1024xf32, #tpu.memory_space<vmem>>, vector<16xf32>,
      tpu.vector_store %arg17[%swap3A_1911], %select_n3A_1910 {strides = array<i32>} : memref<1024xf32, #tpu.memory_space<vmem>>, vector<16xf32>,
      %get3A_1913 = arith.constant 32 : index
      %get3A_1914 = tpu.vector_load %arg11[%get3A_1913] {strides = array<i32>} : memref<1024xi32, #tpu.memory_space<vmem>>, vector<16xi32>,
      %gather3A_1915 = tpu.vector_load_idx %arg18[%get3A_1914] : memref<512xf32, #tpu.memory_space<vmem>>[vector<16xi32>], vector<16xf32>,
      %mul3A_1916 = arith.constant 8.000000e-01 : f32
      %mul3A_1917 = vector.broadcast %mul3A_1916 : f32 to vector<16xf32>
      %mul3A_1918 = arith.mulf %gather3A_1915, %mul3A_1917 : vector<16xf32>
      %get3A_1919 = arith.constant 32 : index
      %get3A_1920 = tpu.vector_load %arg14[%get3A_1919] {strides = array<i32>} : memref<1024xf32, #tpu.memory_space<vmem>>, vector<16xf32>,
      %add3A_1921 = arith.addf %mul3A_1918, %get3A_1920 : vector<16xf32>
      %get3A_1922 = arith.constant 32 : index
      %get3A_1923 = tpu.vector_load %arg13[%get3A_1922] {strides = array<i32>} : memref<1024xi32, #tpu.memory_space<vmem>>, vector<16xi32>,
      %eq3A_1924 = arith.constant -1 : i32
      %eq3A_1925 = vector.broadcast %eq3A_1924 : i32 to vector<16xi32>
      %eq3A_1926 = arith.cmpi eq, %get3A_1923, %eq3A_1925 : vector<16xi32>
      %select_n3A_1927 = arith.select %eq3A_1926, %broadcast_in_dim3A_263, %add3A_1921 : vector<16xi1>, vector<16xf32>
      %swap3A_1928 = arith.constant 32 : index
      %swap3A_1929 = tpu.vector_load %arg17[%swap3A_1928] {strides = array<i32>} : memref<1024xf32, #tpu.memory_space<vmem>>, vector<16xf32>,
      tpu.vector_store %arg17[%swap3A_1928], %select_n3A_1927 {strides = array<i32>} : memref<1024xf32, #tpu.memory_space<vmem>>, vector<16xf32>,
      %get3A_1930 = arith.constant 48 : index
      %get3A_1931 = tpu.vector_load %arg11[%get3A_1930] {strides = array<i32>} : memref<1024xi32, #tpu.memory_space<vmem>>, vector<16xi32>,
      %gather3A_1932 = tpu.vector_load_idx %arg18[%get3A_1931] : memref<512xf32, #tpu.memory_space<vmem>>[vector<16xi32>], vector<16xf32>,
      %mul3A_1933 = arith.constant 8.000000e-01 : f32
      %mul3A_1934 = vector.broadcast %mul3A_1933 : f32 to vector<16xf32>
      %mul3A_1935 = arith.mulf %gather3A_1932, %mul3A_1934 : vector<16xf32>
      %get3A_1936 = arith.constant 48 : index
      %get3A_1937 = tpu.vector_load %arg14[%get3A_1936] {strides = array<i32>} : memref<1024xf32, #tpu.memory_space<vmem>>, vector<16xf32>,
      %add3A_1938 = arith.addf %mul3A_1935, %get3A_1937 : vector<16xf32>
      %get3A_1939 = arith.constant 48 : index
      %get3A_1940 = tpu.vector_load %arg13[%get3A_1939] {strides = array<i32>} : memref<1024xi32, #tpu.memory_space<vmem>>, vector<16xi32>,
      %eq3A_1941 = arith.constant -1 : i32
      %eq3A_1942 = vector.broadcast %eq3A_1941 : i32 to vector<16xi32>
      %eq3A_1943 = arith.cmpi eq, %get3A_1940, %eq3A_1942 : vector<16xi32>
      %select_n3A_1944 = arith.select %eq3A_1943, %broadcast_in_dim3A_263, %add3A_1938 : vector<16xi1>, vector<16xf32>
      %swap3A_1945 = arith.constant 48 : index
      %swap3A_1946 = tpu.vector_load %arg17[%swap3A_1945] {strides = array<i32>} : memref<1024xf32, #tpu.memory_space<vmem>>, vector<16xf32>,
      tpu.vector_store %arg17[%swap3A_1945], %select_n3A_1944 {strides = array<i32>} : memref<1024xf32, #tpu.memory_space<vmem>>, vector<16xf32>,
      %get3A_1947 = arith.constant 64 : index
      %get3A_1948 = tpu.vector_load %arg11[%get3A_1947] {strides = array<i32>} : memref<1024xi32, #tpu.memory_space<vmem>>, vector<16xi32>,
      %gather3A_1949 = tpu.vector_load_idx %arg18[%get3A_1948] : memref<512xf32, #tpu.memory_space<vmem>>[vector<16xi32>], vector<16xf32>,
      %mul3A_1950 = arith.constant 8.000000e-01 : f32
      %mul3A_1951 = vector.broadcast %mul3A_1950 : f32 to vector<16xf32>
      %mul3A_1952 = arith.mulf %gather3A_1949, %mul3A_1951 : vector<16xf32>
      %get3A_1953 = arith.constant 64 : index
      %get3A_1954 = tpu.vector_load %arg14[%get3A_1953] {strides = array<i32>} : memref<1024xf32, #tpu.memory_space<vmem>>, vector<16xf32>,
      %add3A_1955 = arith.addf %mul3A_1952, %get3A_1954 : vector<16xf32>
      %get3A_1956 = arith.constant 64 : index
      %get3A_1957 = tpu.vector_load %arg13[%get3A_1956] {strides = array<i32>} : memref<1024xi32, #tpu.memory_space<vmem>>, vector<16xi32>,
      %eq3A_1958 = arith.constant -1 : i32
      %eq3A_1959 = vector.broadcast %eq3A_1958 : i32 to vector<16xi32>
      %eq3A_1960 = arith.cmpi eq, %get3A_1957, %eq3A_1959 : vector<16xi32>
      %select_n3A_1961 = arith.select %eq3A_1960, %broadcast_in_dim3A_263, %add3A_1955 : vector<16xi1>, vector<16xf32>
      %swap3A_1962 = arith.constant 64 : index
      %swap3A_1963 = tpu.vector_load %arg17[%swap3A_1962] {strides = array<i32>} : memref<1024xf32, #tpu.memory_space<vmem>>, vector<16xf32>,
      tpu.vector_store %arg17[%swap3A_1962], %select_n3A_1961 {strides = array<i32>} : memref<1024xf32, #tpu.memory_space<vmem>>, vector<16xf32>,
      %get3A_1964 = arith.constant 80 : index
      %get3A_1965 = tpu.vector_load %arg11[%get3A_1964] {strides = array<i32>} : memref<1024xi32, #tpu.memory_space<vmem>>, vector<16xi32>,
      %gather3A_1966 = tpu.vector_load_idx %arg18[%get3A_1965] : memref<512xf32, #tpu.memory_space<vmem>>[vector<16xi32>], vector<16xf32>,
      %mul3A_1967 = arith.constant 8.000000e-01 : f32
      %mul3A_1968 = vector.broadcast %mul3A_1967 : f32 to vector<16xf32>
      %mul3A_1969 = arith.mulf %gather3A_1966, %mul3A_1968 : vector<16xf32>
      %get3A_1970 = arith.constant 80 : index
      %get3A_1971 = tpu.vector_load %arg14[%get3A_1970] {strides = array<i32>} : memref<1024xf32, #tpu.memory_space<vmem>>, vector<16xf32>,
      %add3A_1972 = arith.addf %mul3A_1969, %get3A_1971 : vector<16xf32>
      %get3A_1973 = arith.constant 80 : index
      %get3A_1974 = tpu.vector_load %arg13[%get3A_1973] {strides = array<i32>} : memref<1024xi32, #tpu.memory_space<vmem>>, vector<16xi32>,
      %eq3A_1975 = arith.constant -1 : i32
      %eq3A_1976 = vector.broadcast %eq3A_1975 : i32 to vector<16xi32>
      %eq3A_1977 = arith.cmpi eq, %get3A_1974, %eq3A_1976 : vector<16xi32>
      %select_n3A_1978 = arith.select %eq3A_1977, %broadcast_in_dim3A_263, %add3A_1972 : vector<16xi1>, vector<16xf32>
      %swap3A_1979 = arith.constant 80 : index
      %swap3A_1980 = tpu.vector_load %arg17[%swap3A_1979] {strides = array<i32>} : memref<1024xf32, #tpu.memory_space<vmem>>, vector<16xf32>,
      tpu.vector_store %arg17[%swap3A_1979], %select_n3A_1978 {strides = array<i32>} : memref<1024xf32, #tpu.memory_space<vmem>>, vector<16xf32>,
      %get3A_1981 = arith.constant 96 : index
      %get3A_1982 = tpu.vector_load %arg11[%get3A_1981] {strides = array<i32>} : memref<1024xi32, #tpu.memory_space<vmem>>, vector<16xi32>,
      %gather3A_1983 = tpu.vector_load_idx %arg18[%get3A_1982] : memref<512xf32, #tpu.memory_space<vmem>>[vector<16xi32>], vector<16xf32>,
      %mul3A_1984 = arith.constant 8.000000e-01 : f32
      %mul3A_1985 = vector.broadcast %mul3A_1984 : f32 to vector<16xf32>
      %mul3A_1986 = arith.mulf %gather3A_1983, %mul3A_1985 : vector<16xf32>
      %get3A_1987 = arith.constant 96 : index
      %get3A_1988 = tpu.vector_load %arg14[%get3A_1987] {strides = array<i32>} : memref<1024xf32, #tpu.memory_space<vmem>>, vector<16xf32>,
      %add3A_1989 = arith.addf %mul3A_1986, %get3A_1988 : vector<16xf32>
      %get3A_1990 = arith.constant 96 : index
      %get3A_1991 = tpu.vector_load %arg13[%get3A_1990] {strides = array<i32>} : memref<1024xi32, #tpu.memory_space<vmem>>, vector<16xi32>,
      %eq3A_1992 = arith.constant -1 : i32
      %eq3A_1993 = vector.broadcast %eq3A_1992 : i32 to vector<16xi32>
      %eq3A_1994 = arith.cmpi eq, %get3A_1991, %eq3A_1993 : vector<16xi32>
      %select_n3A_1995 = arith.select %eq3A_1994, %broadcast_in_dim3A_263, %add3A_1989 : vector<16xi1>, vector<16xf32>
      %swap3A_1996 = arith.constant 96 : index
      %swap3A_1997 = tpu.vector_load %arg17[%swap3A_1996] {strides = array<i32>} : memref<1024xf32, #tpu.memory_space<vmem>>, vector<16xf32>,
      tpu.vector_store %arg17[%swap3A_1996], %select_n3A_1995 {strides = array<i32>} : memref<1024xf32, #tpu.memory_space<vmem>>, vector<16xf32>,
      %get3A_1998 = arith.constant 112 : index
      %get3A_1999 = tpu.vector_load %arg11[%get3A_1998] {strides = array<i32>} : memref<1024xi32, #tpu.memory_space<vmem>>, vector<16xi32>,
      %gather3A_2000 = tpu.vector_load_idx %arg18[%get3A_1999] : memref<512xf32, #tpu.memory_space<vmem>>[vector<16xi32>], vector<16xf32>,
      %mul3A_2001 = arith.constant 8.000000e-01 : f32
      %mul3A_2002 = vector.broadcast %mul3A_2001 : f32 to vector<16xf32>
      %mul3A_2003 = arith.mulf %gather3A_2000, %mul3A_2002 : vector<16xf32>
      %get3A_2004 = arith.constant 112 : index
      %get3A_2005 = tpu.vector_load %arg14[%get3A_2004] {strides = array<i32>} : memref<1024xf32, #tpu.memory_space<vmem>>, vector<16xf32>,
      %add3A_2006 = arith.addf %mul3A_2003, %get3A_2005 : vector<16xf32>
      %get3A_2007 = arith.constant 112 : index
      %get3A_2008 = tpu.vector_load %arg13[%get3A_2007] {strides = array<i32>} : memref<1024xi32, #tpu.memory_space<vmem>>, vector<16xi32>,
      %eq3A_2009 = arith.constant -1 : i32
      %eq3A_2010 = vector.broadcast %eq3A_2009 : i32 to vector<16xi32>
      %eq3A_2011 = arith.cmpi eq, %get3A_2008, %eq3A_2010 : vector<16xi32>
      %select_n3A_2012 = arith.select %eq3A_2011, %broadcast_in_dim3A_263, %add3A_2006 : vector<16xi1>, vector<16xf32>
      %swap3A_2013 = arith.constant 112 : index
      %swap3A_2014 = tpu.vector_load %arg17[%swap3A_2013] {strides = array<i32>} : memref<1024xf32, #tpu.memory_space<vmem>>, vector<16xf32>,
      tpu.vector_store %arg17[%swap3A_2013], %select_n3A_2012 {strides = array<i32>} : memref<1024xf32, #tpu.memory_space<vmem>>, vector<16xf32>,
      %get3A_2015 = arith.constant 128 : index
      %get3A_2016 = tpu.vector_load %arg11[%get3A_2015] {strides = array<i32>} : memref<1024xi32, #tpu.memory_space<vmem>>, vector<16xi32>,
      %gather3A_2017 = tpu.vector_load_idx %arg18[%get3A_2016] : memref<512xf32, #tpu.memory_space<vmem>>[vector<16xi32>], vector<16xf32>,
      %mul3A_2018 = arith.constant 8.000000e-01 : f32
      %mul3A_2019 = vector.broadcast %mul3A_2018 : f32 to vector<16xf32>
      %mul3A_2020 = arith.mulf %gather3A_2017, %mul3A_2019 : vector<16xf32>
      %get3A_2021 = arith.constant 128 : index
      %get3A_2022 = tpu.vector_load %arg14[%get3A_2021] {strides = array<i32>} : memref<1024xf32, #tpu.memory_space<vmem>>, vector<16xf32>,
      %add3A_2023 = arith.addf %mul3A_2020, %get3A_2022 : vector<16xf32>
      %get3A_2024 = arith.constant 128 : index
      %get3A_2025 = tpu.vector_load %arg13[%get3A_2024] {strides = array<i32>} : memref<1024xi32, #tpu.memory_space<vmem>>, vector<16xi32>,
      %eq3A_2026 = arith.constant -1 : i32
      %eq3A_2027 = vector.broadcast %eq3A_2026 : i32 to vector<16xi32>
      %eq3A_2028 = arith.cmpi eq, %get3A_2025, %eq3A_2027 : vector<16xi32>
      %select_n3A_2029 = arith.select %eq3A_2028, %broadcast_in_dim3A_263, %add3A_2023 : vector<16xi1>, vector<16xf32>
      %swap3A_2030 = arith.constant 128 : index
      %swap3A_2031 = tpu.vector_load %arg17[%swap3A_2030] {strides = array<i32>} : memref<1024xf32, #tpu.memory_space<vmem>>, vector<16xf32>,
      tpu.vector_store %arg17[%swap3A_2030], %select_n3A_2029 {strides = array<i32>} : memref<1024xf32, #tpu.memory_space<vmem>>, vector<16xf32>,
      %get3A_2032 = arith.constant 144 : index
      %get3A_2033 = tpu.vector_load %arg11[%get3A_2032] {strides = array<i32>} : memref<1024xi32, #tpu.memory_space<vmem>>, vector<16xi32>,
      %gather3A_2034 = tpu.vector_load_idx %arg18[%get3A_2033] : memref<512xf32, #tpu.memory_space<vmem>>[vector<16xi32>], vector<16xf32>,
      %mul3A_2035 = arith.constant 8.000000e-01 : f32
      %mul3A_2036 = vector.broadcast %mul3A_2035 : f32 to vector<16xf32>
      %mul3A_2037 = arith.mulf %gather3A_2034, %mul3A_2036 : vector<16xf32>
      %get3A_2038 = arith.constant 144 : index
      %get3A_2039 = tpu.vector_load %arg14[%get3A_2038] {strides = array<i32>} : memref<1024xf32, #tpu.memory_space<vmem>>, vector<16xf32>,
      %add3A_2040 = arith.addf %mul3A_2037, %get3A_2039 : vector<16xf32>
      %get3A_2041 = arith.constant 144 : index
      %get3A_2042 = tpu.vector_load %arg13[%get3A_2041] {strides = array<i32>} : memref<1024xi32, #tpu.memory_space<vmem>>, vector<16xi32>,
      %eq3A_2043 = arith.constant -1 : i32
      %eq3A_2044 = vector.broadcast %eq3A_2043 : i32 to vector<16xi32>
      %eq3A_2045 = arith.cmpi eq, %get3A_2042, %eq3A_2044 : vector<16xi32>
      %select_n3A_2046 = arith.select %eq3A_2045, %broadcast_in_dim3A_263, %add3A_2040 : vector<16xi1>, vector<16xf32>
      %swap3A_2047 = arith.constant 144 : index
      %swap3A_2048 = tpu.vector_load %arg17[%swap3A_2047] {strides = array<i32>} : memref<1024xf32, #tpu.memory_space<vmem>>, vector<16xf32>,
      tpu.vector_store %arg17[%swap3A_2047], %select_n3A_2046 {strides = array<i32>} : memref<1024xf32, #tpu.memory_space<vmem>>, vector<16xf32>,
      %get3A_2049 = arith.constant 160 : index
      %get3A_2050 = tpu.vector_load %arg11[%get3A_2049] {strides = array<i32>} : memref<1024xi32, #tpu.memory_space<vmem>>, vector<16xi32>,
      %gather3A_2051 = tpu.vector_load_idx %arg18[%get3A_2050] : memref<512xf32, #tpu.memory_space<vmem>>[vector<16xi32>], vector<16xf32>,
      %mul3A_2052 = arith.constant 8.000000e-01 : f32
      %mul3A_2053 = vector.broadcast %mul3A_2052 : f32 to vector<16xf32>
      %mul3A_2054 = arith.mulf %gather3A_2051, %mul3A_2053 : vector<16xf32>
      %get3A_2055 = arith.constant 160 : index
      %get3A_2056 = tpu.vector_load %arg14[%get3A_2055] {strides = array<i32>} : memref<1024xf32, #tpu.memory_space<vmem>>, vector<16xf32>,
      %add3A_2057 = arith.addf %mul3A_2054, %get3A_2056 : vector<16xf32>
      %get3A_2058 = arith.constant 160 : index
      %get3A_2059 = tpu.vector_load %arg13[%get3A_2058] {strides = array<i32>} : memref<1024xi32, #tpu.memory_space<vmem>>, vector<16xi32>,
      %eq3A_2060 = arith.constant -1 : i32
      %eq3A_2061 = vector.broadcast %eq3A_2060 : i32 to vector<16xi32>
      %eq3A_2062 = arith.cmpi eq, %get3A_2059, %eq3A_2061 : vector<16xi32>
      %select_n3A_2063 = arith.select %eq3A_2062, %broadcast_in_dim3A_263, %add3A_2057 : vector<16xi1>, vector<16xf32>
      %swap3A_2064 = arith.constant 160 : index
      %swap3A_2065 = tpu.vector_load %arg17[%swap3A_2064] {strides = array<i32>} : memref<1024xf32, #tpu.memory_space<vmem>>, vector<16xf32>,
      tpu.vector_store %arg17[%swap3A_2064], %select_n3A_2063 {strides = array<i32>} : memref<1024xf32, #tpu.memory_space<vmem>>, vector<16xf32>,
      %get3A_2066 = arith.constant 176 : index
      %get3A_2067 = tpu.vector_load %arg11[%get3A_2066] {strides = array<i32>} : memref<1024xi32, #tpu.memory_space<vmem>>, vector<16xi32>,
      %gather3A_2068 = tpu.vector_load_idx %arg18[%get3A_2067] : memref<512xf32, #tpu.memory_space<vmem>>[vector<16xi32>], vector<16xf32>,
      %mul3A_2069 = arith.constant 8.000000e-01 : f32
      %mul3A_2070 = vector.broadcast %mul3A_2069 : f32 to vector<16xf32>
      %mul3A_2071 = arith.mulf %gather3A_2068, %mul3A_2070 : vector<16xf32>
      %get3A_2072 = arith.constant 176 : index
      %get3A_2073 = tpu.vector_load %arg14[%get3A_2072] {strides = array<i32>} : memref<1024xf32, #tpu.memory_space<vmem>>, vector<16xf32>,
      %add3A_2074 = arith.addf %mul3A_2071, %get3A_2073 : vector<16xf32>
      %get3A_2075 = arith.constant 176 : index
      %get3A_2076 = tpu.vector_load %arg13[%get3A_2075] {strides = array<i32>} : memref<1024xi32, #tpu.memory_space<vmem>>, vector<16xi32>,
      %eq3A_2077 = arith.constant -1 : i32
      %eq3A_2078 = vector.broadcast %eq3A_2077 : i32 to vector<16xi32>
      %eq3A_2079 = arith.cmpi eq, %get3A_2076, %eq3A_2078 : vector<16xi32>
      %select_n3A_2080 = arith.select %eq3A_2079, %broadcast_in_dim3A_263, %add3A_2074 : vector<16xi1>, vector<16xf32>
      %swap3A_2081 = arith.constant 176 : index
      %swap3A_2082 = tpu.vector_load %arg17[%swap3A_2081] {strides = array<i32>} : memref<1024xf32, #tpu.memory_space<vmem>>, vector<16xf32>,
      tpu.vector_store %arg17[%swap3A_2081], %select_n3A_2080 {strides = array<i32>} : memref<1024xf32, #tpu.memory_space<vmem>>, vector<16xf32>,
      %get3A_2083 = arith.constant 192 : index
      %get3A_2084 = tpu.vector_load %arg11[%get3A_2083] {strides = array<i32>} : memref<1024xi32, #tpu.memory_space<vmem>>, vector<16xi32>,
      %gather3A_2085 = tpu.vector_load_idx %arg18[%get3A_2084] : memref<512xf32, #tpu.memory_space<vmem>>[vector<16xi32>], vector<16xf32>,
      %mul3A_2086 = arith.constant 8.000000e-01 : f32
      %mul3A_2087 = vector.broadcast %mul3A_2086 : f32 to vector<16xf32>
      %mul3A_2088 = arith.mulf %gather3A_2085, %mul3A_2087 : vector<16xf32>
      %get3A_2089 = arith.constant 192 : index
      %get3A_2090 = tpu.vector_load %arg14[%get3A_2089] {strides = array<i32>} : memref<1024xf32, #tpu.memory_space<vmem>>, vector<16xf32>,
      %add3A_2091 = arith.addf %mul3A_2088, %get3A_2090 : vector<16xf32>
      %get3A_2092 = arith.constant 192 : index
      %get3A_2093 = tpu.vector_load %arg13[%get3A_2092] {strides = array<i32>} : memref<1024xi32, #tpu.memory_space<vmem>>, vector<16xi32>,
      %eq3A_2094 = arith.constant -1 : i32
      %eq3A_2095 = vector.broadcast %eq3A_2094 : i32 to vector<16xi32>
      %eq3A_2096 = arith.cmpi eq, %get3A_2093, %eq3A_2095 : vector<16xi32>
      %select_n3A_2097 = arith.select %eq3A_2096, %broadcast_in_dim3A_263, %add3A_2091 : vector<16xi1>, vector<16xf32>
      %swap3A_2098 = arith.constant 192 : index
      %swap3A_2099 = tpu.vector_load %arg17[%swap3A_2098] {strides = array<i32>} : memref<1024xf32, #tpu.memory_space<vmem>>, vector<16xf32>,
      tpu.vector_store %arg17[%swap3A_2098], %select_n3A_2097 {strides = array<i32>} : memref<1024xf32, #tpu.memory_space<vmem>>, vector<16xf32>,
      %get3A_2100 = arith.constant 208 : index
      %get3A_2101 = tpu.vector_load %arg11[%get3A_2100] {strides = array<i32>} : memref<1024xi32, #tpu.memory_space<vmem>>, vector<16xi32>,
      %gather3A_2102 = tpu.vector_load_idx %arg18[%get3A_2101] : memref<512xf32, #tpu.memory_space<vmem>>[vector<16xi32>], vector<16xf32>,
      %mul3A_2103 = arith.constant 8.000000e-01 : f32
      %mul3A_2104 = vector.broadcast %mul3A_2103 : f32 to vector<16xf32>
      %mul3A_2105 = arith.mulf %gather3A_2102, %mul3A_2104 : vector<16xf32>
      %get3A_2106 = arith.constant 208 : index
      %get3A_2107 = tpu.vector_load %arg14[%get3A_2106] {strides = array<i32>} : memref<1024xf32, #tpu.memory_space<vmem>>, vector<16xf32>,
      %add3A_2108 = arith.addf %mul3A_2105, %get3A_2107 : vector<16xf32>
      %get3A_2109 = arith.constant 208 : index
      %get3A_2110 = tpu.vector_load %arg13[%get3A_2109] {strides = array<i32>} : memref<1024xi32, #tpu.memory_space<vmem>>, vector<16xi32>,
      %eq3A_2111 = arith.constant -1 : i32
      %eq3A_2112 = vector.broadcast %eq3A_2111 : i32 to vector<16xi32>
      %eq3A_2113 = arith.cmpi eq, %get3A_2110, %eq3A_2112 : vector<16xi32>
      %select_n3A_2114 = arith.select %eq3A_2113, %broadcast_in_dim3A_263, %add3A_2108 : vector<16xi1>, vector<16xf32>
      %swap3A_2115 = arith.constant 208 : index
      %swap3A_2116 = tpu.vector_load %arg17[%swap3A_2115] {strides = array<i32>} : memref<1024xf32, #tpu.memory_space<vmem>>, vector<16xf32>,
      tpu.vector_store %arg17[%swap3A_2115], %select_n3A_2114 {strides = array<i32>} : memref<1024xf32, #tpu.memory_space<vmem>>, vector<16xf32>,
      %get3A_2117 = arith.constant 224 : index
      %get3A_2118 = tpu.vector_load %arg11[%get3A_2117] {strides = array<i32>} : memref<1024xi32, #tpu.memory_space<vmem>>, vector<16xi32>,
      %gather3A_2119 = tpu.vector_load_idx %arg18[%get3A_2118] : memref<512xf32, #tpu.memory_space<vmem>>[vector<16xi32>], vector<16xf32>,
      %mul3A_2120 = arith.constant 8.000000e-01 : f32
      %mul3A_2121 = vector.broadcast %mul3A_2120 : f32 to vector<16xf32>
      %mul3A_2122 = arith.mulf %gather3A_2119, %mul3A_2121 : vector<16xf32>
      %get3A_2123 = arith.constant 224 : index
      %get3A_2124 = tpu.vector_load %arg14[%get3A_2123] {strides = array<i32>} : memref<1024xf32, #tpu.memory_space<vmem>>, vector<16xf32>,
      %add3A_2125 = arith.addf %mul3A_2122, %get3A_2124 : vector<16xf32>
      %get3A_2126 = arith.constant 224 : index
      %get3A_2127 = tpu.vector_load %arg13[%get3A_2126] {strides = array<i32>} : memref<1024xi32, #tpu.memory_space<vmem>>, vector<16xi32>,
      %eq3A_2128 = arith.constant -1 : i32
      %eq3A_2129 = vector.broadcast %eq3A_2128 : i32 to vector<16xi32>
      %eq3A_2130 = arith.cmpi eq, %get3A_2127, %eq3A_2129 : vector<16xi32>
      %select_n3A_2131 = arith.select %eq3A_2130, %broadcast_in_dim3A_263, %add3A_2125 : vector<16xi1>, vector<16xf32>
      %swap3A_2132 = arith.constant 224 : index
      %swap3A_2133 = tpu.vector_load %arg17[%swap3A_2132] {strides = array<i32>} : memref<1024xf32, #tpu.memory_space<vmem>>, vector<16xf32>,
      tpu.vector_store %arg17[%swap3A_2132], %select_n3A_2131 {strides = array<i32>} : memref<1024xf32, #tpu.memory_space<vmem>>, vector<16xf32>,
      %get3A_2134 = arith.constant 240 : index
      %get3A_2135 = tpu.vector_load %arg11[%get3A_2134] {strides = array<i32>} : memref<1024xi32, #tpu.memory_space<vmem>>, vector<16xi32>,
      %gather3A_2136 = tpu.vector_load_idx %arg18[%get3A_2135] : memref<512xf32, #tpu.memory_space<vmem>>[vector<16xi32>], vector<16xf32>,
      %mul3A_2137 = arith.constant 8.000000e-01 : f32
      %mul3A_2138 = vector.broadcast %mul3A_2137 : f32 to vector<16xf32>
      %mul3A_2139 = arith.mulf %gather3A_2136, %mul3A_2138 : vector<16xf32>
      %get3A_2140 = arith.constant 240 : index
      %get3A_2141 = tpu.vector_load %arg14[%get3A_2140] {strides = array<i32>} : memref<1024xf32, #tpu.memory_space<vmem>>, vector<16xf32>,
      %add3A_2142 = arith.addf %mul3A_2139, %get3A_2141 : vector<16xf32>
      %get3A_2143 = arith.constant 240 : index
      %get3A_2144 = tpu.vector_load %arg13[%get3A_2143] {strides = array<i32>} : memref<1024xi32, #tpu.memory_space<vmem>>, vector<16xi32>,
      %eq3A_2145 = arith.constant -1 : i32
      %eq3A_2146 = vector.broadcast %eq3A_2145 : i32 to vector<16xi32>
      %eq3A_2147 = arith.cmpi eq, %get3A_2144, %eq3A_2146 : vector<16xi32>
      %select_n3A_2148 = arith.select %eq3A_2147, %broadcast_in_dim3A_263, %add3A_2142 : vector<16xi1>, vector<16xf32>
      %swap3A_2149 = arith.constant 240 : index
      %swap3A_2150 = tpu.vector_load %arg17[%swap3A_2149] {strides = array<i32>} : memref<1024xf32, #tpu.memory_space<vmem>>, vector<16xf32>,
      tpu.vector_store %arg17[%swap3A_2149], %select_n3A_2148 {strides = array<i32>} : memref<1024xf32, #tpu.memory_space<vmem>>, vector<16xf32>,
      %get3A_2151 = arith.constant 256 : index
      %get3A_2152 = tpu.vector_load %arg11[%get3A_2151] {strides = array<i32>} : memref<1024xi32, #tpu.memory_space<vmem>>, vector<16xi32>,
      %gather3A_2153 = tpu.vector_load_idx %arg18[%get3A_2152] : memref<512xf32, #tpu.memory_space<vmem>>[vector<16xi32>], vector<16xf32>,
      %mul3A_2154 = arith.constant 8.000000e-01 : f32
      %mul3A_2155 = vector.broadcast %mul3A_2154 : f32 to vector<16xf32>
      %mul3A_2156 = arith.mulf %gather3A_2153, %mul3A_2155 : vector<16xf32>
      %get3A_2157 = arith.constant 256 : index
      %get3A_2158 = tpu.vector_load %arg14[%get3A_2157] {strides = array<i32>} : memref<1024xf32, #tpu.memory_space<vmem>>, vector<16xf32>,
      %add3A_2159 = arith.addf %mul3A_2156, %get3A_2158 : vector<16xf32>
      %get3A_2160 = arith.constant 256 : index
      %get3A_2161 = tpu.vector_load %arg13[%get3A_2160] {strides = array<i32>} : memref<1024xi32, #tpu.memory_space<vmem>>, vector<16xi32>,
      %eq3A_2162 = arith.constant -1 : i32
      %eq3A_2163 = vector.broadcast %eq3A_2162 : i32 to vector<16xi32>
      %eq3A_2164 = arith.cmpi eq, %get3A_2161, %eq3A_2163 : vector<16xi32>
      %select_n3A_2165 = arith.select %eq3A_2164, %broadcast_in_dim3A_263, %add3A_2159 : vector<16xi1>, vector<16xf32>
      %swap3A_2166 = arith.constant 256 : index
      %swap3A_2167 = tpu.vector_load %arg17[%swap3A_2166] {strides = array<i32>} : memref<1024xf32, #tpu.memory_space<vmem>>, vector<16xf32>,
      tpu.vector_store %arg17[%swap3A_2166], %select_n3A_2165 {strides = array<i32>} : memref<1024xf32, #tpu.memory_space<vmem>>, vector<16xf32>,
      %get3A_2168 = arith.constant 272 : index
      %get3A_2169 = tpu.vector_load %arg11[%get3A_2168] {strides = array<i32>} : memref<1024xi32, #tpu.memory_space<vmem>>, vector<16xi32>,
      %gather3A_2170 = tpu.vector_load_idx %arg18[%get3A_2169] : memref<512xf32, #tpu.memory_space<vmem>>[vector<16xi32>], vector<16xf32>,
      %mul3A_2171 = arith.constant 8.000000e-01 : f32
      %mul3A_2172 = vector.broadcast %mul3A_2171 : f32 to vector<16xf32>
      %mul3A_2173 = arith.mulf %gather3A_2170, %mul3A_2172 : vector<16xf32>
      %get3A_2174 = arith.constant 272 : index
      %get3A_2175 = tpu.vector_load %arg14[%get3A_2174] {strides = array<i32>} : memref<1024xf32, #tpu.memory_space<vmem>>, vector<16xf32>,
      %add3A_2176 = arith.addf %mul3A_2173, %get3A_2175 : vector<16xf32>
      %get3A_2177 = arith.constant 272 : index
      %get3A_2178 = tpu.vector_load %arg13[%get3A_2177] {strides = array<i32>} : memref<1024xi32, #tpu.memory_space<vmem>>, vector<16xi32>,
      %eq3A_2179 = arith.constant -1 : i32
      %eq3A_2180 = vector.broadcast %eq3A_2179 : i32 to vector<16xi32>
      %eq3A_2181 = arith.cmpi eq, %get3A_2178, %eq3A_2180 : vector<16xi32>
      %select_n3A_2182 = arith.select %eq3A_2181, %broadcast_in_dim3A_263, %add3A_2176 : vector<16xi1>, vector<16xf32>
      %swap3A_2183 = arith.constant 272 : index
      %swap3A_2184 = tpu.vector_load %arg17[%swap3A_2183] {strides = array<i32>} : memref<1024xf32, #tpu.memory_space<vmem>>, vector<16xf32>,
      tpu.vector_store %arg17[%swap3A_2183], %select_n3A_2182 {strides = array<i32>} : memref<1024xf32, #tpu.memory_space<vmem>>, vector<16xf32>,
      %get3A_2185 = arith.constant 288 : index
      %get3A_2186 = tpu.vector_load %arg11[%get3A_2185] {strides = array<i32>} : memref<1024xi32, #tpu.memory_space<vmem>>, vector<16xi32>,
      %gather3A_2187 = tpu.vector_load_idx %arg18[%get3A_2186] : memref<512xf32, #tpu.memory_space<vmem>>[vector<16xi32>], vector<16xf32>,
      %mul3A_2188 = arith.constant 8.000000e-01 : f32
      %mul3A_2189 = vector.broadcast %mul3A_2188 : f32 to vector<16xf32>
      %mul3A_2190 = arith.mulf %gather3A_2187, %mul3A_2189 : vector<16xf32>
      %get3A_2191 = arith.constant 288 : index
      %get3A_2192 = tpu.vector_load %arg14[%get3A_2191] {strides = array<i32>} : memref<1024xf32, #tpu.memory_space<vmem>>, vector<16xf32>,
      %add3A_2193 = arith.addf %mul3A_2190, %get3A_2192 : vector<16xf32>
      %get3A_2194 = arith.constant 288 : index
      %get3A_2195 = tpu.vector_load %arg13[%get3A_2194] {strides = array<i32>} : memref<1024xi32, #tpu.memory_space<vmem>>, vector<16xi32>,
      %eq3A_2196 = arith.constant -1 : i32
      %eq3A_2197 = vector.broadcast %eq3A_2196 : i32 to vector<16xi32>
      %eq3A_2198 = arith.cmpi eq, %get3A_2195, %eq3A_2197 : vector<16xi32>
      %select_n3A_2199 = arith.select %eq3A_2198, %broadcast_in_dim3A_263, %add3A_2193 : vector<16xi1>, vector<16xf32>
      %swap3A_2200 = arith.constant 288 : index
      %swap3A_2201 = tpu.vector_load %arg17[%swap3A_2200] {strides = array<i32>} : memref<1024xf32, #tpu.memory_space<vmem>>, vector<16xf32>,
      tpu.vector_store %arg17[%swap3A_2200], %select_n3A_2199 {strides = array<i32>} : memref<1024xf32, #tpu.memory_space<vmem>>, vector<16xf32>,
      %get3A_2202 = arith.constant 304 : index
      %get3A_2203 = tpu.vector_load %arg11[%get3A_2202] {strides = array<i32>} : memref<1024xi32, #tpu.memory_space<vmem>>, vector<16xi32>,
      %gather3A_2204 = tpu.vector_load_idx %arg18[%get3A_2203] : memref<512xf32, #tpu.memory_space<vmem>>[vector<16xi32>], vector<16xf32>,
      %mul3A_2205 = arith.constant 8.000000e-01 : f32
      %mul3A_2206 = vector.broadcast %mul3A_2205 : f32 to vector<16xf32>
      %mul3A_2207 = arith.mulf %gather3A_2204, %mul3A_2206 : vector<16xf32>
      %get3A_2208 = arith.constant 304 : index
      %get3A_2209 = tpu.vector_load %arg14[%get3A_2208] {strides = array<i32>} : memref<1024xf32, #tpu.memory_space<vmem>>, vector<16xf32>,
      %add3A_2210 = arith.addf %mul3A_2207, %get3A_2209 : vector<16xf32>
      %get3A_2211 = arith.constant 304 : index
      %get3A_2212 = tpu.vector_load %arg13[%get3A_2211] {strides = array<i32>} : memref<1024xi32, #tpu.memory_space<vmem>>, vector<16xi32>,
      %eq3A_2213 = arith.constant -1 : i32
      %eq3A_2214 = vector.broadcast %eq3A_2213 : i32 to vector<16xi32>
      %eq3A_2215 = arith.cmpi eq, %get3A_2212, %eq3A_2214 : vector<16xi32>
      %select_n3A_2216 = arith.select %eq3A_2215, %broadcast_in_dim3A_263, %add3A_2210 : vector<16xi1>, vector<16xf32>
      %swap3A_2217 = arith.constant 304 : index
      %swap3A_2218 = tpu.vector_load %arg17[%swap3A_2217] {strides = array<i32>} : memref<1024xf32, #tpu.memory_space<vmem>>, vector<16xf32>,
      tpu.vector_store %arg17[%swap3A_2217], %select_n3A_2216 {strides = array<i32>} : memref<1024xf32, #tpu.memory_space<vmem>>, vector<16xf32>,
      %get3A_2219 = arith.constant 320 : index
      %get3A_2220 = tpu.vector_load %arg11[%get3A_2219] {strides = array<i32>} : memref<1024xi32, #tpu.memory_space<vmem>>, vector<16xi32>,
      %gather3A_2221 = tpu.vector_load_idx %arg18[%get3A_2220] : memref<512xf32, #tpu.memory_space<vmem>>[vector<16xi32>], vector<16xf32>,
      %mul3A_2222 = arith.constant 8.000000e-01 : f32
      %mul3A_2223 = vector.broadcast %mul3A_2222 : f32 to vector<16xf32>
      %mul3A_2224 = arith.mulf %gather3A_2221, %mul3A_2223 : vector<16xf32>
      %get3A_2225 = arith.constant 320 : index
      %get3A_2226 = tpu.vector_load %arg14[%get3A_2225] {strides = array<i32>} : memref<1024xf32, #tpu.memory_space<vmem>>, vector<16xf32>,
      %add3A_2227 = arith.addf %mul3A_2224, %get3A_2226 : vector<16xf32>
      %get3A_2228 = arith.constant 320 : index
      %get3A_2229 = tpu.vector_load %arg13[%get3A_2228] {strides = array<i32>} : memref<1024xi32, #tpu.memory_space<vmem>>, vector<16xi32>,
      %eq3A_2230 = arith.constant -1 : i32
      %eq3A_2231 = vector.broadcast %eq3A_2230 : i32 to vector<16xi32>
      %eq3A_2232 = arith.cmpi eq, %get3A_2229, %eq3A_2231 : vector<16xi32>
      %select_n3A_2233 = arith.select %eq3A_2232, %broadcast_in_dim3A_263, %add3A_2227 : vector<16xi1>, vector<16xf32>
      %swap3A_2234 = arith.constant 320 : index
      %swap3A_2235 = tpu.vector_load %arg17[%swap3A_2234] {strides = array<i32>} : memref<1024xf32, #tpu.memory_space<vmem>>, vector<16xf32>,
      tpu.vector_store %arg17[%swap3A_2234], %select_n3A_2233 {strides = array<i32>} : memref<1024xf32, #tpu.memory_space<vmem>>, vector<16xf32>,
      %get3A_2236 = arith.constant 336 : index
      %get3A_2237 = tpu.vector_load %arg11[%get3A_2236] {strides = array<i32>} : memref<1024xi32, #tpu.memory_space<vmem>>, vector<16xi32>,
      %gather3A_2238 = tpu.vector_load_idx %arg18[%get3A_2237] : memref<512xf32, #tpu.memory_space<vmem>>[vector<16xi32>], vector<16xf32>,
      %mul3A_2239 = arith.constant 8.000000e-01 : f32
      %mul3A_2240 = vector.broadcast %mul3A_2239 : f32 to vector<16xf32>
      %mul3A_2241 = arith.mulf %gather3A_2238, %mul3A_2240 : vector<16xf32>
      %get3A_2242 = arith.constant 336 : index
      %get3A_2243 = tpu.vector_load %arg14[%get3A_2242] {strides = array<i32>} : memref<1024xf32, #tpu.memory_space<vmem>>, vector<16xf32>,
      %add3A_2244 = arith.addf %mul3A_2241, %get3A_2243 : vector<16xf32>
      %get3A_2245 = arith.constant 336 : index
      %get3A_2246 = tpu.vector_load %arg13[%get3A_2245] {strides = array<i32>} : memref<1024xi32, #tpu.memory_space<vmem>>, vector<16xi32>,
      %eq3A_2247 = arith.constant -1 : i32
      %eq3A_2248 = vector.broadcast %eq3A_2247 : i32 to vector<16xi32>
      %eq3A_2249 = arith.cmpi eq, %get3A_2246, %eq3A_2248 : vector<16xi32>
      %select_n3A_2250 = arith.select %eq3A_2249, %broadcast_in_dim3A_263, %add3A_2244 : vector<16xi1>, vector<16xf32>
      %swap3A_2251 = arith.constant 336 : index
      %swap3A_2252 = tpu.vector_load %arg17[%swap3A_2251] {strides = array<i32>} : memref<1024xf32, #tpu.memory_space<vmem>>, vector<16xf32>,
      tpu.vector_store %arg17[%swap3A_2251], %select_n3A_2250 {strides = array<i32>} : memref<1024xf32, #tpu.memory_space<vmem>>, vector<16xf32>,
      %get3A_2253 = arith.constant 352 : index
      %get3A_2254 = tpu.vector_load %arg11[%get3A_2253] {strides = array<i32>} : memref<1024xi32, #tpu.memory_space<vmem>>, vector<16xi32>,
      %gather3A_2255 = tpu.vector_load_idx %arg18[%get3A_2254] : memref<512xf32, #tpu.memory_space<vmem>>[vector<16xi32>], vector<16xf32>,
      %mul3A_2256 = arith.constant 8.000000e-01 : f32
      %mul3A_2257 = vector.broadcast %mul3A_2256 : f32 to vector<16xf32>
      %mul3A_2258 = arith.mulf %gather3A_2255, %mul3A_2257 : vector<16xf32>
      %get3A_2259 = arith.constant 352 : index
      %get3A_2260 = tpu.vector_load %arg14[%get3A_2259] {strides = array<i32>} : memref<1024xf32, #tpu.memory_space<vmem>>, vector<16xf32>,
      %add3A_2261 = arith.addf %mul3A_2258, %get3A_2260 : vector<16xf32>
      %get3A_2262 = arith.constant 352 : index
      %get3A_2263 = tpu.vector_load %arg13[%get3A_2262] {strides = array<i32>} : memref<1024xi32, #tpu.memory_space<vmem>>, vector<16xi32>,
      %eq3A_2264 = arith.constant -1 : i32
      %eq3A_2265 = vector.broadcast %eq3A_2264 : i32 to vector<16xi32>
      %eq3A_2266 = arith.cmpi eq, %get3A_2263, %eq3A_2265 : vector<16xi32>
      %select_n3A_2267 = arith.select %eq3A_2266, %broadcast_in_dim3A_263, %add3A_2261 : vector<16xi1>, vector<16xf32>
      %swap3A_2268 = arith.constant 352 : index
      %swap3A_2269 = tpu.vector_load %arg17[%swap3A_2268] {strides = array<i32>} : memref<1024xf32, #tpu.memory_space<vmem>>, vector<16xf32>,
      tpu.vector_store %arg17[%swap3A_2268], %select_n3A_2267 {strides = array<i32>} : memref<1024xf32, #tpu.memory_space<vmem>>, vector<16xf32>,
      %get3A_2270 = arith.constant 368 : index
      %get3A_2271 = tpu.vector_load %arg11[%get3A_2270] {strides = array<i32>} : memref<1024xi32, #tpu.memory_space<vmem>>, vector<16xi32>,
      %gather3A_2272 = tpu.vector_load_idx %arg18[%get3A_2271] : memref<512xf32, #tpu.memory_space<vmem>>[vector<16xi32>], vector<16xf32>,
      %mul3A_2273 = arith.constant 8.000000e-01 : f32
      %mul3A_2274 = vector.broadcast %mul3A_2273 : f32 to vector<16xf32>
      %mul3A_2275 = arith.mulf %gather3A_2272, %mul3A_2274 : vector<16xf32>
      %get3A_2276 = arith.constant 368 : index
      %get3A_2277 = tpu.vector_load %arg14[%get3A_2276] {strides = array<i32>} : memref<1024xf32, #tpu.memory_space<vmem>>, vector<16xf32>,
      %add3A_2278 = arith.addf %mul3A_2275, %get3A_2277 : vector<16xf32>
      %get3A_2279 = arith.constant 368 : index
      %get3A_2280 = tpu.vector_load %arg13[%get3A_2279] {strides = array<i32>} : memref<1024xi32, #tpu.memory_space<vmem>>, vector<16xi32>,
      %eq3A_2281 = arith.constant -1 : i32
      %eq3A_2282 = vector.broadcast %eq3A_2281 : i32 to vector<16xi32>
      %eq3A_2283 = arith.cmpi eq, %get3A_2280, %eq3A_2282 : vector<16xi32>
      %select_n3A_2284 = arith.select %eq3A_2283, %broadcast_in_dim3A_263, %add3A_2278 : vector<16xi1>, vector<16xf32>
      %swap3A_2285 = arith.constant 368 : index
      %swap3A_2286 = tpu.vector_load %arg17[%swap3A_2285] {strides = array<i32>} : memref<1024xf32, #tpu.memory_space<vmem>>, vector<16xf32>,
      tpu.vector_store %arg17[%swap3A_2285], %select_n3A_2284 {strides = array<i32>} : memref<1024xf32, #tpu.memory_space<vmem>>, vector<16xf32>,
      %get3A_2287 = arith.constant 384 : index
      %get3A_2288 = tpu.vector_load %arg11[%get3A_2287] {strides = array<i32>} : memref<1024xi32, #tpu.memory_space<vmem>>, vector<16xi32>,
      %gather3A_2289 = tpu.vector_load_idx %arg18[%get3A_2288] : memref<512xf32, #tpu.memory_space<vmem>>[vector<16xi32>], vector<16xf32>,
      %mul3A_2290 = arith.constant 8.000000e-01 : f32
      %mul3A_2291 = vector.broadcast %mul3A_2290 : f32 to vector<16xf32>
      %mul3A_2292 = arith.mulf %gather3A_2289, %mul3A_2291 : vector<16xf32>
      %get3A_2293 = arith.constant 384 : index
      %get3A_2294 = tpu.vector_load %arg14[%get3A_2293] {strides = array<i32>} : memref<1024xf32, #tpu.memory_space<vmem>>, vector<16xf32>,
      %add3A_2295 = arith.addf %mul3A_2292, %get3A_2294 : vector<16xf32>
      %get3A_2296 = arith.constant 384 : index
      %get3A_2297 = tpu.vector_load %arg13[%get3A_2296] {strides = array<i32>} : memref<1024xi32, #tpu.memory_space<vmem>>, vector<16xi32>,
      %eq3A_2298 = arith.constant -1 : i32
      %eq3A_2299 = vector.broadcast %eq3A_2298 : i32 to vector<16xi32>
      %eq3A_2300 = arith.cmpi eq, %get3A_2297, %eq3A_2299 : vector<16xi32>
      %select_n3A_2301 = arith.select %eq3A_2300, %broadcast_in_dim3A_263, %add3A_2295 : vector<16xi1>, vector<16xf32>
      %swap3A_2302 = arith.constant 384 : index
      %swap3A_2303 = tpu.vector_load %arg17[%swap3A_2302] {strides = array<i32>} : memref<1024xf32, #tpu.memory_space<vmem>>, vector<16xf32>,
      tpu.vector_store %arg17[%swap3A_2302], %select_n3A_2301 {strides = array<i32>} : memref<1024xf32, #tpu.memory_space<vmem>>, vector<16xf32>,
      %get3A_2304 = arith.constant 400 : index
      %get3A_2305 = tpu.vector_load %arg11[%get3A_2304] {strides = array<i32>} : memref<1024xi32, #tpu.memory_space<vmem>>, vector<16xi32>,
      %gather3A_2306 = tpu.vector_load_idx %arg18[%get3A_2305] : memref<512xf32, #tpu.memory_space<vmem>>[vector<16xi32>], vector<16xf32>,
      %mul3A_2307 = arith.constant 8.000000e-01 : f32
      %mul3A_2308 = vector.broadcast %mul3A_2307 : f32 to vector<16xf32>
      %mul3A_2309 = arith.mulf %gather3A_2306, %mul3A_2308 : vector<16xf32>
      %get3A_2310 = arith.constant 400 : index
      %get3A_2311 = tpu.vector_load %arg14[%get3A_2310] {strides = array<i32>} : memref<1024xf32, #tpu.memory_space<vmem>>, vector<16xf32>,
      %add3A_2312 = arith.addf %mul3A_2309, %get3A_2311 : vector<16xf32>
      %get3A_2313 = arith.constant 400 : index
      %get3A_2314 = tpu.vector_load %arg13[%get3A_2313] {strides = array<i32>} : memref<1024xi32, #tpu.memory_space<vmem>>, vector<16xi32>,
      %eq3A_2315 = arith.constant -1 : i32
      %eq3A_2316 = vector.broadcast %eq3A_2315 : i32 to vector<16xi32>
      %eq3A_2317 = arith.cmpi eq, %get3A_2314, %eq3A_2316 : vector<16xi32>
      %select_n3A_2318 = arith.select %eq3A_2317, %broadcast_in_dim3A_263, %add3A_2312 : vector<16xi1>, vector<16xf32>
      %swap3A_2319 = arith.constant 400 : index
      %swap3A_2320 = tpu.vector_load %arg17[%swap3A_2319] {strides = array<i32>} : memref<1024xf32, #tpu.memory_space<vmem>>, vector<16xf32>,
      tpu.vector_store %arg17[%swap3A_2319], %select_n3A_2318 {strides = array<i32>} : memref<1024xf32, #tpu.memory_space<vmem>>, vector<16xf32>,
      %get3A_2321 = arith.constant 416 : index
      %get3A_2322 = tpu.vector_load %arg11[%get3A_2321] {strides = array<i32>} : memref<1024xi32, #tpu.memory_space<vmem>>, vector<16xi32>,
      %gather3A_2323 = tpu.vector_load_idx %arg18[%get3A_2322] : memref<512xf32, #tpu.memory_space<vmem>>[vector<16xi32>], vector<16xf32>,
      %mul3A_2324 = arith.constant 8.000000e-01 : f32
      %mul3A_2325 = vector.broadcast %mul3A_2324 : f32 to vector<16xf32>
      %mul3A_2326 = arith.mulf %gather3A_2323, %mul3A_2325 : vector<16xf32>
      %get3A_2327 = arith.constant 416 : index
      %get3A_2328 = tpu.vector_load %arg14[%get3A_2327] {strides = array<i32>} : memref<1024xf32, #tpu.memory_space<vmem>>, vector<16xf32>,
      %add3A_2329 = arith.addf %mul3A_2326, %get3A_2328 : vector<16xf32>
      %get3A_2330 = arith.constant 416 : index
      %get3A_2331 = tpu.vector_load %arg13[%get3A_2330] {strides = array<i32>} : memref<1024xi32, #tpu.memory_space<vmem>>, vector<16xi32>,
      %eq3A_2332 = arith.constant -1 : i32
      %eq3A_2333 = vector.broadcast %eq3A_2332 : i32 to vector<16xi32>
      %eq3A_2334 = arith.cmpi eq, %get3A_2331, %eq3A_2333 : vector<16xi32>
      %select_n3A_2335 = arith.select %eq3A_2334, %broadcast_in_dim3A_263, %add3A_2329 : vector<16xi1>, vector<16xf32>
      %swap3A_2336 = arith.constant 416 : index
      %swap3A_2337 = tpu.vector_load %arg17[%swap3A_2336] {strides = array<i32>} : memref<1024xf32, #tpu.memory_space<vmem>>, vector<16xf32>,
      tpu.vector_store %arg17[%swap3A_2336], %select_n3A_2335 {strides = array<i32>} : memref<1024xf32, #tpu.memory_space<vmem>>, vector<16xf32>,
      %get3A_2338 = arith.constant 432 : index
      %get3A_2339 = tpu.vector_load %arg11[%get3A_2338] {strides = array<i32>} : memref<1024xi32, #tpu.memory_space<vmem>>, vector<16xi32>,
      %gather3A_2340 = tpu.vector_load_idx %arg18[%get3A_2339] : memref<512xf32, #tpu.memory_space<vmem>>[vector<16xi32>], vector<16xf32>,
      %mul3A_2341 = arith.constant 8.000000e-01 : f32
      %mul3A_2342 = vector.broadcast %mul3A_2341 : f32 to vector<16xf32>
      %mul3A_2343 = arith.mulf %gather3A_2340, %mul3A_2342 : vector<16xf32>
      %get3A_2344 = arith.constant 432 : index
      %get3A_2345 = tpu.vector_load %arg14[%get3A_2344] {strides = array<i32>} : memref<1024xf32, #tpu.memory_space<vmem>>, vector<16xf32>,
      %add3A_2346 = arith.addf %mul3A_2343, %get3A_2345 : vector<16xf32>
      %get3A_2347 = arith.constant 432 : index
      %get3A_2348 = tpu.vector_load %arg13[%get3A_2347] {strides = array<i32>} : memref<1024xi32, #tpu.memory_space<vmem>>, vector<16xi32>,
      %eq3A_2349 = arith.constant -1 : i32
      %eq3A_2350 = vector.broadcast %eq3A_2349 : i32 to vector<16xi32>
      %eq3A_2351 = arith.cmpi eq, %get3A_2348, %eq3A_2350 : vector<16xi32>
      %select_n3A_2352 = arith.select %eq3A_2351, %broadcast_in_dim3A_263, %add3A_2346 : vector<16xi1>, vector<16xf32>
      %swap3A_2353 = arith.constant 432 : index
      %swap3A_2354 = tpu.vector_load %arg17[%swap3A_2353] {strides = array<i32>} : memref<1024xf32, #tpu.memory_space<vmem>>, vector<16xf32>,
      tpu.vector_store %arg17[%swap3A_2353], %select_n3A_2352 {strides = array<i32>} : memref<1024xf32, #tpu.memory_space<vmem>>, vector<16xf32>,
      %get3A_2355 = arith.constant 448 : index
      %get3A_2356 = tpu.vector_load %arg11[%get3A_2355] {strides = array<i32>} : memref<1024xi32, #tpu.memory_space<vmem>>, vector<16xi32>,
      %gather3A_2357 = tpu.vector_load_idx %arg18[%get3A_2356] : memref<512xf32, #tpu.memory_space<vmem>>[vector<16xi32>], vector<16xf32>,
      %mul3A_2358 = arith.constant 8.000000e-01 : f32
      %mul3A_2359 = vector.broadcast %mul3A_2358 : f32 to vector<16xf32>
      %mul3A_2360 = arith.mulf %gather3A_2357, %mul3A_2359 : vector<16xf32>
      %get3A_2361 = arith.constant 448 : index
      %get3A_2362 = tpu.vector_load %arg14[%get3A_2361] {strides = array<i32>} : memref<1024xf32, #tpu.memory_space<vmem>>, vector<16xf32>,
      %add3A_2363 = arith.addf %mul3A_2360, %get3A_2362 : vector<16xf32>
      %get3A_2364 = arith.constant 448 : index
      %get3A_2365 = tpu.vector_load %arg13[%get3A_2364] {strides = array<i32>} : memref<1024xi32, #tpu.memory_space<vmem>>, vector<16xi32>,
      %eq3A_2366 = arith.constant -1 : i32
      %eq3A_2367 = vector.broadcast %eq3A_2366 : i32 to vector<16xi32>
      %eq3A_2368 = arith.cmpi eq, %get3A_2365, %eq3A_2367 : vector<16xi32>
      %select_n3A_2369 = arith.select %eq3A_2368, %broadcast_in_dim3A_263, %add3A_2363 : vector<16xi1>, vector<16xf32>
      %swap3A_2370 = arith.constant 448 : index
      %swap3A_2371 = tpu.vector_load %arg17[%swap3A_2370] {strides = array<i32>} : memref<1024xf32, #tpu.memory_space<vmem>>, vector<16xf32>,
      tpu.vector_store %arg17[%swap3A_2370], %select_n3A_2369 {strides = array<i32>} : memref<1024xf32, #tpu.memory_space<vmem>>, vector<16xf32>,
      %get3A_2372 = arith.constant 464 : index
      %get3A_2373 = tpu.vector_load %arg11[%get3A_2372] {strides = array<i32>} : memref<1024xi32, #tpu.memory_space<vmem>>, vector<16xi32>,
      %gather3A_2374 = tpu.vector_load_idx %arg18[%get3A_2373] : memref<512xf32, #tpu.memory_space<vmem>>[vector<16xi32>], vector<16xf32>,
      %mul3A_2375 = arith.constant 8.000000e-01 : f32
      %mul3A_2376 = vector.broadcast %mul3A_2375 : f32 to vector<16xf32>
      %mul3A_2377 = arith.mulf %gather3A_2374, %mul3A_2376 : vector<16xf32>
      %get3A_2378 = arith.constant 464 : index
      %get3A_2379 = tpu.vector_load %arg14[%get3A_2378] {strides = array<i32>} : memref<1024xf32, #tpu.memory_space<vmem>>, vector<16xf32>,
      %add3A_2380 = arith.addf %mul3A_2377, %get3A_2379 : vector<16xf32>
      %get3A_2381 = arith.constant 464 : index
      %get3A_2382 = tpu.vector_load %arg13[%get3A_2381] {strides = array<i32>} : memref<1024xi32, #tpu.memory_space<vmem>>, vector<16xi32>,
      %eq3A_2383 = arith.constant -1 : i32
      %eq3A_2384 = vector.broadcast %eq3A_2383 : i32 to vector<16xi32>
      %eq3A_2385 = arith.cmpi eq, %get3A_2382, %eq3A_2384 : vector<16xi32>
      %select_n3A_2386 = arith.select %eq3A_2385, %broadcast_in_dim3A_263, %add3A_2380 : vector<16xi1>, vector<16xf32>
      %swap3A_2387 = arith.constant 464 : index
      %swap3A_2388 = tpu.vector_load %arg17[%swap3A_2387] {strides = array<i32>} : memref<1024xf32, #tpu.memory_space<vmem>>, vector<16xf32>,
      tpu.vector_store %arg17[%swap3A_2387], %select_n3A_2386 {strides = array<i32>} : memref<1024xf32, #tpu.memory_space<vmem>>, vector<16xf32>,
      %get3A_2389 = arith.constant 480 : index
      %get3A_2390 = tpu.vector_load %arg11[%get3A_2389] {strides = array<i32>} : memref<1024xi32, #tpu.memory_space<vmem>>, vector<16xi32>,
      %gather3A_2391 = tpu.vector_load_idx %arg18[%get3A_2390] : memref<512xf32, #tpu.memory_space<vmem>>[vector<16xi32>], vector<16xf32>,
      %mul3A_2392 = arith.constant 8.000000e-01 : f32
      %mul3A_2393 = vector.broadcast %mul3A_2392 : f32 to vector<16xf32>
      %mul3A_2394 = arith.mulf %gather3A_2391, %mul3A_2393 : vector<16xf32>
      %get3A_2395 = arith.constant 480 : index
      %get3A_2396 = tpu.vector_load %arg14[%get3A_2395] {strides = array<i32>} : memref<1024xf32, #tpu.memory_space<vmem>>, vector<16xf32>,
      %add3A_2397 = arith.addf %mul3A_2394, %get3A_2396 : vector<16xf32>
      %get3A_2398 = arith.constant 480 : index
      %get3A_2399 = tpu.vector_load %arg13[%get3A_2398] {strides = array<i32>} : memref<1024xi32, #tpu.memory_space<vmem>>, vector<16xi32>,
      %eq3A_2400 = arith.constant -1 : i32
      %eq3A_2401 = vector.broadcast %eq3A_2400 : i32 to vector<16xi32>
      %eq3A_2402 = arith.cmpi eq, %get3A_2399, %eq3A_2401 : vector<16xi32>
      %select_n3A_2403 = arith.select %eq3A_2402, %broadcast_in_dim3A_263, %add3A_2397 : vector<16xi1>, vector<16xf32>
      %swap3A_2404 = arith.constant 480 : index
      %swap3A_2405 = tpu.vector_load %arg17[%swap3A_2404] {strides = array<i32>} : memref<1024xf32, #tpu.memory_space<vmem>>, vector<16xf32>,
      tpu.vector_store %arg17[%swap3A_2404], %select_n3A_2403 {strides = array<i32>} : memref<1024xf32, #tpu.memory_space<vmem>>, vector<16xf32>,
      %get3A_2406 = arith.constant 496 : index
      %get3A_2407 = tpu.vector_load %arg11[%get3A_2406] {strides = array<i32>} : memref<1024xi32, #tpu.memory_space<vmem>>, vector<16xi32>,
      %gather3A_2408 = tpu.vector_load_idx %arg18[%get3A_2407] : memref<512xf32, #tpu.memory_space<vmem>>[vector<16xi32>], vector<16xf32>,
      %mul3A_2409 = arith.constant 8.000000e-01 : f32
      %mul3A_2410 = vector.broadcast %mul3A_2409 : f32 to vector<16xf32>
      %mul3A_2411 = arith.mulf %gather3A_2408, %mul3A_2410 : vector<16xf32>
      %get3A_2412 = arith.constant 496 : index
      %get3A_2413 = tpu.vector_load %arg14[%get3A_2412] {strides = array<i32>} : memref<1024xf32, #tpu.memory_space<vmem>>, vector<16xf32>,
      %add3A_2414 = arith.addf %mul3A_2411, %get3A_2413 : vector<16xf32>
      %get3A_2415 = arith.constant 496 : index
      %get3A_2416 = tpu.vector_load %arg13[%get3A_2415] {strides = array<i32>} : memref<1024xi32, #tpu.memory_space<vmem>>, vector<16xi32>,
      %eq3A_2417 = arith.constant -1 : i32
      %eq3A_2418 = vector.broadcast %eq3A_2417 : i32 to vector<16xi32>
      %eq3A_2419 = arith.cmpi eq, %get3A_2416, %eq3A_2418 : vector<16xi32>
      %select_n3A_2420 = arith.select %eq3A_2419, %broadcast_in_dim3A_263, %add3A_2414 : vector<16xi1>, vector<16xf32>
      %swap3A_2421 = arith.constant 496 : index
      %swap3A_2422 = tpu.vector_load %arg17[%swap3A_2421] {strides = array<i32>} : memref<1024xf32, #tpu.memory_space<vmem>>, vector<16xf32>,
      tpu.vector_store %arg17[%swap3A_2421], %select_n3A_2420 {strides = array<i32>} : memref<1024xf32, #tpu.memory_space<vmem>>, vector<16xf32>,
      %get3A_2423 = arith.constant 512 : index
      %get3A_2424 = tpu.vector_load %arg11[%get3A_2423] {strides = array<i32>} : memref<1024xi32, #tpu.memory_space<vmem>>, vector<16xi32>,
      %gather3A_2425 = tpu.vector_load_idx %arg18[%get3A_2424] : memref<512xf32, #tpu.memory_space<vmem>>[vector<16xi32>], vector<16xf32>,
      %mul3A_2426 = arith.constant 8.000000e-01 : f32
      %mul3A_2427 = vector.broadcast %mul3A_2426 : f32 to vector<16xf32>
      %mul3A_2428 = arith.mulf %gather3A_2425, %mul3A_2427 : vector<16xf32>
      %get3A_2429 = arith.constant 512 : index
      %get3A_2430 = tpu.vector_load %arg14[%get3A_2429] {strides = array<i32>} : memref<1024xf32, #tpu.memory_space<vmem>>, vector<16xf32>,
      %add3A_2431 = arith.addf %mul3A_2428, %get3A_2430 : vector<16xf32>
      %get3A_2432 = arith.constant 512 : index
      %get3A_2433 = tpu.vector_load %arg13[%get3A_2432] {strides = array<i32>} : memref<1024xi32, #tpu.memory_space<vmem>>, vector<16xi32>,
      %eq3A_2434 = arith.constant -1 : i32
      %eq3A_2435 = vector.broadcast %eq3A_2434 : i32 to vector<16xi32>
      %eq3A_2436 = arith.cmpi eq, %get3A_2433, %eq3A_2435 : vector<16xi32>
      %select_n3A_2437 = arith.select %eq3A_2436, %broadcast_in_dim3A_263, %add3A_2431 : vector<16xi1>, vector<16xf32>
      %swap3A_2438 = arith.constant 512 : index
      %swap3A_2439 = tpu.vector_load %arg17[%swap3A_2438] {strides = array<i32>} : memref<1024xf32, #tpu.memory_space<vmem>>, vector<16xf32>,
      tpu.vector_store %arg17[%swap3A_2438], %select_n3A_2437 {strides = array<i32>} : memref<1024xf32, #tpu.memory_space<vmem>>, vector<16xf32>,
      %get3A_2440 = arith.constant 528 : index
      %get3A_2441 = tpu.vector_load %arg11[%get3A_2440] {strides = array<i32>} : memref<1024xi32, #tpu.memory_space<vmem>>, vector<16xi32>,
      %gather3A_2442 = tpu.vector_load_idx %arg18[%get3A_2441] : memref<512xf32, #tpu.memory_space<vmem>>[vector<16xi32>], vector<16xf32>,
      %mul3A_2443 = arith.constant 8.000000e-01 : f32
      %mul3A_2444 = vector.broadcast %mul3A_2443 : f32 to vector<16xf32>
      %mul3A_2445 = arith.mulf %gather3A_2442, %mul3A_2444 : vector<16xf32>
      %get3A_2446 = arith.constant 528 : index
      %get3A_2447 = tpu.vector_load %arg14[%get3A_2446] {strides = array<i32>} : memref<1024xf32, #tpu.memory_space<vmem>>, vector<16xf32>,
      %add3A_2448 = arith.addf %mul3A_2445, %get3A_2447 : vector<16xf32>
      %get3A_2449 = arith.constant 528 : index
      %get3A_2450 = tpu.vector_load %arg13[%get3A_2449] {strides = array<i32>} : memref<1024xi32, #tpu.memory_space<vmem>>, vector<16xi32>,
      %eq3A_2451 = arith.constant -1 : i32
      %eq3A_2452 = vector.broadcast %eq3A_2451 : i32 to vector<16xi32>
      %eq3A_2453 = arith.cmpi eq, %get3A_2450, %eq3A_2452 : vector<16xi32>
      %select_n3A_2454 = arith.select %eq3A_2453, %broadcast_in_dim3A_263, %add3A_2448 : vector<16xi1>, vector<16xf32>
      %swap3A_2455 = arith.constant 528 : index
      %swap3A_2456 = tpu.vector_load %arg17[%swap3A_2455] {strides = array<i32>} : memref<1024xf32, #tpu.memory_space<vmem>>, vector<16xf32>,
      tpu.vector_store %arg17[%swap3A_2455], %select_n3A_2454 {strides = array<i32>} : memref<1024xf32, #tpu.memory_space<vmem>>, vector<16xf32>,
      %get3A_2457 = arith.constant 544 : index
      %get3A_2458 = tpu.vector_load %arg11[%get3A_2457] {strides = array<i32>} : memref<1024xi32, #tpu.memory_space<vmem>>, vector<16xi32>,
      %gather3A_2459 = tpu.vector_load_idx %arg18[%get3A_2458] : memref<512xf32, #tpu.memory_space<vmem>>[vector<16xi32>], vector<16xf32>,
      %mul3A_2460 = arith.constant 8.000000e-01 : f32
      %mul3A_2461 = vector.broadcast %mul3A_2460 : f32 to vector<16xf32>
      %mul3A_2462 = arith.mulf %gather3A_2459, %mul3A_2461 : vector<16xf32>
      %get3A_2463 = arith.constant 544 : index
      %get3A_2464 = tpu.vector_load %arg14[%get3A_2463] {strides = array<i32>} : memref<1024xf32, #tpu.memory_space<vmem>>, vector<16xf32>,
      %add3A_2465 = arith.addf %mul3A_2462, %get3A_2464 : vector<16xf32>
      %get3A_2466 = arith.constant 544 : index
      %get3A_2467 = tpu.vector_load %arg13[%get3A_2466] {strides = array<i32>} : memref<1024xi32, #tpu.memory_space<vmem>>, vector<16xi32>,
      %eq3A_2468 = arith.constant -1 : i32
      %eq3A_2469 = vector.broadcast %eq3A_2468 : i32 to vector<16xi32>
      %eq3A_2470 = arith.cmpi eq, %get3A_2467, %eq3A_2469 : vector<16xi32>
      %select_n3A_2471 = arith.select %eq3A_2470, %broadcast_in_dim3A_263, %add3A_2465 : vector<16xi1>, vector<16xf32>
      %swap3A_2472 = arith.constant 544 : index
      %swap3A_2473 = tpu.vector_load %arg17[%swap3A_2472] {strides = array<i32>} : memref<1024xf32, #tpu.memory_space<vmem>>, vector<16xf32>,
      tpu.vector_store %arg17[%swap3A_2472], %select_n3A_2471 {strides = array<i32>} : memref<1024xf32, #tpu.memory_space<vmem>>, vector<16xf32>,
      %get3A_2474 = arith.constant 560 : index
      %get3A_2475 = tpu.vector_load %arg11[%get3A_2474] {strides = array<i32>} : memref<1024xi32, #tpu.memory_space<vmem>>, vector<16xi32>,
      %gather3A_2476 = tpu.vector_load_idx %arg18[%get3A_2475] : memref<512xf32, #tpu.memory_space<vmem>>[vector<16xi32>], vector<16xf32>,
      %mul3A_2477 = arith.constant 8.000000e-01 : f32
      %mul3A_2478 = vector.broadcast %mul3A_2477 : f32 to vector<16xf32>
      %mul3A_2479 = arith.mulf %gather3A_2476, %mul3A_2478 : vector<16xf32>
      %get3A_2480 = arith.constant 560 : index
      %get3A_2481 = tpu.vector_load %arg14[%get3A_2480] {strides = array<i32>} : memref<1024xf32, #tpu.memory_space<vmem>>, vector<16xf32>,
      %add3A_2482 = arith.addf %mul3A_2479, %get3A_2481 : vector<16xf32>
      %get3A_2483 = arith.constant 560 : index
      %get3A_2484 = tpu.vector_load %arg13[%get3A_2483] {strides = array<i32>} : memref<1024xi32, #tpu.memory_space<vmem>>, vector<16xi32>,
      %eq3A_2485 = arith.constant -1 : i32
      %eq3A_2486 = vector.broadcast %eq3A_2485 : i32 to vector<16xi32>
      %eq3A_2487 = arith.cmpi eq, %get3A_2484, %eq3A_2486 : vector<16xi32>
      %select_n3A_2488 = arith.select %eq3A_2487, %broadcast_in_dim3A_263, %add3A_2482 : vector<16xi1>, vector<16xf32>
      %swap3A_2489 = arith.constant 560 : index
      %swap3A_2490 = tpu.vector_load %arg17[%swap3A_2489] {strides = array<i32>} : memref<1024xf32, #tpu.memory_space<vmem>>, vector<16xf32>,
      tpu.vector_store %arg17[%swap3A_2489], %select_n3A_2488 {strides = array<i32>} : memref<1024xf32, #tpu.memory_space<vmem>>, vector<16xf32>,
      %get3A_2491 = arith.constant 576 : index
      %get3A_2492 = tpu.vector_load %arg11[%get3A_2491] {strides = array<i32>} : memref<1024xi32, #tpu.memory_space<vmem>>, vector<16xi32>,
      %gather3A_2493 = tpu.vector_load_idx %arg18[%get3A_2492] : memref<512xf32, #tpu.memory_space<vmem>>[vector<16xi32>], vector<16xf32>,
      %mul3A_2494 = arith.constant 8.000000e-01 : f32
      %mul3A_2495 = vector.broadcast %mul3A_2494 : f32 to vector<16xf32>
      %mul3A_2496 = arith.mulf %gather3A_2493, %mul3A_2495 : vector<16xf32>
      %get3A_2497 = arith.constant 576 : index
      %get3A_2498 = tpu.vector_load %arg14[%get3A_2497] {strides = array<i32>} : memref<1024xf32, #tpu.memory_space<vmem>>, vector<16xf32>,
      %add3A_2499 = arith.addf %mul3A_2496, %get3A_2498 : vector<16xf32>
      %get3A_2500 = arith.constant 576 : index
      %get3A_2501 = tpu.vector_load %arg13[%get3A_2500] {strides = array<i32>} : memref<1024xi32, #tpu.memory_space<vmem>>, vector<16xi32>,
      %eq3A_2502 = arith.constant -1 : i32
      %eq3A_2503 = vector.broadcast %eq3A_2502 : i32 to vector<16xi32>
      %eq3A_2504 = arith.cmpi eq, %get3A_2501, %eq3A_2503 : vector<16xi32>
      %select_n3A_2505 = arith.select %eq3A_2504, %broadcast_in_dim3A_263, %add3A_2499 : vector<16xi1>, vector<16xf32>
      %swap3A_2506 = arith.constant 576 : index
      %swap3A_2507 = tpu.vector_load %arg17[%swap3A_2506] {strides = array<i32>} : memref<1024xf32, #tpu.memory_space<vmem>>, vector<16xf32>,
      tpu.vector_store %arg17[%swap3A_2506], %select_n3A_2505 {strides = array<i32>} : memref<1024xf32, #tpu.memory_space<vmem>>, vector<16xf32>,
      %get3A_2508 = arith.constant 592 : index
      %get3A_2509 = tpu.vector_load %arg11[%get3A_2508] {strides = array<i32>} : memref<1024xi32, #tpu.memory_space<vmem>>, vector<16xi32>,
      %gather3A_2510 = tpu.vector_load_idx %arg18[%get3A_2509] : memref<512xf32, #tpu.memory_space<vmem>>[vector<16xi32>], vector<16xf32>,
      %mul3A_2511 = arith.constant 8.000000e-01 : f32
      %mul3A_2512 = vector.broadcast %mul3A_2511 : f32 to vector<16xf32>
      %mul3A_2513 = arith.mulf %gather3A_2510, %mul3A_2512 : vector<16xf32>
      %get3A_2514 = arith.constant 592 : index
      %get3A_2515 = tpu.vector_load %arg14[%get3A_2514] {strides = array<i32>} : memref<1024xf32, #tpu.memory_space<vmem>>, vector<16xf32>,
      %add3A_2516 = arith.addf %mul3A_2513, %get3A_2515 : vector<16xf32>
      %get3A_2517 = arith.constant 592 : index
      %get3A_2518 = tpu.vector_load %arg13[%get3A_2517] {strides = array<i32>} : memref<1024xi32, #tpu.memory_space<vmem>>, vector<16xi32>,
      %eq3A_2519 = arith.constant -1 : i32
      %eq3A_2520 = vector.broadcast %eq3A_2519 : i32 to vector<16xi32>
      %eq3A_2521 = arith.cmpi eq, %get3A_2518, %eq3A_2520 : vector<16xi32>
      %select_n3A_2522 = arith.select %eq3A_2521, %broadcast_in_dim3A_263, %add3A_2516 : vector<16xi1>, vector<16xf32>
      %swap3A_2523 = arith.constant 592 : index
      %swap3A_2524 = tpu.vector_load %arg17[%swap3A_2523] {strides = array<i32>} : memref<1024xf32, #tpu.memory_space<vmem>>, vector<16xf32>,
      tpu.vector_store %arg17[%swap3A_2523], %select_n3A_2522 {strides = array<i32>} : memref<1024xf32, #tpu.memory_space<vmem>>, vector<16xf32>,
      %get3A_2525 = arith.constant 608 : index
      %get3A_2526 = tpu.vector_load %arg11[%get3A_2525] {strides = array<i32>} : memref<1024xi32, #tpu.memory_space<vmem>>, vector<16xi32>,
      %gather3A_2527 = tpu.vector_load_idx %arg18[%get3A_2526] : memref<512xf32, #tpu.memory_space<vmem>>[vector<16xi32>], vector<16xf32>,
      %mul3A_2528 = arith.constant 8.000000e-01 : f32
      %mul3A_2529 = vector.broadcast %mul3A_2528 : f32 to vector<16xf32>
      %mul3A_2530 = arith.mulf %gather3A_2527, %mul3A_2529 : vector<16xf32>
      %get3A_2531 = arith.constant 608 : index
      %get3A_2532 = tpu.vector_load %arg14[%get3A_2531] {strides = array<i32>} : memref<1024xf32, #tpu.memory_space<vmem>>, vector<16xf32>,
      %add3A_2533 = arith.addf %mul3A_2530, %get3A_2532 : vector<16xf32>
      %get3A_2534 = arith.constant 608 : index
      %get3A_2535 = tpu.vector_load %arg13[%get3A_2534] {strides = array<i32>} : memref<1024xi32, #tpu.memory_space<vmem>>, vector<16xi32>,
      %eq3A_2536 = arith.constant -1 : i32
      %eq3A_2537 = vector.broadcast %eq3A_2536 : i32 to vector<16xi32>
      %eq3A_2538 = arith.cmpi eq, %get3A_2535, %eq3A_2537 : vector<16xi32>
      %select_n3A_2539 = arith.select %eq3A_2538, %broadcast_in_dim3A_263, %add3A_2533 : vector<16xi1>, vector<16xf32>
      %swap3A_2540 = arith.constant 608 : index
      %swap3A_2541 = tpu.vector_load %arg17[%swap3A_2540] {strides = array<i32>} : memref<1024xf32, #tpu.memory_space<vmem>>, vector<16xf32>,
      tpu.vector_store %arg17[%swap3A_2540], %select_n3A_2539 {strides = array<i32>} : memref<1024xf32, #tpu.memory_space<vmem>>, vector<16xf32>,
      %get3A_2542 = arith.constant 624 : index
      %get3A_2543 = tpu.vector_load %arg11[%get3A_2542] {strides = array<i32>} : memref<1024xi32, #tpu.memory_space<vmem>>, vector<16xi32>,
      %gather3A_2544 = tpu.vector_load_idx %arg18[%get3A_2543] : memref<512xf32, #tpu.memory_space<vmem>>[vector<16xi32>], vector<16xf32>,
      %mul3A_2545 = arith.constant 8.000000e-01 : f32
      %mul3A_2546 = vector.broadcast %mul3A_2545 : f32 to vector<16xf32>
      %mul3A_2547 = arith.mulf %gather3A_2544, %mul3A_2546 : vector<16xf32>
      %get3A_2548 = arith.constant 624 : index
      %get3A_2549 = tpu.vector_load %arg14[%get3A_2548] {strides = array<i32>} : memref<1024xf32, #tpu.memory_space<vmem>>, vector<16xf32>,
      %add3A_2550 = arith.addf %mul3A_2547, %get3A_2549 : vector<16xf32>
      %get3A_2551 = arith.constant 624 : index
      %get3A_2552 = tpu.vector_load %arg13[%get3A_2551] {strides = array<i32>} : memref<1024xi32, #tpu.memory_space<vmem>>, vector<16xi32>,
      %eq3A_2553 = arith.constant -1 : i32
      %eq3A_2554 = vector.broadcast %eq3A_2553 : i32 to vector<16xi32>
      %eq3A_2555 = arith.cmpi eq, %get3A_2552, %eq3A_2554 : vector<16xi32>
      %select_n3A_2556 = arith.select %eq3A_2555, %broadcast_in_dim3A_263, %add3A_2550 : vector<16xi1>, vector<16xf32>
      %swap3A_2557 = arith.constant 624 : index
      %swap3A_2558 = tpu.vector_load %arg17[%swap3A_2557] {strides = array<i32>} : memref<1024xf32, #tpu.memory_space<vmem>>, vector<16xf32>,
      tpu.vector_store %arg17[%swap3A_2557], %select_n3A_2556 {strides = array<i32>} : memref<1024xf32, #tpu.memory_space<vmem>>, vector<16xf32>,
      %get3A_2559 = arith.constant 640 : index
      %get3A_2560 = tpu.vector_load %arg11[%get3A_2559] {strides = array<i32>} : memref<1024xi32, #tpu.memory_space<vmem>>, vector<16xi32>,
      %gather3A_2561 = tpu.vector_load_idx %arg18[%get3A_2560] : memref<512xf32, #tpu.memory_space<vmem>>[vector<16xi32>], vector<16xf32>,
      %mul3A_2562 = arith.constant 8.000000e-01 : f32
      %mul3A_2563 = vector.broadcast %mul3A_2562 : f32 to vector<16xf32>
      %mul3A_2564 = arith.mulf %gather3A_2561, %mul3A_2563 : vector<16xf32>
      %get3A_2565 = arith.constant 640 : index
      %get3A_2566 = tpu.vector_load %arg14[%get3A_2565] {strides = array<i32>} : memref<1024xf32, #tpu.memory_space<vmem>>, vector<16xf32>,
      %add3A_2567 = arith.addf %mul3A_2564, %get3A_2566 : vector<16xf32>
      %get3A_2568 = arith.constant 640 : index
      %get3A_2569 = tpu.vector_load %arg13[%get3A_2568] {strides = array<i32>} : memref<1024xi32, #tpu.memory_space<vmem>>, vector<16xi32>,
      %eq3A_2570 = arith.constant -1 : i32
      %eq3A_2571 = vector.broadcast %eq3A_2570 : i32 to vector<16xi32>
      %eq3A_2572 = arith.cmpi eq, %get3A_2569, %eq3A_2571 : vector<16xi32>
      %select_n3A_2573 = arith.select %eq3A_2572, %broadcast_in_dim3A_263, %add3A_2567 : vector<16xi1>, vector<16xf32>
      %swap3A_2574 = arith.constant 640 : index
      %swap3A_2575 = tpu.vector_load %arg17[%swap3A_2574] {strides = array<i32>} : memref<1024xf32, #tpu.memory_space<vmem>>, vector<16xf32>,
      tpu.vector_store %arg17[%swap3A_2574], %select_n3A_2573 {strides = array<i32>} : memref<1024xf32, #tpu.memory_space<vmem>>, vector<16xf32>,
      %get3A_2576 = arith.constant 656 : index
      %get3A_2577 = tpu.vector_load %arg11[%get3A_2576] {strides = array<i32>} : memref<1024xi32, #tpu.memory_space<vmem>>, vector<16xi32>,
      %gather3A_2578 = tpu.vector_load_idx %arg18[%get3A_2577] : memref<512xf32, #tpu.memory_space<vmem>>[vector<16xi32>], vector<16xf32>,
      %mul3A_2579 = arith.constant 8.000000e-01 : f32
      %mul3A_2580 = vector.broadcast %mul3A_2579 : f32 to vector<16xf32>
      %mul3A_2581 = arith.mulf %gather3A_2578, %mul3A_2580 : vector<16xf32>
      %get3A_2582 = arith.constant 656 : index
      %get3A_2583 = tpu.vector_load %arg14[%get3A_2582] {strides = array<i32>} : memref<1024xf32, #tpu.memory_space<vmem>>, vector<16xf32>,
      %add3A_2584 = arith.addf %mul3A_2581, %get3A_2583 : vector<16xf32>
      %get3A_2585 = arith.constant 656 : index
      %get3A_2586 = tpu.vector_load %arg13[%get3A_2585] {strides = array<i32>} : memref<1024xi32, #tpu.memory_space<vmem>>, vector<16xi32>,
      %eq3A_2587 = arith.constant -1 : i32
      %eq3A_2588 = vector.broadcast %eq3A_2587 : i32 to vector<16xi32>
      %eq3A_2589 = arith.cmpi eq, %get3A_2586, %eq3A_2588 : vector<16xi32>
      %select_n3A_2590 = arith.select %eq3A_2589, %broadcast_in_dim3A_263, %add3A_2584 : vector<16xi1>, vector<16xf32>
      %swap3A_2591 = arith.constant 656 : index
      %swap3A_2592 = tpu.vector_load %arg17[%swap3A_2591] {strides = array<i32>} : memref<1024xf32, #tpu.memory_space<vmem>>, vector<16xf32>,
      tpu.vector_store %arg17[%swap3A_2591], %select_n3A_2590 {strides = array<i32>} : memref<1024xf32, #tpu.memory_space<vmem>>, vector<16xf32>,
      %get3A_2593 = arith.constant 672 : index
      %get3A_2594 = tpu.vector_load %arg11[%get3A_2593] {strides = array<i32>} : memref<1024xi32, #tpu.memory_space<vmem>>, vector<16xi32>,
      %gather3A_2595 = tpu.vector_load_idx %arg18[%get3A_2594] : memref<512xf32, #tpu.memory_space<vmem>>[vector<16xi32>], vector<16xf32>,
      %mul3A_2596 = arith.constant 8.000000e-01 : f32
      %mul3A_2597 = vector.broadcast %mul3A_2596 : f32 to vector<16xf32>
      %mul3A_2598 = arith.mulf %gather3A_2595, %mul3A_2597 : vector<16xf32>
      %get3A_2599 = arith.constant 672 : index
      %get3A_2600 = tpu.vector_load %arg14[%get3A_2599] {strides = array<i32>} : memref<1024xf32, #tpu.memory_space<vmem>>, vector<16xf32>,
      %add3A_2601 = arith.addf %mul3A_2598, %get3A_2600 : vector<16xf32>
      %get3A_2602 = arith.constant 672 : index
      %get3A_2603 = tpu.vector_load %arg13[%get3A_2602] {strides = array<i32>} : memref<1024xi32, #tpu.memory_space<vmem>>, vector<16xi32>,
      %eq3A_2604 = arith.constant -1 : i32
      %eq3A_2605 = vector.broadcast %eq3A_2604 : i32 to vector<16xi32>
      %eq3A_2606 = arith.cmpi eq, %get3A_2603, %eq3A_2605 : vector<16xi32>
      %select_n3A_2607 = arith.select %eq3A_2606, %broadcast_in_dim3A_263, %add3A_2601 : vector<16xi1>, vector<16xf32>
      %swap3A_2608 = arith.constant 672 : index
      %swap3A_2609 = tpu.vector_load %arg17[%swap3A_2608] {strides = array<i32>} : memref<1024xf32, #tpu.memory_space<vmem>>, vector<16xf32>,
      tpu.vector_store %arg17[%swap3A_2608], %select_n3A_2607 {strides = array<i32>} : memref<1024xf32, #tpu.memory_space<vmem>>, vector<16xf32>,
      %get3A_2610 = arith.constant 688 : index
      %get3A_2611 = tpu.vector_load %arg11[%get3A_2610] {strides = array<i32>} : memref<1024xi32, #tpu.memory_space<vmem>>, vector<16xi32>,
      %gather3A_2612 = tpu.vector_load_idx %arg18[%get3A_2611] : memref<512xf32, #tpu.memory_space<vmem>>[vector<16xi32>], vector<16xf32>,
      %mul3A_2613 = arith.constant 8.000000e-01 : f32
      %mul3A_2614 = vector.broadcast %mul3A_2613 : f32 to vector<16xf32>
      %mul3A_2615 = arith.mulf %gather3A_2612, %mul3A_2614 : vector<16xf32>
      %get3A_2616 = arith.constant 688 : index
      %get3A_2617 = tpu.vector_load %arg14[%get3A_2616] {strides = array<i32>} : memref<1024xf32, #tpu.memory_space<vmem>>, vector<16xf32>,
      %add3A_2618 = arith.addf %mul3A_2615, %get3A_2617 : vector<16xf32>
      %get3A_2619 = arith.constant 688 : index
      %get3A_2620 = tpu.vector_load %arg13[%get3A_2619] {strides = array<i32>} : memref<1024xi32, #tpu.memory_space<vmem>>, vector<16xi32>,
      %eq3A_2621 = arith.constant -1 : i32
      %eq3A_2622 = vector.broadcast %eq3A_2621 : i32 to vector<16xi32>
      %eq3A_2623 = arith.cmpi eq, %get3A_2620, %eq3A_2622 : vector<16xi32>
      %select_n3A_2624 = arith.select %eq3A_2623, %broadcast_in_dim3A_263, %add3A_2618 : vector<16xi1>, vector<16xf32>
      %swap3A_2625 = arith.constant 688 : index
      %swap3A_2626 = tpu.vector_load %arg17[%swap3A_2625] {strides = array<i32>} : memref<1024xf32, #tpu.memory_space<vmem>>, vector<16xf32>,
      tpu.vector_store %arg17[%swap3A_2625], %select_n3A_2624 {strides = array<i32>} : memref<1024xf32, #tpu.memory_space<vmem>>, vector<16xf32>,
      %get3A_2627 = arith.constant 704 : index
      %get3A_2628 = tpu.vector_load %arg11[%get3A_2627] {strides = array<i32>} : memref<1024xi32, #tpu.memory_space<vmem>>, vector<16xi32>,
      %gather3A_2629 = tpu.vector_load_idx %arg18[%get3A_2628] : memref<512xf32, #tpu.memory_space<vmem>>[vector<16xi32>], vector<16xf32>,
      %mul3A_2630 = arith.constant 8.000000e-01 : f32
      %mul3A_2631 = vector.broadcast %mul3A_2630 : f32 to vector<16xf32>
      %mul3A_2632 = arith.mulf %gather3A_2629, %mul3A_2631 : vector<16xf32>
      %get3A_2633 = arith.constant 704 : index
      %get3A_2634 = tpu.vector_load %arg14[%get3A_2633] {strides = array<i32>} : memref<1024xf32, #tpu.memory_space<vmem>>, vector<16xf32>,
      %add3A_2635 = arith.addf %mul3A_2632, %get3A_2634 : vector<16xf32>
      %get3A_2636 = arith.constant 704 : index
      %get3A_2637 = tpu.vector_load %arg13[%get3A_2636] {strides = array<i32>} : memref<1024xi32, #tpu.memory_space<vmem>>, vector<16xi32>,
      %eq3A_2638 = arith.constant -1 : i32
      %eq3A_2639 = vector.broadcast %eq3A_2638 : i32 to vector<16xi32>
      %eq3A_2640 = arith.cmpi eq, %get3A_2637, %eq3A_2639 : vector<16xi32>
      %select_n3A_2641 = arith.select %eq3A_2640, %broadcast_in_dim3A_263, %add3A_2635 : vector<16xi1>, vector<16xf32>
      %swap3A_2642 = arith.constant 704 : index
      %swap3A_2643 = tpu.vector_load %arg17[%swap3A_2642] {strides = array<i32>} : memref<1024xf32, #tpu.memory_space<vmem>>, vector<16xf32>,
      tpu.vector_store %arg17[%swap3A_2642], %select_n3A_2641 {strides = array<i32>} : memref<1024xf32, #tpu.memory_space<vmem>>, vector<16xf32>,
      %get3A_2644 = arith.constant 720 : index
      %get3A_2645 = tpu.vector_load %arg11[%get3A_2644] {strides = array<i32>} : memref<1024xi32, #tpu.memory_space<vmem>>, vector<16xi32>,
      %gather3A_2646 = tpu.vector_load_idx %arg18[%get3A_2645] : memref<512xf32, #tpu.memory_space<vmem>>[vector<16xi32>], vector<16xf32>,
      %mul3A_2647 = arith.constant 8.000000e-01 : f32
      %mul3A_2648 = vector.broadcast %mul3A_2647 : f32 to vector<16xf32>
      %mul3A_2649 = arith.mulf %gather3A_2646, %mul3A_2648 : vector<16xf32>
      %get3A_2650 = arith.constant 720 : index
      %get3A_2651 = tpu.vector_load %arg14[%get3A_2650] {strides = array<i32>} : memref<1024xf32, #tpu.memory_space<vmem>>, vector<16xf32>,
      %add3A_2652 = arith.addf %mul3A_2649, %get3A_2651 : vector<16xf32>
      %get3A_2653 = arith.constant 720 : index
      %get3A_2654 = tpu.vector_load %arg13[%get3A_2653] {strides = array<i32>} : memref<1024xi32, #tpu.memory_space<vmem>>, vector<16xi32>,
      %eq3A_2655 = arith.constant -1 : i32
      %eq3A_2656 = vector.broadcast %eq3A_2655 : i32 to vector<16xi32>
      %eq3A_2657 = arith.cmpi eq, %get3A_2654, %eq3A_2656 : vector<16xi32>
      %select_n3A_2658 = arith.select %eq3A_2657, %broadcast_in_dim3A_263, %add3A_2652 : vector<16xi1>, vector<16xf32>
      %swap3A_2659 = arith.constant 720 : index
      %swap3A_2660 = tpu.vector_load %arg17[%swap3A_2659] {strides = array<i32>} : memref<1024xf32, #tpu.memory_space<vmem>>, vector<16xf32>,
      tpu.vector_store %arg17[%swap3A_2659], %select_n3A_2658 {strides = array<i32>} : memref<1024xf32, #tpu.memory_space<vmem>>, vector<16xf32>,
      %get3A_2661 = arith.constant 736 : index
      %get3A_2662 = tpu.vector_load %arg11[%get3A_2661] {strides = array<i32>} : memref<1024xi32, #tpu.memory_space<vmem>>, vector<16xi32>,
      %gather3A_2663 = tpu.vector_load_idx %arg18[%get3A_2662] : memref<512xf32, #tpu.memory_space<vmem>>[vector<16xi32>], vector<16xf32>,
      %mul3A_2664 = arith.constant 8.000000e-01 : f32
      %mul3A_2665 = vector.broadcast %mul3A_2664 : f32 to vector<16xf32>
      %mul3A_2666 = arith.mulf %gather3A_2663, %mul3A_2665 : vector<16xf32>
      %get3A_2667 = arith.constant 736 : index
      %get3A_2668 = tpu.vector_load %arg14[%get3A_2667] {strides = array<i32>} : memref<1024xf32, #tpu.memory_space<vmem>>, vector<16xf32>,
      %add3A_2669 = arith.addf %mul3A_2666, %get3A_2668 : vector<16xf32>
      %get3A_2670 = arith.constant 736 : index
      %get3A_2671 = tpu.vector_load %arg13[%get3A_2670] {strides = array<i32>} : memref<1024xi32, #tpu.memory_space<vmem>>, vector<16xi32>,
      %eq3A_2672 = arith.constant -1 : i32
      %eq3A_2673 = vector.broadcast %eq3A_2672 : i32 to vector<16xi32>
      %eq3A_2674 = arith.cmpi eq, %get3A_2671, %eq3A_2673 : vector<16xi32>
      %select_n3A_2675 = arith.select %eq3A_2674, %broadcast_in_dim3A_263, %add3A_2669 : vector<16xi1>, vector<16xf32>
      %swap3A_2676 = arith.constant 736 : index
      %swap3A_2677 = tpu.vector_load %arg17[%swap3A_2676] {strides = array<i32>} : memref<1024xf32, #tpu.memory_space<vmem>>, vector<16xf32>,
      tpu.vector_store %arg17[%swap3A_2676], %select_n3A_2675 {strides = array<i32>} : memref<1024xf32, #tpu.memory_space<vmem>>, vector<16xf32>,
      %get3A_2678 = arith.constant 752 : index
      %get3A_2679 = tpu.vector_load %arg11[%get3A_2678] {strides = array<i32>} : memref<1024xi32, #tpu.memory_space<vmem>>, vector<16xi32>,
      %gather3A_2680 = tpu.vector_load_idx %arg18[%get3A_2679] : memref<512xf32, #tpu.memory_space<vmem>>[vector<16xi32>], vector<16xf32>,
      %mul3A_2681 = arith.constant 8.000000e-01 : f32
      %mul3A_2682 = vector.broadcast %mul3A_2681 : f32 to vector<16xf32>
      %mul3A_2683 = arith.mulf %gather3A_2680, %mul3A_2682 : vector<16xf32>
      %get3A_2684 = arith.constant 752 : index
      %get3A_2685 = tpu.vector_load %arg14[%get3A_2684] {strides = array<i32>} : memref<1024xf32, #tpu.memory_space<vmem>>, vector<16xf32>,
      %add3A_2686 = arith.addf %mul3A_2683, %get3A_2685 : vector<16xf32>
      %get3A_2687 = arith.constant 752 : index
      %get3A_2688 = tpu.vector_load %arg13[%get3A_2687] {strides = array<i32>} : memref<1024xi32, #tpu.memory_space<vmem>>, vector<16xi32>,
      %eq3A_2689 = arith.constant -1 : i32
      %eq3A_2690 = vector.broadcast %eq3A_2689 : i32 to vector<16xi32>
      %eq3A_2691 = arith.cmpi eq, %get3A_2688, %eq3A_2690 : vector<16xi32>
      %select_n3A_2692 = arith.select %eq3A_2691, %broadcast_in_dim3A_263, %add3A_2686 : vector<16xi1>, vector<16xf32>
      %swap3A_2693 = arith.constant 752 : index
      %swap3A_2694 = tpu.vector_load %arg17[%swap3A_2693] {strides = array<i32>} : memref<1024xf32, #tpu.memory_space<vmem>>, vector<16xf32>,
      tpu.vector_store %arg17[%swap3A_2693], %select_n3A_2692 {strides = array<i32>} : memref<1024xf32, #tpu.memory_space<vmem>>, vector<16xf32>,
      %get3A_2695 = arith.constant 768 : index
      %get3A_2696 = tpu.vector_load %arg11[%get3A_2695] {strides = array<i32>} : memref<1024xi32, #tpu.memory_space<vmem>>, vector<16xi32>,
      %gather3A_2697 = tpu.vector_load_idx %arg18[%get3A_2696] : memref<512xf32, #tpu.memory_space<vmem>>[vector<16xi32>], vector<16xf32>,
      %mul3A_2698 = arith.constant 8.000000e-01 : f32
      %mul3A_2699 = vector.broadcast %mul3A_2698 : f32 to vector<16xf32>
      %mul3A_2700 = arith.mulf %gather3A_2697, %mul3A_2699 : vector<16xf32>
      %get3A_2701 = arith.constant 768 : index
      %get3A_2702 = tpu.vector_load %arg14[%get3A_2701] {strides = array<i32>} : memref<1024xf32, #tpu.memory_space<vmem>>, vector<16xf32>,
      %add3A_2703 = arith.addf %mul3A_2700, %get3A_2702 : vector<16xf32>
      %get3A_2704 = arith.constant 768 : index
      %get3A_2705 = tpu.vector_load %arg13[%get3A_2704] {strides = array<i32>} : memref<1024xi32, #tpu.memory_space<vmem>>, vector<16xi32>,
      %eq3A_2706 = arith.constant -1 : i32
      %eq3A_2707 = vector.broadcast %eq3A_2706 : i32 to vector<16xi32>
      %eq3A_2708 = arith.cmpi eq, %get3A_2705, %eq3A_2707 : vector<16xi32>
      %select_n3A_2709 = arith.select %eq3A_2708, %broadcast_in_dim3A_263, %add3A_2703 : vector<16xi1>, vector<16xf32>
      %swap3A_2710 = arith.constant 768 : index
      %swap3A_2711 = tpu.vector_load %arg17[%swap3A_2710] {strides = array<i32>} : memref<1024xf32, #tpu.memory_space<vmem>>, vector<16xf32>,
      tpu.vector_store %arg17[%swap3A_2710], %select_n3A_2709 {strides = array<i32>} : memref<1024xf32, #tpu.memory_space<vmem>>, vector<16xf32>,
      %get3A_2712 = arith.constant 784 : index
      %get3A_2713 = tpu.vector_load %arg11[%get3A_2712] {strides = array<i32>} : memref<1024xi32, #tpu.memory_space<vmem>>, vector<16xi32>,
      %gather3A_2714 = tpu.vector_load_idx %arg18[%get3A_2713] : memref<512xf32, #tpu.memory_space<vmem>>[vector<16xi32>], vector<16xf32>,
      %mul3A_2715 = arith.constant 8.000000e-01 : f32
      %mul3A_2716 = vector.broadcast %mul3A_2715 : f32 to vector<16xf32>
      %mul3A_2717 = arith.mulf %gather3A_2714, %mul3A_2716 : vector<16xf32>
      %get3A_2718 = arith.constant 784 : index
      %get3A_2719 = tpu.vector_load %arg14[%get3A_2718] {strides = array<i32>} : memref<1024xf32, #tpu.memory_space<vmem>>, vector<16xf32>,
      %add3A_2720 = arith.addf %mul3A_2717, %get3A_2719 : vector<16xf32>
      %get3A_2721 = arith.constant 784 : index
      %get3A_2722 = tpu.vector_load %arg13[%get3A_2721] {strides = array<i32>} : memref<1024xi32, #tpu.memory_space<vmem>>, vector<16xi32>,
      %eq3A_2723 = arith.constant -1 : i32
      %eq3A_2724 = vector.broadcast %eq3A_2723 : i32 to vector<16xi32>
      %eq3A_2725 = arith.cmpi eq, %get3A_2722, %eq3A_2724 : vector<16xi32>
      %select_n3A_2726 = arith.select %eq3A_2725, %broadcast_in_dim3A_263, %add3A_2720 : vector<16xi1>, vector<16xf32>
      %swap3A_2727 = arith.constant 784 : index
      %swap3A_2728 = tpu.vector_load %arg17[%swap3A_2727] {strides = array<i32>} : memref<1024xf32, #tpu.memory_space<vmem>>, vector<16xf32>,
      tpu.vector_store %arg17[%swap3A_2727], %select_n3A_2726 {strides = array<i32>} : memref<1024xf32, #tpu.memory_space<vmem>>, vector<16xf32>,
      %get3A_2729 = arith.constant 800 : index
      %get3A_2730 = tpu.vector_load %arg11[%get3A_2729] {strides = array<i32>} : memref<1024xi32, #tpu.memory_space<vmem>>, vector<16xi32>,
      %gather3A_2731 = tpu.vector_load_idx %arg18[%get3A_2730] : memref<512xf32, #tpu.memory_space<vmem>>[vector<16xi32>], vector<16xf32>,
      %mul3A_2732 = arith.constant 8.000000e-01 : f32
      %mul3A_2733 = vector.broadcast %mul3A_2732 : f32 to vector<16xf32>
      %mul3A_2734 = arith.mulf %gather3A_2731, %mul3A_2733 : vector<16xf32>
      %get3A_2735 = arith.constant 800 : index
      %get3A_2736 = tpu.vector_load %arg14[%get3A_2735] {strides = array<i32>} : memref<1024xf32, #tpu.memory_space<vmem>>, vector<16xf32>,
      %add3A_2737 = arith.addf %mul3A_2734, %get3A_2736 : vector<16xf32>
      %get3A_2738 = arith.constant 800 : index
      %get3A_2739 = tpu.vector_load %arg13[%get3A_2738] {strides = array<i32>} : memref<1024xi32, #tpu.memory_space<vmem>>, vector<16xi32>,
      %eq3A_2740 = arith.constant -1 : i32
      %eq3A_2741 = vector.broadcast %eq3A_2740 : i32 to vector<16xi32>
      %eq3A_2742 = arith.cmpi eq, %get3A_2739, %eq3A_2741 : vector<16xi32>
      %select_n3A_2743 = arith.select %eq3A_2742, %broadcast_in_dim3A_263, %add3A_2737 : vector<16xi1>, vector<16xf32>
      %swap3A_2744 = arith.constant 800 : index
      %swap3A_2745 = tpu.vector_load %arg17[%swap3A_2744] {strides = array<i32>} : memref<1024xf32, #tpu.memory_space<vmem>>, vector<16xf32>,
      tpu.vector_store %arg17[%swap3A_2744], %select_n3A_2743 {strides = array<i32>} : memref<1024xf32, #tpu.memory_space<vmem>>, vector<16xf32>,
      %get3A_2746 = arith.constant 816 : index
      %get3A_2747 = tpu.vector_load %arg11[%get3A_2746] {strides = array<i32>} : memref<1024xi32, #tpu.memory_space<vmem>>, vector<16xi32>,
      %gather3A_2748 = tpu.vector_load_idx %arg18[%get3A_2747] : memref<512xf32, #tpu.memory_space<vmem>>[vector<16xi32>], vector<16xf32>,
      %mul3A_2749 = arith.constant 8.000000e-01 : f32
      %mul3A_2750 = vector.broadcast %mul3A_2749 : f32 to vector<16xf32>
      %mul3A_2751 = arith.mulf %gather3A_2748, %mul3A_2750 : vector<16xf32>
      %get3A_2752 = arith.constant 816 : index
      %get3A_2753 = tpu.vector_load %arg14[%get3A_2752] {strides = array<i32>} : memref<1024xf32, #tpu.memory_space<vmem>>, vector<16xf32>,
      %add3A_2754 = arith.addf %mul3A_2751, %get3A_2753 : vector<16xf32>
      %get3A_2755 = arith.constant 816 : index
      %get3A_2756 = tpu.vector_load %arg13[%get3A_2755] {strides = array<i32>} : memref<1024xi32, #tpu.memory_space<vmem>>, vector<16xi32>,
      %eq3A_2757 = arith.constant -1 : i32
      %eq3A_2758 = vector.broadcast %eq3A_2757 : i32 to vector<16xi32>
      %eq3A_2759 = arith.cmpi eq, %get3A_2756, %eq3A_2758 : vector<16xi32>
      %select_n3A_2760 = arith.select %eq3A_2759, %broadcast_in_dim3A_263, %add3A_2754 : vector<16xi1>, vector<16xf32>
      %swap3A_2761 = arith.constant 816 : index
      %swap3A_2762 = tpu.vector_load %arg17[%swap3A_2761] {strides = array<i32>} : memref<1024xf32, #tpu.memory_space<vmem>>, vector<16xf32>,
      tpu.vector_store %arg17[%swap3A_2761], %select_n3A_2760 {strides = array<i32>} : memref<1024xf32, #tpu.memory_space<vmem>>, vector<16xf32>,
      %get3A_2763 = arith.constant 832 : index
      %get3A_2764 = tpu.vector_load %arg11[%get3A_2763] {strides = array<i32>} : memref<1024xi32, #tpu.memory_space<vmem>>, vector<16xi32>,
      %gather3A_2765 = tpu.vector_load_idx %arg18[%get3A_2764] : memref<512xf32, #tpu.memory_space<vmem>>[vector<16xi32>], vector<16xf32>,
      %mul3A_2766 = arith.constant 8.000000e-01 : f32
      %mul3A_2767 = vector.broadcast %mul3A_2766 : f32 to vector<16xf32>
      %mul3A_2768 = arith.mulf %gather3A_2765, %mul3A_2767 : vector<16xf32>
      %get3A_2769 = arith.constant 832 : index
      %get3A_2770 = tpu.vector_load %arg14[%get3A_2769] {strides = array<i32>} : memref<1024xf32, #tpu.memory_space<vmem>>, vector<16xf32>,
      %add3A_2771 = arith.addf %mul3A_2768, %get3A_2770 : vector<16xf32>
      %get3A_2772 = arith.constant 832 : index
      %get3A_2773 = tpu.vector_load %arg13[%get3A_2772] {strides = array<i32>} : memref<1024xi32, #tpu.memory_space<vmem>>, vector<16xi32>,
      %eq3A_2774 = arith.constant -1 : i32
      %eq3A_2775 = vector.broadcast %eq3A_2774 : i32 to vector<16xi32>
      %eq3A_2776 = arith.cmpi eq, %get3A_2773, %eq3A_2775 : vector<16xi32>
      %select_n3A_2777 = arith.select %eq3A_2776, %broadcast_in_dim3A_263, %add3A_2771 : vector<16xi1>, vector<16xf32>
      %swap3A_2778 = arith.constant 832 : index
      %swap3A_2779 = tpu.vector_load %arg17[%swap3A_2778] {strides = array<i32>} : memref<1024xf32, #tpu.memory_space<vmem>>, vector<16xf32>,
      tpu.vector_store %arg17[%swap3A_2778], %select_n3A_2777 {strides = array<i32>} : memref<1024xf32, #tpu.memory_space<vmem>>, vector<16xf32>,
      %get3A_2780 = arith.constant 848 : index
      %get3A_2781 = tpu.vector_load %arg11[%get3A_2780] {strides = array<i32>} : memref<1024xi32, #tpu.memory_space<vmem>>, vector<16xi32>,
      %gather3A_2782 = tpu.vector_load_idx %arg18[%get3A_2781] : memref<512xf32, #tpu.memory_space<vmem>>[vector<16xi32>], vector<16xf32>,
      %mul3A_2783 = arith.constant 8.000000e-01 : f32
      %mul3A_2784 = vector.broadcast %mul3A_2783 : f32 to vector<16xf32>
      %mul3A_2785 = arith.mulf %gather3A_2782, %mul3A_2784 : vector<16xf32>
      %get3A_2786 = arith.constant 848 : index
      %get3A_2787 = tpu.vector_load %arg14[%get3A_2786] {strides = array<i32>} : memref<1024xf32, #tpu.memory_space<vmem>>, vector<16xf32>,
      %add3A_2788 = arith.addf %mul3A_2785, %get3A_2787 : vector<16xf32>
      %get3A_2789 = arith.constant 848 : index
      %get3A_2790 = tpu.vector_load %arg13[%get3A_2789] {strides = array<i32>} : memref<1024xi32, #tpu.memory_space<vmem>>, vector<16xi32>,
      %eq3A_2791 = arith.constant -1 : i32
      %eq3A_2792 = vector.broadcast %eq3A_2791 : i32 to vector<16xi32>
      %eq3A_2793 = arith.cmpi eq, %get3A_2790, %eq3A_2792 : vector<16xi32>
      %select_n3A_2794 = arith.select %eq3A_2793, %broadcast_in_dim3A_263, %add3A_2788 : vector<16xi1>, vector<16xf32>
      %swap3A_2795 = arith.constant 848 : index
      %swap3A_2796 = tpu.vector_load %arg17[%swap3A_2795] {strides = array<i32>} : memref<1024xf32, #tpu.memory_space<vmem>>, vector<16xf32>,
      tpu.vector_store %arg17[%swap3A_2795], %select_n3A_2794 {strides = array<i32>} : memref<1024xf32, #tpu.memory_space<vmem>>, vector<16xf32>,
      %get3A_2797 = arith.constant 864 : index
      %get3A_2798 = tpu.vector_load %arg11[%get3A_2797] {strides = array<i32>} : memref<1024xi32, #tpu.memory_space<vmem>>, vector<16xi32>,
      %gather3A_2799 = tpu.vector_load_idx %arg18[%get3A_2798] : memref<512xf32, #tpu.memory_space<vmem>>[vector<16xi32>], vector<16xf32>,
      %mul3A_2800 = arith.constant 8.000000e-01 : f32
      %mul3A_2801 = vector.broadcast %mul3A_2800 : f32 to vector<16xf32>
      %mul3A_2802 = arith.mulf %gather3A_2799, %mul3A_2801 : vector<16xf32>
      %get3A_2803 = arith.constant 864 : index
      %get3A_2804 = tpu.vector_load %arg14[%get3A_2803] {strides = array<i32>} : memref<1024xf32, #tpu.memory_space<vmem>>, vector<16xf32>,
      %add3A_2805 = arith.addf %mul3A_2802, %get3A_2804 : vector<16xf32>
      %get3A_2806 = arith.constant 864 : index
      %get3A_2807 = tpu.vector_load %arg13[%get3A_2806] {strides = array<i32>} : memref<1024xi32, #tpu.memory_space<vmem>>, vector<16xi32>,
      %eq3A_2808 = arith.constant -1 : i32
      %eq3A_2809 = vector.broadcast %eq3A_2808 : i32 to vector<16xi32>
      %eq3A_2810 = arith.cmpi eq, %get3A_2807, %eq3A_2809 : vector<16xi32>
      %select_n3A_2811 = arith.select %eq3A_2810, %broadcast_in_dim3A_263, %add3A_2805 : vector<16xi1>, vector<16xf32>
      %swap3A_2812 = arith.constant 864 : index
      %swap3A_2813 = tpu.vector_load %arg17[%swap3A_2812] {strides = array<i32>} : memref<1024xf32, #tpu.memory_space<vmem>>, vector<16xf32>,
      tpu.vector_store %arg17[%swap3A_2812], %select_n3A_2811 {strides = array<i32>} : memref<1024xf32, #tpu.memory_space<vmem>>, vector<16xf32>,
      %get3A_2814 = arith.constant 880 : index
      %get3A_2815 = tpu.vector_load %arg11[%get3A_2814] {strides = array<i32>} : memref<1024xi32, #tpu.memory_space<vmem>>, vector<16xi32>,
      %gather3A_2816 = tpu.vector_load_idx %arg18[%get3A_2815] : memref<512xf32, #tpu.memory_space<vmem>>[vector<16xi32>], vector<16xf32>,
      %mul3A_2817 = arith.constant 8.000000e-01 : f32
      %mul3A_2818 = vector.broadcast %mul3A_2817 : f32 to vector<16xf32>
      %mul3A_2819 = arith.mulf %gather3A_2816, %mul3A_2818 : vector<16xf32>
      %get3A_2820 = arith.constant 880 : index
      %get3A_2821 = tpu.vector_load %arg14[%get3A_2820] {strides = array<i32>} : memref<1024xf32, #tpu.memory_space<vmem>>, vector<16xf32>,
      %add3A_2822 = arith.addf %mul3A_2819, %get3A_2821 : vector<16xf32>
      %get3A_2823 = arith.constant 880 : index
      %get3A_2824 = tpu.vector_load %arg13[%get3A_2823] {strides = array<i32>} : memref<1024xi32, #tpu.memory_space<vmem>>, vector<16xi32>,
      %eq3A_2825 = arith.constant -1 : i32
      %eq3A_2826 = vector.broadcast %eq3A_2825 : i32 to vector<16xi32>
      %eq3A_2827 = arith.cmpi eq, %get3A_2824, %eq3A_2826 : vector<16xi32>
      %select_n3A_2828 = arith.select %eq3A_2827, %broadcast_in_dim3A_263, %add3A_2822 : vector<16xi1>, vector<16xf32>
      %swap3A_2829 = arith.constant 880 : index
      %swap3A_2830 = tpu.vector_load %arg17[%swap3A_2829] {strides = array<i32>} : memref<1024xf32, #tpu.memory_space<vmem>>, vector<16xf32>,
      tpu.vector_store %arg17[%swap3A_2829], %select_n3A_2828 {strides = array<i32>} : memref<1024xf32, #tpu.memory_space<vmem>>, vector<16xf32>,
      %get3A_2831 = arith.constant 896 : index
      %get3A_2832 = tpu.vector_load %arg11[%get3A_2831] {strides = array<i32>} : memref<1024xi32, #tpu.memory_space<vmem>>, vector<16xi32>,
      %gather3A_2833 = tpu.vector_load_idx %arg18[%get3A_2832] : memref<512xf32, #tpu.memory_space<vmem>>[vector<16xi32>], vector<16xf32>,
      %mul3A_2834 = arith.constant 8.000000e-01 : f32
      %mul3A_2835 = vector.broadcast %mul3A_2834 : f32 to vector<16xf32>
      %mul3A_2836 = arith.mulf %gather3A_2833, %mul3A_2835 : vector<16xf32>
      %get3A_2837 = arith.constant 896 : index
      %get3A_2838 = tpu.vector_load %arg14[%get3A_2837] {strides = array<i32>} : memref<1024xf32, #tpu.memory_space<vmem>>, vector<16xf32>,
      %add3A_2839 = arith.addf %mul3A_2836, %get3A_2838 : vector<16xf32>
      %get3A_2840 = arith.constant 896 : index
      %get3A_2841 = tpu.vector_load %arg13[%get3A_2840] {strides = array<i32>} : memref<1024xi32, #tpu.memory_space<vmem>>, vector<16xi32>,
      %eq3A_2842 = arith.constant -1 : i32
      %eq3A_2843 = vector.broadcast %eq3A_2842 : i32 to vector<16xi32>
      %eq3A_2844 = arith.cmpi eq, %get3A_2841, %eq3A_2843 : vector<16xi32>
      %select_n3A_2845 = arith.select %eq3A_2844, %broadcast_in_dim3A_263, %add3A_2839 : vector<16xi1>, vector<16xf32>
      %swap3A_2846 = arith.constant 896 : index
      %swap3A_2847 = tpu.vector_load %arg17[%swap3A_2846] {strides = array<i32>} : memref<1024xf32, #tpu.memory_space<vmem>>, vector<16xf32>,
      tpu.vector_store %arg17[%swap3A_2846], %select_n3A_2845 {strides = array<i32>} : memref<1024xf32, #tpu.memory_space<vmem>>, vector<16xf32>,
      %get3A_2848 = arith.constant 912 : index
      %get3A_2849 = tpu.vector_load %arg11[%get3A_2848] {strides = array<i32>} : memref<1024xi32, #tpu.memory_space<vmem>>, vector<16xi32>,
      %gather3A_2850 = tpu.vector_load_idx %arg18[%get3A_2849] : memref<512xf32, #tpu.memory_space<vmem>>[vector<16xi32>], vector<16xf32>,
      %mul3A_2851 = arith.constant 8.000000e-01 : f32
      %mul3A_2852 = vector.broadcast %mul3A_2851 : f32 to vector<16xf32>
      %mul3A_2853 = arith.mulf %gather3A_2850, %mul3A_2852 : vector<16xf32>
      %get3A_2854 = arith.constant 912 : index
      %get3A_2855 = tpu.vector_load %arg14[%get3A_2854] {strides = array<i32>} : memref<1024xf32, #tpu.memory_space<vmem>>, vector<16xf32>,
      %add3A_2856 = arith.addf %mul3A_2853, %get3A_2855 : vector<16xf32>
      %get3A_2857 = arith.constant 912 : index
      %get3A_2858 = tpu.vector_load %arg13[%get3A_2857] {strides = array<i32>} : memref<1024xi32, #tpu.memory_space<vmem>>, vector<16xi32>,
      %eq3A_2859 = arith.constant -1 : i32
      %eq3A_2860 = vector.broadcast %eq3A_2859 : i32 to vector<16xi32>
      %eq3A_2861 = arith.cmpi eq, %get3A_2858, %eq3A_2860 : vector<16xi32>
      %select_n3A_2862 = arith.select %eq3A_2861, %broadcast_in_dim3A_263, %add3A_2856 : vector<16xi1>, vector<16xf32>
      %swap3A_2863 = arith.constant 912 : index
      %swap3A_2864 = tpu.vector_load %arg17[%swap3A_2863] {strides = array<i32>} : memref<1024xf32, #tpu.memory_space<vmem>>, vector<16xf32>,
      tpu.vector_store %arg17[%swap3A_2863], %select_n3A_2862 {strides = array<i32>} : memref<1024xf32, #tpu.memory_space<vmem>>, vector<16xf32>,
      %get3A_2865 = arith.constant 928 : index
      %get3A_2866 = tpu.vector_load %arg11[%get3A_2865] {strides = array<i32>} : memref<1024xi32, #tpu.memory_space<vmem>>, vector<16xi32>,
      %gather3A_2867 = tpu.vector_load_idx %arg18[%get3A_2866] : memref<512xf32, #tpu.memory_space<vmem>>[vector<16xi32>], vector<16xf32>,
      %mul3A_2868 = arith.constant 8.000000e-01 : f32
      %mul3A_2869 = vector.broadcast %mul3A_2868 : f32 to vector<16xf32>
      %mul3A_2870 = arith.mulf %gather3A_2867, %mul3A_2869 : vector<16xf32>
      %get3A_2871 = arith.constant 928 : index
      %get3A_2872 = tpu.vector_load %arg14[%get3A_2871] {strides = array<i32>} : memref<1024xf32, #tpu.memory_space<vmem>>, vector<16xf32>,
      %add3A_2873 = arith.addf %mul3A_2870, %get3A_2872 : vector<16xf32>
      %get3A_2874 = arith.constant 928 : index
      %get3A_2875 = tpu.vector_load %arg13[%get3A_2874] {strides = array<i32>} : memref<1024xi32, #tpu.memory_space<vmem>>, vector<16xi32>,
      %eq3A_2876 = arith.constant -1 : i32
      %eq3A_2877 = vector.broadcast %eq3A_2876 : i32 to vector<16xi32>
      %eq3A_2878 = arith.cmpi eq, %get3A_2875, %eq3A_2877 : vector<16xi32>
      %select_n3A_2879 = arith.select %eq3A_2878, %broadcast_in_dim3A_263, %add3A_2873 : vector<16xi1>, vector<16xf32>
      %swap3A_2880 = arith.constant 928 : index
      %swap3A_2881 = tpu.vector_load %arg17[%swap3A_2880] {strides = array<i32>} : memref<1024xf32, #tpu.memory_space<vmem>>, vector<16xf32>,
      tpu.vector_store %arg17[%swap3A_2880], %select_n3A_2879 {strides = array<i32>} : memref<1024xf32, #tpu.memory_space<vmem>>, vector<16xf32>,
      %get3A_2882 = arith.constant 944 : index
      %get3A_2883 = tpu.vector_load %arg11[%get3A_2882] {strides = array<i32>} : memref<1024xi32, #tpu.memory_space<vmem>>, vector<16xi32>,
      %gather3A_2884 = tpu.vector_load_idx %arg18[%get3A_2883] : memref<512xf32, #tpu.memory_space<vmem>>[vector<16xi32>], vector<16xf32>,
      %mul3A_2885 = arith.constant 8.000000e-01 : f32
      %mul3A_2886 = vector.broadcast %mul3A_2885 : f32 to vector<16xf32>
      %mul3A_2887 = arith.mulf %gather3A_2884, %mul3A_2886 : vector<16xf32>
      %get3A_2888 = arith.constant 944 : index
      %get3A_2889 = tpu.vector_load %arg14[%get3A_2888] {strides = array<i32>} : memref<1024xf32, #tpu.memory_space<vmem>>, vector<16xf32>,
      %add3A_2890 = arith.addf %mul3A_2887, %get3A_2889 : vector<16xf32>
      %get3A_2891 = arith.constant 944 : index
      %get3A_2892 = tpu.vector_load %arg13[%get3A_2891] {strides = array<i32>} : memref<1024xi32, #tpu.memory_space<vmem>>, vector<16xi32>,
      %eq3A_2893 = arith.constant -1 : i32
      %eq3A_2894 = vector.broadcast %eq3A_2893 : i32 to vector<16xi32>
      %eq3A_2895 = arith.cmpi eq, %get3A_2892, %eq3A_2894 : vector<16xi32>
      %select_n3A_2896 = arith.select %eq3A_2895, %broadcast_in_dim3A_263, %add3A_2890 : vector<16xi1>, vector<16xf32>
      %swap3A_2897 = arith.constant 944 : index
      %swap3A_2898 = tpu.vector_load %arg17[%swap3A_2897] {strides = array<i32>} : memref<1024xf32, #tpu.memory_space<vmem>>, vector<16xf32>,
      tpu.vector_store %arg17[%swap3A_2897], %select_n3A_2896 {strides = array<i32>} : memref<1024xf32, #tpu.memory_space<vmem>>, vector<16xf32>,
      %get3A_2899 = arith.constant 960 : index
      %get3A_2900 = tpu.vector_load %arg11[%get3A_2899] {strides = array<i32>} : memref<1024xi32, #tpu.memory_space<vmem>>, vector<16xi32>,
      %gather3A_2901 = tpu.vector_load_idx %arg18[%get3A_2900] : memref<512xf32, #tpu.memory_space<vmem>>[vector<16xi32>], vector<16xf32>,
      %mul3A_2902 = arith.constant 8.000000e-01 : f32
      %mul3A_2903 = vector.broadcast %mul3A_2902 : f32 to vector<16xf32>
      %mul3A_2904 = arith.mulf %gather3A_2901, %mul3A_2903 : vector<16xf32>
      %get3A_2905 = arith.constant 960 : index
      %get3A_2906 = tpu.vector_load %arg14[%get3A_2905] {strides = array<i32>} : memref<1024xf32, #tpu.memory_space<vmem>>, vector<16xf32>,
      %add3A_2907 = arith.addf %mul3A_2904, %get3A_2906 : vector<16xf32>
      %get3A_2908 = arith.constant 960 : index
      %get3A_2909 = tpu.vector_load %arg13[%get3A_2908] {strides = array<i32>} : memref<1024xi32, #tpu.memory_space<vmem>>, vector<16xi32>,
      %eq3A_2910 = arith.constant -1 : i32
      %eq3A_2911 = vector.broadcast %eq3A_2910 : i32 to vector<16xi32>
      %eq3A_2912 = arith.cmpi eq, %get3A_2909, %eq3A_2911 : vector<16xi32>
      %select_n3A_2913 = arith.select %eq3A_2912, %broadcast_in_dim3A_263, %add3A_2907 : vector<16xi1>, vector<16xf32>
      %swap3A_2914 = arith.constant 960 : index
      %swap3A_2915 = tpu.vector_load %arg17[%swap3A_2914] {strides = array<i32>} : memref<1024xf32, #tpu.memory_space<vmem>>, vector<16xf32>,
      tpu.vector_store %arg17[%swap3A_2914], %select_n3A_2913 {strides = array<i32>} : memref<1024xf32, #tpu.memory_space<vmem>>, vector<16xf32>,
      %get3A_2916 = arith.constant 976 : index
      %get3A_2917 = tpu.vector_load %arg11[%get3A_2916] {strides = array<i32>} : memref<1024xi32, #tpu.memory_space<vmem>>, vector<16xi32>,
      %gather3A_2918 = tpu.vector_load_idx %arg18[%get3A_2917] : memref<512xf32, #tpu.memory_space<vmem>>[vector<16xi32>], vector<16xf32>,
      %mul3A_2919 = arith.constant 8.000000e-01 : f32
      %mul3A_2920 = vector.broadcast %mul3A_2919 : f32 to vector<16xf32>
      %mul3A_2921 = arith.mulf %gather3A_2918, %mul3A_2920 : vector<16xf32>
      %get3A_2922 = arith.constant 976 : index
      %get3A_2923 = tpu.vector_load %arg14[%get3A_2922] {strides = array<i32>} : memref<1024xf32, #tpu.memory_space<vmem>>, vector<16xf32>,
      %add3A_2924 = arith.addf %mul3A_2921, %get3A_2923 : vector<16xf32>
      %get3A_2925 = arith.constant 976 : index
      %get3A_2926 = tpu.vector_load %arg13[%get3A_2925] {strides = array<i32>} : memref<1024xi32, #tpu.memory_space<vmem>>, vector<16xi32>,
      %eq3A_2927 = arith.constant -1 : i32
      %eq3A_2928 = vector.broadcast %eq3A_2927 : i32 to vector<16xi32>
      %eq3A_2929 = arith.cmpi eq, %get3A_2926, %eq3A_2928 : vector<16xi32>
      %select_n3A_2930 = arith.select %eq3A_2929, %broadcast_in_dim3A_263, %add3A_2924 : vector<16xi1>, vector<16xf32>
      %swap3A_2931 = arith.constant 976 : index
      %swap3A_2932 = tpu.vector_load %arg17[%swap3A_2931] {strides = array<i32>} : memref<1024xf32, #tpu.memory_space<vmem>>, vector<16xf32>,
      tpu.vector_store %arg17[%swap3A_2931], %select_n3A_2930 {strides = array<i32>} : memref<1024xf32, #tpu.memory_space<vmem>>, vector<16xf32>,
      %get3A_2933 = arith.constant 992 : index
      %get3A_2934 = tpu.vector_load %arg11[%get3A_2933] {strides = array<i32>} : memref<1024xi32, #tpu.memory_space<vmem>>, vector<16xi32>,
      %gather3A_2935 = tpu.vector_load_idx %arg18[%get3A_2934] : memref<512xf32, #tpu.memory_space<vmem>>[vector<16xi32>], vector<16xf32>,
      %mul3A_2936 = arith.constant 8.000000e-01 : f32
      %mul3A_2937 = vector.broadcast %mul3A_2936 : f32 to vector<16xf32>
      %mul3A_2938 = arith.mulf %gather3A_2935, %mul3A_2937 : vector<16xf32>
      %get3A_2939 = arith.constant 992 : index
      %get3A_2940 = tpu.vector_load %arg14[%get3A_2939] {strides = array<i32>} : memref<1024xf32, #tpu.memory_space<vmem>>, vector<16xf32>,
      %add3A_2941 = arith.addf %mul3A_2938, %get3A_2940 : vector<16xf32>
      %get3A_2942 = arith.constant 992 : index
      %get3A_2943 = tpu.vector_load %arg13[%get3A_2942] {strides = array<i32>} : memref<1024xi32, #tpu.memory_space<vmem>>, vector<16xi32>,
      %eq3A_2944 = arith.constant -1 : i32
      %eq3A_2945 = vector.broadcast %eq3A_2944 : i32 to vector<16xi32>
      %eq3A_2946 = arith.cmpi eq, %get3A_2943, %eq3A_2945 : vector<16xi32>
      %select_n3A_2947 = arith.select %eq3A_2946, %broadcast_in_dim3A_263, %add3A_2941 : vector<16xi1>, vector<16xf32>
      %swap3A_2948 = arith.constant 992 : index
      %swap3A_2949 = tpu.vector_load %arg17[%swap3A_2948] {strides = array<i32>} : memref<1024xf32, #tpu.memory_space<vmem>>, vector<16xf32>,
      tpu.vector_store %arg17[%swap3A_2948], %select_n3A_2947 {strides = array<i32>} : memref<1024xf32, #tpu.memory_space<vmem>>, vector<16xf32>,
      %get3A_2950 = arith.constant 1008 : index
      %get3A_2951 = tpu.vector_load %arg11[%get3A_2950] {strides = array<i32>} : memref<1024xi32, #tpu.memory_space<vmem>>, vector<16xi32>,
      %gather3A_2952 = tpu.vector_load_idx %arg18[%get3A_2951] : memref<512xf32, #tpu.memory_space<vmem>>[vector<16xi32>], vector<16xf32>,
      %mul3A_2953 = arith.constant 8.000000e-01 : f32
      %mul3A_2954 = vector.broadcast %mul3A_2953 : f32 to vector<16xf32>
      %mul3A_2955 = arith.mulf %gather3A_2952, %mul3A_2954 : vector<16xf32>
      %get3A_2956 = arith.constant 1008 : index
      %get3A_2957 = tpu.vector_load %arg14[%get3A_2956] {strides = array<i32>} : memref<1024xf32, #tpu.memory_space<vmem>>, vector<16xf32>,
      %add3A_2958 = arith.addf %mul3A_2955, %get3A_2957 : vector<16xf32>
      %get3A_2959 = arith.constant 1008 : index
      %get3A_2960 = tpu.vector_load %arg13[%get3A_2959] {strides = array<i32>} : memref<1024xi32, #tpu.memory_space<vmem>>, vector<16xi32>,
      %eq3A_2961 = arith.constant -1 : i32
      %eq3A_2962 = vector.broadcast %eq3A_2961 : i32 to vector<16xi32>
      %eq3A_2963 = arith.cmpi eq, %get3A_2960, %eq3A_2962 : vector<16xi32>
      %select_n3A_2964 = arith.select %eq3A_2963, %broadcast_in_dim3A_263, %add3A_2958 : vector<16xi1>, vector<16xf32>
      %swap3A_2965 = arith.constant 1008 : index
      %swap3A_2966 = tpu.vector_load %arg17[%swap3A_2965] {strides = array<i32>} : memref<1024xf32, #tpu.memory_space<vmem>>, vector<16xf32>,
      tpu.vector_store %arg17[%swap3A_2965], %select_n3A_2964 {strides = array<i32>} : memref<1024xf32, #tpu.memory_space<vmem>>, vector<16xf32>,
      %scan3A_2967 = arith.constant 0 : i32
      %scan3A_2968 = arith.constant 0 : i32
      %scan3A_2969 = arith.constant 512 : i32
      %scan3A_2970 = arith.addi %scan3A_2968, %scan3A_2969 : i32
      %scan3A_2971 = arith.constant 1 : i32
      scf.for %scan3A_3505 = %scan3A_2968 to %scan3A_2970 step %scan3A_2971  : i32 {
        %mul3A_3506 = arith.constant 16 : i32
        %mul3A_3507 = arith.muli %scan3A_3505, %mul3A_3506 : i32
        %swap3A_3508 = arith.index_cast %mul3A_3507 : i32 to index
        %swap3A_3509 = tpu.vector_load %arg19[%swap3A_3508] {strides = array<i32>} : memref<8192xf32, #tpu.memory_space<vmem>>, vector<16xf32>,
        tpu.vector_store %arg19[%swap3A_3508], %broadcast_in_dim3A_263 {strides = array<i32>} : memref<8192xf32, #tpu.memory_space<vmem>>, vector<16xf32>,
      }
      %scan3A_2972 = arith.constant 512 : i32
      %scan3A_2973 = arith.constant 0 : i32
      %scan3A_2974 = arith.constant 0 : i32
      %scan3A_2975 = arith.constant 64 : i32
      %scan3A_2976 = arith.addi %scan3A_2974, %scan3A_2975 : i32
      %scan3A_2977 = arith.constant 1 : i32
      scf.for %scan3A_3505 = %scan3A_2974 to %scan3A_2976 step %scan3A_2977  : i32 {
        %mul3A_3506 = arith.constant 16 : i32
        %mul3A_3507 = arith.muli %scan3A_3505, %mul3A_3506 : i32
        %mul3A_3508 = arith.constant 512 : i32
        %mul3A_3509 = vector.broadcast %mul3A_3508 : i32 to vector<16xi32>
        %mul3A_3510 = arith.muli %iota3A, %mul3A_3509 : vector<16xi32>
        %get3A_3511 = arith.index_cast %mul3A_3507 : i32 to index
        %get3A_3512 = tpu.vector_load %arg12[%get3A_3511] {strides = array<i32>} : memref<1024xi32, #tpu.memory_space<vmem>>, vector<16xi32>,
        %add3A_3513 = arith.addi %mul3A_3510, %get3A_3512 : vector<16xi32>
        %gather3A_3514 = tpu.vector_load_idx %arg19[%add3A_3513] : memref<8192xf32, #tpu.memory_space<vmem>>[vector<16xi32>], vector<16xf32>,
        %get3A_3515 = arith.index_cast %mul3A_3507 : i32 to index
        %get3A_3516 = tpu.vector_load %arg17[%get3A_3515] {strides = array<i32>} : memref<1024xf32, #tpu.memory_space<vmem>>, vector<16xf32>,
        %max3A_3517 = arith.maximumf %gather3A_3514, %get3A_3516 : vector<16xf32>
        tpu.vector_store_idx %arg19[%add3A_3513], %max3A_3517 : memref<8192xf32, #tpu.memory_space<vmem>>[vector<16xi32>], vector<16xf32>,
      }
      %scan3A_2978 = arith.constant 64 : i32
      %scan3A_2979 = arith.constant 0 : i32
      %scan3A_2980 = arith.constant 0 : i32
      %scan3A_2981 = arith.constant 32 : i32
      %scan3A_2982 = arith.addi %scan3A_2980, %scan3A_2981 : i32
      %scan3A_2983 = arith.constant 1 : i32
      scf.for %scan3A_3505 = %scan3A_2980 to %scan3A_2982 step %scan3A_2983  : i32 {
        %mul3A_3506 = arith.constant 16 : i32
        %mul3A_3507 = arith.muli %scan3A_3505, %mul3A_3506 : i32
        %get3A_3508 = arith.index_cast %mul3A_3507 : i32 to index
        %get3A_3509 = tpu.vector_load %arg19[%get3A_3508] {strides = array<i32>} : memref<8192xf32, #tpu.memory_space<vmem>>, vector<16xf32>,
        %mul3A_3510 = arith.constant 16 : i32
        %mul3A_3511 = arith.muli %scan3A_3505, %mul3A_3510 : i32
        %add3A_3512 = arith.constant 512 : i32
        %add3A_3513 = arith.addi %add3A_3512, %mul3A_3511 : i32
        %get3A_3514 = arith.index_cast %add3A_3513 : i32 to index
        %get3A_3515 = tpu.vector_load %arg19[%get3A_3514] {strides = array<i32>} : memref<8192xf32, #tpu.memory_space<vmem>>, vector<16xf32>,
        %max3A_3516 = arith.maximumf %get3A_3509, %get3A_3515 : vector<16xf32>
        %mul3A_3517 = arith.constant 16 : i32
        %mul3A_3518 = arith.muli %scan3A_3505, %mul3A_3517 : i32
        %add3A_3519 = arith.constant 1024 : i32
        %add3A_3520 = arith.addi %add3A_3519, %mul3A_3518 : i32
        %get3A_3521 = arith.index_cast %add3A_3520 : i32 to index
        %get3A_3522 = tpu.vector_load %arg19[%get3A_3521] {strides = array<i32>} : memref<8192xf32, #tpu.memory_space<vmem>>, vector<16xf32>,
        %max3A_3523 = arith.maximumf %max3A_3516, %get3A_3522 : vector<16xf32>
        %mul3A_3524 = arith.constant 16 : i32
        %mul3A_3525 = arith.muli %scan3A_3505, %mul3A_3524 : i32
        %add3A_3526 = arith.constant 1536 : i32
        %add3A_3527 = arith.addi %add3A_3526, %mul3A_3525 : i32
        %get3A_3528 = arith.index_cast %add3A_3527 : i32 to index
        %get3A_3529 = tpu.vector_load %arg19[%get3A_3528] {strides = array<i32>} : memref<8192xf32, #tpu.memory_space<vmem>>, vector<16xf32>,
        %max3A_3530 = arith.maximumf %max3A_3523, %get3A_3529 : vector<16xf32>
        %mul3A_3531 = arith.constant 16 : i32
        %mul3A_3532 = arith.muli %scan3A_3505, %mul3A_3531 : i32
        %add3A_3533 = arith.constant 2048 : i32
        %add3A_3534 = arith.addi %add3A_3533, %mul3A_3532 : i32
        %get3A_3535 = arith.index_cast %add3A_3534 : i32 to index
        %get3A_3536 = tpu.vector_load %arg19[%get3A_3535] {strides = array<i32>} : memref<8192xf32, #tpu.memory_space<vmem>>, vector<16xf32>,
        %max3A_3537 = arith.maximumf %max3A_3530, %get3A_3536 : vector<16xf32>
        %mul3A_3538 = arith.constant 16 : i32
        %mul3A_3539 = arith.muli %scan3A_3505, %mul3A_3538 : i32
        %add3A_3540 = arith.constant 2560 : i32
        %add3A_3541 = arith.addi %add3A_3540, %mul3A_3539 : i32
        %get3A_3542 = arith.index_cast %add3A_3541 : i32 to index
        %get3A_3543 = tpu.vector_load %arg19[%get3A_3542] {strides = array<i32>} : memref<8192xf32, #tpu.memory_space<vmem>>, vector<16xf32>,
        %max3A_3544 = arith.maximumf %max3A_3537, %get3A_3543 : vector<16xf32>
        %mul3A_3545 = arith.constant 16 : i32
        %mul3A_3546 = arith.muli %scan3A_3505, %mul3A_3545 : i32
        %add3A_3547 = arith.constant 3072 : i32
        %add3A_3548 = arith.addi %add3A_3547, %mul3A_3546 : i32
        %get3A_3549 = arith.index_cast %add3A_3548 : i32 to index
        %get3A_3550 = tpu.vector_load %arg19[%get3A_3549] {strides = array<i32>} : memref<8192xf32, #tpu.memory_space<vmem>>, vector<16xf32>,
        %max3A_3551 = arith.maximumf %max3A_3544, %get3A_3550 : vector<16xf32>
        %mul3A_3552 = arith.constant 16 : i32
        %mul3A_3553 = arith.muli %scan3A_3505, %mul3A_3552 : i32
        %add3A_3554 = arith.constant 3584 : i32
        %add3A_3555 = arith.addi %add3A_3554, %mul3A_3553 : i32
        %get3A_3556 = arith.index_cast %add3A_3555 : i32 to index
        %get3A_3557 = tpu.vector_load %arg19[%get3A_3556] {strides = array<i32>} : memref<8192xf32, #tpu.memory_space<vmem>>, vector<16xf32>,
        %max3A_3558 = arith.maximumf %max3A_3551, %get3A_3557 : vector<16xf32>
        %mul3A_3559 = arith.constant 16 : i32
        %mul3A_3560 = arith.muli %scan3A_3505, %mul3A_3559 : i32
        %add3A_3561 = arith.constant 4096 : i32
        %add3A_3562 = arith.addi %add3A_3561, %mul3A_3560 : i32
        %get3A_3563 = arith.index_cast %add3A_3562 : i32 to index
        %get3A_3564 = tpu.vector_load %arg19[%get3A_3563] {strides = array<i32>} : memref<8192xf32, #tpu.memory_space<vmem>>, vector<16xf32>,
        %max3A_3565 = arith.maximumf %max3A_3558, %get3A_3564 : vector<16xf32>
        %mul3A_3566 = arith.constant 16 : i32
        %mul3A_3567 = arith.muli %scan3A_3505, %mul3A_3566 : i32
        %add3A_3568 = arith.constant 4608 : i32
        %add3A_3569 = arith.addi %add3A_3568, %mul3A_3567 : i32
        %get3A_3570 = arith.index_cast %add3A_3569 : i32 to index
        %get3A_3571 = tpu.vector_load %arg19[%get3A_3570] {strides = array<i32>} : memref<8192xf32, #tpu.memory_space<vmem>>, vector<16xf32>,
        %max3A_3572 = arith.maximumf %max3A_3565, %get3A_3571 : vector<16xf32>
        %mul3A_3573 = arith.constant 16 : i32
        %mul3A_3574 = arith.muli %scan3A_3505, %mul3A_3573 : i32
        %add3A_3575 = arith.constant 5120 : i32
        %add3A_3576 = arith.addi %add3A_3575, %mul3A_3574 : i32
        %get3A_3577 = arith.index_cast %add3A_3576 : i32 to index
        %get3A_3578 = tpu.vector_load %arg19[%get3A_3577] {strides = array<i32>} : memref<8192xf32, #tpu.memory_space<vmem>>, vector<16xf32>,
        %max3A_3579 = arith.maximumf %max3A_3572, %get3A_3578 : vector<16xf32>
        %mul3A_3580 = arith.constant 16 : i32
        %mul3A_3581 = arith.muli %scan3A_3505, %mul3A_3580 : i32
        %add3A_3582 = arith.constant 5632 : i32
        %add3A_3583 = arith.addi %add3A_3582, %mul3A_3581 : i32
        %get3A_3584 = arith.index_cast %add3A_3583 : i32 to index
        %get3A_3585 = tpu.vector_load %arg19[%get3A_3584] {strides = array<i32>} : memref<8192xf32, #tpu.memory_space<vmem>>, vector<16xf32>,
        %max3A_3586 = arith.maximumf %max3A_3579, %get3A_3585 : vector<16xf32>
        %mul3A_3587 = arith.constant 16 : i32
        %mul3A_3588 = arith.muli %scan3A_3505, %mul3A_3587 : i32
        %add3A_3589 = arith.constant 6144 : i32
        %add3A_3590 = arith.addi %add3A_3589, %mul3A_3588 : i32
        %get3A_3591 = arith.index_cast %add3A_3590 : i32 to index
        %get3A_3592 = tpu.vector_load %arg19[%get3A_3591] {strides = array<i32>} : memref<8192xf32, #tpu.memory_space<vmem>>, vector<16xf32>,
        %max3A_3593 = arith.maximumf %max3A_3586, %get3A_3592 : vector<16xf32>
        %mul3A_3594 = arith.constant 16 : i32
        %mul3A_3595 = arith.muli %scan3A_3505, %mul3A_3594 : i32
        %add3A_3596 = arith.constant 6656 : i32
        %add3A_3597 = arith.addi %add3A_3596, %mul3A_3595 : i32
        %get3A_3598 = arith.index_cast %add3A_3597 : i32 to index
        %get3A_3599 = tpu.vector_load %arg19[%get3A_3598] {strides = array<i32>} : memref<8192xf32, #tpu.memory_space<vmem>>, vector<16xf32>,
        %max3A_3600 = arith.maximumf %max3A_3593, %get3A_3599 : vector<16xf32>
        %mul3A_3601 = arith.constant 16 : i32
        %mul3A_3602 = arith.muli %scan3A_3505, %mul3A_3601 : i32
        %add3A_3603 = arith.constant 7168 : i32
        %add3A_3604 = arith.addi %add3A_3603, %mul3A_3602 : i32
        %get3A_3605 = arith.index_cast %add3A_3604 : i32 to index
        %get3A_3606 = tpu.vector_load %arg19[%get3A_3605] {strides = array<i32>} : memref<8192xf32, #tpu.memory_space<vmem>>, vector<16xf32>,
        %max3A_3607 = arith.maximumf %max3A_3600, %get3A_3606 : vector<16xf32>
        %mul3A_3608 = arith.constant 16 : i32
        %mul3A_3609 = arith.muli %scan3A_3505, %mul3A_3608 : i32
        %add3A_3610 = arith.constant 7680 : i32
        %add3A_3611 = arith.addi %add3A_3610, %mul3A_3609 : i32
        %get3A_3612 = arith.index_cast %add3A_3611 : i32 to index
        %get3A_3613 = tpu.vector_load %arg19[%get3A_3612] {strides = array<i32>} : memref<8192xf32, #tpu.memory_space<vmem>>, vector<16xf32>,
        %max3A_3614 = arith.maximumf %max3A_3607, %get3A_3613 : vector<16xf32>
        %get3A_3615 = arith.index_cast %mul3A_3507 : i32 to index
        %get3A_3616 = tpu.vector_load %arg15[%get3A_3615] {strides = array<i32>} : memref<512xi32, #tpu.memory_space<vmem>>, vector<16xi32>,
        %eq3A_3617 = arith.constant -1 : i32
        %eq3A_3618 = vector.broadcast %eq3A_3617 : i32 to vector<16xi32>
        %eq3A_3619 = arith.cmpi eq, %get3A_3616, %eq3A_3618 : vector<16xi32>
        %select_n3A_3620 = arith.select %eq3A_3619, %broadcast_in_dim3A_263, %max3A_3614 : vector<16xi1>, vector<16xf32>
        %swap3A_3621 = arith.index_cast %mul3A_3507 : i32 to index
        %swap3A_3622 = tpu.vector_load %arg18[%swap3A_3621] {strides = array<i32>} : memref<512xf32, #tpu.memory_space<vmem>>, vector<16xf32>,
        tpu.vector_store %arg18[%swap3A_3621], %select_n3A_3620 {strides = array<i32>} : memref<512xf32, #tpu.memory_space<vmem>>, vector<16xf32>,
        %get3A_3623 = arith.index_cast %mul3A_3507 : i32 to index
        %get3A_3624 = tpu.vector_load %arg20[%get3A_3623] {strides = array<i32>} : memref<512xf32, #tpu.memory_space<vmem>>, vector<16xf32>,
        %add3A_3625 = arith.addf %get3A_3624, %select_n3A_3620 : vector<16xf32>
        %swap3A_3626 = arith.index_cast %mul3A_3507 : i32 to index
        %swap3A_3627 = tpu.vector_load %arg20[%swap3A_3626] {strides = array<i32>} : memref<512xf32, #tpu.memory_space<vmem>>, vector<16xf32>,
        tpu.vector_store %arg20[%swap3A_3626], %add3A_3625 {strides = array<i32>} : memref<512xf32, #tpu.memory_space<vmem>>, vector<16xf32>,
      }
      %scan3A_2984 = arith.constant 32 : i32
      %get3A_2985 = arith.constant 0 : index
      %get3A_2986 = tpu.vector_load %arg20[%get3A_2985] {strides = array<i32>} : memref<512xf32, #tpu.memory_space<vmem>>, vector<16xf32>,
      %get3A_2987 = arith.constant 16 : index
      %get3A_2988 = tpu.vector_load %arg20[%get3A_2987] {strides = array<i32>} : memref<512xf32, #tpu.memory_space<vmem>>, vector<16xf32>,
      %max3A = arith.maximumf %get3A_2986, %get3A_2988 : vector<16xf32>
      %get3A_2989 = arith.constant 32 : index
      %get3A_2990 = tpu.vector_load %arg20[%get3A_2989] {strides = array<i32>} : memref<512xf32, #tpu.memory_space<vmem>>, vector<16xf32>,
      %max3A_2991 = arith.maximumf %max3A, %get3A_2990 : vector<16xf32>
      %get3A_2992 = arith.constant 48 : index
      %get3A_2993 = tpu.vector_load %arg20[%get3A_2992] {strides = array<i32>} : memref<512xf32, #tpu.memory_space<vmem>>, vector<16xf32>,
      %max3A_2994 = arith.maximumf %max3A_2991, %get3A_2993 : vector<16xf32>
      %get3A_2995 = arith.constant 64 : index
      %get3A_2996 = tpu.vector_load %arg20[%get3A_2995] {strides = array<i32>} : memref<512xf32, #tpu.memory_space<vmem>>, vector<16xf32>,
      %max3A_2997 = arith.maximumf %max3A_2994, %get3A_2996 : vector<16xf32>
      %get3A_2998 = arith.constant 80 : index
      %get3A_2999 = tpu.vector_load %arg20[%get3A_2998] {strides = array<i32>} : memref<512xf32, #tpu.memory_space<vmem>>, vector<16xf32>,
      %max3A_3000 = arith.maximumf %max3A_2997, %get3A_2999 : vector<16xf32>
      %get3A_3001 = arith.constant 96 : index
      %get3A_3002 = tpu.vector_load %arg20[%get3A_3001] {strides = array<i32>} : memref<512xf32, #tpu.memory_space<vmem>>, vector<16xf32>,
      %max3A_3003 = arith.maximumf %max3A_3000, %get3A_3002 : vector<16xf32>
      %get3A_3004 = arith.constant 112 : index
      %get3A_3005 = tpu.vector_load %arg20[%get3A_3004] {strides = array<i32>} : memref<512xf32, #tpu.memory_space<vmem>>, vector<16xf32>,
      %max3A_3006 = arith.maximumf %max3A_3003, %get3A_3005 : vector<16xf32>
      %get3A_3007 = arith.constant 128 : index
      %get3A_3008 = tpu.vector_load %arg20[%get3A_3007] {strides = array<i32>} : memref<512xf32, #tpu.memory_space<vmem>>, vector<16xf32>,
      %max3A_3009 = arith.maximumf %max3A_3006, %get3A_3008 : vector<16xf32>
      %get3A_3010 = arith.constant 144 : index
      %get3A_3011 = tpu.vector_load %arg20[%get3A_3010] {strides = array<i32>} : memref<512xf32, #tpu.memory_space<vmem>>, vector<16xf32>,
      %max3A_3012 = arith.maximumf %max3A_3009, %get3A_3011 : vector<16xf32>
      %get3A_3013 = arith.constant 160 : index
      %get3A_3014 = tpu.vector_load %arg20[%get3A_3013] {strides = array<i32>} : memref<512xf32, #tpu.memory_space<vmem>>, vector<16xf32>,
      %max3A_3015 = arith.maximumf %max3A_3012, %get3A_3014 : vector<16xf32>
      %get3A_3016 = arith.constant 176 : index
      %get3A_3017 = tpu.vector_load %arg20[%get3A_3016] {strides = array<i32>} : memref<512xf32, #tpu.memory_space<vmem>>, vector<16xf32>,
      %max3A_3018 = arith.maximumf %max3A_3015, %get3A_3017 : vector<16xf32>
      %get3A_3019 = arith.constant 192 : index
      %get3A_3020 = tpu.vector_load %arg20[%get3A_3019] {strides = array<i32>} : memref<512xf32, #tpu.memory_space<vmem>>, vector<16xf32>,
      %max3A_3021 = arith.maximumf %max3A_3018, %get3A_3020 : vector<16xf32>
      %get3A_3022 = arith.constant 208 : index
      %get3A_3023 = tpu.vector_load %arg20[%get3A_3022] {strides = array<i32>} : memref<512xf32, #tpu.memory_space<vmem>>, vector<16xf32>,
      %max3A_3024 = arith.maximumf %max3A_3021, %get3A_3023 : vector<16xf32>
      %get3A_3025 = arith.constant 224 : index
      %get3A_3026 = tpu.vector_load %arg20[%get3A_3025] {strides = array<i32>} : memref<512xf32, #tpu.memory_space<vmem>>, vector<16xf32>,
      %max3A_3027 = arith.maximumf %max3A_3024, %get3A_3026 : vector<16xf32>
      %get3A_3028 = arith.constant 240 : index
      %get3A_3029 = tpu.vector_load %arg20[%get3A_3028] {strides = array<i32>} : memref<512xf32, #tpu.memory_space<vmem>>, vector<16xf32>,
      %max3A_3030 = arith.maximumf %max3A_3027, %get3A_3029 : vector<16xf32>
      %get3A_3031 = arith.constant 256 : index
      %get3A_3032 = tpu.vector_load %arg20[%get3A_3031] {strides = array<i32>} : memref<512xf32, #tpu.memory_space<vmem>>, vector<16xf32>,
      %max3A_3033 = arith.maximumf %max3A_3030, %get3A_3032 : vector<16xf32>
      %get3A_3034 = arith.constant 272 : index
      %get3A_3035 = tpu.vector_load %arg20[%get3A_3034] {strides = array<i32>} : memref<512xf32, #tpu.memory_space<vmem>>, vector<16xf32>,
      %max3A_3036 = arith.maximumf %max3A_3033, %get3A_3035 : vector<16xf32>
      %get3A_3037 = arith.constant 288 : index
      %get3A_3038 = tpu.vector_load %arg20[%get3A_3037] {strides = array<i32>} : memref<512xf32, #tpu.memory_space<vmem>>, vector<16xf32>,
      %max3A_3039 = arith.maximumf %max3A_3036, %get3A_3038 : vector<16xf32>
      %get3A_3040 = arith.constant 304 : index
      %get3A_3041 = tpu.vector_load %arg20[%get3A_3040] {strides = array<i32>} : memref<512xf32, #tpu.memory_space<vmem>>, vector<16xf32>,
      %max3A_3042 = arith.maximumf %max3A_3039, %get3A_3041 : vector<16xf32>
      %get3A_3043 = arith.constant 320 : index
      %get3A_3044 = tpu.vector_load %arg20[%get3A_3043] {strides = array<i32>} : memref<512xf32, #tpu.memory_space<vmem>>, vector<16xf32>,
      %max3A_3045 = arith.maximumf %max3A_3042, %get3A_3044 : vector<16xf32>
      %get3A_3046 = arith.constant 336 : index
      %get3A_3047 = tpu.vector_load %arg20[%get3A_3046] {strides = array<i32>} : memref<512xf32, #tpu.memory_space<vmem>>, vector<16xf32>,
      %max3A_3048 = arith.maximumf %max3A_3045, %get3A_3047 : vector<16xf32>
      %get3A_3049 = arith.constant 352 : index
      %get3A_3050 = tpu.vector_load %arg20[%get3A_3049] {strides = array<i32>} : memref<512xf32, #tpu.memory_space<vmem>>, vector<16xf32>,
      %max3A_3051 = arith.maximumf %max3A_3048, %get3A_3050 : vector<16xf32>
      %get3A_3052 = arith.constant 368 : index
      %get3A_3053 = tpu.vector_load %arg20[%get3A_3052] {strides = array<i32>} : memref<512xf32, #tpu.memory_space<vmem>>, vector<16xf32>,
      %max3A_3054 = arith.maximumf %max3A_3051, %get3A_3053 : vector<16xf32>
      %get3A_3055 = arith.constant 384 : index
      %get3A_3056 = tpu.vector_load %arg20[%get3A_3055] {strides = array<i32>} : memref<512xf32, #tpu.memory_space<vmem>>, vector<16xf32>,
      %max3A_3057 = arith.maximumf %max3A_3054, %get3A_3056 : vector<16xf32>
      %get3A_3058 = arith.constant 400 : index
      %get3A_3059 = tpu.vector_load %arg20[%get3A_3058] {strides = array<i32>} : memref<512xf32, #tpu.memory_space<vmem>>, vector<16xf32>,
      %max3A_3060 = arith.maximumf %max3A_3057, %get3A_3059 : vector<16xf32>
      %get3A_3061 = arith.constant 416 : index
      %get3A_3062 = tpu.vector_load %arg20[%get3A_3061] {strides = array<i32>} : memref<512xf32, #tpu.memory_space<vmem>>, vector<16xf32>,
      %max3A_3063 = arith.maximumf %max3A_3060, %get3A_3062 : vector<16xf32>
      %get3A_3064 = arith.constant 432 : index
      %get3A_3065 = tpu.vector_load %arg20[%get3A_3064] {strides = array<i32>} : memref<512xf32, #tpu.memory_space<vmem>>, vector<16xf32>,
      %max3A_3066 = arith.maximumf %max3A_3063, %get3A_3065 : vector<16xf32>
      %get3A_3067 = arith.constant 448 : index
      %get3A_3068 = tpu.vector_load %arg20[%get3A_3067] {strides = array<i32>} : memref<512xf32, #tpu.memory_space<vmem>>, vector<16xf32>,
      %max3A_3069 = arith.maximumf %max3A_3066, %get3A_3068 : vector<16xf32>
      %get3A_3070 = arith.constant 464 : index
      %get3A_3071 = tpu.vector_load %arg20[%get3A_3070] {strides = array<i32>} : memref<512xf32, #tpu.memory_space<vmem>>, vector<16xf32>,
      %max3A_3072 = arith.maximumf %max3A_3069, %get3A_3071 : vector<16xf32>
      %get3A_3073 = arith.constant 480 : index
      %get3A_3074 = tpu.vector_load %arg20[%get3A_3073] {strides = array<i32>} : memref<512xf32, #tpu.memory_space<vmem>>, vector<16xf32>,
      %max3A_3075 = arith.maximumf %max3A_3072, %get3A_3074 : vector<16xf32>
      %get3A_3076 = arith.constant 496 : index
      %get3A_3077 = tpu.vector_load %arg20[%get3A_3076] {strides = array<i32>} : memref<512xf32, #tpu.memory_space<vmem>>, vector<16xf32>,
      %max3A_3078 = arith.maximumf %max3A_3075, %get3A_3077 : vector<16xf32>
      %reduce_max3A = arith.constant true
      %reduce_max3A_3079 = vector.broadcast %reduce_max3A : i1 to vector<16xi1>
      %reduce_max3A_3080 = tpu.scan <max>, %max3A_3078 masked %reduce_max3A_3079 : vector<16xf32>, vector<16xi1> -> vector<16xf32>
      %reduce_max3A_3081 = vector.extract %reduce_max3A_3080[15] : f32 from vector<16xf32>
      %broadcast_in_dim3A_3082 = arith.constant 0.000000e+00 : f32
      %broadcast_in_dim3A_3083 = vector.broadcast %broadcast_in_dim3A_3082 : f32 to vector<16xf32>
      %get3A_3084 = arith.constant 0 : index
      %get3A_3085 = tpu.vector_load %arg20[%get3A_3084] {strides = array<i32>} : memref<512xf32, #tpu.memory_space<vmem>>, vector<16xf32>,
      %sub3A_3086 = vector.broadcast %reduce_max3A_3081 : f32 to vector<16xf32>
      %sub3A_3087 = arith.subf %get3A_3085, %sub3A_3086 : vector<16xf32>
      %exp3A = math.exp %sub3A_3087 : vector<16xf32>
      %swap3A_3088 = arith.constant 0 : index
      %swap3A_3089 = tpu.vector_load %arg20[%swap3A_3088] {strides = array<i32>} : memref<512xf32, #tpu.memory_space<vmem>>, vector<16xf32>,
      tpu.vector_store %arg20[%swap3A_3088], %exp3A {strides = array<i32>} : memref<512xf32, #tpu.memory_space<vmem>>, vector<16xf32>,
      %add3A_3090 = arith.addf %broadcast_in_dim3A_3083, %exp3A : vector<16xf32>
      %get3A_3091 = arith.constant 16 : index
      %get3A_3092 = tpu.vector_load %arg20[%get3A_3091] {strides = array<i32>} : memref<512xf32, #tpu.memory_space<vmem>>, vector<16xf32>,
      %sub3A_3093 = vector.broadcast %reduce_max3A_3081 : f32 to vector<16xf32>
      %sub3A_3094 = arith.subf %get3A_3092, %sub3A_3093 : vector<16xf32>
      %exp3A_3095 = math.exp %sub3A_3094 : vector<16xf32>
      %swap3A_3096 = arith.constant 16 : index
      %swap3A_3097 = tpu.vector_load %arg20[%swap3A_3096] {strides = array<i32>} : memref<512xf32, #tpu.memory_space<vmem>>, vector<16xf32>,
      tpu.vector_store %arg20[%swap3A_3096], %exp3A_3095 {strides = array<i32>} : memref<512xf32, #tpu.memory_space<vmem>>, vector<16xf32>,
      %add3A_3098 = arith.addf %add3A_3090, %exp3A_3095 : vector<16xf32>
      %get3A_3099 = arith.constant 32 : index
      %get3A_3100 = tpu.vector_load %arg20[%get3A_3099] {strides = array<i32>} : memref<512xf32, #tpu.memory_space<vmem>>, vector<16xf32>,
      %sub3A_3101 = vector.broadcast %reduce_max3A_3081 : f32 to vector<16xf32>
      %sub3A_3102 = arith.subf %get3A_3100, %sub3A_3101 : vector<16xf32>
      %exp3A_3103 = math.exp %sub3A_3102 : vector<16xf32>
      %swap3A_3104 = arith.constant 32 : index
      %swap3A_3105 = tpu.vector_load %arg20[%swap3A_3104] {strides = array<i32>} : memref<512xf32, #tpu.memory_space<vmem>>, vector<16xf32>,
      tpu.vector_store %arg20[%swap3A_3104], %exp3A_3103 {strides = array<i32>} : memref<512xf32, #tpu.memory_space<vmem>>, vector<16xf32>,
      %add3A_3106 = arith.addf %add3A_3098, %exp3A_3103 : vector<16xf32>
      %get3A_3107 = arith.constant 48 : index
      %get3A_3108 = tpu.vector_load %arg20[%get3A_3107] {strides = array<i32>} : memref<512xf32, #tpu.memory_space<vmem>>, vector<16xf32>,
      %sub3A_3109 = vector.broadcast %reduce_max3A_3081 : f32 to vector<16xf32>
      %sub3A_3110 = arith.subf %get3A_3108, %sub3A_3109 : vector<16xf32>
      %exp3A_3111 = math.exp %sub3A_3110 : vector<16xf32>
      %swap3A_3112 = arith.constant 48 : index
      %swap3A_3113 = tpu.vector_load %arg20[%swap3A_3112] {strides = array<i32>} : memref<512xf32, #tpu.memory_space<vmem>>, vector<16xf32>,
      tpu.vector_store %arg20[%swap3A_3112], %exp3A_3111 {strides = array<i32>} : memref<512xf32, #tpu.memory_space<vmem>>, vector<16xf32>,
      %add3A_3114 = arith.addf %add3A_3106, %exp3A_3111 : vector<16xf32>
      %get3A_3115 = arith.constant 64 : index
      %get3A_3116 = tpu.vector_load %arg20[%get3A_3115] {strides = array<i32>} : memref<512xf32, #tpu.memory_space<vmem>>, vector<16xf32>,
      %sub3A_3117 = vector.broadcast %reduce_max3A_3081 : f32 to vector<16xf32>
      %sub3A_3118 = arith.subf %get3A_3116, %sub3A_3117 : vector<16xf32>
      %exp3A_3119 = math.exp %sub3A_3118 : vector<16xf32>
      %swap3A_3120 = arith.constant 64 : index
      %swap3A_3121 = tpu.vector_load %arg20[%swap3A_3120] {strides = array<i32>} : memref<512xf32, #tpu.memory_space<vmem>>, vector<16xf32>,
      tpu.vector_store %arg20[%swap3A_3120], %exp3A_3119 {strides = array<i32>} : memref<512xf32, #tpu.memory_space<vmem>>, vector<16xf32>,
      %add3A_3122 = arith.addf %add3A_3114, %exp3A_3119 : vector<16xf32>
      %get3A_3123 = arith.constant 80 : index
      %get3A_3124 = tpu.vector_load %arg20[%get3A_3123] {strides = array<i32>} : memref<512xf32, #tpu.memory_space<vmem>>, vector<16xf32>,
      %sub3A_3125 = vector.broadcast %reduce_max3A_3081 : f32 to vector<16xf32>
      %sub3A_3126 = arith.subf %get3A_3124, %sub3A_3125 : vector<16xf32>
      %exp3A_3127 = math.exp %sub3A_3126 : vector<16xf32>
      %swap3A_3128 = arith.constant 80 : index
      %swap3A_3129 = tpu.vector_load %arg20[%swap3A_3128] {strides = array<i32>} : memref<512xf32, #tpu.memory_space<vmem>>, vector<16xf32>,
      tpu.vector_store %arg20[%swap3A_3128], %exp3A_3127 {strides = array<i32>} : memref<512xf32, #tpu.memory_space<vmem>>, vector<16xf32>,
      %add3A_3130 = arith.addf %add3A_3122, %exp3A_3127 : vector<16xf32>
      %get3A_3131 = arith.constant 96 : index
      %get3A_3132 = tpu.vector_load %arg20[%get3A_3131] {strides = array<i32>} : memref<512xf32, #tpu.memory_space<vmem>>, vector<16xf32>,
      %sub3A_3133 = vector.broadcast %reduce_max3A_3081 : f32 to vector<16xf32>
      %sub3A_3134 = arith.subf %get3A_3132, %sub3A_3133 : vector<16xf32>
      %exp3A_3135 = math.exp %sub3A_3134 : vector<16xf32>
      %swap3A_3136 = arith.constant 96 : index
      %swap3A_3137 = tpu.vector_load %arg20[%swap3A_3136] {strides = array<i32>} : memref<512xf32, #tpu.memory_space<vmem>>, vector<16xf32>,
      tpu.vector_store %arg20[%swap3A_3136], %exp3A_3135 {strides = array<i32>} : memref<512xf32, #tpu.memory_space<vmem>>, vector<16xf32>,
      %add3A_3138 = arith.addf %add3A_3130, %exp3A_3135 : vector<16xf32>
      %get3A_3139 = arith.constant 112 : index
      %get3A_3140 = tpu.vector_load %arg20[%get3A_3139] {strides = array<i32>} : memref<512xf32, #tpu.memory_space<vmem>>, vector<16xf32>,
      %sub3A_3141 = vector.broadcast %reduce_max3A_3081 : f32 to vector<16xf32>
      %sub3A_3142 = arith.subf %get3A_3140, %sub3A_3141 : vector<16xf32>
      %exp3A_3143 = math.exp %sub3A_3142 : vector<16xf32>
      %swap3A_3144 = arith.constant 112 : index
      %swap3A_3145 = tpu.vector_load %arg20[%swap3A_3144] {strides = array<i32>} : memref<512xf32, #tpu.memory_space<vmem>>, vector<16xf32>,
      tpu.vector_store %arg20[%swap3A_3144], %exp3A_3143 {strides = array<i32>} : memref<512xf32, #tpu.memory_space<vmem>>, vector<16xf32>,
      %add3A_3146 = arith.addf %add3A_3138, %exp3A_3143 : vector<16xf32>
      %get3A_3147 = arith.constant 128 : index
      %get3A_3148 = tpu.vector_load %arg20[%get3A_3147] {strides = array<i32>} : memref<512xf32, #tpu.memory_space<vmem>>, vector<16xf32>,
      %sub3A_3149 = vector.broadcast %reduce_max3A_3081 : f32 to vector<16xf32>
      %sub3A_3150 = arith.subf %get3A_3148, %sub3A_3149 : vector<16xf32>
      %exp3A_3151 = math.exp %sub3A_3150 : vector<16xf32>
      %swap3A_3152 = arith.constant 128 : index
      %swap3A_3153 = tpu.vector_load %arg20[%swap3A_3152] {strides = array<i32>} : memref<512xf32, #tpu.memory_space<vmem>>, vector<16xf32>,
      tpu.vector_store %arg20[%swap3A_3152], %exp3A_3151 {strides = array<i32>} : memref<512xf32, #tpu.memory_space<vmem>>, vector<16xf32>,
      %add3A_3154 = arith.addf %add3A_3146, %exp3A_3151 : vector<16xf32>
      %get3A_3155 = arith.constant 144 : index
      %get3A_3156 = tpu.vector_load %arg20[%get3A_3155] {strides = array<i32>} : memref<512xf32, #tpu.memory_space<vmem>>, vector<16xf32>,
      %sub3A_3157 = vector.broadcast %reduce_max3A_3081 : f32 to vector<16xf32>
      %sub3A_3158 = arith.subf %get3A_3156, %sub3A_3157 : vector<16xf32>
      %exp3A_3159 = math.exp %sub3A_3158 : vector<16xf32>
      %swap3A_3160 = arith.constant 144 : index
      %swap3A_3161 = tpu.vector_load %arg20[%swap3A_3160] {strides = array<i32>} : memref<512xf32, #tpu.memory_space<vmem>>, vector<16xf32>,
      tpu.vector_store %arg20[%swap3A_3160], %exp3A_3159 {strides = array<i32>} : memref<512xf32, #tpu.memory_space<vmem>>, vector<16xf32>,
      %add3A_3162 = arith.addf %add3A_3154, %exp3A_3159 : vector<16xf32>
      %get3A_3163 = arith.constant 160 : index
      %get3A_3164 = tpu.vector_load %arg20[%get3A_3163] {strides = array<i32>} : memref<512xf32, #tpu.memory_space<vmem>>, vector<16xf32>,
      %sub3A_3165 = vector.broadcast %reduce_max3A_3081 : f32 to vector<16xf32>
      %sub3A_3166 = arith.subf %get3A_3164, %sub3A_3165 : vector<16xf32>
      %exp3A_3167 = math.exp %sub3A_3166 : vector<16xf32>
      %swap3A_3168 = arith.constant 160 : index
      %swap3A_3169 = tpu.vector_load %arg20[%swap3A_3168] {strides = array<i32>} : memref<512xf32, #tpu.memory_space<vmem>>, vector<16xf32>,
      tpu.vector_store %arg20[%swap3A_3168], %exp3A_3167 {strides = array<i32>} : memref<512xf32, #tpu.memory_space<vmem>>, vector<16xf32>,
      %add3A_3170 = arith.addf %add3A_3162, %exp3A_3167 : vector<16xf32>
      %get3A_3171 = arith.constant 176 : index
      %get3A_3172 = tpu.vector_load %arg20[%get3A_3171] {strides = array<i32>} : memref<512xf32, #tpu.memory_space<vmem>>, vector<16xf32>,
      %sub3A_3173 = vector.broadcast %reduce_max3A_3081 : f32 to vector<16xf32>
      %sub3A_3174 = arith.subf %get3A_3172, %sub3A_3173 : vector<16xf32>
      %exp3A_3175 = math.exp %sub3A_3174 : vector<16xf32>
      %swap3A_3176 = arith.constant 176 : index
      %swap3A_3177 = tpu.vector_load %arg20[%swap3A_3176] {strides = array<i32>} : memref<512xf32, #tpu.memory_space<vmem>>, vector<16xf32>,
      tpu.vector_store %arg20[%swap3A_3176], %exp3A_3175 {strides = array<i32>} : memref<512xf32, #tpu.memory_space<vmem>>, vector<16xf32>,
      %add3A_3178 = arith.addf %add3A_3170, %exp3A_3175 : vector<16xf32>
      %get3A_3179 = arith.constant 192 : index
      %get3A_3180 = tpu.vector_load %arg20[%get3A_3179] {strides = array<i32>} : memref<512xf32, #tpu.memory_space<vmem>>, vector<16xf32>,
      %sub3A_3181 = vector.broadcast %reduce_max3A_3081 : f32 to vector<16xf32>
      %sub3A_3182 = arith.subf %get3A_3180, %sub3A_3181 : vector<16xf32>
      %exp3A_3183 = math.exp %sub3A_3182 : vector<16xf32>
      %swap3A_3184 = arith.constant 192 : index
      %swap3A_3185 = tpu.vector_load %arg20[%swap3A_3184] {strides = array<i32>} : memref<512xf32, #tpu.memory_space<vmem>>, vector<16xf32>,
      tpu.vector_store %arg20[%swap3A_3184], %exp3A_3183 {strides = array<i32>} : memref<512xf32, #tpu.memory_space<vmem>>, vector<16xf32>,
      %add3A_3186 = arith.addf %add3A_3178, %exp3A_3183 : vector<16xf32>
      %get3A_3187 = arith.constant 208 : index
      %get3A_3188 = tpu.vector_load %arg20[%get3A_3187] {strides = array<i32>} : memref<512xf32, #tpu.memory_space<vmem>>, vector<16xf32>,
      %sub3A_3189 = vector.broadcast %reduce_max3A_3081 : f32 to vector<16xf32>
      %sub3A_3190 = arith.subf %get3A_3188, %sub3A_3189 : vector<16xf32>
      %exp3A_3191 = math.exp %sub3A_3190 : vector<16xf32>
      %swap3A_3192 = arith.constant 208 : index
      %swap3A_3193 = tpu.vector_load %arg20[%swap3A_3192] {strides = array<i32>} : memref<512xf32, #tpu.memory_space<vmem>>, vector<16xf32>,
      tpu.vector_store %arg20[%swap3A_3192], %exp3A_3191 {strides = array<i32>} : memref<512xf32, #tpu.memory_space<vmem>>, vector<16xf32>,
      %add3A_3194 = arith.addf %add3A_3186, %exp3A_3191 : vector<16xf32>
      %get3A_3195 = arith.constant 224 : index
      %get3A_3196 = tpu.vector_load %arg20[%get3A_3195] {strides = array<i32>} : memref<512xf32, #tpu.memory_space<vmem>>, vector<16xf32>,
      %sub3A_3197 = vector.broadcast %reduce_max3A_3081 : f32 to vector<16xf32>
      %sub3A_3198 = arith.subf %get3A_3196, %sub3A_3197 : vector<16xf32>
      %exp3A_3199 = math.exp %sub3A_3198 : vector<16xf32>
      %swap3A_3200 = arith.constant 224 : index
      %swap3A_3201 = tpu.vector_load %arg20[%swap3A_3200] {strides = array<i32>} : memref<512xf32, #tpu.memory_space<vmem>>, vector<16xf32>,
      tpu.vector_store %arg20[%swap3A_3200], %exp3A_3199 {strides = array<i32>} : memref<512xf32, #tpu.memory_space<vmem>>, vector<16xf32>,
      %add3A_3202 = arith.addf %add3A_3194, %exp3A_3199 : vector<16xf32>
      %get3A_3203 = arith.constant 240 : index
      %get3A_3204 = tpu.vector_load %arg20[%get3A_3203] {strides = array<i32>} : memref<512xf32, #tpu.memory_space<vmem>>, vector<16xf32>,
      %sub3A_3205 = vector.broadcast %reduce_max3A_3081 : f32 to vector<16xf32>
      %sub3A_3206 = arith.subf %get3A_3204, %sub3A_3205 : vector<16xf32>
      %exp3A_3207 = math.exp %sub3A_3206 : vector<16xf32>
      %swap3A_3208 = arith.constant 240 : index
      %swap3A_3209 = tpu.vector_load %arg20[%swap3A_3208] {strides = array<i32>} : memref<512xf32, #tpu.memory_space<vmem>>, vector<16xf32>,
      tpu.vector_store %arg20[%swap3A_3208], %exp3A_3207 {strides = array<i32>} : memref<512xf32, #tpu.memory_space<vmem>>, vector<16xf32>,
      %add3A_3210 = arith.addf %add3A_3202, %exp3A_3207 : vector<16xf32>
      %get3A_3211 = arith.constant 256 : index
      %get3A_3212 = tpu.vector_load %arg20[%get3A_3211] {strides = array<i32>} : memref<512xf32, #tpu.memory_space<vmem>>, vector<16xf32>,
      %sub3A_3213 = vector.broadcast %reduce_max3A_3081 : f32 to vector<16xf32>
      %sub3A_3214 = arith.subf %get3A_3212, %sub3A_3213 : vector<16xf32>
      %exp3A_3215 = math.exp %sub3A_3214 : vector<16xf32>
      %swap3A_3216 = arith.constant 256 : index
      %swap3A_3217 = tpu.vector_load %arg20[%swap3A_3216] {strides = array<i32>} : memref<512xf32, #tpu.memory_space<vmem>>, vector<16xf32>,
      tpu.vector_store %arg20[%swap3A_3216], %exp3A_3215 {strides = array<i32>} : memref<512xf32, #tpu.memory_space<vmem>>, vector<16xf32>,
      %add3A_3218 = arith.addf %add3A_3210, %exp3A_3215 : vector<16xf32>
      %get3A_3219 = arith.constant 272 : index
      %get3A_3220 = tpu.vector_load %arg20[%get3A_3219] {strides = array<i32>} : memref<512xf32, #tpu.memory_space<vmem>>, vector<16xf32>,
      %sub3A_3221 = vector.broadcast %reduce_max3A_3081 : f32 to vector<16xf32>
      %sub3A_3222 = arith.subf %get3A_3220, %sub3A_3221 : vector<16xf32>
      %exp3A_3223 = math.exp %sub3A_3222 : vector<16xf32>
      %swap3A_3224 = arith.constant 272 : index
      %swap3A_3225 = tpu.vector_load %arg20[%swap3A_3224] {strides = array<i32>} : memref<512xf32, #tpu.memory_space<vmem>>, vector<16xf32>,
      tpu.vector_store %arg20[%swap3A_3224], %exp3A_3223 {strides = array<i32>} : memref<512xf32, #tpu.memory_space<vmem>>, vector<16xf32>,
      %add3A_3226 = arith.addf %add3A_3218, %exp3A_3223 : vector<16xf32>
      %get3A_3227 = arith.constant 288 : index
      %get3A_3228 = tpu.vector_load %arg20[%get3A_3227] {strides = array<i32>} : memref<512xf32, #tpu.memory_space<vmem>>, vector<16xf32>,
      %sub3A_3229 = vector.broadcast %reduce_max3A_3081 : f32 to vector<16xf32>
      %sub3A_3230 = arith.subf %get3A_3228, %sub3A_3229 : vector<16xf32>
      %exp3A_3231 = math.exp %sub3A_3230 : vector<16xf32>
      %swap3A_3232 = arith.constant 288 : index
      %swap3A_3233 = tpu.vector_load %arg20[%swap3A_3232] {strides = array<i32>} : memref<512xf32, #tpu.memory_space<vmem>>, vector<16xf32>,
      tpu.vector_store %arg20[%swap3A_3232], %exp3A_3231 {strides = array<i32>} : memref<512xf32, #tpu.memory_space<vmem>>, vector<16xf32>,
      %add3A_3234 = arith.addf %add3A_3226, %exp3A_3231 : vector<16xf32>
      %get3A_3235 = arith.constant 304 : index
      %get3A_3236 = tpu.vector_load %arg20[%get3A_3235] {strides = array<i32>} : memref<512xf32, #tpu.memory_space<vmem>>, vector<16xf32>,
      %sub3A_3237 = vector.broadcast %reduce_max3A_3081 : f32 to vector<16xf32>
      %sub3A_3238 = arith.subf %get3A_3236, %sub3A_3237 : vector<16xf32>
      %exp3A_3239 = math.exp %sub3A_3238 : vector<16xf32>
      %swap3A_3240 = arith.constant 304 : index
      %swap3A_3241 = tpu.vector_load %arg20[%swap3A_3240] {strides = array<i32>} : memref<512xf32, #tpu.memory_space<vmem>>, vector<16xf32>,
      tpu.vector_store %arg20[%swap3A_3240], %exp3A_3239 {strides = array<i32>} : memref<512xf32, #tpu.memory_space<vmem>>, vector<16xf32>,
      %add3A_3242 = arith.addf %add3A_3234, %exp3A_3239 : vector<16xf32>
      %get3A_3243 = arith.constant 320 : index
      %get3A_3244 = tpu.vector_load %arg20[%get3A_3243] {strides = array<i32>} : memref<512xf32, #tpu.memory_space<vmem>>, vector<16xf32>,
      %sub3A_3245 = vector.broadcast %reduce_max3A_3081 : f32 to vector<16xf32>
      %sub3A_3246 = arith.subf %get3A_3244, %sub3A_3245 : vector<16xf32>
      %exp3A_3247 = math.exp %sub3A_3246 : vector<16xf32>
      %swap3A_3248 = arith.constant 320 : index
      %swap3A_3249 = tpu.vector_load %arg20[%swap3A_3248] {strides = array<i32>} : memref<512xf32, #tpu.memory_space<vmem>>, vector<16xf32>,
      tpu.vector_store %arg20[%swap3A_3248], %exp3A_3247 {strides = array<i32>} : memref<512xf32, #tpu.memory_space<vmem>>, vector<16xf32>,
      %add3A_3250 = arith.addf %add3A_3242, %exp3A_3247 : vector<16xf32>
      %get3A_3251 = arith.constant 336 : index
      %get3A_3252 = tpu.vector_load %arg20[%get3A_3251] {strides = array<i32>} : memref<512xf32, #tpu.memory_space<vmem>>, vector<16xf32>,
      %sub3A_3253 = vector.broadcast %reduce_max3A_3081 : f32 to vector<16xf32>
      %sub3A_3254 = arith.subf %get3A_3252, %sub3A_3253 : vector<16xf32>
      %exp3A_3255 = math.exp %sub3A_3254 : vector<16xf32>
      %swap3A_3256 = arith.constant 336 : index
      %swap3A_3257 = tpu.vector_load %arg20[%swap3A_3256] {strides = array<i32>} : memref<512xf32, #tpu.memory_space<vmem>>, vector<16xf32>,
      tpu.vector_store %arg20[%swap3A_3256], %exp3A_3255 {strides = array<i32>} : memref<512xf32, #tpu.memory_space<vmem>>, vector<16xf32>,
      %add3A_3258 = arith.addf %add3A_3250, %exp3A_3255 : vector<16xf32>
      %get3A_3259 = arith.constant 352 : index
      %get3A_3260 = tpu.vector_load %arg20[%get3A_3259] {strides = array<i32>} : memref<512xf32, #tpu.memory_space<vmem>>, vector<16xf32>,
      %sub3A_3261 = vector.broadcast %reduce_max3A_3081 : f32 to vector<16xf32>
      %sub3A_3262 = arith.subf %get3A_3260, %sub3A_3261 : vector<16xf32>
      %exp3A_3263 = math.exp %sub3A_3262 : vector<16xf32>
      %swap3A_3264 = arith.constant 352 : index
      %swap3A_3265 = tpu.vector_load %arg20[%swap3A_3264] {strides = array<i32>} : memref<512xf32, #tpu.memory_space<vmem>>, vector<16xf32>,
      tpu.vector_store %arg20[%swap3A_3264], %exp3A_3263 {strides = array<i32>} : memref<512xf32, #tpu.memory_space<vmem>>, vector<16xf32>,
      %add3A_3266 = arith.addf %add3A_3258, %exp3A_3263 : vector<16xf32>
      %get3A_3267 = arith.constant 368 : index
      %get3A_3268 = tpu.vector_load %arg20[%get3A_3267] {strides = array<i32>} : memref<512xf32, #tpu.memory_space<vmem>>, vector<16xf32>,
      %sub3A_3269 = vector.broadcast %reduce_max3A_3081 : f32 to vector<16xf32>
      %sub3A_3270 = arith.subf %get3A_3268, %sub3A_3269 : vector<16xf32>
      %exp3A_3271 = math.exp %sub3A_3270 : vector<16xf32>
      %swap3A_3272 = arith.constant 368 : index
      %swap3A_3273 = tpu.vector_load %arg20[%swap3A_3272] {strides = array<i32>} : memref<512xf32, #tpu.memory_space<vmem>>, vector<16xf32>,
      tpu.vector_store %arg20[%swap3A_3272], %exp3A_3271 {strides = array<i32>} : memref<512xf32, #tpu.memory_space<vmem>>, vector<16xf32>,
      %add3A_3274 = arith.addf %add3A_3266, %exp3A_3271 : vector<16xf32>
      %get3A_3275 = arith.constant 384 : index
      %get3A_3276 = tpu.vector_load %arg20[%get3A_3275] {strides = array<i32>} : memref<512xf32, #tpu.memory_space<vmem>>, vector<16xf32>,
      %sub3A_3277 = vector.broadcast %reduce_max3A_3081 : f32 to vector<16xf32>
      %sub3A_3278 = arith.subf %get3A_3276, %sub3A_3277 : vector<16xf32>
      %exp3A_3279 = math.exp %sub3A_3278 : vector<16xf32>
      %swap3A_3280 = arith.constant 384 : index
      %swap3A_3281 = tpu.vector_load %arg20[%swap3A_3280] {strides = array<i32>} : memref<512xf32, #tpu.memory_space<vmem>>, vector<16xf32>,
      tpu.vector_store %arg20[%swap3A_3280], %exp3A_3279 {strides = array<i32>} : memref<512xf32, #tpu.memory_space<vmem>>, vector<16xf32>,
      %add3A_3282 = arith.addf %add3A_3274, %exp3A_3279 : vector<16xf32>
      %get3A_3283 = arith.constant 400 : index
      %get3A_3284 = tpu.vector_load %arg20[%get3A_3283] {strides = array<i32>} : memref<512xf32, #tpu.memory_space<vmem>>, vector<16xf32>,
      %sub3A_3285 = vector.broadcast %reduce_max3A_3081 : f32 to vector<16xf32>
      %sub3A_3286 = arith.subf %get3A_3284, %sub3A_3285 : vector<16xf32>
      %exp3A_3287 = math.exp %sub3A_3286 : vector<16xf32>
      %swap3A_3288 = arith.constant 400 : index
      %swap3A_3289 = tpu.vector_load %arg20[%swap3A_3288] {strides = array<i32>} : memref<512xf32, #tpu.memory_space<vmem>>, vector<16xf32>,
      tpu.vector_store %arg20[%swap3A_3288], %exp3A_3287 {strides = array<i32>} : memref<512xf32, #tpu.memory_space<vmem>>, vector<16xf32>,
      %add3A_3290 = arith.addf %add3A_3282, %exp3A_3287 : vector<16xf32>
      %get3A_3291 = arith.constant 416 : index
      %get3A_3292 = tpu.vector_load %arg20[%get3A_3291] {strides = array<i32>} : memref<512xf32, #tpu.memory_space<vmem>>, vector<16xf32>,
      %sub3A_3293 = vector.broadcast %reduce_max3A_3081 : f32 to vector<16xf32>
      %sub3A_3294 = arith.subf %get3A_3292, %sub3A_3293 : vector<16xf32>
      %exp3A_3295 = math.exp %sub3A_3294 : vector<16xf32>
      %swap3A_3296 = arith.constant 416 : index
      %swap3A_3297 = tpu.vector_load %arg20[%swap3A_3296] {strides = array<i32>} : memref<512xf32, #tpu.memory_space<vmem>>, vector<16xf32>,
      tpu.vector_store %arg20[%swap3A_3296], %exp3A_3295 {strides = array<i32>} : memref<512xf32, #tpu.memory_space<vmem>>, vector<16xf32>,
      %add3A_3298 = arith.addf %add3A_3290, %exp3A_3295 : vector<16xf32>
      %get3A_3299 = arith.constant 432 : index
      %get3A_3300 = tpu.vector_load %arg20[%get3A_3299] {strides = array<i32>} : memref<512xf32, #tpu.memory_space<vmem>>, vector<16xf32>,
      %sub3A_3301 = vector.broadcast %reduce_max3A_3081 : f32 to vector<16xf32>
      %sub3A_3302 = arith.subf %get3A_3300, %sub3A_3301 : vector<16xf32>
      %exp3A_3303 = math.exp %sub3A_3302 : vector<16xf32>
      %swap3A_3304 = arith.constant 432 : index
      %swap3A_3305 = tpu.vector_load %arg20[%swap3A_3304] {strides = array<i32>} : memref<512xf32, #tpu.memory_space<vmem>>, vector<16xf32>,
      tpu.vector_store %arg20[%swap3A_3304], %exp3A_3303 {strides = array<i32>} : memref<512xf32, #tpu.memory_space<vmem>>, vector<16xf32>,
      %add3A_3306 = arith.addf %add3A_3298, %exp3A_3303 : vector<16xf32>
      %get3A_3307 = arith.constant 448 : index
      %get3A_3308 = tpu.vector_load %arg20[%get3A_3307] {strides = array<i32>} : memref<512xf32, #tpu.memory_space<vmem>>, vector<16xf32>,
      %sub3A_3309 = vector.broadcast %reduce_max3A_3081 : f32 to vector<16xf32>
      %sub3A_3310 = arith.subf %get3A_3308, %sub3A_3309 : vector<16xf32>
      %exp3A_3311 = math.exp %sub3A_3310 : vector<16xf32>
      %swap3A_3312 = arith.constant 448 : index
      %swap3A_3313 = tpu.vector_load %arg20[%swap3A_3312] {strides = array<i32>} : memref<512xf32, #tpu.memory_space<vmem>>, vector<16xf32>,
      tpu.vector_store %arg20[%swap3A_3312], %exp3A_3311 {strides = array<i32>} : memref<512xf32, #tpu.memory_space<vmem>>, vector<16xf32>,
      %add3A_3314 = arith.addf %add3A_3306, %exp3A_3311 : vector<16xf32>
      %get3A_3315 = arith.constant 464 : index
      %get3A_3316 = tpu.vector_load %arg20[%get3A_3315] {strides = array<i32>} : memref<512xf32, #tpu.memory_space<vmem>>, vector<16xf32>,
      %sub3A_3317 = vector.broadcast %reduce_max3A_3081 : f32 to vector<16xf32>
      %sub3A_3318 = arith.subf %get3A_3316, %sub3A_3317 : vector<16xf32>
      %exp3A_3319 = math.exp %sub3A_3318 : vector<16xf32>
      %swap3A_3320 = arith.constant 464 : index
      %swap3A_3321 = tpu.vector_load %arg20[%swap3A_3320] {strides = array<i32>} : memref<512xf32, #tpu.memory_space<vmem>>, vector<16xf32>,
      tpu.vector_store %arg20[%swap3A_3320], %exp3A_3319 {strides = array<i32>} : memref<512xf32, #tpu.memory_space<vmem>>, vector<16xf32>,
      %add3A_3322 = arith.addf %add3A_3314, %exp3A_3319 : vector<16xf32>
      %get3A_3323 = arith.constant 480 : index
      %get3A_3324 = tpu.vector_load %arg20[%get3A_3323] {strides = array<i32>} : memref<512xf32, #tpu.memory_space<vmem>>, vector<16xf32>,
      %sub3A_3325 = vector.broadcast %reduce_max3A_3081 : f32 to vector<16xf32>
      %sub3A_3326 = arith.subf %get3A_3324, %sub3A_3325 : vector<16xf32>
      %exp3A_3327 = math.exp %sub3A_3326 : vector<16xf32>
      %swap3A_3328 = arith.constant 480 : index
      %swap3A_3329 = tpu.vector_load %arg20[%swap3A_3328] {strides = array<i32>} : memref<512xf32, #tpu.memory_space<vmem>>, vector<16xf32>,
      tpu.vector_store %arg20[%swap3A_3328], %exp3A_3327 {strides = array<i32>} : memref<512xf32, #tpu.memory_space<vmem>>, vector<16xf32>,
      %add3A_3330 = arith.addf %add3A_3322, %exp3A_3327 : vector<16xf32>
      %get3A_3331 = arith.constant 496 : index
      %get3A_3332 = tpu.vector_load %arg20[%get3A_3331] {strides = array<i32>} : memref<512xf32, #tpu.memory_space<vmem>>, vector<16xf32>,
      %sub3A_3333 = vector.broadcast %reduce_max3A_3081 : f32 to vector<16xf32>
      %sub3A_3334 = arith.subf %get3A_3332, %sub3A_3333 : vector<16xf32>
      %exp3A_3335 = math.exp %sub3A_3334 : vector<16xf32>
      %swap3A_3336 = arith.constant 496 : index
      %swap3A_3337 = tpu.vector_load %arg20[%swap3A_3336] {strides = array<i32>} : memref<512xf32, #tpu.memory_space<vmem>>, vector<16xf32>,
      tpu.vector_store %arg20[%swap3A_3336], %exp3A_3335 {strides = array<i32>} : memref<512xf32, #tpu.memory_space<vmem>>, vector<16xf32>,
      %add3A_3338 = arith.addf %add3A_3330, %exp3A_3335 : vector<16xf32>
      %reduce_sum3A = arith.constant true
      %reduce_sum3A_3339 = vector.broadcast %reduce_sum3A : i1 to vector<16xi1>
      %reduce_sum3A_3340 = tpu.scan <sum>, %add3A_3338 masked %reduce_sum3A_3339 : vector<16xf32>, vector<16xi1> -> vector<16xf32>
      %reduce_sum3A_3341 = vector.extract %reduce_sum3A_3340[15] : f32 from vector<16xf32>
      %add3A_3342 = vector.broadcast %reduce_sum3A_3341 : f32 to vector<16xf32>
      %add3A_3343 = arith.addf %broadcast_in_dim3A_263, %add3A_3342 : vector<16xf32>
      %div3A_3344 = arith.divf %broadcast_in_dim3A_261, %add3A_3343 : vector<16xf32>
      %get3A_3345 = arith.constant 0 : index
      %get3A_3346 = tpu.vector_load %arg20[%get3A_3345] {strides = array<i32>} : memref<512xf32, #tpu.memory_space<vmem>>, vector<16xf32>,
      %mul3A_3347 = arith.mulf %get3A_3346, %div3A_3344 : vector<16xf32>
      %swap3A_3348 = arith.constant 0 : index
      %swap3A_3349 = tpu.vector_load %arg20[%swap3A_3348] {strides = array<i32>} : memref<512xf32, #tpu.memory_space<vmem>>, vector<16xf32>,
      tpu.vector_store %arg20[%swap3A_3348], %mul3A_3347 {strides = array<i32>} : memref<512xf32, #tpu.memory_space<vmem>>, vector<16xf32>,
      %get3A_3350 = arith.constant 16 : index
      %get3A_3351 = tpu.vector_load %arg20[%get3A_3350] {strides = array<i32>} : memref<512xf32, #tpu.memory_space<vmem>>, vector<16xf32>,
      %mul3A_3352 = arith.mulf %get3A_3351, %div3A_3344 : vector<16xf32>
      %swap3A_3353 = arith.constant 16 : index
      %swap3A_3354 = tpu.vector_load %arg20[%swap3A_3353] {strides = array<i32>} : memref<512xf32, #tpu.memory_space<vmem>>, vector<16xf32>,
      tpu.vector_store %arg20[%swap3A_3353], %mul3A_3352 {strides = array<i32>} : memref<512xf32, #tpu.memory_space<vmem>>, vector<16xf32>,
      %get3A_3355 = arith.constant 32 : index
      %get3A_3356 = tpu.vector_load %arg20[%get3A_3355] {strides = array<i32>} : memref<512xf32, #tpu.memory_space<vmem>>, vector<16xf32>,
      %mul3A_3357 = arith.mulf %get3A_3356, %div3A_3344 : vector<16xf32>
      %swap3A_3358 = arith.constant 32 : index
      %swap3A_3359 = tpu.vector_load %arg20[%swap3A_3358] {strides = array<i32>} : memref<512xf32, #tpu.memory_space<vmem>>, vector<16xf32>,
      tpu.vector_store %arg20[%swap3A_3358], %mul3A_3357 {strides = array<i32>} : memref<512xf32, #tpu.memory_space<vmem>>, vector<16xf32>,
      %get3A_3360 = arith.constant 48 : index
      %get3A_3361 = tpu.vector_load %arg20[%get3A_3360] {strides = array<i32>} : memref<512xf32, #tpu.memory_space<vmem>>, vector<16xf32>,
      %mul3A_3362 = arith.mulf %get3A_3361, %div3A_3344 : vector<16xf32>
      %swap3A_3363 = arith.constant 48 : index
      %swap3A_3364 = tpu.vector_load %arg20[%swap3A_3363] {strides = array<i32>} : memref<512xf32, #tpu.memory_space<vmem>>, vector<16xf32>,
      tpu.vector_store %arg20[%swap3A_3363], %mul3A_3362 {strides = array<i32>} : memref<512xf32, #tpu.memory_space<vmem>>, vector<16xf32>,
      %get3A_3365 = arith.constant 64 : index
      %get3A_3366 = tpu.vector_load %arg20[%get3A_3365] {strides = array<i32>} : memref<512xf32, #tpu.memory_space<vmem>>, vector<16xf32>,
      %mul3A_3367 = arith.mulf %get3A_3366, %div3A_3344 : vector<16xf32>
      %swap3A_3368 = arith.constant 64 : index
      %swap3A_3369 = tpu.vector_load %arg20[%swap3A_3368] {strides = array<i32>} : memref<512xf32, #tpu.memory_space<vmem>>, vector<16xf32>,
      tpu.vector_store %arg20[%swap3A_3368], %mul3A_3367 {strides = array<i32>} : memref<512xf32, #tpu.memory_space<vmem>>, vector<16xf32>,
      %get3A_3370 = arith.constant 80 : index
      %get3A_3371 = tpu.vector_load %arg20[%get3A_3370] {strides = array<i32>} : memref<512xf32, #tpu.memory_space<vmem>>, vector<16xf32>,
      %mul3A_3372 = arith.mulf %get3A_3371, %div3A_3344 : vector<16xf32>
      %swap3A_3373 = arith.constant 80 : index
      %swap3A_3374 = tpu.vector_load %arg20[%swap3A_3373] {strides = array<i32>} : memref<512xf32, #tpu.memory_space<vmem>>, vector<16xf32>,
      tpu.vector_store %arg20[%swap3A_3373], %mul3A_3372 {strides = array<i32>} : memref<512xf32, #tpu.memory_space<vmem>>, vector<16xf32>,
      %get3A_3375 = arith.constant 96 : index
      %get3A_3376 = tpu.vector_load %arg20[%get3A_3375] {strides = array<i32>} : memref<512xf32, #tpu.memory_space<vmem>>, vector<16xf32>,
      %mul3A_3377 = arith.mulf %get3A_3376, %div3A_3344 : vector<16xf32>
      %swap3A_3378 = arith.constant 96 : index
      %swap3A_3379 = tpu.vector_load %arg20[%swap3A_3378] {strides = array<i32>} : memref<512xf32, #tpu.memory_space<vmem>>, vector<16xf32>,
      tpu.vector_store %arg20[%swap3A_3378], %mul3A_3377 {strides = array<i32>} : memref<512xf32, #tpu.memory_space<vmem>>, vector<16xf32>,
      %get3A_3380 = arith.constant 112 : index
      %get3A_3381 = tpu.vector_load %arg20[%get3A_3380] {strides = array<i32>} : memref<512xf32, #tpu.memory_space<vmem>>, vector<16xf32>,
      %mul3A_3382 = arith.mulf %get3A_3381, %div3A_3344 : vector<16xf32>
      %swap3A_3383 = arith.constant 112 : index
      %swap3A_3384 = tpu.vector_load %arg20[%swap3A_3383] {strides = array<i32>} : memref<512xf32, #tpu.memory_space<vmem>>, vector<16xf32>,
      tpu.vector_store %arg20[%swap3A_3383], %mul3A_3382 {strides = array<i32>} : memref<512xf32, #tpu.memory_space<vmem>>, vector<16xf32>,
      %get3A_3385 = arith.constant 128 : index
      %get3A_3386 = tpu.vector_load %arg20[%get3A_3385] {strides = array<i32>} : memref<512xf32, #tpu.memory_space<vmem>>, vector<16xf32>,
      %mul3A_3387 = arith.mulf %get3A_3386, %div3A_3344 : vector<16xf32>
      %swap3A_3388 = arith.constant 128 : index
      %swap3A_3389 = tpu.vector_load %arg20[%swap3A_3388] {strides = array<i32>} : memref<512xf32, #tpu.memory_space<vmem>>, vector<16xf32>,
      tpu.vector_store %arg20[%swap3A_3388], %mul3A_3387 {strides = array<i32>} : memref<512xf32, #tpu.memory_space<vmem>>, vector<16xf32>,
      %get3A_3390 = arith.constant 144 : index
      %get3A_3391 = tpu.vector_load %arg20[%get3A_3390] {strides = array<i32>} : memref<512xf32, #tpu.memory_space<vmem>>, vector<16xf32>,
      %mul3A_3392 = arith.mulf %get3A_3391, %div3A_3344 : vector<16xf32>
      %swap3A_3393 = arith.constant 144 : index
      %swap3A_3394 = tpu.vector_load %arg20[%swap3A_3393] {strides = array<i32>} : memref<512xf32, #tpu.memory_space<vmem>>, vector<16xf32>,
      tpu.vector_store %arg20[%swap3A_3393], %mul3A_3392 {strides = array<i32>} : memref<512xf32, #tpu.memory_space<vmem>>, vector<16xf32>,
      %get3A_3395 = arith.constant 160 : index
      %get3A_3396 = tpu.vector_load %arg20[%get3A_3395] {strides = array<i32>} : memref<512xf32, #tpu.memory_space<vmem>>, vector<16xf32>,
      %mul3A_3397 = arith.mulf %get3A_3396, %div3A_3344 : vector<16xf32>
      %swap3A_3398 = arith.constant 160 : index
      %swap3A_3399 = tpu.vector_load %arg20[%swap3A_3398] {strides = array<i32>} : memref<512xf32, #tpu.memory_space<vmem>>, vector<16xf32>,
      tpu.vector_store %arg20[%swap3A_3398], %mul3A_3397 {strides = array<i32>} : memref<512xf32, #tpu.memory_space<vmem>>, vector<16xf32>,
      %get3A_3400 = arith.constant 176 : index
      %get3A_3401 = tpu.vector_load %arg20[%get3A_3400] {strides = array<i32>} : memref<512xf32, #tpu.memory_space<vmem>>, vector<16xf32>,
      %mul3A_3402 = arith.mulf %get3A_3401, %div3A_3344 : vector<16xf32>
      %swap3A_3403 = arith.constant 176 : index
      %swap3A_3404 = tpu.vector_load %arg20[%swap3A_3403] {strides = array<i32>} : memref<512xf32, #tpu.memory_space<vmem>>, vector<16xf32>,
      tpu.vector_store %arg20[%swap3A_3403], %mul3A_3402 {strides = array<i32>} : memref<512xf32, #tpu.memory_space<vmem>>, vector<16xf32>,
      %get3A_3405 = arith.constant 192 : index
      %get3A_3406 = tpu.vector_load %arg20[%get3A_3405] {strides = array<i32>} : memref<512xf32, #tpu.memory_space<vmem>>, vector<16xf32>,
      %mul3A_3407 = arith.mulf %get3A_3406, %div3A_3344 : vector<16xf32>
      %swap3A_3408 = arith.constant 192 : index
      %swap3A_3409 = tpu.vector_load %arg20[%swap3A_3408] {strides = array<i32>} : memref<512xf32, #tpu.memory_space<vmem>>, vector<16xf32>,
      tpu.vector_store %arg20[%swap3A_3408], %mul3A_3407 {strides = array<i32>} : memref<512xf32, #tpu.memory_space<vmem>>, vector<16xf32>,
      %get3A_3410 = arith.constant 208 : index
      %get3A_3411 = tpu.vector_load %arg20[%get3A_3410] {strides = array<i32>} : memref<512xf32, #tpu.memory_space<vmem>>, vector<16xf32>,
      %mul3A_3412 = arith.mulf %get3A_3411, %div3A_3344 : vector<16xf32>
      %swap3A_3413 = arith.constant 208 : index
      %swap3A_3414 = tpu.vector_load %arg20[%swap3A_3413] {strides = array<i32>} : memref<512xf32, #tpu.memory_space<vmem>>, vector<16xf32>,
      tpu.vector_store %arg20[%swap3A_3413], %mul3A_3412 {strides = array<i32>} : memref<512xf32, #tpu.memory_space<vmem>>, vector<16xf32>,
      %get3A_3415 = arith.constant 224 : index
      %get3A_3416 = tpu.vector_load %arg20[%get3A_3415] {strides = array<i32>} : memref<512xf32, #tpu.memory_space<vmem>>, vector<16xf32>,
      %mul3A_3417 = arith.mulf %get3A_3416, %div3A_3344 : vector<16xf32>
      %swap3A_3418 = arith.constant 224 : index
      %swap3A_3419 = tpu.vector_load %arg20[%swap3A_3418] {strides = array<i32>} : memref<512xf32, #tpu.memory_space<vmem>>, vector<16xf32>,
      tpu.vector_store %arg20[%swap3A_3418], %mul3A_3417 {strides = array<i32>} : memref<512xf32, #tpu.memory_space<vmem>>, vector<16xf32>,
      %get3A_3420 = arith.constant 240 : index
      %get3A_3421 = tpu.vector_load %arg20[%get3A_3420] {strides = array<i32>} : memref<512xf32, #tpu.memory_space<vmem>>, vector<16xf32>,
      %mul3A_3422 = arith.mulf %get3A_3421, %div3A_3344 : vector<16xf32>
      %swap3A_3423 = arith.constant 240 : index
      %swap3A_3424 = tpu.vector_load %arg20[%swap3A_3423] {strides = array<i32>} : memref<512xf32, #tpu.memory_space<vmem>>, vector<16xf32>,
      tpu.vector_store %arg20[%swap3A_3423], %mul3A_3422 {strides = array<i32>} : memref<512xf32, #tpu.memory_space<vmem>>, vector<16xf32>,
      %get3A_3425 = arith.constant 256 : index
      %get3A_3426 = tpu.vector_load %arg20[%get3A_3425] {strides = array<i32>} : memref<512xf32, #tpu.memory_space<vmem>>, vector<16xf32>,
      %mul3A_3427 = arith.mulf %get3A_3426, %div3A_3344 : vector<16xf32>
      %swap3A_3428 = arith.constant 256 : index
      %swap3A_3429 = tpu.vector_load %arg20[%swap3A_3428] {strides = array<i32>} : memref<512xf32, #tpu.memory_space<vmem>>, vector<16xf32>,
      tpu.vector_store %arg20[%swap3A_3428], %mul3A_3427 {strides = array<i32>} : memref<512xf32, #tpu.memory_space<vmem>>, vector<16xf32>,
      %get3A_3430 = arith.constant 272 : index
      %get3A_3431 = tpu.vector_load %arg20[%get3A_3430] {strides = array<i32>} : memref<512xf32, #tpu.memory_space<vmem>>, vector<16xf32>,
      %mul3A_3432 = arith.mulf %get3A_3431, %div3A_3344 : vector<16xf32>
      %swap3A_3433 = arith.constant 272 : index
      %swap3A_3434 = tpu.vector_load %arg20[%swap3A_3433] {strides = array<i32>} : memref<512xf32, #tpu.memory_space<vmem>>, vector<16xf32>,
      tpu.vector_store %arg20[%swap3A_3433], %mul3A_3432 {strides = array<i32>} : memref<512xf32, #tpu.memory_space<vmem>>, vector<16xf32>,
      %get3A_3435 = arith.constant 288 : index
      %get3A_3436 = tpu.vector_load %arg20[%get3A_3435] {strides = array<i32>} : memref<512xf32, #tpu.memory_space<vmem>>, vector<16xf32>,
      %mul3A_3437 = arith.mulf %get3A_3436, %div3A_3344 : vector<16xf32>
      %swap3A_3438 = arith.constant 288 : index
      %swap3A_3439 = tpu.vector_load %arg20[%swap3A_3438] {strides = array<i32>} : memref<512xf32, #tpu.memory_space<vmem>>, vector<16xf32>,
      tpu.vector_store %arg20[%swap3A_3438], %mul3A_3437 {strides = array<i32>} : memref<512xf32, #tpu.memory_space<vmem>>, vector<16xf32>,
      %get3A_3440 = arith.constant 304 : index
      %get3A_3441 = tpu.vector_load %arg20[%get3A_3440] {strides = array<i32>} : memref<512xf32, #tpu.memory_space<vmem>>, vector<16xf32>,
      %mul3A_3442 = arith.mulf %get3A_3441, %div3A_3344 : vector<16xf32>
      %swap3A_3443 = arith.constant 304 : index
      %swap3A_3444 = tpu.vector_load %arg20[%swap3A_3443] {strides = array<i32>} : memref<512xf32, #tpu.memory_space<vmem>>, vector<16xf32>,
      tpu.vector_store %arg20[%swap3A_3443], %mul3A_3442 {strides = array<i32>} : memref<512xf32, #tpu.memory_space<vmem>>, vector<16xf32>,
      %get3A_3445 = arith.constant 320 : index
      %get3A_3446 = tpu.vector_load %arg20[%get3A_3445] {strides = array<i32>} : memref<512xf32, #tpu.memory_space<vmem>>, vector<16xf32>,
      %mul3A_3447 = arith.mulf %get3A_3446, %div3A_3344 : vector<16xf32>
      %swap3A_3448 = arith.constant 320 : index
      %swap3A_3449 = tpu.vector_load %arg20[%swap3A_3448] {strides = array<i32>} : memref<512xf32, #tpu.memory_space<vmem>>, vector<16xf32>,
      tpu.vector_store %arg20[%swap3A_3448], %mul3A_3447 {strides = array<i32>} : memref<512xf32, #tpu.memory_space<vmem>>, vector<16xf32>,
      %get3A_3450 = arith.constant 336 : index
      %get3A_3451 = tpu.vector_load %arg20[%get3A_3450] {strides = array<i32>} : memref<512xf32, #tpu.memory_space<vmem>>, vector<16xf32>,
      %mul3A_3452 = arith.mulf %get3A_3451, %div3A_3344 : vector<16xf32>
      %swap3A_3453 = arith.constant 336 : index
      %swap3A_3454 = tpu.vector_load %arg20[%swap3A_3453] {strides = array<i32>} : memref<512xf32, #tpu.memory_space<vmem>>, vector<16xf32>,
      tpu.vector_store %arg20[%swap3A_3453], %mul3A_3452 {strides = array<i32>} : memref<512xf32, #tpu.memory_space<vmem>>, vector<16xf32>,
      %get3A_3455 = arith.constant 352 : index
      %get3A_3456 = tpu.vector_load %arg20[%get3A_3455] {strides = array<i32>} : memref<512xf32, #tpu.memory_space<vmem>>, vector<16xf32>,
      %mul3A_3457 = arith.mulf %get3A_3456, %div3A_3344 : vector<16xf32>
      %swap3A_3458 = arith.constant 352 : index
      %swap3A_3459 = tpu.vector_load %arg20[%swap3A_3458] {strides = array<i32>} : memref<512xf32, #tpu.memory_space<vmem>>, vector<16xf32>,
      tpu.vector_store %arg20[%swap3A_3458], %mul3A_3457 {strides = array<i32>} : memref<512xf32, #tpu.memory_space<vmem>>, vector<16xf32>,
      %get3A_3460 = arith.constant 368 : index
      %get3A_3461 = tpu.vector_load %arg20[%get3A_3460] {strides = array<i32>} : memref<512xf32, #tpu.memory_space<vmem>>, vector<16xf32>,
      %mul3A_3462 = arith.mulf %get3A_3461, %div3A_3344 : vector<16xf32>
      %swap3A_3463 = arith.constant 368 : index
      %swap3A_3464 = tpu.vector_load %arg20[%swap3A_3463] {strides = array<i32>} : memref<512xf32, #tpu.memory_space<vmem>>, vector<16xf32>,
      tpu.vector_store %arg20[%swap3A_3463], %mul3A_3462 {strides = array<i32>} : memref<512xf32, #tpu.memory_space<vmem>>, vector<16xf32>,
      %get3A_3465 = arith.constant 384 : index
      %get3A_3466 = tpu.vector_load %arg20[%get3A_3465] {strides = array<i32>} : memref<512xf32, #tpu.memory_space<vmem>>, vector<16xf32>,
      %mul3A_3467 = arith.mulf %get3A_3466, %div3A_3344 : vector<16xf32>
      %swap3A_3468 = arith.constant 384 : index
      %swap3A_3469 = tpu.vector_load %arg20[%swap3A_3468] {strides = array<i32>} : memref<512xf32, #tpu.memory_space<vmem>>, vector<16xf32>,
      tpu.vector_store %arg20[%swap3A_3468], %mul3A_3467 {strides = array<i32>} : memref<512xf32, #tpu.memory_space<vmem>>, vector<16xf32>,
      %get3A_3470 = arith.constant 400 : index
      %get3A_3471 = tpu.vector_load %arg20[%get3A_3470] {strides = array<i32>} : memref<512xf32, #tpu.memory_space<vmem>>, vector<16xf32>,
      %mul3A_3472 = arith.mulf %get3A_3471, %div3A_3344 : vector<16xf32>
      %swap3A_3473 = arith.constant 400 : index
      %swap3A_3474 = tpu.vector_load %arg20[%swap3A_3473] {strides = array<i32>} : memref<512xf32, #tpu.memory_space<vmem>>, vector<16xf32>,
      tpu.vector_store %arg20[%swap3A_3473], %mul3A_3472 {strides = array<i32>} : memref<512xf32, #tpu.memory_space<vmem>>, vector<16xf32>,
      %get3A_3475 = arith.constant 416 : index
      %get3A_3476 = tpu.vector_load %arg20[%get3A_3475] {strides = array<i32>} : memref<512xf32, #tpu.memory_space<vmem>>, vector<16xf32>,
      %mul3A_3477 = arith.mulf %get3A_3476, %div3A_3344 : vector<16xf32>
      %swap3A_3478 = arith.constant 416 : index
      %swap3A_3479 = tpu.vector_load %arg20[%swap3A_3478] {strides = array<i32>} : memref<512xf32, #tpu.memory_space<vmem>>, vector<16xf32>,
      tpu.vector_store %arg20[%swap3A_3478], %mul3A_3477 {strides = array<i32>} : memref<512xf32, #tpu.memory_space<vmem>>, vector<16xf32>,
      %get3A_3480 = arith.constant 432 : index
      %get3A_3481 = tpu.vector_load %arg20[%get3A_3480] {strides = array<i32>} : memref<512xf32, #tpu.memory_space<vmem>>, vector<16xf32>,
      %mul3A_3482 = arith.mulf %get3A_3481, %div3A_3344 : vector<16xf32>
      %swap3A_3483 = arith.constant 432 : index
      %swap3A_3484 = tpu.vector_load %arg20[%swap3A_3483] {strides = array<i32>} : memref<512xf32, #tpu.memory_space<vmem>>, vector<16xf32>,
      tpu.vector_store %arg20[%swap3A_3483], %mul3A_3482 {strides = array<i32>} : memref<512xf32, #tpu.memory_space<vmem>>, vector<16xf32>,
      %get3A_3485 = arith.constant 448 : index
      %get3A_3486 = tpu.vector_load %arg20[%get3A_3485] {strides = array<i32>} : memref<512xf32, #tpu.memory_space<vmem>>, vector<16xf32>,
      %mul3A_3487 = arith.mulf %get3A_3486, %div3A_3344 : vector<16xf32>
      %swap3A_3488 = arith.constant 448 : index
      %swap3A_3489 = tpu.vector_load %arg20[%swap3A_3488] {strides = array<i32>} : memref<512xf32, #tpu.memory_space<vmem>>, vector<16xf32>,
      tpu.vector_store %arg20[%swap3A_3488], %mul3A_3487 {strides = array<i32>} : memref<512xf32, #tpu.memory_space<vmem>>, vector<16xf32>,
      %get3A_3490 = arith.constant 464 : index
      %get3A_3491 = tpu.vector_load %arg20[%get3A_3490] {strides = array<i32>} : memref<512xf32, #tpu.memory_space<vmem>>, vector<16xf32>,
      %mul3A_3492 = arith.mulf %get3A_3491, %div3A_3344 : vector<16xf32>
      %swap3A_3493 = arith.constant 464 : index
      %swap3A_3494 = tpu.vector_load %arg20[%swap3A_3493] {strides = array<i32>} : memref<512xf32, #tpu.memory_space<vmem>>, vector<16xf32>,
      tpu.vector_store %arg20[%swap3A_3493], %mul3A_3492 {strides = array<i32>} : memref<512xf32, #tpu.memory_space<vmem>>, vector<16xf32>,
      %get3A_3495 = arith.constant 480 : index
      %get3A_3496 = tpu.vector_load %arg20[%get3A_3495] {strides = array<i32>} : memref<512xf32, #tpu.memory_space<vmem>>, vector<16xf32>,
      %mul3A_3497 = arith.mulf %get3A_3496, %div3A_3344 : vector<16xf32>
      %swap3A_3498 = arith.constant 480 : index
      %swap3A_3499 = tpu.vector_load %arg20[%swap3A_3498] {strides = array<i32>} : memref<512xf32, #tpu.memory_space<vmem>>, vector<16xf32>,
      tpu.vector_store %arg20[%swap3A_3498], %mul3A_3497 {strides = array<i32>} : memref<512xf32, #tpu.memory_space<vmem>>, vector<16xf32>,
      %get3A_3500 = arith.constant 496 : index
      %get3A_3501 = tpu.vector_load %arg20[%get3A_3500] {strides = array<i32>} : memref<512xf32, #tpu.memory_space<vmem>>, vector<16xf32>,
      %mul3A_3502 = arith.mulf %get3A_3501, %div3A_3344 : vector<16xf32>
      %swap3A_3503 = arith.constant 496 : index
      %swap3A_3504 = tpu.vector_load %arg20[%swap3A_3503] {strides = array<i32>} : memref<512xf32, #tpu.memory_space<vmem>>, vector<16xf32>,
      tpu.vector_store %arg20[%swap3A_3503], %mul3A_3502 {strides = array<i32>} : memref<512xf32, #tpu.memory_space<vmem>>, vector<16xf32>,
      "tpu.region"() ({
        %run_scoped3A = tpu.sem_alloc : memref<!tpu.dma_semaphore, #tpu.memory_space<semaphore_mem>>
        %dma_start3A_3505 = arith.constant 0 : i32
        %dma_start3A_3506 = tpu.memref_slice %arg25[%arg1, %dma_start3A_3505] : memref<8x512xf32, #tpu.memory_space<vmem_shared>> -> memref<1x512xf32, #tpu.memory_space<vmem_shared>>
        %dma_start3A_3507 = tpu.memref_squeeze %dma_start3A_3506 : memref<1x512xf32, #tpu.memory_space<vmem_shared>> -> memref<512xf32, #tpu.memory_space<vmem_shared>>
        %dma_start3A_3508 = arith.constant 0 : i32
        %dma_start3A_3509 = tpu.memref_slice %arg25[%arg1, %dma_start3A_3508] : memref<8x512xf32, #tpu.memory_space<vmem_shared>> -> memref<1x512xf32, #tpu.memory_space<vmem_shared>>
        %dma_start3A_3510 = tpu.memref_squeeze %dma_start3A_3509 : memref<1x512xf32, #tpu.memory_space<vmem_shared>> -> memref<512xf32, #tpu.memory_space<vmem_shared>>
        tpu.enqueue_dma source(%arg20 : memref<512xf32, #tpu.memory_space<vmem>>) target(%dma_start3A_3510 : memref<512xf32, #tpu.memory_space<vmem_shared>>) target_semaphore(%run_scoped3A : memref<!tpu.dma_semaphore, #tpu.memory_space<semaphore_mem>>)
        %dma_wait3A_3511 = arith.constant 0 : i32
        %dma_wait3A_3512 = tpu.memref_slice %arg25[%arg1, %dma_wait3A_3511] : memref<8x512xf32, #tpu.memory_space<vmem_shared>> -> memref<1x512xf32, #tpu.memory_space<vmem_shared>>
        %dma_wait3A_3513 = tpu.memref_squeeze %dma_wait3A_3512 : memref<1x512xf32, #tpu.memory_space<vmem_shared>> -> memref<512xf32, #tpu.memory_space<vmem_shared>>
        %dma_wait3A_3514 = arith.constant 0 : i32
        %dma_wait3A_3515 = tpu.memref_slice %arg25[%arg1, %dma_wait3A_3514] : memref<8x512xf32, #tpu.memory_space<vmem_shared>> -> memref<1x512xf32, #tpu.memory_space<vmem_shared>>
        %dma_wait3A_3516 = tpu.memref_squeeze %dma_wait3A_3515 : memref<1x512xf32, #tpu.memory_space<vmem_shared>> -> memref<512xf32, #tpu.memory_space<vmem_shared>>
        tpu.wait_dma2 semaphore(%run_scoped3A : memref<!tpu.dma_semaphore, #tpu.memory_space<semaphore_mem>>) src(%arg20 : memref<512xf32, #tpu.memory_space<vmem>>) dst(%dma_wait3A_3516 : memref<512xf32, #tpu.memory_space<vmem_shared>>)
        tpu.yield
      }) : () -> ()
    } else {
    }
    %barrier3A = arith.constant 0 : index
    tpu.barrier barrier_id(%barrier3A)
    %jit3A_76 = arith.constant 2 : i32
    %div3A_77 = arith.divsi %arg1, %jit3A_76 : i32
    %sign3A_78 = arith.constant 0 : i32
    %sign3A_79 = arith.cmpi sgt, %arg1, %sign3A_78 : i32
    %sign3A_80 = arith.extui %sign3A_79 : i1 to i32
    %sign3A_81 = arith.constant 0 : i32
    %sign3A_82 = arith.cmpi slt, %arg1, %sign3A_81 : i32
    %sign3A_83 = arith.extui %sign3A_82 : i1 to i32
    %sign3A_84 = arith.subi %sign3A_80, %sign3A_83 : i32
    %sign3A_85 = arith.constant 0 : i32
    %sign3A_86 = arith.cmpi sgt, %jit3A_76, %sign3A_85 : i32
    %sign3A_87 = arith.extui %sign3A_86 : i1 to i32
    %sign3A_88 = arith.constant 0 : i32
    %sign3A_89 = arith.cmpi slt, %jit3A_76, %sign3A_88 : i32
    %sign3A_90 = arith.extui %sign3A_89 : i1 to i32
    %sign3A_91 = arith.subi %sign3A_87, %sign3A_90 : i32
    %ne3A_92 = arith.cmpi ne, %sign3A_84, %sign3A_91 : i32
    %rem3A_93 = arith.remsi %arg1, %jit3A_76 : i32
    %ne3A_94 = arith.constant 0 : i32
    %ne3A_95 = arith.cmpi ne, %rem3A_93, %ne3A_94 : i32
    %and3A_96 = arith.andi %ne3A_92, %ne3A_95 : i1
    %sub3A_97 = arith.constant 1 : i32
    %sub3A_98 = arith.subi %div3A_77, %sub3A_97 : i32
    %select_n3A_99 = arith.select %and3A_96, %sub3A_98, %div3A_77 : i32
    "tpu.region"() ({
      %run_scoped3A = tpu.sem_alloc : memref<!tpu.dma_semaphore, #tpu.memory_space<semaphore_mem>>
      %dma_start3A_145 = arith.constant 0 : i32
      %dma_start3A_146 = tpu.memref_slice %arg25[%select_n3A_99, %dma_start3A_145] : memref<8x512xf32, #tpu.memory_space<vmem_shared>> -> memref<1x512xf32, #tpu.memory_space<vmem_shared>>
      %dma_start3A_147 = tpu.memref_squeeze %dma_start3A_146 : memref<1x512xf32, #tpu.memory_space<vmem_shared>> -> memref<512xf32, #tpu.memory_space<vmem_shared>>
      %dma_start3A_148 = arith.constant 0 : i32
      %dma_start3A_149 = tpu.memref_slice %arg25[%select_n3A_99, %dma_start3A_148] : memref<8x512xf32, #tpu.memory_space<vmem_shared>> -> memref<1x512xf32, #tpu.memory_space<vmem_shared>>
      %dma_start3A_150 = tpu.memref_squeeze %dma_start3A_149 : memref<1x512xf32, #tpu.memory_space<vmem_shared>> -> memref<512xf32, #tpu.memory_space<vmem_shared>>
      tpu.enqueue_dma source(%dma_start3A_150 : memref<512xf32, #tpu.memory_space<vmem_shared>>) target(%arg21 : memref<512xf32, #tpu.memory_space<vmem>>) target_semaphore(%run_scoped3A : memref<!tpu.dma_semaphore, #tpu.memory_space<semaphore_mem>>)
      %dma_wait3A_151 = arith.constant 0 : i32
      %dma_wait3A_152 = tpu.memref_slice %arg25[%select_n3A_99, %dma_wait3A_151] : memref<8x512xf32, #tpu.memory_space<vmem_shared>> -> memref<1x512xf32, #tpu.memory_space<vmem_shared>>
      %dma_wait3A_153 = tpu.memref_squeeze %dma_wait3A_152 : memref<1x512xf32, #tpu.memory_space<vmem_shared>> -> memref<512xf32, #tpu.memory_space<vmem_shared>>
      %dma_wait3A_154 = arith.constant 0 : i32
      %dma_wait3A_155 = tpu.memref_slice %arg25[%select_n3A_99, %dma_wait3A_154] : memref<8x512xf32, #tpu.memory_space<vmem_shared>> -> memref<1x512xf32, #tpu.memory_space<vmem_shared>>
      %dma_wait3A_156 = tpu.memref_squeeze %dma_wait3A_155 : memref<1x512xf32, #tpu.memory_space<vmem_shared>> -> memref<512xf32, #tpu.memory_space<vmem_shared>>
      tpu.wait_dma2 semaphore(%run_scoped3A : memref<!tpu.dma_semaphore, #tpu.memory_space<semaphore_mem>>) src(%dma_wait3A_156 : memref<512xf32, #tpu.memory_space<vmem_shared>>) dst(%arg21 : memref<512xf32, #tpu.memory_space<vmem>>)
      tpu.yield
    }) : () -> ()
    %broadcast_in_dim3A = arith.constant 0.000000e+00 : f32
    %broadcast_in_dim3A_100 = vector.broadcast %broadcast_in_dim3A : f32 to vector<16xf32>
    %dma_start3A = tpu.memref_slice %arg8[%select_n3A_54, %multiple_of3A] : memref<4x50176xi32, #tpu.memory_space<hbm>> -> memref<1x12544xi32, #tpu.memory_space<hbm>>
    %dma_start3A_101 = tpu.memref_squeeze %dma_start3A : memref<1x12544xi32, #tpu.memory_space<hbm>> -> memref<12544xi32, #tpu.memory_space<hbm>>
    %dma_start3A_102 = tpu.memref_slice %arg8[%select_n3A_54, %multiple_of3A] : memref<4x50176xi32, #tpu.memory_space<hbm>> -> memref<1x12544xi32, #tpu.memory_space<hbm>>
    %dma_start3A_103 = tpu.memref_squeeze %dma_start3A_102 : memref<1x12544xi32, #tpu.memory_space<hbm>> -> memref<12544xi32, #tpu.memory_space<hbm>>
    tpu.enqueue_dma source(%dma_start3A_103 : memref<12544xi32, #tpu.memory_space<hbm>>) target(%arg22 : memref<12544xi32, #tpu.memory_space<vmem>>) target_semaphore(%arg26 : memref<!tpu.dma_semaphore, #tpu.memory_space<semaphore_mem>>)
    %dma_start3A_104 = tpu.memref_slice %arg9[%select_n3A_54, %multiple_of3A] : memref<4x50176xi32, #tpu.memory_space<hbm>> -> memref<1x12544xi32, #tpu.memory_space<hbm>>
    %dma_start3A_105 = tpu.memref_squeeze %dma_start3A_104 : memref<1x12544xi32, #tpu.memory_space<hbm>> -> memref<12544xi32, #tpu.memory_space<hbm>>
    %dma_start3A_106 = tpu.memref_slice %arg9[%select_n3A_54, %multiple_of3A] : memref<4x50176xi32, #tpu.memory_space<hbm>> -> memref<1x12544xi32, #tpu.memory_space<hbm>>
    %dma_start3A_107 = tpu.memref_squeeze %dma_start3A_106 : memref<1x12544xi32, #tpu.memory_space<hbm>> -> memref<12544xi32, #tpu.memory_space<hbm>>
    tpu.enqueue_dma source(%dma_start3A_107 : memref<12544xi32, #tpu.memory_space<hbm>>) target(%arg23 : memref<12544xi32, #tpu.memory_space<vmem>>) target_semaphore(%arg26 : memref<!tpu.dma_semaphore, #tpu.memory_space<semaphore_mem>>)
    %dma_wait3A = tpu.memref_slice %arg8[%select_n3A_54, %multiple_of3A] : memref<4x50176xi32, #tpu.memory_space<hbm>> -> memref<1x12544xi32, #tpu.memory_space<hbm>>
    %dma_wait3A_108 = tpu.memref_squeeze %dma_wait3A : memref<1x12544xi32, #tpu.memory_space<hbm>> -> memref<12544xi32, #tpu.memory_space<hbm>>
    %dma_wait3A_109 = tpu.memref_slice %arg8[%select_n3A_54, %multiple_of3A] : memref<4x50176xi32, #tpu.memory_space<hbm>> -> memref<1x12544xi32, #tpu.memory_space<hbm>>
    %dma_wait3A_110 = tpu.memref_squeeze %dma_wait3A_109 : memref<1x12544xi32, #tpu.memory_space<hbm>> -> memref<12544xi32, #tpu.memory_space<hbm>>
    tpu.wait_dma2 semaphore(%arg26 : memref<!tpu.dma_semaphore, #tpu.memory_space<semaphore_mem>>) src(%dma_wait3A_110 : memref<12544xi32, #tpu.memory_space<hbm>>) dst(%arg22 : memref<12544xi32, #tpu.memory_space<vmem>>)
    %dma_wait3A_111 = tpu.memref_slice %arg9[%select_n3A_54, %multiple_of3A] : memref<4x50176xi32, #tpu.memory_space<hbm>> -> memref<1x12544xi32, #tpu.memory_space<hbm>>
    %dma_wait3A_112 = tpu.memref_squeeze %dma_wait3A_111 : memref<1x12544xi32, #tpu.memory_space<hbm>> -> memref<12544xi32, #tpu.memory_space<hbm>>
    %dma_wait3A_113 = tpu.memref_slice %arg9[%select_n3A_54, %multiple_of3A] : memref<4x50176xi32, #tpu.memory_space<hbm>> -> memref<1x12544xi32, #tpu.memory_space<hbm>>
    %dma_wait3A_114 = tpu.memref_squeeze %dma_wait3A_113 : memref<1x12544xi32, #tpu.memory_space<hbm>> -> memref<12544xi32, #tpu.memory_space<hbm>>
    tpu.wait_dma2 semaphore(%arg26 : memref<!tpu.dma_semaphore, #tpu.memory_space<semaphore_mem>>) src(%dma_wait3A_114 : memref<12544xi32, #tpu.memory_space<hbm>>) dst(%arg23 : memref<12544xi32, #tpu.memory_space<vmem>>)
    %scan3A = arith.constant 0 : i32
    %scan3A_115 = arith.constant 0 : i32
    %scan3A_116 = arith.constant 784 : i32
    %scan3A_117 = arith.addi %scan3A_115, %scan3A_116 : i32
    %scan3A_118 = arith.constant 1 : i32
    scf.for %scan3A_145 = %scan3A_115 to %scan3A_117 step %scan3A_118  : i32 {
      %mul3A_146 = arith.constant 16 : i32
      %mul3A_147 = arith.muli %scan3A_145, %mul3A_146 : i32
      %get3A = arith.index_cast %mul3A_147 : i32 to index
      %get3A_148 = tpu.vector_load %arg22[%get3A] {strides = array<i32>} : memref<12544xi32, #tpu.memory_space<vmem>>, vector<16xi32>,
      %gather3A = tpu.vector_load_idx %arg21[%get3A_148] : memref<512xf32, #tpu.memory_space<vmem>>[vector<16xi32>], vector<16xf32>,
      %get3A_149 = arith.index_cast %mul3A_147 : i32 to index
      %get3A_150 = tpu.vector_load %arg23[%get3A_149] {strides = array<i32>} : memref<12544xi32, #tpu.memory_space<vmem>>, vector<16xi32>,
      %eq3A_151 = arith.constant 0 : i32
      %eq3A_152 = vector.broadcast %eq3A_151 : i32 to vector<16xi32>
      %eq3A_153 = arith.cmpi eq, %get3A_150, %eq3A_152 : vector<16xi32>
      %select_n3A_154 = arith.select %eq3A_153, %broadcast_in_dim3A_100, %gather3A : vector<16xi1>, vector<16xf32>
      %swap3A = arith.index_cast %mul3A_147 : i32 to index
      %swap3A_155 = tpu.vector_load %arg24[%swap3A] {strides = array<i32>} : memref<12544xf32, #tpu.memory_space<vmem>>, vector<16xf32>,
      tpu.vector_store %arg24[%swap3A], %select_n3A_154 {strides = array<i32>} : memref<12544xf32, #tpu.memory_space<vmem>>, vector<16xf32>,
    }
    %scan3A_119 = arith.constant 784 : i32
    "tpu.region"() ({
      %run_scoped3A = tpu.sem_alloc : memref<!tpu.dma_semaphore, #tpu.memory_space<semaphore_mem>>
      %dma_start3A_145 = tpu.memref_slice %arg10[%select_n3A_54, %select_n3A_70, %multiple_of3A] : memref<4x4x50176xf32, #tpu.memory_space<hbm>> -> memref<1x1x12544xf32, #tpu.memory_space<hbm>>
      %dma_start3A_146 = tpu.memref_squeeze %dma_start3A_145 : memref<1x1x12544xf32, #tpu.memory_space<hbm>> -> memref<12544xf32, #tpu.memory_space<hbm>>
      %dma_start3A_147 = tpu.memref_slice %arg10[%select_n3A_54, %select_n3A_70, %multiple_of3A] : memref<4x4x50176xf32, #tpu.memory_space<hbm>> -> memref<1x1x12544xf32, #tpu.memory_space<hbm>>
      %dma_start3A_148 = tpu.memref_squeeze %dma_start3A_147 : memref<1x1x12544xf32, #tpu.memory_space<hbm>> -> memref<12544xf32, #tpu.memory_space<hbm>>
      tpu.enqueue_dma source(%arg24 : memref<12544xf32, #tpu.memory_space<vmem>>) target(%dma_start3A_148 : memref<12544xf32, #tpu.memory_space<hbm>>) target_semaphore(%run_scoped3A : memref<!tpu.dma_semaphore, #tpu.memory_space<semaphore_mem>>)
      %dma_wait3A_149 = tpu.memref_slice %arg10[%select_n3A_54, %select_n3A_70, %multiple_of3A] : memref<4x4x50176xf32, #tpu.memory_space<hbm>> -> memref<1x1x12544xf32, #tpu.memory_space<hbm>>
      %dma_wait3A_150 = tpu.memref_squeeze %dma_wait3A_149 : memref<1x1x12544xf32, #tpu.memory_space<hbm>> -> memref<12544xf32, #tpu.memory_space<hbm>>
      %dma_wait3A_151 = tpu.memref_slice %arg10[%select_n3A_54, %select_n3A_70, %multiple_of3A] : memref<4x4x50176xf32, #tpu.memory_space<hbm>> -> memref<1x1x12544xf32, #tpu.memory_space<hbm>>
      %dma_wait3A_152 = tpu.memref_squeeze %dma_wait3A_151 : memref<1x1x12544xf32, #tpu.memory_space<hbm>> -> memref<12544xf32, #tpu.memory_space<hbm>>
      tpu.wait_dma2 semaphore(%run_scoped3A : memref<!tpu.dma_semaphore, #tpu.memory_space<semaphore_mem>>) src(%arg24 : memref<12544xf32, #tpu.memory_space<vmem>>) dst(%dma_wait3A_152 : memref<12544xf32, #tpu.memory_space<hbm>>)
      tpu.yield
    }) : () -> ()
    %add3A_120 = arith.constant 12544 : i32
    %add3A_121 = arith.addi %multiple_of3A, %add3A_120 : i32
    %multiple_of3A_122 = tpu.assume_multiple %add3A_121, 32 : i32
    %dma_start3A_123 = tpu.memref_slice %arg8[%select_n3A_54, %multiple_of3A_122] : memref<4x50176xi32, #tpu.memory_space<hbm>> -> memref<1x12544xi32, #tpu.memory_space<hbm>>
    %dma_start3A_124 = tpu.memref_squeeze %dma_start3A_123 : memref<1x12544xi32, #tpu.memory_space<hbm>> -> memref<12544xi32, #tpu.memory_space<hbm>>
    %dma_start3A_125 = tpu.memref_slice %arg8[%select_n3A_54, %multiple_of3A_122] : memref<4x50176xi32, #tpu.memory_space<hbm>> -> memref<1x12544xi32, #tpu.memory_space<hbm>>
    %dma_start3A_126 = tpu.memref_squeeze %dma_start3A_125 : memref<1x12544xi32, #tpu.memory_space<hbm>> -> memref<12544xi32, #tpu.memory_space<hbm>>
    tpu.enqueue_dma source(%dma_start3A_126 : memref<12544xi32, #tpu.memory_space<hbm>>) target(%arg22 : memref<12544xi32, #tpu.memory_space<vmem>>) target_semaphore(%arg26 : memref<!tpu.dma_semaphore, #tpu.memory_space<semaphore_mem>>)
    %dma_start3A_127 = tpu.memref_slice %arg9[%select_n3A_54, %multiple_of3A_122] : memref<4x50176xi32, #tpu.memory_space<hbm>> -> memref<1x12544xi32, #tpu.memory_space<hbm>>
    %dma_start3A_128 = tpu.memref_squeeze %dma_start3A_127 : memref<1x12544xi32, #tpu.memory_space<hbm>> -> memref<12544xi32, #tpu.memory_space<hbm>>
    %dma_start3A_129 = tpu.memref_slice %arg9[%select_n3A_54, %multiple_of3A_122] : memref<4x50176xi32, #tpu.memory_space<hbm>> -> memref<1x12544xi32, #tpu.memory_space<hbm>>
    %dma_start3A_130 = tpu.memref_squeeze %dma_start3A_129 : memref<1x12544xi32, #tpu.memory_space<hbm>> -> memref<12544xi32, #tpu.memory_space<hbm>>
    tpu.enqueue_dma source(%dma_start3A_130 : memref<12544xi32, #tpu.memory_space<hbm>>) target(%arg23 : memref<12544xi32, #tpu.memory_space<vmem>>) target_semaphore(%arg26 : memref<!tpu.dma_semaphore, #tpu.memory_space<semaphore_mem>>)
    %dma_wait3A_131 = tpu.memref_slice %arg8[%select_n3A_54, %multiple_of3A_122] : memref<4x50176xi32, #tpu.memory_space<hbm>> -> memref<1x12544xi32, #tpu.memory_space<hbm>>
    %dma_wait3A_132 = tpu.memref_squeeze %dma_wait3A_131 : memref<1x12544xi32, #tpu.memory_space<hbm>> -> memref<12544xi32, #tpu.memory_space<hbm>>
    %dma_wait3A_133 = tpu.memref_slice %arg8[%select_n3A_54, %multiple_of3A_122] : memref<4x50176xi32, #tpu.memory_space<hbm>> -> memref<1x12544xi32, #tpu.memory_space<hbm>>
    %dma_wait3A_134 = tpu.memref_squeeze %dma_wait3A_133 : memref<1x12544xi32, #tpu.memory_space<hbm>> -> memref<12544xi32, #tpu.memory_space<hbm>>
    tpu.wait_dma2 semaphore(%arg26 : memref<!tpu.dma_semaphore, #tpu.memory_space<semaphore_mem>>) src(%dma_wait3A_134 : memref<12544xi32, #tpu.memory_space<hbm>>) dst(%arg22 : memref<12544xi32, #tpu.memory_space<vmem>>)
    %dma_wait3A_135 = tpu.memref_slice %arg9[%select_n3A_54, %multiple_of3A_122] : memref<4x50176xi32, #tpu.memory_space<hbm>> -> memref<1x12544xi32, #tpu.memory_space<hbm>>
    %dma_wait3A_136 = tpu.memref_squeeze %dma_wait3A_135 : memref<1x12544xi32, #tpu.memory_space<hbm>> -> memref<12544xi32, #tpu.memory_space<hbm>>
    %dma_wait3A_137 = tpu.memref_slice %arg9[%select_n3A_54, %multiple_of3A_122] : memref<4x50176xi32, #tpu.memory_space<hbm>> -> memref<1x12544xi32, #tpu.memory_space<hbm>>
    %dma_wait3A_138 = tpu.memref_squeeze %dma_wait3A_137 : memref<1x12544xi32, #tpu.memory_space<hbm>> -> memref<12544xi32, #tpu.memory_space<hbm>>
    tpu.wait_dma2 semaphore(%arg26 : memref<!tpu.dma_semaphore, #tpu.memory_space<semaphore_mem>>) src(%dma_wait3A_138 : memref<12544xi32, #tpu.memory_space<hbm>>) dst(%arg23 : memref<12544xi32, #tpu.memory_space<vmem>>)
    %scan3A_139 = arith.constant 0 : i32
    %scan3A_140 = arith.constant 0 : i32
    %scan3A_141 = arith.constant 784 : i32
    %scan3A_142 = arith.addi %scan3A_140, %scan3A_141 : i32
    %scan3A_143 = arith.constant 1 : i32
    scf.for %scan3A_145 = %scan3A_140 to %scan3A_142 step %scan3A_143  : i32 {
      %mul3A_146 = arith.constant 16 : i32
      %mul3A_147 = arith.muli %scan3A_145, %mul3A_146 : i32
      %get3A = arith.index_cast %mul3A_147 : i32 to index
      %get3A_148 = tpu.vector_load %arg22[%get3A] {strides = array<i32>} : memref<12544xi32, #tpu.memory_space<vmem>>, vector<16xi32>,
      %gather3A = tpu.vector_load_idx %arg21[%get3A_148] : memref<512xf32, #tpu.memory_space<vmem>>[vector<16xi32>], vector<16xf32>,
      %get3A_149 = arith.index_cast %mul3A_147 : i32 to index
      %get3A_150 = tpu.vector_load %arg23[%get3A_149] {strides = array<i32>} : memref<12544xi32, #tpu.memory_space<vmem>>, vector<16xi32>,
      %eq3A_151 = arith.constant 0 : i32
      %eq3A_152 = vector.broadcast %eq3A_151 : i32 to vector<16xi32>
      %eq3A_153 = arith.cmpi eq, %get3A_150, %eq3A_152 : vector<16xi32>
      %select_n3A_154 = arith.select %eq3A_153, %broadcast_in_dim3A_100, %gather3A : vector<16xi1>, vector<16xf32>
      %swap3A = arith.index_cast %mul3A_147 : i32 to index
      %swap3A_155 = tpu.vector_load %arg24[%swap3A] {strides = array<i32>} : memref<12544xf32, #tpu.memory_space<vmem>>, vector<16xf32>,
      tpu.vector_store %arg24[%swap3A], %select_n3A_154 {strides = array<i32>} : memref<12544xf32, #tpu.memory_space<vmem>>, vector<16xf32>,
    }
    %scan3A_144 = arith.constant 784 : i32
    "tpu.region"() ({
      %run_scoped3A = tpu.sem_alloc : memref<!tpu.dma_semaphore, #tpu.memory_space<semaphore_mem>>
      %dma_start3A_145 = tpu.memref_slice %arg10[%select_n3A_54, %select_n3A_70, %multiple_of3A_122] : memref<4x4x50176xf32, #tpu.memory_space<hbm>> -> memref<1x1x12544xf32, #tpu.memory_space<hbm>>
      %dma_start3A_146 = tpu.memref_squeeze %dma_start3A_145 : memref<1x1x12544xf32, #tpu.memory_space<hbm>> -> memref<12544xf32, #tpu.memory_space<hbm>>
      %dma_start3A_147 = tpu.memref_slice %arg10[%select_n3A_54, %select_n3A_70, %multiple_of3A_122] : memref<4x4x50176xf32, #tpu.memory_space<hbm>> -> memref<1x1x12544xf32, #tpu.memory_space<hbm>>
      %dma_start3A_148 = tpu.memref_squeeze %dma_start3A_147 : memref<1x1x12544xf32, #tpu.memory_space<hbm>> -> memref<12544xf32, #tpu.memory_space<hbm>>
      tpu.enqueue_dma source(%arg24 : memref<12544xf32, #tpu.memory_space<vmem>>) target(%dma_start3A_148 : memref<12544xf32, #tpu.memory_space<hbm>>) target_semaphore(%run_scoped3A : memref<!tpu.dma_semaphore, #tpu.memory_space<semaphore_mem>>)
      %dma_wait3A_149 = tpu.memref_slice %arg10[%select_n3A_54, %select_n3A_70, %multiple_of3A_122] : memref<4x4x50176xf32, #tpu.memory_space<hbm>> -> memref<1x1x12544xf32, #tpu.memory_space<hbm>>
      %dma_wait3A_150 = tpu.memref_squeeze %dma_wait3A_149 : memref<1x1x12544xf32, #tpu.memory_space<hbm>> -> memref<12544xf32, #tpu.memory_space<hbm>>
      %dma_wait3A_151 = tpu.memref_slice %arg10[%select_n3A_54, %select_n3A_70, %multiple_of3A_122] : memref<4x4x50176xf32, #tpu.memory_space<hbm>> -> memref<1x1x12544xf32, #tpu.memory_space<hbm>>
      %dma_wait3A_152 = tpu.memref_squeeze %dma_wait3A_151 : memref<1x1x12544xf32, #tpu.memory_space<hbm>> -> memref<12544xf32, #tpu.memory_space<hbm>>
      tpu.wait_dma2 semaphore(%run_scoped3A : memref<!tpu.dma_semaphore, #tpu.memory_space<semaphore_mem>>) src(%arg24 : memref<12544xf32, #tpu.memory_space<vmem>>) dst(%dma_wait3A_152 : memref<12544xf32, #tpu.memory_space<hbm>>)
      tpu.yield
    }) : () -> ()
    return
  }
}

module attributes {stable_mosaic.version = 14 : i64} {
  func.func @_k1_body(%arg0: memref<16x1024xf32, #tpu.memory_space<vmem>>, %arg1: memref<1024x3072xf32, #tpu.memory_space<vmem>>, %arg2: memref<1024x1xf32, #tpu.memory_space<vmem>>, %arg3: memref<1x1xf32, #tpu.memory_space<smem>>, %arg4: memref<16x3072xf32, #tpu.memory_space<vmem>>, %arg5: memref<16x1xf32, #tpu.memory_space<vmem>>) attributes {dimension_semantics = [], scalar_prefetch = 0 : i64, scratch_operands = 0 : i64, tpu.core_type = #tpu.core_type<tc>} {
    %get3A = arith.constant 0 : index
    %get3A_0 = arith.constant 0 : index
    %get3A_1 = vector.load %arg0[%get3A, %get3A_0] : memref<16x1024xf32, #tpu.memory_space<vmem>>, vector<16x1024xf32>
    %get3A_2 = arith.constant 0 : index
    %get3A_3 = arith.constant 0 : index
    %get3A_4 = vector.load %arg1[%get3A_2, %get3A_3] : memref<1024x3072xf32, #tpu.memory_space<vmem>>, vector<1024x3072xf32>
    %dot_general3A = arith.constant dense<0.000000e+00> : vector<16x3072xf32>
    %dot_general3A_5 = tpu.matmul %get3A_1, %get3A_4, %dot_general3A {dimension_numbers = #tpu.dot_dimension_numbers<[1], [0], [0], [1], [0, 0, 1, 1], [], []>, transpose_lhs_hint = false} : vector<16x1024xf32>, vector<1024x3072xf32>, vector<16x3072xf32> -> vector<16x3072xf32>
    %swap3A = arith.constant 0 : index
    %swap3A_6 = arith.constant 0 : index
    %swap3A_7 = vector.load %arg4[%swap3A, %swap3A_6] : memref<16x3072xf32, #tpu.memory_space<vmem>>, vector<16x3072xf32>
    tpu.vector_store %arg4[%swap3A, %swap3A_6], %dot_general3A_5 {strides = array<i32>} : memref<16x3072xf32, #tpu.memory_space<vmem>>, vector<16x3072xf32>,
    %get3A_8 = arith.constant 0 : index
    %get3A_9 = arith.constant 0 : index
    %get3A_10 = vector.load %arg2[%get3A_8, %get3A_9] : memref<1024x1xf32, #tpu.memory_space<vmem>>, vector<1024x1xf32>
    %dot_general3A_11 = arith.constant dense<0.000000e+00> : vector<16x1xf32>
    %dot_general3A_12 = tpu.matmul %get3A_1, %get3A_10, %dot_general3A_11 {dimension_numbers = #tpu.dot_dimension_numbers<[1], [0], [0], [1], [0, 0, 1, 1], [], []>, transpose_lhs_hint = false} : vector<16x1024xf32>, vector<1024x1xf32>, vector<16x1xf32> -> vector<16x1xf32>
    %get3A_13 = arith.constant 0 : index
    %get3A_14 = arith.constant 0 : index
    %get3A_15 = memref.load %arg3[%get3A_13, %get3A_14] : memref<1x1xf32, #tpu.memory_space<smem>>
    %add3A = vector.broadcast %get3A_15 : f32 to vector<16x1xf32>
    %add3A_16 = arith.addf %dot_general3A_12, %add3A : vector<16x1xf32>
    %logistic3A = arith.negf %add3A_16 : vector<16x1xf32>
    %logistic3A_17 = math.exp %logistic3A : vector<16x1xf32>
    %logistic3A_18 = arith.constant 1.000000e+00 : f32
    %logistic3A_19 = vector.broadcast %logistic3A_18 : f32 to vector<16x1xf32>
    %logistic3A_20 = arith.addf %logistic3A_19, %logistic3A_17 : vector<16x1xf32>
    %logistic3A_21 = arith.divf %logistic3A_19, %logistic3A_20 : vector<16x1xf32>
    %swap3A_22 = arith.constant 0 : index
    %swap3A_23 = arith.constant 0 : index
    %swap3A_24 = vector.load %arg5[%swap3A_22, %swap3A_23] : memref<16x1xf32, #tpu.memory_space<vmem>>, vector<16x1xf32>
    tpu.vector_store %arg5[%swap3A_22, %swap3A_23], %logistic3A_21 {strides = array<i32>} : memref<16x1xf32, #tpu.memory_space<vmem>>, vector<16x1xf32>,
    return
  }
}

module attributes {stable_mosaic.version = 14 : i64} {
  func.func @_k5_body(%arg0: i32, %arg1: memref<1x4x50176xf32, #tpu.memory_space<vmem>>, %arg2: memref<1x4x50000xf32, #tpu.memory_space<vmem>>, %arg3: memref<1x1x4xf32, #tpu.memory_space<vmem>>, %arg4: memref<1x4x50000xf32, #tpu.memory_space<vmem>>, %arg5: memref<1x4x50000xf32, #tpu.memory_space<vmem>>, %arg6: memref<1x1x4xi32, #tpu.memory_space<vmem>>) attributes {dimension_semantics = [#tpu.dimension_semantics<arbitrary>], iteration_bounds = array<i64: 4>, scalar_prefetch = 0 : i64, scratch_operands = 0 : i64, tpu.core_type = #tpu.core_type<tc>, window_params = [{transform_indices = @transform_0, window_bounds = array<i64: 1, 4, 50176>}, {transform_indices = @transform_1, window_bounds = array<i64: 1, 4, 50000>}, {transform_indices = @transform_2, window_bounds = array<i64: 1, 1, 4>}, {transform_indices = @transform_3, window_bounds = array<i64: 1, 4, 50000>}, {transform_indices = @transform_4, window_bounds = array<i64: 1, 4, 50000>}, {transform_indices = @transform_5, window_bounds = array<i64: 1, 1, 4>}]} {
    %get3A = arith.constant 0 : index
    %get3A_0 = arith.constant 0 : index
    %get3A_1 = arith.constant 0 : index
    %get3A_2 = vector.load %arg1[%get3A, %get3A_0, %get3A_1] : memref<1x4x50176xf32, #tpu.memory_space<vmem>>, vector<1x4x50000xf32>
    %get3A_3 = vector.shape_cast %get3A_2 : vector<1x4x50000xf32> to vector<4x50000xf32>
    %get3A_4 = arith.constant 0 : index
    %get3A_5 = arith.constant 0 : index
    %get3A_6 = arith.constant 0 : index
    %get3A_7 = vector.load %arg2[%get3A_4, %get3A_5, %get3A_6] : memref<1x4x50000xf32, #tpu.memory_space<vmem>>, vector<1x4x50000xf32>
    %get3A_8 = vector.shape_cast %get3A_7 : vector<1x4x50000xf32> to vector<4x50000xf32>
    %get3A_9 = arith.constant 0 : index
    %get3A_10 = arith.constant 0 : index
    %get3A_11 = arith.constant 0 : index
    %get3A_12 = vector.load %arg3[%get3A_9, %get3A_10, %get3A_11] : memref<1x1x4xf32, #tpu.memory_space<vmem>>, vector<1x1x4xf32>
    %get3A_13 = vector.shape_cast %get3A_12 : vector<1x1x4xf32> to vector<4xf32>
    %reshape3A = vector.shape_cast %get3A_13 : vector<4xf32> to vector<4x1xf32>
    %mul3A = vector.broadcast %reshape3A : vector<4x1xf32> to vector<4x50000xf32>
    %mul3A_14 = arith.mulf %mul3A, %get3A_3 : vector<4x50000xf32>
    %sub3A = arith.constant 1.000000e+00 : f32
    %sub3A_15 = vector.broadcast %sub3A : f32 to vector<4x1xf32>
    %sub3A_16 = arith.subf %sub3A_15, %reshape3A : vector<4x1xf32>
    %mul3A_17 = vector.broadcast %sub3A_16 : vector<4x1xf32> to vector<4x50000xf32>
    %mul3A_18 = arith.mulf %mul3A_17, %get3A_8 : vector<4x50000xf32>
    %add3A = arith.addf %mul3A_14, %mul3A_18 : vector<4x50000xf32>
    %swap3A = arith.constant 0 : index
    %swap3A_19 = arith.constant 0 : index
    %swap3A_20 = arith.constant 0 : index
    %swap3A_21 = vector.load %arg4[%swap3A, %swap3A_19, %swap3A_20] : memref<1x4x50000xf32, #tpu.memory_space<vmem>>, vector<1x4x50000xf32>
    %swap3A_22 = vector.shape_cast %swap3A_21 : vector<1x4x50000xf32> to vector<4x50000xf32>
    %swap3A_23 = vector.shape_cast %add3A : vector<4x50000xf32> to vector<1x4x50000xf32>
    tpu.vector_store %arg4[%swap3A, %swap3A_19, %swap3A_20], %swap3A_23 {strides = array<i32>} : memref<1x4x50000xf32, #tpu.memory_space<vmem>>, vector<1x4x50000xf32>,
    %swap3A_24 = arith.constant 0 : index
    %swap3A_25 = arith.constant 0 : index
    %swap3A_26 = arith.constant 0 : index
    %swap3A_27 = vector.load %arg5[%swap3A_24, %swap3A_25, %swap3A_26] : memref<1x4x50000xf32, #tpu.memory_space<vmem>>, vector<1x4x50000xf32>
    %swap3A_28 = vector.shape_cast %swap3A_27 : vector<1x4x50000xf32> to vector<4x50000xf32>
    %swap3A_29 = vector.shape_cast %get3A_3 : vector<4x50000xf32> to vector<1x4x50000xf32>
    tpu.vector_store %arg5[%swap3A_24, %swap3A_25, %swap3A_26], %swap3A_29 {strides = array<i32>} : memref<1x4x50000xf32, #tpu.memory_space<vmem>>, vector<1x4x50000xf32>,
    %iota3A = tpu.iota {dimensions = array<i32: 1>} : vector<4x50000xi32>
    %reduce_max3A = arith.constant dense<0xFF800000> : vector<4xf32>
    %reduce_max3A_30 = vector.multi_reduction <maximumf>, %add3A, %reduce_max3A [1] : vector<4x50000xf32> to vector<4xf32>
    %broadcast_in_dim3A = vector.shape_cast %reduce_max3A_30 : vector<4xf32> to vector<4x1xf32>
    %reduce_max3A_31 = arith.constant dense<0xFF800000> : vector<4xf32>
    %reduce_max3A_32 = vector.multi_reduction <maximumf>, %get3A_8, %reduce_max3A_31 [1] : vector<4x50000xf32> to vector<4xf32>
    %broadcast_in_dim3A_33 = vector.shape_cast %reduce_max3A_32 : vector<4xf32> to vector<4x1xf32>
    %eq3A = vector.broadcast %broadcast_in_dim3A : vector<4x1xf32> to vector<4x50000xf32>
    %eq3A_34 = arith.cmpf oeq, %add3A, %eq3A : vector<4x50000xf32>
    %jit3A = arith.constant 1073741824 : i32
    %broadcast_in_dim3A_35 = vector.broadcast %jit3A : i32 to vector<4x50000xi32>
    %select_n3A = arith.select %eq3A_34, %iota3A, %broadcast_in_dim3A_35 : vector<4x50000xi1>, vector<4x50000xi32>
    %reduce_min3A = arith.constant dense<2147483647> : vector<4xi32>
    %reduce_min3A_36 = vector.multi_reduction <minsi>, %select_n3A, %reduce_min3A [1] : vector<4x50000xi32> to vector<4xi32>
    %eq3A_37 = vector.broadcast %broadcast_in_dim3A_33 : vector<4x1xf32> to vector<4x50000xf32>
    %eq3A_38 = arith.cmpf oeq, %get3A_8, %eq3A_37 : vector<4x50000xf32>
    %jit3A_39 = arith.constant 1073741824 : i32
    %broadcast_in_dim3A_40 = vector.broadcast %jit3A_39 : i32 to vector<4x50000xi32>
    %select_n3A_41 = arith.select %eq3A_38, %iota3A, %broadcast_in_dim3A_40 : vector<4x50000xi1>, vector<4x50000xi32>
    %reduce_min3A_42 = arith.constant dense<2147483647> : vector<4xi32>
    %reduce_min3A_43 = vector.multi_reduction <minsi>, %select_n3A_41, %reduce_min3A_42 [1] : vector<4x50000xi32> to vector<4xi32>
    %ne3A = arith.cmpi ne, %reduce_min3A_36, %reduce_min3A_43 : vector<4xi32>
    %jit3A_44 = arith.constant 1 : i32
    %jit3A_45 = arith.constant 0 : i32
    %broadcast_in_dim3A_46 = vector.broadcast %jit3A_44 : i32 to vector<4xi32>
    %broadcast_in_dim3A_47 = vector.broadcast %jit3A_45 : i32 to vector<4xi32>
    %select_n3A_48 = arith.select %ne3A, %broadcast_in_dim3A_46, %broadcast_in_dim3A_47 : vector<4xi1>, vector<4xi32>
    %swap3A_49 = arith.constant 0 : index
    %swap3A_50 = arith.constant 0 : index
    %swap3A_51 = arith.constant 0 : index
    %swap3A_52 = vector.load %arg6[%swap3A_49, %swap3A_50, %swap3A_51] : memref<1x1x4xi32, #tpu.memory_space<vmem>>, vector<1x1x4xi32>
    %swap3A_53 = vector.shape_cast %swap3A_52 : vector<1x1x4xi32> to vector<4xi32>
    %swap3A_54 = vector.shape_cast %select_n3A_48 : vector<4xi32> to vector<1x1x4xi32>
    tpu.vector_store %arg6[%swap3A_49, %swap3A_50, %swap3A_51], %swap3A_54 {strides = array<i32>} : memref<1x1x4xi32, #tpu.memory_space<vmem>>, vector<1x1x4xi32>,
    return
  }
  func.func @transform_0(%arg0: i32) -> (i32, i32, i32) {
    %c0_i32 = arith.constant 0 : i32
    %c0_i32_0 = arith.constant 0 : i32
    %c0_i32_1 = arith.constant 0 : i32
    return %arg0, %c0_i32, %c0_i32_0 : i32, i32, i32
  }
  func.func @transform_1(%arg0: i32) -> (i32, i32, i32) {
    %c0_i32 = arith.constant 0 : i32
    %c0_i32_0 = arith.constant 0 : i32
    %c0_i32_1 = arith.constant 0 : i32
    return %arg0, %c0_i32, %c0_i32_0 : i32, i32, i32
  }
  func.func @transform_2(%arg0: i32) -> (i32, i32, i32) {
    %c0_i32 = arith.constant 0 : i32
    %c0_i32_0 = arith.constant 0 : i32
    %c0_i32_1 = arith.constant 0 : i32
    return %arg0, %c0_i32, %c0_i32_0 : i32, i32, i32
  }
  func.func @transform_3(%arg0: i32) -> (i32, i32, i32) {
    %c0_i32 = arith.constant 0 : i32
    %c0_i32_0 = arith.constant 0 : i32
    %c0_i32_1 = arith.constant 0 : i32
    return %arg0, %c0_i32, %c0_i32_0 : i32, i32, i32
  }
  func.func @transform_4(%arg0: i32) -> (i32, i32, i32) {
    %c0_i32 = arith.constant 0 : i32
    %c0_i32_0 = arith.constant 0 : i32
    %c0_i32_1 = arith.constant 0 : i32
    return %arg0, %c0_i32, %c0_i32_0 : i32, i32, i32
  }
  func.func @transform_5(%arg0: i32) -> (i32, i32, i32) {
    %c0_i32 = arith.constant 0 : i32
    %c0_i32_0 = arith.constant 0 : i32
    %c0_i32_1 = arith.constant 0 : i32
    return %arg0, %c0_i32, %c0_i32_0 : i32, i32, i32
  }
}

module attributes {stable_mosaic.version = 14 : i64} {
  func.func @_k2_body(%arg0: i32, %arg1: i32, %arg2: memref<1x4x3072xf32, #tpu.memory_space<vmem>>, %arg3: memref<1x512x3072xf32, #tpu.memory_space<vmem>>, %arg4: memref<1x1x512xi32, #tpu.memory_space<vmem>>, %arg5: memref<1x4x512xf32, #tpu.memory_space<vmem>>) attributes {dimension_semantics = [#tpu.dimension_semantics<arbitrary>, #tpu.dimension_semantics<arbitrary>], iteration_bounds = array<i64: 4, 2>, scalar_prefetch = 0 : i64, scratch_operands = 0 : i64, tpu.core_type = #tpu.core_type<tc>, window_params = [{transform_indices = @transform_0, window_bounds = array<i64: 1, 4, 3072>}, {transform_indices = @transform_1, window_bounds = array<i64: 1, 512, 3072>}, {transform_indices = @transform_2, window_bounds = array<i64: 1, 1, 512>}, {transform_indices = @transform_3, window_bounds = array<i64: 1, 4, 512>}]} {
    %get3A = arith.constant 0 : index
    %get3A_0 = arith.constant 0 : index
    %get3A_1 = arith.constant 0 : index
    %get3A_2 = vector.load %arg2[%get3A, %get3A_0, %get3A_1] : memref<1x4x3072xf32, #tpu.memory_space<vmem>>, vector<1x4x3072xf32>
    %get3A_3 = vector.shape_cast %get3A_2 : vector<1x4x3072xf32> to vector<4x3072xf32>
    %get3A_4 = arith.constant 0 : index
    %get3A_5 = arith.constant 0 : index
    %get3A_6 = arith.constant 0 : index
    %get3A_7 = vector.load %arg3[%get3A_4, %get3A_5, %get3A_6] : memref<1x512x3072xf32, #tpu.memory_space<vmem>>, vector<1x512x3072xf32>
    %get3A_8 = vector.shape_cast %get3A_7 : vector<1x512x3072xf32> to vector<512x3072xf32>
    %dot_general3A = arith.constant dense<0.000000e+00> : vector<4x512xf32>
    %dot_general3A_9 = tpu.matmul %get3A_3, %get3A_8, %dot_general3A {dimension_numbers = #tpu.dot_dimension_numbers<[1], [1], [0], [0], [0, 0, 1, 0], [], []>, transpose_lhs_hint = false} : vector<4x3072xf32>, vector<512x3072xf32>, vector<4x512xf32> -> vector<4x512xf32>
    %logistic3A = arith.negf %dot_general3A_9 : vector<4x512xf32>
    %logistic3A_10 = math.exp %logistic3A : vector<4x512xf32>
    %logistic3A_11 = arith.constant 1.000000e+00 : f32
    %logistic3A_12 = vector.broadcast %logistic3A_11 : f32 to vector<4x512xf32>
    %logistic3A_13 = arith.addf %logistic3A_12, %logistic3A_10 : vector<4x512xf32>
    %logistic3A_14 = arith.divf %logistic3A_12, %logistic3A_13 : vector<4x512xf32>
    %get3A_15 = arith.constant 0 : index
    %get3A_16 = arith.constant 0 : index
    %get3A_17 = arith.constant 0 : index
    %get3A_18 = vector.load %arg4[%get3A_15, %get3A_16, %get3A_17] : memref<1x1x512xi32, #tpu.memory_space<vmem>>, vector<1x1x512xi32>
    %get3A_19 = vector.shape_cast %get3A_18 : vector<1x1x512xi32> to vector<1x512xi32>
    %eq3A = arith.constant -1 : i32
    %eq3A_20 = vector.broadcast %eq3A : i32 to vector<1x512xi32>
    %eq3A_21 = arith.cmpi eq, %get3A_19, %eq3A_20 : vector<1x512xi32>
    %jit3A = arith.constant 0.000000e+00 : f32
    %broadcast_in_dim3A = vector.shape_cast %eq3A_21 : vector<1x512xi1> to vector<1x512xi1>
    %broadcast_in_dim3A_22 = vector.broadcast %broadcast_in_dim3A : vector<1x512xi1> to vector<4x512xi1>
    %broadcast_in_dim3A_23 = vector.broadcast %jit3A : f32 to vector<4x512xf32>
    %select_n3A = arith.select %broadcast_in_dim3A_22, %broadcast_in_dim3A_23, %logistic3A_14 : vector<4x512xi1>, vector<4x512xf32>
    %swap3A = arith.constant 0 : index
    %swap3A_24 = arith.constant 0 : index
    %swap3A_25 = arith.constant 0 : index
    %swap3A_26 = vector.load %arg5[%swap3A, %swap3A_24, %swap3A_25] : memref<1x4x512xf32, #tpu.memory_space<vmem>>, vector<1x4x512xf32>
    %swap3A_27 = vector.shape_cast %swap3A_26 : vector<1x4x512xf32> to vector<4x512xf32>
    %swap3A_28 = vector.shape_cast %select_n3A : vector<4x512xf32> to vector<1x4x512xf32>
    tpu.vector_store %arg5[%swap3A, %swap3A_24, %swap3A_25], %swap3A_28 {strides = array<i32>} : memref<1x4x512xf32, #tpu.memory_space<vmem>>, vector<1x4x512xf32>,
    return
  }
  func.func @transform_0(%arg0: i32, %arg1: i32) -> (i32, i32, i32) {
    %c0_i32 = arith.constant 0 : i32
    %c0_i32_0 = arith.constant 0 : i32
    %c0_i32_1 = arith.constant 0 : i32
    return %arg0, %c0_i32, %c0_i32_0 : i32, i32, i32
  }
  func.func @transform_1(%arg0: i32, %arg1: i32) -> (i32, i32, i32) {
    %c0_i32 = arith.constant 0 : i32
    %c0_i32_0 = arith.constant 0 : i32
    return %arg0, %arg1, %c0_i32 : i32, i32, i32
  }
  func.func @transform_2(%arg0: i32, %arg1: i32) -> (i32, i32, i32) {
    %c0_i32 = arith.constant 0 : i32
    %c0_i32_0 = arith.constant 0 : i32
    return %arg0, %c0_i32, %arg1 : i32, i32, i32
  }
  func.func @transform_3(%arg0: i32, %arg1: i32) -> (i32, i32, i32) {
    %c0_i32 = arith.constant 0 : i32
    %c0_i32_0 = arith.constant 0 : i32
    return %arg0, %c0_i32, %arg1 : i32, i32, i32
  }
}

</mosaic_0001>

<sc_bundles>
// kernel: kernel.6.cloned.1.call-start
scs
__scs_entry_jumppad:
0x0: {  	(pc) =	sbr.rel $0x88, $3  }
0x1: {  	(tag) =	ssettag $0x0;
	lr =	simm.s32 $0x1  }
0x2: {  	[smem:$0x3F94] =	sst lr;
	_ =	strace $0xD0000000  }
0x3: {  	_ = 	snop  }
0x4: {  	_ = 	snop  }
0x5: {  	_ = 	snop  }
0x6: {  	_ = 	snop  }
0x7: {  	_ = 	snop  }
__scs_overlays_trampoline_lowered:
0x8: {  	[smem:$0x3FA3] =	sst s0  }
0x9: {  	[smem:$0x3FA4] =	sst s1  }
0xa: {  	[smem:$0x3FA5] =	sst s2  }
0xb: {  	[smem:$0x3FA6] =	sst s3  }
0xc: {  	[smem:$0x3FA7] =	sst s4  }
0xd: {  	[smem:$0x3FA8] =	sst s5  }
0xe: {  	[smem:$0x3FA9] =	sst s6  }
0xf: {  	[smem:$0x3FAA] =	sst s7  }
0x10: {  	[smem:$0x3FAB] =	sst s8  }
0x11: {  	[smem:$0x3FAC] =	sst s9;
	s0 =	simm.s32 @!p0 $0x0  }
0x12: {  	s1 =	sld [smem:$0x3F92];
	s0 =	simm.s32 @p0 $0x1  }
0x13: {  	[smem:$0x3FAD] =	sst s0;
	s0 =	simm.s32 @!p1 $0x0  }
0x14: {  	s2 =	sld [smem:$0x3F91];
	s0 =	simm.s32 @p1 $0x1  }
0x15: {  	[smem:$0x3FAE] =	sst s0;
	s0 =	simm.s32 @!p2 $0x0  }
0x16: {  	s3 =	sld [smem:$0x3FDB];
	s0 =	simm.s32 @p2 $0x1  }
0x17: {  	s4 =	simm.s32 $0x1BF5;
	[smem:$0x3FB0] =	sst s0  }
0x18: {  	s0 =	sld [smem:$0x3F93];
	_ =	swait.ge [sflag:s4], $0x0  }
0x19: {  	s7 =	sld [smem:$0x3F94]  }
0x1a: {  	s8 =	sadd.s32 $0xFFFFE003, lr  }
0x1b: {  	s9 =	sadd.s32 $0xFFFFFEF7, lr;
	s5 =	simm.s32 $0xFFFFFFFF;
	p2 =	slt.u32 s8, $0xFFFFF086  }
0x1c: {  	p1 =	slt.u32 s9, $0xF7A;
	s5 =	simm.s32 @!p2 $0x0  }
0x1d: {  	s5 =	simm.s32 @p1 $0x1;
	p0 =	seq.s32 s7, s2  }
0x1e: {  	s7 =	smul.u32 @!p0 $0xF7A, s2;
	p2 =	seq.s32 @!p0 s5, $0x0  }
0x1f: {  	s9 =	smul.u32 $0xF7A, s1;
	s8 =	simm.s32 @!p0 $0x1BF5;
	p2 =	por !p2, p0  }
0x20: {  	[sflag:s8] =	ssyncset.s32 @!p0 $0xFFFFF086;
	s6 =	sadd.s32 @!p0 s3, s7;
	s7 =	simm.s32 @!p0 $0x108  }
0x21: {  	s3 =	sadd.s32 s3, s9;
	s6 =	sadd.s32 @!p0 $0x88, s6;
	s7 =	simm.s32 @p2 $0x1082  }
0x22: {  	[simem:s7], [sflag:s8] =	dma.local @!p0 [hbm:s6], $0xF7A  }
0x23: {  	s9 =	sor.u32 $0xD0000000, s2;
	s6 =	simm.s32 $0x108;
	_ =	swait.ge @!p0 [sflag:s8], $0x0  }
0x24: {  	s3 =	sadd.s32 $0x88, s3;
	s6 =	simm.s32 @!p1 $0x1082;
	[sflag:s4] =	ssyncset.s32 $0xFFFFF086  }
0x25: {  	[simem:s6], [sflag:s4] =	dma.local [hbm:s3], $0xF7A  }
0x26: {  	[smem:$0x3F94] =	sst s1;
	(tag) =	ssettag s2;
	_ =	strace s9  }
0x27: {  	s1 =	sld [smem:$0x3FA4]  }
0x28: {  	s2 =	sld [smem:$0x3FA5]  }
0x29: {  	s4 =	sld [smem:$0x3FA7]  }
0x2a: {  	p0 =	seq.s32 s5, $0x0;
	s5 =	sld [smem:$0x3FA8]  }
0x2b: {  	s6 =	sld [smem:$0x3FA9]  }
0x2c: {  	s7 =	sld [smem:$0x3FAA]  }
0x2d: {  	s3 =	simm.s32 $0x108;
	s8 =	sld [smem:$0x3FAB]  }
0x2e: {  	s3 =	simm.s32 @!p0 $0x1082;
	s9 =	sld [smem:$0x3FAC]  }
0x2f: {  	lr =	sadd.s32 s0, s3;
	s0 =	sld [smem:$0x3FA3]  }
0x30: {  	s3 =	sld [smem:$0x3FA6]  }
0x31: {  	[smem:$0x3FAF] =	sst s10  }
0x32: {  	s10 =	sld [smem:$0x3FAD];
	_ =	sdelay $0x3  }
0x33: {  	p0 =	seq.s32 s10, $0x1;
	s10 =	sld [smem:$0x3FAF];
	_ =	sdelay $0x3  }
0x34: {  	[smem:$0x3FAF] =	sst s10  }
0x35: {  	s10 =	sld [smem:$0x3FAE];
	_ =	sdelay $0x3  }
0x36: {  	p1 =	seq.s32 s10, $0x1;
	s10 =	sld [smem:$0x3FAF];
	_ =	sdelay $0x3  }
0x37: {  	[smem:$0x3FAF] =	sst s10  }
0x38: {  	s10 =	sld [smem:$0x3FB0]  }
0x39: {  	_ = 	snop;
	(pc) =	sbr.ind lr, $3  }
0x3a: {  	_ = 	snop  }
0x3b: {  	_ = 	snop  }
0x3c: {  	p2 =	seq.s32 s10, $0x1;
	s10 =	sld [smem:$0x3FAF]  }
0x3d: {  	_ =	shalt  }
0x3e: {  	_ =	shalt  }
0x3f: {  	_ =	shalt  }
0x40: {  	_ =	shalt  }
0x41: {  	_ =	shalt  }
0x42: {  	_ =	shalt  }
0x43: {  	_ =	shalt  }
0x44: {  	_ =	shalt  }
0x45: {  	_ =	shalt  }
0x46: {  	_ =	shalt  }
0x47: {  	_ =	shalt  }
0x48: {  	_ =	shalt  }
0x49: {  	_ =	shalt  }
0x4a: {  	_ =	shalt  }
0x4b: {  	_ =	shalt  }
0x4c: {  	_ =	shalt  }
0x4d: {  	_ =	shalt  }
0x4e: {  	_ =	shalt  }
0x4f: {  	_ =	shalt  }
0x50: {  	_ =	shalt  }
0x51: {  	_ =	shalt  }
0x52: {  	_ =	shalt  }
0x53: {  	_ =	shalt  }
0x54: {  	_ =	shalt  }
0x55: {  	_ =	shalt  }
0x56: {  	_ =	shalt  }
0x57: {  	_ =	shalt  }
0x58: {  	_ =	shalt  }
0x59: {  	_ =	shalt  }
0x5a: {  	_ =	shalt  }
0x5b: {  	_ =	shalt  }
0x5c: {  	_ =	shalt  }
0x5d: {  	_ =	shalt  }
0x5e: {  	_ =	shalt  }
0x5f: {  	_ =	shalt  }
0x60: {  	_ =	shalt  }
0x61: {  	_ =	shalt  }
0x62: {  	_ =	shalt  }
0x63: {  	_ =	shalt  }
0x64: {  	_ =	shalt  }
0x65: {  	_ =	shalt  }
0x66: {  	_ =	shalt  }
0x67: {  	_ =	shalt  }
0x68: {  	_ =	shalt  }
0x69: {  	_ =	shalt  }
0x6a: {  	_ =	shalt  }
0x6b: {  	_ =	shalt  }
0x6c: {  	_ =	shalt  }
0x6d: {  	_ =	shalt  }
0x6e: {  	_ =	shalt  }
0x6f: {  	_ =	shalt  }
0x70: {  	_ =	shalt  }
0x71: {  	_ =	shalt  }
0x72: {  	_ =	shalt  }
0x73: {  	_ =	shalt  }
0x74: {  	_ =	shalt  }
0x75: {  	_ =	shalt  }
0x76: {  	_ =	shalt  }
0x77: {  	_ =	shalt  }
0x78: {  	_ =	shalt  }
0x79: {  	_ =	shalt  }
0x7a: {  	_ =	shalt  }
0x7b: {  	_ =	shalt  }
0x7c: {  	_ =	shalt  }
0x7d: {  	_ =	shalt  }
0x7e: {  	_ =	shalt  }
0x7f: {  	_ =	shalt  }
0x80: {  	_ =	shalt  }
0x81: {  	_ =	shalt  }
0x82: {  	_ =	shalt  }
0x83: {  	_ =	shalt  }
0x84: {  	_ =	shalt  }
0x85: {  	_ =	shalt  }
0x86: {  	_ =	shalt  }
0x87: {  	_ =	shalt  }
.Lfunc_end0:
.L_simem_size_0:
called_computation_lowered:
.L_overlay_start_0:
0x88: {  	s2 =	sld [smem:$0x3FD9]  }
0x89: {  	s3 =	sld [smem:$0x3FFE];
	_ =	sdelay $0x1  }
0x8a: {  	s1 =	srdreg.scid  }
0x8b: {  	s0 =	sand.u32 $0x1, s1  }
0x8c: {  	s14 =	sshll.u32 s0, $0xA;
	s2 =	sadd.s32 s3, s2  }
0x8d: {  	s2 =	sadd.s32 s2, s14  }
0x8e: {  	[smem:$0x3FBB] =	sst s2  }
0x8f: {  	_ = 	snop  }
0x90: {  	s2 =	sld [smem:$0x3FC6]  }
0x91: {  	s15 =	sld [smem:$0x3FC5]  }
0x92: {  	s4 =	sld [smem:$0x3FD0]  }
0x93: {  	s5 =	sld [smem:$0x3FC4]  }
0x94: {  	s6 =	sld [smem:$0x3FC3]  }
0x95: {  	s8 =	simm.s32 $0xA;
	s9 =	simm.s32 $0x10;
	s7 =	sld [smem:$0x3FC2]  }
0x96: {  	[smem:s9], [sflag:s8] =	dma.local [hbm:s4], $0x1  }
0x97: {  	_ =	swait.eq [sflag:s8], $0x1  }
0x98: {  	s16 =	sld [smem:$0x10];
	[sflag:s8] =	ssyncset.done $0x0  }
0x99: {  	s17 =	sld [smem:$0x12];
	[sflag:s8] =	ssyncadd.s32 $0xFFFFFFFF  }
0x9a: {  	s18 =	sld [smem:$0x13];
	(tm) =	ssettm $0x1  }
0x9b: {  	s10 =	sld [smem:$0x3FFB];
	_ =	sdelay $0x3  }
0x9c: {  	_ =	strace s10  }
0x9d: {  	s10 =	sld [smem:$0x3FFC];
	_ =	sdelay $0x3  }
0x9e: {  	_ =	strace s10  }
0x9f: {  	s10 =	sld [smem:$0x3FFD];
	_ =	sdelay $0x3  }
0xa0: {  	_ =	strace s10  }
0xa1: {  	_ =	strace $0x8FFFFFFF  }
0xa2: {  	s19 =	sld [smem:$0x3FDB];
	_ =	sdelay $0x1  }
0xa3: {  	s11 =	simm.s32 $_scs_section_size  }
0xa4: {  	s12 =	simm.s32 $_size__tile_overlayer_lowered;
	s13 =	simm.s32 $_tile_overlayer_lowered  }
0xa5: {  	s22 =	simm.s32 $0x1BFF;
	s21 =	sshll.u32 s13, $0x1;
	s10 =	sadd.s32 s11, s19  }
0xa6: {  	s20 =	sshll.u32 s12, $0x1;
	s14 =	simm.s32 $0x0;
	s12 =	sadd.s32 s21, s10  }
0xa7: {  	[timem:s14], [sflag:s22] =	dma.local [hbm:s12], s20  }
0xa8: {  	_ =	swait.ge [sflag:s22], s20  }
0xa9: {  	s11 =	ssub.s32 $0x0, s20;
	[sflag:s22] =	ssyncset.done $0x0  }
0xaa: {  	[sflag:s22] =	ssyncadd.s32 s11;
	_ =	sdelay $0x1  }
0xab: {  	s23 =	simm.s32 $0x1B8B  }
0xac: {  	_ =	swait.ge [sflag:s23], $0x1  }
0xad: {  	[sflag:s23] =	ssyncset.done $0x0  }
0xae: {  	s25 =	simm.s32 $0x1B8E;
	s24 =	sld [smem:$0x3FFE];
	[sflag:s23] =	ssyncadd.s32 $0xFFFFFFFF  }
0xaf: {  	s26 =	simm.s32 $execute0_lowered;
	[smem:$0x3FD2] =	sst s25  }
0xb0: {  	s12 =	sshll.u32 s26, $0x1;
	_ =	strace $0x80000046;
	[dreg:$0x1] =	wrdreg $0xFFFFFFFF  }
0xb1: {  	s28 =	simm.s32 $_size_execute0_lowered;
	s10 =	sadd.s32 s10, s12;
	[dreg:$0x0] =	wrdreg $0x0  }
0xb2: {  	s12 =	sshll.u32 s28, $0x1;
	[dreg:$0x2] =	wrdreg s10  }
0xb3: {  	[dreg:$0x3] =	wrdreg s12  }
0xb4: {  	[dreg:$0x4] =	wrdreg $0xC0  }
0xb5: {  	_ =	task [dreg:s14], $0x5FFFF  }
0xb6: {  	[dreg:$0x1] =	wrdreg $0xFFFFFFFF  }
0xb7: {  	[dreg:$0x0] =	wrdreg $0x60  }
0xb8: {  	[dreg:$0x2] =	wrdreg s18  }
0xb9: {  	[dreg:$0x3] =	wrdreg s6  }
0xba: {  	[dreg:$0x4] =	wrdreg s7  }
0xbb: {  	[dreg:$0x5] =	wrdreg s2  }
0xbc: {  	[dreg:$0x6] =	wrdreg s15  }
0xbd: {  	[dreg:$0x7] =	wrdreg s5  }
0xbe: {  	[dreg:$0x8] =	wrdreg s17  }
0xbf: {  	[dreg:$0x9] =	wrdreg s16  }
0xc0: {  	[dreg:$0xa] =	wrdreg s24  }
0xc1: {  	[dreg:$0xb] =	wrdreg $0xD1000  }
0xc2: {  	[dreg:$0xc] =	wrdreg $0x9  }
0xc3: {  	_ =	task.clear_ibuf [dreg:s14], $0xDFFFF;
	_ =	strace $0x90000046  }
0xc4: {  	s29 =	simm.s32 $0x9;
	_ =	strace $0x80000048  }
0xc5: {  	_ =	swait.ge [sflag:s29], $0x1  }
0xc6: {  	[sflag:s29] =	ssyncadd.s32 $0xFFFFFFFF  }
0xc7: {  	_ =	strace $0x90000048  }
0xc8: {  	_ =	sfence  }
0xc9: {  	s30 =	sld [smem:$0x0];
	_ =	sdelay $0x2  }
0xca: {  	s31 =	sshll.u32 s1, $0xD;
	s1 =	sshrl.u32 s1, $0x2  }
0xcb: {  	s3 =	sand.u32 $0x4000, s31;
	s1 =	sadd.s32 s1, s30  }
0xcc: {  	s0 =	sor.u32 s3, s0;
	s1 =	sshll.u32 s1, $0x11  }
0xcd: {  	s0 =	sor.u32 s1, s0  }
0xce: {  	s0 =	sadd.s32 $0x8F2B, s0  }
0xcf: {  	[sflag:s0] =	ssyncadd.remote.s32 $0x1  }
0xd0: {  	_ =	sfence.sel $0xFFFF  }
0xd1: {  	[dreg:$0x0] =	wrdreg $0xFFFFFFFF;
	(pc) =	sbr.abs _section_cstart, $3  }
0xd2: {  	[dreg:$0x1] =	wrdreg $0xFFFFFFFF  }
0xd3: {  	_ =	task.clear_ibuf [dreg:s14], $0x2FFFF;
	_ =	strace $0x9FFFFFFF  }
0xd4: {  	(tm) =	ssettm $0x7FFFFFFF  }
0xd5: {  	_ =	shalt  }
tec
execute0_lowered:
.L_overlay_start_1:
0x0: {  	(tag) =	ssettag $0x1  }
0x1: {  	s4 =	rddreg [dreg:$0x0]  }
0x2: {  	s5 =	rddreg [dreg:$0x1]  }
0x3: {  	s6 =	rddreg [dreg:$0x2]  }
0x4: {  	s7 =	rddreg [dreg:$0x3]  }
0x5: {  	s8 =	rddreg [dreg:$0x4]  }
0x6: {  	s9 =	rddreg [dreg:$0x5]  }
0x7: {  	s1 =	rddreg [dreg:$0x6]  }
0x8: {  	s0 =	rddreg [dreg:$0x7]  }
0x9: {  	s3 =	rddreg [dreg:$0x8]  }
0xa: {  	s11 =	rddreg [dreg:$0x9]  }
0xb: {  	s2 =	srdreg.scid;
	s21 =	stileid.u32  }
0xc: {  	s15 =	simm.s32 $0x1;
	s29 =	simm.s32 $0x2;
	s30 =	simm.s32 $0x3C00  }
0xd: {  	s31 =	simm.s32 $0x3E00;
	s10 =	sand.u32 $0x1, s2;
	s2 =	simm.s32 $0x0  }
0xe: {  	s14 =	sand.u32 $0x3, s21;
	s17 =	sadd.s32 $0x1000, s3;
	s16 =	sshrl.u32 s21, $0x1  }
0xf: {  	s24 =	sand.u32 $0x1, s21;
	s3 =	simm.s32 $0x1;
	s28 =	sshll.u32 s21, $0x7  }
0x10: {  	s12 =	sshll.u32 s10, $0x3;
	[smem:$0x7FF] =	sst s2;
	p1 =	sne.s32 s14, $0x0  }
0x11: {  	s19 =	ssub.s32 $0x2, s10;
	s14 =	sshll.u32 s14, $0x7;
	s13 =	sor.u32 s21, s12  }
0x12: {  	_ =	strace $0x80000047;
	s10 =	sshrl.u32 s19, $0x1;
	p0 =	seq.s32 s13, $0x0  }
0x13: {  	s20 =	sor.u32 s16, s12;
	s16 =	sshll.u32 s16, $0x7;
	p0 =	por !p1, !p0  }
0x14: {  	s13 =	sshrl.u32 s13, $0x2;
	s18 =	ssub.s32 s19, s10;
	p0 =	por !p0, !p0  }
0x15: {  	s12 =	sshrl.u32 s20, $0x2;
	s18 =	smax.u32 s18, $0x1;
	s15 =	simm.s32 @!p0 $0x0  }
0x16: {  	p0 =	seq.s32 s24, $0x1;
	s22 =	ssub.s32 s13, s15;
	s15 =	simm.s32 $0x18800  }
0x17: {  	s13 =	sshrl.u32 s22, $0x2;
	s23 =	sshll.u32 s22, $0x7;
	s15 =	simm.s32 @!p0 $0x0  }
0x18: {  	s10 =	sshll.u32 s22, $0xC;
	s22 =	smul.u32 $0x31000, s12;
	p0 =	sgt.u32 s21, $0x7  }
0x19: {  	s19 =	sand.u32 $0x180, s23;
	s25 =	sshll.u32 s13, $0xC;
	s13 =	sshll.u32 s13, $0xB  }
0x1a: {  	s10 =	sor.u32 s14, s10;
	s23 =	sshll.u32 s21, $0x6;
	s21 =	simm.s32 $0x400  }
0x1b: {  	s20 =	sor.u32 s19, s25;
	s13 =	sor.u32 s19, s13;
	s10 =	sshrl.u32 s10, $0x3  }
0x1c: {  	s24 =	sadd.s32 s15, s22;
	s20 =	sshrl.u32 s20, $0x3;
	s13 =	sshrl.u32 s13, $0x3  }
0x1d: {  	s5 =	sadd.s32 s5, s20;
	s26 =	sadd.s32 s6, s20;
	s6 =	sadd.s32 s7, s20  }
0x1e: {  	s7 =	sadd.s32 s4, s10;
	s8 =	sadd.s32 s8, s13;
	s9 =	sadd.s32 s9, s13  }
0x1f: {  	s10 =	sadd.s32 s28, s11;
	[dreg:$0xb] =	wrdreg s5;
	s5 =	sshll.u32 s12, $0x7  }
0x20: {  	s11 =	sadd.s32 s16, s11;
	s4 =	sand.u32 $0x180, s23;
	s19 =	sor.u32 s15, s5  }
0x21: {  	[dreg:$0xc] =	wrdreg s26;
	s15 =	sadd.s32 $0xC400, s15;
	s20 =	sshrl.u32 s19, $0x3  }
0x22: {  	s19 =	sor.u32 s4, s24;
	s14 =	sor.u32 s15, s5;
	s15 =	sadd.s32 s15, s22  }
0x23: {  	s12 =	sadd.s32 s1, s20;
	s13 =	sadd.s32 s0, s20;
	s25 =	sshrl.u32 s19, $0x3  }
0x24: {  	s26 =	sshrl.u32 s14, $0x3;
	s4 =	sor.u32 s4, s15;
	s19 =	simm.s32 $0x80  }
0x25: {  	s20 =	simm.s32 $0x200;
	s14 =	sadd.s32 s17, s25;
	s15 =	sadd.s32 s1, s26  }
0x26: {  	v1 =	vlaneseq.u32;
	s28 =	sshrl.u32 s4, $0x3;
	s16 =	sadd.s32 s0, s26;
	s26 =	simm.s32 $0x1800  }
0x27: {  	v0 =	vimm.f32 $0.0e+00;
	v1 =	vmul.u32 $0x200, v1;
	s0 =	simm.s32 $0x6F00;
	s1 =	simm.s32 $0xA000;
	s17 =	sadd.s32 s17, s28  }
.LBB2_1:
.Ltmp0:
0x28: {  	(pc) =	sbr.rel @p0 .LBB2_15-.Ltmp0, $1  }
0x29: {  	_ =	sdelay $0x3  }
0x2a: {  	s22 =	simm.s32 $0x0;
	s4 =	rddreg [dreg:$0xb]  }
0x2b: {  	[tilespmem:s22], [sflag:$0x1] =	stream.strided.gather [hbm4b:s4+s19], $0x400, s20, s19, $0x38;
	[tilespmem:$0xD200] =	vst v63  }
0x2c: {  	s5 =	rddreg [dreg:$0xc]  }
0x2d: {  	[tilespmem:s21], [sflag:$0x1] =	stream.strided.gather [hbm4b:s5+s19], $0x400, s20, s19, $0x38;
	[tilespmem:$0xD200] =	vst v63  }
0x2e: {  	s23 =	simm.s32 $0x800  }
0x2f: {  	[tilespmem:s23], [sflag:$0x1] =	stream.strided.gather [hbm4b:s6+s19], $0x400, s20, s19, $0x38;
	[tilespmem:$0xD200] =	vst v63  }
0x30: {  	s24 =	simm.s32 $0xC00  }
0x31: {  	[tilespmem:s24], [sflag:$0x1] =	stream.strided.gather [hbm4b:s7+s19], $0x400, s20, s19, $0x38;
	[tilespmem:$0xD200] =	vst v63  }
0x32: {  	s25 =	simm.s32 $0x1000  }
0x33: {  	[tilespmem:s25], [sflag:$0x1] =	stream.strided.gather [hbm4b:s8+s19], $0x200, s20, s19, $0x38;
	[tilespmem:$0xD200] =	vst v63  }
0x34: {  	s28 =	simm.s32 $0x1200  }
0x35: {  	[tilespmem:s28], [sflag:$0x1] =	stream.strided.gather [hbm4b:s9+s19], $0x200, s20, s19, $0x38;
	[tilespmem:$0xD200] =	vst v63  }
0x36: {  	_ =	swait.ge [sflag:s3], $0x400  }
0x37: {  	[sflag:s3] =	ssyncset.done $0x0  }
0x38: {  	[sflag:s3] =	ssyncadd.s32 $0xFFFFFC00  }
0x39: {  	_ =	swait.ge [sflag:s3], $0x400  }
0x3a: {  	[sflag:s3] =	ssyncset.done $0x0  }
0x3b: {  	[sflag:s3] =	ssyncadd.s32 $0xFFFFFC00  }
0x3c: {  	_ =	swait.ge [sflag:s3], $0x400  }
0x3d: {  	[sflag:s3] =	ssyncset.done $0x0  }
0x3e: {  	[sflag:s3] =	ssyncadd.s32 $0xFFFFFC00  }
0x3f: {  	_ =	swait.ge [sflag:s3], $0x400  }
0x40: {  	[sflag:s3] =	ssyncset.done $0x0  }
0x41: {  	[sflag:s3] =	ssyncadd.s32 $0xFFFFFC00  }
0x42: {  	_ =	swait.ge [sflag:s3], $0x200  }
0x43: {  	[sflag:s3] =	ssyncset.done $0x0  }
0x44: {  	[sflag:s3] =	ssyncadd.s32 $0xFFFFFE00  }
0x45: {  	_ =	swait.ge [sflag:s3], $0x200  }
0x46: {  	[sflag:s3] =	ssyncset.done $0x0  }
0x47: {  	[sflag:s3] =	ssyncadd.s32 $0xFFFFFE00  }
0x48: {  	v2 =	vld [tilespmem:$0x1200]  }
0x49: {  	v3 =	vld [tilespmem:$0x1000]  }
0x4a: {  	v4 =	vld [tilespmem:$0x1210]  }
0x4b: {  	v5 =	vld [tilespmem:$0x1010]  }
0x4c: {  	v6 =	vld [tilespmem:$0x1220]  }
0x4d: {  	v7 =	vld [tilespmem:$0x1020]  }
0x4e: {  	v33 =	vld [tilespmem:$0x1240]  }
0x4f: {  	v36 =	vld [tilespmem:$0x1250]  }
0x50: {  	v38 =	vld [tilespmem:$0x1050]  }
0x51: {  	v40 =	vld [tilespmem:$0x1270];
	vm0 =	veq.s32 v2, $0x0  }
0x52: {  	v43 =	vld [tilespmem:$0x1280];
	vm10 =	veq.s32 v4, $0x0;
	v8 =	vsel vm0, $0x3F800000, v0  }
0x53: {  	v47 =	vld [tilespmem:$0x12A0];
	vm12 =	veq.s32 v6, $0x0;
	v34 =	vsel vm10, $0x3F800000, v0;
	[tilespmem:$0x3A00] =	vst v8  }
0x54: {  	v50 =	vld [tilespmem:$0x12B0];
	vm4 =	veq.s32 v33, $0x0;
	v37 =	vsel vm12, $0x3F800000, v0;
	[tilespmem:$0x3A10] =	vst v34  }
0x55: {  	v54 =	vld [tilespmem:$0x12D0];
	vm6 =	veq.s32 v36, $0x0;
	v41 =	vsel vm4, $0x3F800000, v0;
	[tilespmem:$0x3A20] =	vst v37  }
0x56: {  	v57 =	vld [tilespmem:$0x12E0];
	vm9 =	veq.s32 v3, $0xFFFFFFFF;
	v44 =	vsel vm6, $0x3F800000, v0;
	[tilespmem:$0x3A40] =	vst v41  }
0x57: {  	v61 =	vld [tilespmem:$0x1300];
	vm10 =	veq.s32 v40, $0x0;
	v8 =	vsel vm9, $0x0, v8;
	[tilespmem:$0x3A50] =	vst v44  }
0x58: {  	v12 =	vld [tilespmem:$0x1310];
	vm12 =	veq.s32 v43, $0x0;
	v48 =	vsel vm10, $0x3F800000, v0;
	[tilespmem:$0x1800] =	vst v8  }
0x59: {  	v16 =	vld [tilespmem:$0x1330];
	vm4 =	veq.s32 v47, $0x0;
	v51 =	vsel vm12, $0x3F800000, v0;
	[tilespmem:$0x3A70] =	vst v48  }
0x5a: {  	v19 =	vld [tilespmem:$0x1340];
	vm6 =	veq.s32 v50, $0x0;
	v55 =	vsel vm4, $0x3F800000, v0;
	[tilespmem:$0x3A80] =	vst v51  }
0x5b: {  	v2 =	vld [tilespmem:$0x1230];
	vm11 =	veq.s32 v5, $0xFFFFFFFF;
	v58 =	vsel vm6, $0x3F800000, v0;
	[tilespmem:$0x3AA0] =	vst v55  }
0x5c: {  	v3 =	vld [tilespmem:$0x1030];
	vm10 =	veq.s32 v54, $0x0;
	v8 =	vsel vm11, $0x0, v34;
	[tilespmem:$0x3AB0] =	vst v58  }
0x5d: {  	v23 =	vld [tilespmem:$0x1360];
	vm12 =	veq.s32 v57, $0x0;
	v62 =	vsel vm10, $0x3F800000, v0;
	[tilespmem:$0x1810] =	vst v8  }
0x5e: {  	v26 =	vld [tilespmem:$0x1370];
	vm4 =	veq.s32 v61, $0x0;
	v13 =	vsel vm12, $0x3F800000, v0;
	[tilespmem:$0x3AD0] =	vst v62  }
0x5f: {  	v30 =	vld [tilespmem:$0x1390];
	vm6 =	veq.s32 v12, $0x0;
	v17 =	vsel vm4, $0x3F800000, v0;
	[tilespmem:$0x3AE0] =	vst v13  }
0x60: {  	vm13 =	veq.s32 v7, $0xFFFFFFFF;
	v20 =	vsel vm6, $0x3F800000, v0;
	[tilespmem:$0x3B00] =	vst v17;
	vm14 =	veq.s32 v2, $0x0;
	v2 =	vld [tilespmem:$0x1260]  }
0x61: {  	vm10 =	veq.s32 v16, $0x0;
	v8 =	vsel vm13, $0x0, v37;
	[tilespmem:$0x3B10] =	vst v20;
	vm15 =	veq.s32 v3, $0xFFFFFFFF;
	v3 =	vld [tilespmem:$0x1060]  }
0x62: {  	v35 =	vld [tilespmem:$0x1040];
	vm12 =	veq.s32 v19, $0x0;
	v24 =	vsel vm10, $0x3F800000, v0;
	[tilespmem:$0x1820] =	vst v8  }
0x63: {  	v33 =	vld [tilespmem:$0x13A0];
	vm4 =	veq.s32 v23, $0x0;
	v27 =	vsel vm12, $0x3F800000, v0;
	[tilespmem:$0x3B30] =	vst v24  }
0x64: {  	vm6 =	veq.s32 v26, $0x0;
	v31 =	vsel vm4, $0x3F800000, v0;
	v37 =	vld [tilespmem:$0x13C0];
	[tilespmem:$0x3B40] =	vst v27  }
0x65: {  	v34 =	vsel vm6, $0x3F800000, v0;
	vm10 =	veq.s32 v30, $0x0;
	[tilespmem:$0x3B60] =	vst v31;
	vm8 =	veq.s32 v2, $0x0;
	v2 =	vld [tilespmem:$0x1290]  }
0x66: {  	vm7 =	veq.s32 v38, $0xFFFFFFFF;
	[tilespmem:$0x3B70] =	vst v34;
	v38 =	vsel vm10, $0x3F800000, v0;
	vm9 =	veq.s32 v3, $0xFFFFFFFF;
	v3 =	vld [tilespmem:$0x1090]  }
0x67: {  	v45 =	vld [tilespmem:$0x1080];
	v39 =	vsel vm14, $0x3F800000, v0;
	[tilespmem:$0x3B90] =	vst v38  }
0x68: {  	v42 =	vld [tilespmem:$0x1070];
	vm5 =	veq.s32 v35, $0xFFFFFFFF;
	[tilespmem:$0x3A30] =	vst v39;
	v8 =	vsel vm15, $0x0, v39  }
0x69: {  	v40 =	vld [tilespmem:$0x13D0];
	vm12 =	veq.s32 v33, $0x0;
	[tilespmem:$0x1830] =	vst v8;
	v8 =	vsel vm5, $0x0, v41  }
0x6a: {  	v41 =	vsel vm12, $0x3F800000, v0;
	[tilespmem:$0x1840] =	vst v8;
	vm14 =	veq.s32 v2, $0x0;
	v2 =	vld [tilespmem:$0x12C0]  }
0x6b: {  	v8 =	vsel vm7, $0x0, v44;
	[tilespmem:$0x3BA0] =	vst v41;
	vm4 =	veq.s32 v37, $0x0;
	vm15 =	veq.s32 v3, $0xFFFFFFFF;
	v3 =	vld [tilespmem:$0x10C0]  }
0x6c: {  	vm13 =	veq.s32 v45, $0xFFFFFFFF;
	[tilespmem:$0x1850] =	vst v8;
	v45 =	vsel vm4, $0x3F800000, v0  }
0x6d: {  	v49 =	vld [tilespmem:$0x10A0];
	v46 =	vsel vm8, $0x3F800000, v0;
	[tilespmem:$0x3BC0] =	vst v45  }
0x6e: {  	v52 =	vld [tilespmem:$0x10B0];
	vm11 =	veq.s32 v42, $0xFFFFFFFF;
	[tilespmem:$0x3A60] =	vst v46;
	v8 =	vsel vm9, $0x0, v46  }
0x6f: {  	vm6 =	veq.s32 v40, $0x0;
	[tilespmem:$0x1860] =	vst v8;
	v8 =	vsel vm11, $0x0, v48;
	vm8 =	veq.s32 v2, $0x0;
	v2 =	vld [tilespmem:$0x12F0]  }
0x70: {  	v48 =	vsel vm6, $0x3F800000, v0;
	[tilespmem:$0x1870] =	vst v8;
	vm9 =	veq.s32 v3, $0xFFFFFFFF;
	v3 =	vld [tilespmem:$0x10F0]  }
0x71: {  	v8 =	vsel vm13, $0x0, v51;
	[tilespmem:$0x3BD0] =	vst v48  }
0x72: {  	v56 =	vld [tilespmem:$0x10D0];
	[tilespmem:$0x1880] =	vst v8;
	v53 =	vsel vm14, $0x3F800000, v0  }
0x73: {  	v59 =	vld [tilespmem:$0x10E0];
	vm5 =	veq.s32 v49, $0xFFFFFFFF;
	[tilespmem:$0x3A90] =	vst v53;
	v8 =	vsel vm15, $0x0, v53  }
0x74: {  	vm7 =	veq.s32 v52, $0xFFFFFFFF;
	[tilespmem:$0x1890] =	vst v8;
	v8 =	vsel vm5, $0x0, v55;
	vm14 =	veq.s32 v2, $0x0;
	v2 =	vld [tilespmem:$0x1320]  }
0x75: {  	[tilespmem:$0x18A0] =	vst v8;
	v8 =	vsel vm7, $0x0, v58;
	vm15 =	veq.s32 v3, $0xFFFFFFFF;
	v3 =	vld [tilespmem:$0x1120]  }
0x76: {  	v63 =	vld [tilespmem:$0x1100];
	[tilespmem:$0x18B0] =	vst v8;
	v60 =	vsel vm8, $0x3F800000, v0  }
0x77: {  	v14 =	vld [tilespmem:$0x1110];
	vm11 =	veq.s32 v56, $0xFFFFFFFF;
	[tilespmem:$0x3AC0] =	vst v60;
	v8 =	vsel vm9, $0x0, v60  }
0x78: {  	v18 =	vld [tilespmem:$0x1130];
	vm13 =	veq.s32 v59, $0xFFFFFFFF;
	[tilespmem:$0x18C0] =	vst v8;
	v8 =	vsel vm11, $0x0, v62  }
0x79: {  	[tilespmem:$0x18D0] =	vst v8;
	v8 =	vsel vm13, $0x0, v13;
	vm8 =	veq.s32 v2, $0x0;
	v2 =	vld [tilespmem:$0x1350]  }
0x7a: {  	[tilespmem:$0x18E0] =	vst v8;
	v15 =	vsel vm14, $0x3F800000, v0;
	vm9 =	veq.s32 v3, $0xFFFFFFFF;
	v3 =	vld [tilespmem:$0x1150]  }
0x7b: {  	v21 =	vld [tilespmem:$0x1140];
	vm5 =	veq.s32 v63, $0xFFFFFFFF;
	[tilespmem:$0x3AF0] =	vst v15;
	v8 =	vsel vm15, $0x0, v15  }
0x7c: {  	v25 =	vld [tilespmem:$0x1160];
	vm7 =	veq.s32 v14, $0xFFFFFFFF;
	[tilespmem:$0x18F0] =	vst v8;
	v8 =	vsel vm5, $0x0, v17  }
0x7d: {  	v28 =	vld [tilespmem:$0x1170];
	[tilespmem:$0x1900] =	vst v8;
	v8 =	vsel vm7, $0x0, v20  }
0x7e: {  	[tilespmem:$0x1910] =	vst v8;
	v22 =	vsel vm8, $0x3F800000, v0;
	vm14 =	veq.s32 v2, $0x0;
	v2 =	vld [tilespmem:$0x1380]  }
0x7f: {  	vm11 =	veq.s32 v18, $0xFFFFFFFF;
	[tilespmem:$0x3B20] =	vst v22;
	v8 =	vsel vm9, $0x0, v22;
	vm15 =	veq.s32 v3, $0xFFFFFFFF;
	v3 =	vld [tilespmem:$0x1180]  }
0x80: {  	v42 =	vld [tilespmem:$0x11D0];
	vm13 =	veq.s32 v21, $0xFFFFFFFF;
	[tilespmem:$0x1920] =	vst v8;
	v8 =	vsel vm11, $0x0, v24  }
0x81: {  	v32 =	vld [tilespmem:$0x1190];
	[tilespmem:$0x1930] =	vst v8;
	v8 =	vsel vm13, $0x0, v27  }
0x82: {  	v35 =	vld [tilespmem:$0x11A0];
	[tilespmem:$0x1940] =	vst v8;
	v29 =	vsel vm14, $0x3F800000, v0  }
0x83: {  	vm5 =	veq.s32 v25, $0xFFFFFFFF;
	[tilespmem:$0x3B50] =	vst v29;
	v8 =	vsel vm15, $0x0, v29;
	vm8 =	veq.s32 v2, $0x0;
	v2 =	vld [tilespmem:$0x13B0]  }
0x84: {  	vm7 =	veq.s32 v28, $0xFFFFFFFF;
	[tilespmem:$0x1950] =	vst v8;
	v8 =	vsel vm5, $0x0, v31;
	vm9 =	veq.s32 v3, $0xFFFFFFFF;
	v3 =	vld [tilespmem:$0x11B0]  }
0x85: {  	[tilespmem:$0x1960] =	vst v8;
	v8 =	vsel vm7, $0x0, v34;
	vm7 =	veq.s32 v42, $0xFFFFFFFF  }
0x86: {  	v47 =	vld [tilespmem:$0x0];
	[tilespmem:$0x1970] =	vst v8;
	v7 =	vsel vm7, $0x0, v48  }
0x87: {  	v39 =	vld [tilespmem:$0x11C0];
	v36 =	vsel vm8, $0x3F800000, v0;
	[tilespmem:$0x19D0] =	vst v7  }
0x88: {  	vm11 =	veq.s32 v32, $0xFFFFFFFF;
	[tilespmem:$0x3B80] =	vst v36;
	v8 =	vsel vm9, $0x0, v36;
	vm14 =	veq.s32 v2, $0x0;
	v2 =	vld [tilespmem:$0x13E0]  }
0x89: {  	vm13 =	veq.s32 v35, $0xFFFFFFFF;
	[tilespmem:$0x1980] =	vst v8;
	v8 =	vsel vm11, $0x0, v38;
	vm15 =	veq.s32 v3, $0xFFFFFFFF;
	v3 =	vld [tilespmem:$0x11E0]  }
0x8a: {  	v44 =	vld [tilespmem:$0x13F0];
	[tilespmem:$0x1990] =	vst v8;
	v8 =	vsel vm13, $0x0, v41  }
0x8b: {  	v46 =	vld [tilespmem:$0x11F0];
	[tilespmem:$0x19A0] =	vst v8;
	v43 =	vsel vm14, $0x3F800000, v0  }
0x8c: {  	vm5 =	veq.s32 v39, $0xFFFFFFFF;
	[tilespmem:$0x3BB0] =	vst v43;
	v8 =	vsel vm15, $0x0, v43  }
0x8d: {  	[tilespmem:$0x19B0] =	vst v8;
	v8 =	vsel vm5, $0x0, v45;
	vm8 =	veq.s32 v2, $0x0  }
0x8e: {  	[tilespmem:$0x19C0] =	vst v8;
	vm9 =	veq.s32 v3, $0xFFFFFFFF;
	v2 =	vsel vm8, $0x3F800000, v0  }
0x8f: {  	vm10 =	veq.s32 v44, $0x0;
	[tilespmem:$0x3BE0] =	vst v2;
	v2 =	vsel vm9, $0x0, v2  }
0x90: {  	vm11 =	veq.s32 v46, $0xFFFFFFFF;
	[tilespmem:$0x19E0] =	vst v2;
	v2 =	vsel vm10, $0x3F800000, v0  }
0x91: {  	[tilespmem:$0x3BF0] =	vst v2;
	v2 =	vsel vm11, $0x0, v2  }
0x92: {  	[tilespmem:$0x19F0] =	vst v2  }
0x93: {  	v2 =	vld.idx.msk [tilespmem:v47+s26+$0x0], $0xffff  }
0x94: {  	v50 =	vld [tilespmem:$0x10]  }
0x95: {  	v3 =	vld [tilespmem:$0xC00]  }
0x96: {  	v49 =	vld [tilespmem:$0x800];
	_ =	sdelay $0x1  }
0x97: {  	v2 =	vmul.f32 $8.000000110e-01, v2;
	_ =	sdelay $0x1  }
0x98: {  	v2 =	vadd.f32 v3, v2  }
0x99: {  	vm12 =	veq.s32 v49, $0xFFFFFFFF  }
0x9a: {  	v2 =	vsel vm12, $0x0, v2  }
0x9b: {  	[tilespmem:$0x1400] =	vst v2  }
0x9c: {  	v2 =	vld.idx.msk [tilespmem:v50+s26+$0x0], $0xffff  }
0x9d: {  	v52 =	vld [tilespmem:$0x20]  }
0x9e: {  	v3 =	vld [tilespmem:$0xC10]  }
0x9f: {  	v51 =	vld [tilespmem:$0x810];
	_ =	sdelay $0x1  }
0xa0: {  	v2 =	vmul.f32 $8.000000110e-01, v2;
	_ =	sdelay $0x1  }
0xa1: {  	v2 =	vadd.f32 v3, v2  }
0xa2: {  	vm13 =	veq.s32 v51, $0xFFFFFFFF  }
0xa3: {  	v2 =	vsel vm13, $0x0, v2  }
0xa4: {  	[tilespmem:$0x1410] =	vst v2  }
0xa5: {  	v2 =	vld.idx.msk [tilespmem:v52+s26+$0x0], $0xffff  }
0xa6: {  	v54 =	vld [tilespmem:$0x30]  }
0xa7: {  	v3 =	vld [tilespmem:$0xC20]  }
0xa8: {  	v53 =	vld [tilespmem:$0x820];
	_ =	sdelay $0x1  }
0xa9: {  	v2 =	vmul.f32 $8.000000110e-01, v2;
	_ =	sdelay $0x1  }
0xaa: {  	v2 =	vadd.f32 v3, v2  }
0xab: {  	vm14 =	veq.s32 v53, $0xFFFFFFFF  }
0xac: {  	v2 =	vsel vm14, $0x0, v2  }
0xad: {  	[tilespmem:$0x1420] =	vst v2  }
0xae: {  	v2 =	vld.idx.msk [tilespmem:v54+s26+$0x0], $0xffff  }
0xaf: {  	v56 =	vld [tilespmem:$0x40]  }
0xb0: {  	v3 =	vld [tilespmem:$0xC30]  }
0xb1: {  	v55 =	vld [tilespmem:$0x830];
	_ =	sdelay $0x1  }
0xb2: {  	v2 =	vmul.f32 $8.000000110e-01, v2;
	_ =	sdelay $0x1  }
0xb3: {  	v2 =	vadd.f32 v3, v2  }
0xb4: {  	vm15 =	veq.s32 v55, $0xFFFFFFFF  }
0xb5: {  	v2 =	vsel vm15, $0x0, v2  }
0xb6: {  	[tilespmem:$0x1430] =	vst v2  }
0xb7: {  	v2 =	vld.idx.msk [tilespmem:v56+s26+$0x0], $0xffff  }
0xb8: {  	v57 =	vld [tilespmem:$0x840]  }
0xb9: {  	v3 =	vld [tilespmem:$0xC40]  }
0xba: {  	v58 =	vld [tilespmem:$0x50];
	_ =	sdelay $0x1  }
0xbb: {  	v2 =	vmul.f32 $8.000000110e-01, v2;
	_ =	sdelay $0x1  }
0xbc: {  	v2 =	vadd.f32 v3, v2  }
0xbd: {  	vm4 =	veq.s32 v57, $0xFFFFFFFF  }
0xbe: {  	v2 =	vsel vm4, $0x0, v2  }
0xbf: {  	[tilespmem:$0x1440] =	vst v2  }
0xc0: {  	v2 =	vld.idx.msk [tilespmem:v58+s26+$0x0], $0xffff  }
0xc1: {  	v59 =	vld [tilespmem:$0x850]  }
0xc2: {  	v3 =	vld [tilespmem:$0xC50]  }
0xc3: {  	v60 =	vld [tilespmem:$0x60];
	_ =	sdelay $0x1  }
0xc4: {  	v2 =	vmul.f32 $8.000000110e-01, v2;
	_ =	sdelay $0x1  }
0xc5: {  	v2 =	vadd.f32 v3, v2  }
0xc6: {  	vm5 =	veq.s32 v59, $0xFFFFFFFF  }
0xc7: {  	v2 =	vsel vm5, $0x0, v2  }
0xc8: {  	[tilespmem:$0x1450] =	vst v2  }
0xc9: {  	v2 =	vld.idx.msk [tilespmem:v60+s26+$0x0], $0xffff  }
0xca: {  	v61 =	vld [tilespmem:$0x860]  }
0xcb: {  	v3 =	vld [tilespmem:$0xC60]  }
0xcc: {  	v62 =	vld [tilespmem:$0x70];
	_ =	sdelay $0x1  }
0xcd: {  	v2 =	vmul.f32 $8.000000110e-01, v2;
	_ =	sdelay $0x1  }
0xce: {  	v2 =	vadd.f32 v3, v2  }
0xcf: {  	vm6 =	veq.s32 v61, $0xFFFFFFFF  }
0xd0: {  	v2 =	vsel vm6, $0x0, v2  }
0xd1: {  	[tilespmem:$0x1460] =	vst v2  }
0xd2: {  	v2 =	vld.idx.msk [tilespmem:v62+s26+$0x0], $0xffff  }
0xd3: {  	v63 =	vld [tilespmem:$0x870]  }
0xd4: {  	v3 =	vld [tilespmem:$0xC70]  }
0xd5: {  	v8 =	vld [tilespmem:$0x80];
	_ =	sdelay $0x1  }
0xd6: {  	v2 =	vmul.f32 $8.000000110e-01, v2;
	_ =	sdelay $0x1  }
0xd7: {  	v2 =	vadd.f32 v3, v2  }
0xd8: {  	vm7 =	veq.s32 v63, $0xFFFFFFFF  }
0xd9: {  	v2 =	vsel vm7, $0x0, v2  }
0xda: {  	[tilespmem:$0x1470] =	vst v2  }
0xdb: {  	v2 =	vld.idx.msk [tilespmem:v8+s26+$0x0], $0xffff  }
0xdc: {  	v9 =	vld [tilespmem:$0x880]  }
0xdd: {  	v3 =	vld [tilespmem:$0xC80]  }
0xde: {  	v10 =	vld [tilespmem:$0x90];
	_ =	sdelay $0x1  }
0xdf: {  	v2 =	vmul.f32 $8.000000110e-01, v2;
	_ =	sdelay $0x1  }
0xe0: {  	v2 =	vadd.f32 v3, v2  }
0xe1: {  	vm8 =	veq.s32 v9, $0xFFFFFFFF  }
0xe2: {  	v2 =	vsel vm8, $0x0, v2  }
0xe3: {  	[tilespmem:$0x1480] =	vst v2  }
0xe4: {  	v2 =	vld.idx.msk [tilespmem:v10+s26+$0x0], $0xffff  }
0xe5: {  	v11 =	vld [tilespmem:$0x890]  }
0xe6: {  	v3 =	vld [tilespmem:$0xC90]  }
0xe7: {  	v12 =	vld [tilespmem:$0xA0];
	_ =	sdelay $0x1  }
0xe8: {  	v2 =	vmul.f32 $8.000000110e-01, v2;
	_ =	sdelay $0x1  }
0xe9: {  	v2 =	vadd.f32 v3, v2  }
0xea: {  	vm9 =	veq.s32 v11, $0xFFFFFFFF  }
0xeb: {  	v2 =	vsel vm9, $0x0, v2  }
0xec: {  	[tilespmem:$0x1490] =	vst v2  }
0xed: {  	v2 =	vld.idx.msk [tilespmem:v12+s26+$0x0], $0xffff  }
0xee: {  	v14 =	vld [tilespmem:$0xB0]  }
0xef: {  	v3 =	vld [tilespmem:$0xCA0]  }
0xf0: {  	v13 =	vld [tilespmem:$0x8A0];
	_ =	sdelay $0x1  }
0xf1: {  	v2 =	vmul.f32 $8.000000110e-01, v2;
	_ =	sdelay $0x1  }
0xf2: {  	v2 =	vadd.f32 v3, v2  }
0xf3: {  	vm10 =	veq.s32 v13, $0xFFFFFFFF  }
0xf4: {  	v2 =	vsel vm10, $0x0, v2  }
0xf5: {  	[tilespmem:$0x14A0] =	vst v2  }
0xf6: {  	v2 =	vld.idx.msk [tilespmem:v14+s26+$0x0], $0xffff  }
0xf7: {  	v16 =	vld [tilespmem:$0xC0]  }
0xf8: {  	v3 =	vld [tilespmem:$0xCB0]  }
0xf9: {  	v15 =	vld [tilespmem:$0x8B0];
	_ =	sdelay $0x1  }
0xfa: {  	v2 =	vmul.f32 $8.000000110e-01, v2;
	_ =	sdelay $0x1  }
0xfb: {  	v2 =	vadd.f32 v3, v2  }
0xfc: {  	vm11 =	veq.s32 v15, $0xFFFFFFFF  }
0xfd: {  	v2 =	vsel vm11, $0x0, v2  }
0xfe: {  	[tilespmem:$0x14B0] =	vst v2  }
0xff: {  	v2 =	vld.idx.msk [tilespmem:v16+s26+$0x0], $0xffff  }
0x100: {  	v18 =	vld [tilespmem:$0xD0]  }
0x101: {  	v3 =	vld [tilespmem:$0xCC0]  }
0x102: {  	v17 =	vld [tilespmem:$0x8C0];
	_ =	sdelay $0x1  }
0x103: {  	v2 =	vmul.f32 $8.000000110e-01, v2;
	_ =	sdelay $0x1  }
0x104: {  	v2 =	vadd.f32 v3, v2  }
0x105: {  	vm12 =	veq.s32 v17, $0xFFFFFFFF  }
0x106: {  	v2 =	vsel vm12, $0x0, v2  }
0x107: {  	[tilespmem:$0x14C0] =	vst v2  }
0x108: {  	v2 =	vld.idx.msk [tilespmem:v18+s26+$0x0], $0xffff  }
0x109: {  	v19 =	vld [tilespmem:$0x8D0]  }
0x10a: {  	v3 =	vld [tilespmem:$0xCD0]  }
0x10b: {  	v20 =	vld [tilespmem:$0xE0];
	_ =	sdelay $0x1  }
0x10c: {  	v2 =	vmul.f32 $8.000000110e-01, v2;
	_ =	sdelay $0x1  }
0x10d: {  	v2 =	vadd.f32 v3, v2  }
0x10e: {  	vm13 =	veq.s32 v19, $0xFFFFFFFF  }
0x10f: {  	v2 =	vsel vm13, $0x0, v2  }
0x110: {  	[tilespmem:$0x14D0] =	vst v2  }
0x111: {  	v2 =	vld.idx.msk [tilespmem:v20+s26+$0x0], $0xffff  }
0x112: {  	v21 =	vld [tilespmem:$0x8E0]  }
0x113: {  	v3 =	vld [tilespmem:$0xCE0]  }
0x114: {  	v22 =	vld [tilespmem:$0xF0];
	_ =	sdelay $0x1  }
0x115: {  	v2 =	vmul.f32 $8.000000110e-01, v2;
	_ =	sdelay $0x1  }
0x116: {  	v2 =	vadd.f32 v3, v2  }
0x117: {  	vm14 =	veq.s32 v21, $0xFFFFFFFF  }
0x118: {  	v2 =	vsel vm14, $0x0, v2  }
0x119: {  	[tilespmem:$0x14E0] =	vst v2  }
0x11a: {  	v2 =	vld.idx.msk [tilespmem:v22+s26+$0x0], $0xffff  }
0x11b: {  	v23 =	vld [tilespmem:$0x8F0]  }
0x11c: {  	v3 =	vld [tilespmem:$0xCF0]  }
0x11d: {  	v24 =	vld [tilespmem:$0x100];
	_ =	sdelay $0x1  }
0x11e: {  	v2 =	vmul.f32 $8.000000110e-01, v2;
	_ =	sdelay $0x1  }
0x11f: {  	v2 =	vadd.f32 v3, v2  }
0x120: {  	vm15 =	veq.s32 v23, $0xFFFFFFFF  }
0x121: {  	v2 =	vsel vm15, $0x0, v2  }
0x122: {  	[tilespmem:$0x14F0] =	vst v2  }
0x123: {  	v2 =	vld.idx.msk [tilespmem:v24+s26+$0x0], $0xffff  }
0x124: {  	v26 =	vld [tilespmem:$0x110]  }
0x125: {  	v3 =	vld [tilespmem:$0xD00]  }
0x126: {  	v25 =	vld [tilespmem:$0x900];
	_ =	sdelay $0x1  }
0x127: {  	v2 =	vmul.f32 $8.000000110e-01, v2;
	_ =	sdelay $0x1  }
0x128: {  	v2 =	vadd.f32 v3, v2  }
0x129: {  	vm4 =	veq.s32 v25, $0xFFFFFFFF  }
0x12a: {  	v2 =	vsel vm4, $0x0, v2  }
0x12b: {  	[tilespmem:$0x1500] =	vst v2  }
0x12c: {  	v2 =	vld.idx.msk [tilespmem:v26+s26+$0x0], $0xffff  }
0x12d: {  	v28 =	vld [tilespmem:$0x120]  }
0x12e: {  	v3 =	vld [tilespmem:$0xD10]  }
0x12f: {  	v27 =	vld [tilespmem:$0x910];
	_ =	sdelay $0x1  }
0x130: {  	v2 =	vmul.f32 $8.000000110e-01, v2;
	_ =	sdelay $0x1  }
0x131: {  	v2 =	vadd.f32 v3, v2  }
0x132: {  	vm5 =	veq.s32 v27, $0xFFFFFFFF  }
0x133: {  	v2 =	vsel vm5, $0x0, v2  }
0x134: {  	[tilespmem:$0x1510] =	vst v2  }
0x135: {  	v2 =	vld.idx.msk [tilespmem:v28+s26+$0x0], $0xffff  }
0x136: {  	v30 =	vld [tilespmem:$0x130]  }
0x137: {  	v3 =	vld [tilespmem:$0xD20]  }
0x138: {  	v29 =	vld [tilespmem:$0x920];
	_ =	sdelay $0x1  }
0x139: {  	v2 =	vmul.f32 $8.000000110e-01, v2;
	_ =	sdelay $0x1  }
0x13a: {  	v2 =	vadd.f32 v3, v2  }
0x13b: {  	vm6 =	veq.s32 v29, $0xFFFFFFFF  }
0x13c: {  	v2 =	vsel vm6, $0x0, v2  }
0x13d: {  	[tilespmem:$0x1520] =	vst v2  }
0x13e: {  	v2 =	vld.idx.msk [tilespmem:v30+s26+$0x0], $0xffff  }
0x13f: {  	v32 =	vld [tilespmem:$0x140]  }
0x140: {  	v3 =	vld [tilespmem:$0xD30]  }
0x141: {  	v31 =	vld [tilespmem:$0x930];
	_ =	sdelay $0x1  }
0x142: {  	v2 =	vmul.f32 $8.000000110e-01, v2;
	_ =	sdelay $0x1  }
0x143: {  	v2 =	vadd.f32 v3, v2  }
0x144: {  	vm7 =	veq.s32 v31, $0xFFFFFFFF  }
0x145: {  	v2 =	vsel vm7, $0x0, v2  }
0x146: {  	[tilespmem:$0x1530] =	vst v2  }
0x147: {  	v2 =	vld.idx.msk [tilespmem:v32+s26+$0x0], $0xffff  }
0x148: {  	v33 =	vld [tilespmem:$0x940]  }
0x149: {  	v3 =	vld [tilespmem:$0xD40]  }
0x14a: {  	v34 =	vld [tilespmem:$0x150];
	_ =	sdelay $0x1  }
0x14b: {  	v2 =	vmul.f32 $8.000000110e-01, v2;
	_ =	sdelay $0x1  }
0x14c: {  	v2 =	vadd.f32 v3, v2  }
0x14d: {  	vm8 =	veq.s32 v33, $0xFFFFFFFF  }
0x14e: {  	v2 =	vsel vm8, $0x0, v2  }
0x14f: {  	[tilespmem:$0x1540] =	vst v2  }
0x150: {  	v2 =	vld.idx.msk [tilespmem:v34+s26+$0x0], $0xffff  }
0x151: {  	v35 =	vld [tilespmem:$0x950]  }
0x152: {  	v3 =	vld [tilespmem:$0xD50]  }
0x153: {  	v36 =	vld [tilespmem:$0x160];
	_ =	sdelay $0x1  }
0x154: {  	v2 =	vmul.f32 $8.000000110e-01, v2;
	_ =	sdelay $0x1  }
0x155: {  	v2 =	vadd.f32 v3, v2  }
0x156: {  	vm9 =	veq.s32 v35, $0xFFFFFFFF  }
0x157: {  	v2 =	vsel vm9, $0x0, v2  }
0x158: {  	[tilespmem:$0x1550] =	vst v2  }
0x159: {  	v2 =	vld.idx.msk [tilespmem:v36+s26+$0x0], $0xffff  }
0x15a: {  	v37 =	vld [tilespmem:$0x960]  }
0x15b: {  	v3 =	vld [tilespmem:$0xD60]  }
0x15c: {  	v38 =	vld [tilespmem:$0x170];
	_ =	sdelay $0x1  }
0x15d: {  	v2 =	vmul.f32 $8.000000110e-01, v2;
	_ =	sdelay $0x1  }
0x15e: {  	v2 =	vadd.f32 v3, v2  }
0x15f: {  	vm10 =	veq.s32 v37, $0xFFFFFFFF  }
0x160: {  	v2 =	vsel vm10, $0x0, v2  }
0x161: {  	[tilespmem:$0x1560] =	vst v2  }
0x162: {  	v2 =	vld.idx.msk [tilespmem:v38+s26+$0x0], $0xffff  }
0x163: {  	v40 =	vld [tilespmem:$0x180]  }
0x164: {  	v3 =	vld [tilespmem:$0xD70]  }
0x165: {  	v39 =	vld [tilespmem:$0x970];
	_ =	sdelay $0x1  }
0x166: {  	v2 =	vmul.f32 $8.000000110e-01, v2;
	_ =	sdelay $0x1  }
0x167: {  	v2 =	vadd.f32 v3, v2  }
0x168: {  	vm11 =	veq.s32 v39, $0xFFFFFFFF  }
0x169: {  	v2 =	vsel vm11, $0x0, v2  }
0x16a: {  	[tilespmem:$0x1570] =	vst v2  }
0x16b: {  	v2 =	vld.idx.msk [tilespmem:v40+s26+$0x0], $0xffff  }
0x16c: {  	v42 =	vld [tilespmem:$0x190]  }
0x16d: {  	v3 =	vld [tilespmem:$0xD80]  }
0x16e: {  	v41 =	vld [tilespmem:$0x980];
	_ =	sdelay $0x1  }
0x16f: {  	v2 =	vmul.f32 $8.000000110e-01, v2;
	_ =	sdelay $0x1  }
0x170: {  	v2 =	vadd.f32 v3, v2  }
0x171: {  	vm12 =	veq.s32 v41, $0xFFFFFFFF  }
0x172: {  	v2 =	vsel vm12, $0x0, v2  }
0x173: {  	[tilespmem:$0x1580] =	vst v2  }
0x174: {  	v2 =	vld.idx.msk [tilespmem:v42+s26+$0x0], $0xffff  }
0x175: {  	v44 =	vld [tilespmem:$0x1A0]  }
0x176: {  	v3 =	vld [tilespmem:$0xD90]  }
0x177: {  	v43 =	vld [tilespmem:$0x990];
	_ =	sdelay $0x1  }
0x178: {  	v2 =	vmul.f32 $8.000000110e-01, v2;
	_ =	sdelay $0x1  }
0x179: {  	v2 =	vadd.f32 v3, v2  }
0x17a: {  	vm13 =	veq.s32 v43, $0xFFFFFFFF  }
0x17b: {  	v2 =	vsel vm13, $0x0, v2  }
0x17c: {  	[tilespmem:$0x1590] =	vst v2  }
0x17d: {  	v2 =	vld.idx.msk [tilespmem:v44+s26+$0x0], $0xffff  }
0x17e: {  	v46 =	vld [tilespmem:$0x1B0]  }
0x17f: {  	v3 =	vld [tilespmem:$0xDA0]  }
0x180: {  	v45 =	vld [tilespmem:$0x9A0];
	_ =	sdelay $0x1  }
0x181: {  	v2 =	vmul.f32 $8.000000110e-01, v2;
	_ =	sdelay $0x1  }
0x182: {  	v2 =	vadd.f32 v3, v2  }
0x183: {  	vm14 =	veq.s32 v45, $0xFFFFFFFF  }
0x184: {  	v2 =	vsel vm14, $0x0, v2  }
0x185: {  	[tilespmem:$0x15A0] =	vst v2  }
0x186: {  	v2 =	vld.idx.msk [tilespmem:v46+s26+$0x0], $0xffff  }
0x187: {  	v48 =	vld [tilespmem:$0x1C0]  }
0x188: {  	v3 =	vld [tilespmem:$0xDB0]  }
0x189: {  	v47 =	vld [tilespmem:$0x9B0];
	_ =	sdelay $0x1  }
0x18a: {  	v2 =	vmul.f32 $8.000000110e-01, v2;
	_ =	sdelay $0x1  }
0x18b: {  	v2 =	vadd.f32 v3, v2  }
0x18c: {  	vm15 =	veq.s32 v47, $0xFFFFFFFF  }
0x18d: {  	v2 =	vsel vm15, $0x0, v2  }
0x18e: {  	[tilespmem:$0x15B0] =	vst v2  }
0x18f: {  	v2 =	vld.idx.msk [tilespmem:v48+s26+$0x0], $0xffff  }
0x190: {  	v49 =	vld [tilespmem:$0x9C0]  }
0x191: {  	v3 =	vld [tilespmem:$0xDC0]  }
0x192: {  	v50 =	vld [tilespmem:$0x1D0];
	_ =	sdelay $0x1  }
0x193: {  	v2 =	vmul.f32 $8.000000110e-01, v2;
	_ =	sdelay $0x1  }
0x194: {  	v2 =	vadd.f32 v3, v2  }
0x195: {  	vm4 =	veq.s32 v49, $0xFFFFFFFF  }
0x196: {  	v2 =	vsel vm4, $0x0, v2  }
0x197: {  	[tilespmem:$0x15C0] =	vst v2  }
0x198: {  	v2 =	vld.idx.msk [tilespmem:v50+s26+$0x0], $0xffff  }
0x199: {  	v51 =	vld [tilespmem:$0x9D0]  }
0x19a: {  	v3 =	vld [tilespmem:$0xDD0]  }
0x19b: {  	v52 =	vld [tilespmem:$0x1E0];
	_ =	sdelay $0x1  }
0x19c: {  	v2 =	vmul.f32 $8.000000110e-01, v2;
	_ =	sdelay $0x1  }
0x19d: {  	v2 =	vadd.f32 v3, v2  }
0x19e: {  	vm5 =	veq.s32 v51, $0xFFFFFFFF  }
0x19f: {  	v2 =	vsel vm5, $0x0, v2  }
0x1a0: {  	[tilespmem:$0x15D0] =	vst v2  }
0x1a1: {  	v2 =	vld.idx.msk [tilespmem:v52+s26+$0x0], $0xffff  }
0x1a2: {  	v53 =	vld [tilespmem:$0x9E0]  }
0x1a3: {  	v3 =	vld [tilespmem:$0xDE0]  }
0x1a4: {  	v54 =	vld [tilespmem:$0x1F0];
	_ =	sdelay $0x1  }
0x1a5: {  	v2 =	vmul.f32 $8.000000110e-01, v2;
	_ =	sdelay $0x1  }
0x1a6: {  	v2 =	vadd.f32 v3, v2  }
0x1a7: {  	vm6 =	veq.s32 v53, $0xFFFFFFFF  }
0x1a8: {  	v2 =	vsel vm6, $0x0, v2  }
0x1a9: {  	[tilespmem:$0x15E0] =	vst v2  }
0x1aa: {  	v2 =	vld.idx.msk [tilespmem:v54+s26+$0x0], $0xffff  }
0x1ab: {  	v55 =	vld [tilespmem:$0x9F0]  }
0x1ac: {  	v3 =	vld [tilespmem:$0xDF0]  }
0x1ad: {  	v56 =	vld [tilespmem:$0x200];
	_ =	sdelay $0x1  }
0x1ae: {  	v2 =	vmul.f32 $8.000000110e-01, v2;
	_ =	sdelay $0x1  }
0x1af: {  	v2 =	vadd.f32 v3, v2  }
0x1b0: {  	vm7 =	veq.s32 v55, $0xFFFFFFFF  }
0x1b1: {  	v2 =	vsel vm7, $0x0, v2  }
0x1b2: {  	[tilespmem:$0x15F0] =	vst v2  }
0x1b3: {  	v2 =	vld.idx.msk [tilespmem:v56+s26+$0x0], $0xffff  }
0x1b4: {  	v57 =	vld [tilespmem:$0xA00]  }
0x1b5: {  	v3 =	vld [tilespmem:$0xE00]  }
0x1b6: {  	v58 =	vld [tilespmem:$0x210];
	_ =	sdelay $0x1  }
0x1b7: {  	v2 =	vmul.f32 $8.000000110e-01, v2;
	_ =	sdelay $0x1  }
0x1b8: {  	v2 =	vadd.f32 v3, v2  }
0x1b9: {  	vm8 =	veq.s32 v57, $0xFFFFFFFF  }
0x1ba: {  	v2 =	vsel vm8, $0x0, v2  }
0x1bb: {  	[tilespmem:$0x1600] =	vst v2  }
0x1bc: {  	v2 =	vld.idx.msk [tilespmem:v58+s26+$0x0], $0xffff  }
0x1bd: {  	v59 =	vld [tilespmem:$0xA10]  }
0x1be: {  	v3 =	vld [tilespmem:$0xE10]  }
0x1bf: {  	v60 =	vld [tilespmem:$0x220];
	_ =	sdelay $0x1  }
0x1c0: {  	v2 =	vmul.f32 $8.000000110e-01, v2;
	_ =	sdelay $0x1  }
0x1c1: {  	v2 =	vadd.f32 v3, v2  }
0x1c2: {  	vm9 =	veq.s32 v59, $0xFFFFFFFF  }
0x1c3: {  	v2 =	vsel vm9, $0x0, v2  }
0x1c4: {  	[tilespmem:$0x1610] =	vst v2  }
0x1c5: {  	v2 =	vld.idx.msk [tilespmem:v60+s26+$0x0], $0xffff  }
0x1c6: {  	v61 =	vld [tilespmem:$0xA20]  }
0x1c7: {  	v3 =	vld [tilespmem:$0xE20]  }
0x1c8: {  	v62 =	vld [tilespmem:$0x230];
	_ =	sdelay $0x1  }
0x1c9: {  	v2 =	vmul.f32 $8.000000110e-01, v2;
	_ =	sdelay $0x1  }
0x1ca: {  	v2 =	vadd.f32 v3, v2  }
0x1cb: {  	vm10 =	veq.s32 v61, $0xFFFFFFFF  }
0x1cc: {  	v2 =	vsel vm10, $0x0, v2  }
0x1cd: {  	[tilespmem:$0x1620] =	vst v2  }
0x1ce: {  	v2 =	vld.idx.msk [tilespmem:v62+s26+$0x0], $0xffff  }
0x1cf: {  	v63 =	vld [tilespmem:$0xA30]  }
0x1d0: {  	v3 =	vld [tilespmem:$0xE30]  }
0x1d1: {  	v8 =	vld [tilespmem:$0x240];
	_ =	sdelay $0x1  }
0x1d2: {  	v2 =	vmul.f32 $8.000000110e-01, v2;
	_ =	sdelay $0x1  }
0x1d3: {  	v2 =	vadd.f32 v3, v2  }
0x1d4: {  	vm11 =	veq.s32 v63, $0xFFFFFFFF  }
0x1d5: {  	v2 =	vsel vm11, $0x0, v2  }
0x1d6: {  	[tilespmem:$0x1630] =	vst v2  }
0x1d7: {  	v2 =	vld.idx.msk [tilespmem:v8+s26+$0x0], $0xffff  }
0x1d8: {  	v9 =	vld [tilespmem:$0xA40]  }
0x1d9: {  	v3 =	vld [tilespmem:$0xE40]  }
0x1da: {  	v10 =	vld [tilespmem:$0x250];
	_ =	sdelay $0x1  }
0x1db: {  	v2 =	vmul.f32 $8.000000110e-01, v2;
	_ =	sdelay $0x1  }
0x1dc: {  	v2 =	vadd.f32 v3, v2  }
0x1dd: {  	vm12 =	veq.s32 v9, $0xFFFFFFFF  }
0x1de: {  	v2 =	vsel vm12, $0x0, v2  }
0x1df: {  	[tilespmem:$0x1640] =	vst v2  }
0x1e0: {  	v2 =	vld.idx.msk [tilespmem:v10+s26+$0x0], $0xffff  }
0x1e1: {  	v11 =	vld [tilespmem:$0xA50]  }
0x1e2: {  	v3 =	vld [tilespmem:$0xE50]  }
0x1e3: {  	v12 =	vld [tilespmem:$0x260];
	_ =	sdelay $0x1  }
0x1e4: {  	v2 =	vmul.f32 $8.000000110e-01, v2;
	_ =	sdelay $0x1  }
0x1e5: {  	v2 =	vadd.f32 v3, v2  }
0x1e6: {  	vm13 =	veq.s32 v11, $0xFFFFFFFF  }
0x1e7: {  	v2 =	vsel vm13, $0x0, v2  }
0x1e8: {  	[tilespmem:$0x1650] =	vst v2  }
0x1e9: {  	v2 =	vld.idx.msk [tilespmem:v12+s26+$0x0], $0xffff  }
0x1ea: {  	v13 =	vld [tilespmem:$0xA60]  }
0x1eb: {  	v3 =	vld [tilespmem:$0xE60]  }
0x1ec: {  	v14 =	vld [tilespmem:$0x270];
	_ =	sdelay $0x1  }
0x1ed: {  	v2 =	vmul.f32 $8.000000110e-01, v2;
	_ =	sdelay $0x1  }
0x1ee: {  	v2 =	vadd.f32 v3, v2  }
0x1ef: {  	vm14 =	veq.s32 v13, $0xFFFFFFFF  }
0x1f0: {  	v2 =	vsel vm14, $0x0, v2  }
0x1f1: {  	[tilespmem:$0x1660] =	vst v2  }
0x1f2: {  	v2 =	vld.idx.msk [tilespmem:v14+s26+$0x0], $0xffff  }
0x1f3: {  	v15 =	vld [tilespmem:$0xA70]  }
0x1f4: {  	v3 =	vld [tilespmem:$0xE70]  }
0x1f5: {  	v16 =	vld [tilespmem:$0x280];
	_ =	sdelay $0x1  }
0x1f6: {  	v2 =	vmul.f32 $8.000000110e-01, v2;
	_ =	sdelay $0x1  }
0x1f7: {  	v2 =	vadd.f32 v3, v2  }
0x1f8: {  	vm15 =	veq.s32 v15, $0xFFFFFFFF  }
0x1f9: {  	v2 =	vsel vm15, $0x0, v2  }
0x1fa: {  	[tilespmem:$0x1670] =	vst v2  }
0x1fb: {  	v2 =	vld.idx.msk [tilespmem:v16+s26+$0x0], $0xffff  }
0x1fc: {  	v17 =	vld [tilespmem:$0xA80]  }
0x1fd: {  	v3 =	vld [tilespmem:$0xE80]  }
0x1fe: {  	v18 =	vld [tilespmem:$0x290];
	_ =	sdelay $0x1  }
0x1ff: {  	v2 =	vmul.f32 $8.000000110e-01, v2;
	_ =	sdelay $0x1  }
0x200: {  	v2 =	vadd.f32 v3, v2  }
0x201: {  	vm4 =	veq.s32 v17, $0xFFFFFFFF  }
0x202: {  	v2 =	vsel vm4, $0x0, v2  }
0x203: {  	[tilespmem:$0x1680] =	vst v2  }
0x204: {  	v2 =	vld.idx.msk [tilespmem:v18+s26+$0x0], $0xffff  }
0x205: {  	v19 =	vld [tilespmem:$0xA90]  }
0x206: {  	v3 =	vld [tilespmem:$0xE90]  }
0x207: {  	v20 =	vld [tilespmem:$0x2A0];
	_ =	sdelay $0x1  }
0x208: {  	v2 =	vmul.f32 $8.000000110e-01, v2;
	_ =	sdelay $0x1  }
0x209: {  	v2 =	vadd.f32 v3, v2  }
0x20a: {  	vm5 =	veq.s32 v19, $0xFFFFFFFF  }
0x20b: {  	v2 =	vsel vm5, $0x0, v2  }
0x20c: {  	[tilespmem:$0x1690] =	vst v2  }
0x20d: {  	v2 =	vld.idx.msk [tilespmem:v20+s26+$0x0], $0xffff  }
0x20e: {  	v21 =	vld [tilespmem:$0xAA0]  }
0x20f: {  	v3 =	vld [tilespmem:$0xEA0]  }
0x210: {  	v22 =	vld [tilespmem:$0x2B0];
	_ =	sdelay $0x1  }
0x211: {  	v2 =	vmul.f32 $8.000000110e-01, v2;
	_ =	sdelay $0x1  }
0x212: {  	v2 =	vadd.f32 v3, v2  }
0x213: {  	vm6 =	veq.s32 v21, $0xFFFFFFFF  }
0x214: {  	v2 =	vsel vm6, $0x0, v2  }
0x215: {  	[tilespmem:$0x16A0] =	vst v2  }
0x216: {  	v2 =	vld.idx.msk [tilespmem:v22+s26+$0x0], $0xffff  }
0x217: {  	v23 =	vld [tilespmem:$0xAB0]  }
0x218: {  	v3 =	vld [tilespmem:$0xEB0]  }
0x219: {  	v24 =	vld [tilespmem:$0x2C0];
	_ =	sdelay $0x1  }
0x21a: {  	v2 =	vmul.f32 $8.000000110e-01, v2;
	_ =	sdelay $0x1  }
0x21b: {  	v2 =	vadd.f32 v3, v2  }
0x21c: {  	vm7 =	veq.s32 v23, $0xFFFFFFFF  }
0x21d: {  	v2 =	vsel vm7, $0x0, v2  }
0x21e: {  	[tilespmem:$0x16B0] =	vst v2  }
0x21f: {  	v2 =	vld.idx.msk [tilespmem:v24+s26+$0x0], $0xffff  }
0x220: {  	v25 =	vld [tilespmem:$0xAC0]  }
0x221: {  	v3 =	vld [tilespmem:$0xEC0]  }
0x222: {  	v26 =	vld [tilespmem:$0x2D0];
	_ =	sdelay $0x1  }
0x223: {  	v2 =	vmul.f32 $8.000000110e-01, v2;
	_ =	sdelay $0x1  }
0x224: {  	v2 =	vadd.f32 v3, v2  }
0x225: {  	vm8 =	veq.s32 v25, $0xFFFFFFFF  }
0x226: {  	v2 =	vsel vm8, $0x0, v2  }
0x227: {  	[tilespmem:$0x16C0] =	vst v2  }
0x228: {  	v2 =	vld.idx.msk [tilespmem:v26+s26+$0x0], $0xffff  }
0x229: {  	v27 =	vld [tilespmem:$0xAD0]  }
0x22a: {  	v3 =	vld [tilespmem:$0xED0]  }
0x22b: {  	v28 =	vld [tilespmem:$0x2E0];
	_ =	sdelay $0x1  }
0x22c: {  	v2 =	vmul.f32 $8.000000110e-01, v2;
	_ =	sdelay $0x1  }
0x22d: {  	v2 =	vadd.f32 v3, v2  }
0x22e: {  	vm9 =	veq.s32 v27, $0xFFFFFFFF  }
0x22f: {  	v2 =	vsel vm9, $0x0, v2  }
0x230: {  	[tilespmem:$0x16D0] =	vst v2  }
0x231: {  	v2 =	vld.idx.msk [tilespmem:v28+s26+$0x0], $0xffff  }
0x232: {  	v29 =	vld [tilespmem:$0xAE0]  }
0x233: {  	v3 =	vld [tilespmem:$0xEE0]  }
0x234: {  	v30 =	vld [tilespmem:$0x2F0];
	_ =	sdelay $0x1  }
0x235: {  	v2 =	vmul.f32 $8.000000110e-01, v2;
	_ =	sdelay $0x1  }
0x236: {  	v2 =	vadd.f32 v3, v2  }
0x237: {  	vm10 =	veq.s32 v29, $0xFFFFFFFF  }
0x238: {  	v2 =	vsel vm10, $0x0, v2  }
0x239: {  	[tilespmem:$0x16E0] =	vst v2  }
0x23a: {  	v2 =	vld.idx.msk [tilespmem:v30+s26+$0x0], $0xffff  }
0x23b: {  	v31 =	vld [tilespmem:$0xAF0]  }
0x23c: {  	v3 =	vld [tilespmem:$0xEF0]  }
0x23d: {  	v32 =	vld [tilespmem:$0x300];
	_ =	sdelay $0x1  }
0x23e: {  	v2 =	vmul.f32 $8.000000110e-01, v2;
	_ =	sdelay $0x1  }
0x23f: {  	v2 =	vadd.f32 v3, v2  }
0x240: {  	vm11 =	veq.s32 v31, $0xFFFFFFFF  }
0x241: {  	v2 =	vsel vm11, $0x0, v2  }
0x242: {  	[tilespmem:$0x16F0] =	vst v2  }
0x243: {  	v2 =	vld.idx.msk [tilespmem:v32+s26+$0x0], $0xffff  }
0x244: {  	v33 =	vld [tilespmem:$0xB00]  }
0x245: {  	v3 =	vld [tilespmem:$0xF00]  }
0x246: {  	v34 =	vld [tilespmem:$0x310];
	_ =	sdelay $0x1  }
0x247: {  	v2 =	vmul.f32 $8.000000110e-01, v2;
	_ =	sdelay $0x1  }
0x248: {  	v2 =	vadd.f32 v3, v2  }
0x249: {  	vm12 =	veq.s32 v33, $0xFFFFFFFF  }
0x24a: {  	v2 =	vsel vm12, $0x0, v2  }
0x24b: {  	[tilespmem:$0x1700] =	vst v2  }
0x24c: {  	v2 =	vld.idx.msk [tilespmem:v34+s26+$0x0], $0xffff  }
0x24d: {  	v35 =	vld [tilespmem:$0xB10]  }
0x24e: {  	v3 =	vld [tilespmem:$0xF10]  }
0x24f: {  	v36 =	vld [tilespmem:$0x320];
	_ =	sdelay $0x1  }
0x250: {  	v2 =	vmul.f32 $8.000000110e-01, v2;
	_ =	sdelay $0x1  }
0x251: {  	v2 =	vadd.f32 v3, v2  }
0x252: {  	vm13 =	veq.s32 v35, $0xFFFFFFFF  }
0x253: {  	v2 =	vsel vm13, $0x0, v2  }
0x254: {  	[tilespmem:$0x1710] =	vst v2  }
0x255: {  	v2 =	vld.idx.msk [tilespmem:v36+s26+$0x0], $0xffff  }
0x256: {  	v37 =	vld [tilespmem:$0xB20]  }
0x257: {  	v3 =	vld [tilespmem:$0xF20]  }
0x258: {  	v38 =	vld [tilespmem:$0x330];
	_ =	sdelay $0x1  }
0x259: {  	v2 =	vmul.f32 $8.000000110e-01, v2;
	_ =	sdelay $0x1  }
0x25a: {  	v2 =	vadd.f32 v3, v2  }
0x25b: {  	vm14 =	veq.s32 v37, $0xFFFFFFFF  }
0x25c: {  	v2 =	vsel vm14, $0x0, v2  }
0x25d: {  	[tilespmem:$0x1720] =	vst v2  }
0x25e: {  	v2 =	vld.idx.msk [tilespmem:v38+s26+$0x0], $0xffff  }
0x25f: {  	v39 =	vld [tilespmem:$0xB30]  }
0x260: {  	v3 =	vld [tilespmem:$0xF30]  }
0x261: {  	v40 =	vld [tilespmem:$0x340];
	_ =	sdelay $0x1  }
0x262: {  	v2 =	vmul.f32 $8.000000110e-01, v2;
	_ =	sdelay $0x1  }
0x263: {  	v2 =	vadd.f32 v3, v2  }
0x264: {  	vm15 =	veq.s32 v39, $0xFFFFFFFF  }
0x265: {  	v2 =	vsel vm15, $0x0, v2  }
0x266: {  	[tilespmem:$0x1730] =	vst v2  }
0x267: {  	v2 =	vld.idx.msk [tilespmem:v40+s26+$0x0], $0xffff  }
0x268: {  	v41 =	vld [tilespmem:$0xB40]  }
0x269: {  	v3 =	vld [tilespmem:$0xF40]  }
0x26a: {  	v42 =	vld [tilespmem:$0x350];
	_ =	sdelay $0x1  }
0x26b: {  	v2 =	vmul.f32 $8.000000110e-01, v2;
	_ =	sdelay $0x1  }
0x26c: {  	v2 =	vadd.f32 v3, v2  }
0x26d: {  	vm4 =	veq.s32 v41, $0xFFFFFFFF  }
0x26e: {  	v2 =	vsel vm4, $0x0, v2  }
0x26f: {  	[tilespmem:$0x1740] =	vst v2  }
0x270: {  	v2 =	vld.idx.msk [tilespmem:v42+s26+$0x0], $0xffff  }
0x271: {  	v43 =	vld [tilespmem:$0xB50]  }
0x272: {  	v3 =	vld [tilespmem:$0xF50]  }
0x273: {  	v44 =	vld [tilespmem:$0x360];
	_ =	sdelay $0x1  }
0x274: {  	v2 =	vmul.f32 $8.000000110e-01, v2;
	_ =	sdelay $0x1  }
0x275: {  	v2 =	vadd.f32 v3, v2  }
0x276: {  	vm5 =	veq.s32 v43, $0xFFFFFFFF  }
0x277: {  	v2 =	vsel vm5, $0x0, v2  }
0x278: {  	[tilespmem:$0x1750] =	vst v2  }
0x279: {  	v2 =	vld.idx.msk [tilespmem:v44+s26+$0x0], $0xffff  }
0x27a: {  	v45 =	vld [tilespmem:$0xB60]  }
0x27b: {  	v3 =	vld [tilespmem:$0xF60]  }
0x27c: {  	v46 =	vld [tilespmem:$0x370];
	_ =	sdelay $0x1  }
0x27d: {  	v2 =	vmul.f32 $8.000000110e-01, v2;
	_ =	sdelay $0x1  }
0x27e: {  	v2 =	vadd.f32 v3, v2  }
0x27f: {  	vm6 =	veq.s32 v45, $0xFFFFFFFF  }
0x280: {  	v2 =	vsel vm6, $0x0, v2  }
0x281: {  	[tilespmem:$0x1760] =	vst v2  }
0x282: {  	v2 =	vld.idx.msk [tilespmem:v46+s26+$0x0], $0xffff  }
0x283: {  	v47 =	vld [tilespmem:$0xB70]  }
0x284: {  	v3 =	vld [tilespmem:$0xF70]  }
0x285: {  	v48 =	vld [tilespmem:$0x380];
	_ =	sdelay $0x1  }
0x286: {  	v2 =	vmul.f32 $8.000000110e-01, v2;
	_ =	sdelay $0x1  }
0x287: {  	v2 =	vadd.f32 v3, v2  }
0x288: {  	vm7 =	veq.s32 v47, $0xFFFFFFFF  }
0x289: {  	v2 =	vsel vm7, $0x0, v2  }
0x28a: {  	[tilespmem:$0x1770] =	vst v2  }
0x28b: {  	v2 =	vld.idx.msk [tilespmem:v48+s26+$0x0], $0xffff  }
0x28c: {  	v49 =	vld [tilespmem:$0xB80]  }
0x28d: {  	v3 =	vld [tilespmem:$0xF80]  }
0x28e: {  	v50 =	vld [tilespmem:$0x390];
	_ =	sdelay $0x1  }
0x28f: {  	v2 =	vmul.f32 $8.000000110e-01, v2;
	_ =	sdelay $0x1  }
0x290: {  	v2 =	vadd.f32 v3, v2  }
0x291: {  	vm8 =	veq.s32 v49, $0xFFFFFFFF  }
0x292: {  	v2 =	vsel vm8, $0x0, v2  }
0x293: {  	[tilespmem:$0x1780] =	vst v2  }
0x294: {  	v2 =	vld.idx.msk [tilespmem:v50+s26+$0x0], $0xffff  }
0x295: {  	v51 =	vld [tilespmem:$0xB90]  }
0x296: {  	v3 =	vld [tilespmem:$0xF90]  }
0x297: {  	v52 =	vld [tilespmem:$0x3A0];
	_ =	sdelay $0x1  }
0x298: {  	v2 =	vmul.f32 $8.000000110e-01, v2;
	_ =	sdelay $0x1  }
0x299: {  	v2 =	vadd.f32 v3, v2  }
0x29a: {  	vm9 =	veq.s32 v51, $0xFFFFFFFF  }
0x29b: {  	v2 =	vsel vm9, $0x0, v2  }
0x29c: {  	[tilespmem:$0x1790] =	vst v2  }
0x29d: {  	v2 =	vld.idx.msk [tilespmem:v52+s26+$0x0], $0xffff  }
0x29e: {  	v53 =	vld [tilespmem:$0xBA0]  }
0x29f: {  	v3 =	vld [tilespmem:$0xFA0]  }
0x2a0: {  	v54 =	vld [tilespmem:$0x3B0];
	_ =	sdelay $0x1  }
0x2a1: {  	v2 =	vmul.f32 $8.000000110e-01, v2;
	_ =	sdelay $0x1  }
0x2a2: {  	v2 =	vadd.f32 v3, v2  }
0x2a3: {  	vm10 =	veq.s32 v53, $0xFFFFFFFF  }
0x2a4: {  	v2 =	vsel vm10, $0x0, v2  }
0x2a5: {  	[tilespmem:$0x17A0] =	vst v2  }
0x2a6: {  	v2 =	vld.idx.msk [tilespmem:v54+s26+$0x0], $0xffff  }
0x2a7: {  	v55 =	vld [tilespmem:$0xBB0]  }
0x2a8: {  	v3 =	vld [tilespmem:$0xFB0]  }
0x2a9: {  	v56 =	vld [tilespmem:$0x3C0];
	_ =	sdelay $0x1  }
0x2aa: {  	v2 =	vmul.f32 $8.000000110e-01, v2;
	_ =	sdelay $0x1  }
0x2ab: {  	v2 =	vadd.f32 v3, v2  }
0x2ac: {  	vm11 =	veq.s32 v55, $0xFFFFFFFF  }
0x2ad: {  	v2 =	vsel vm11, $0x0, v2  }
0x2ae: {  	[tilespmem:$0x17B0] =	vst v2  }
0x2af: {  	v2 =	vld.idx.msk [tilespmem:v56+s26+$0x0], $0xffff  }
0x2b0: {  	v57 =	vld [tilespmem:$0xBC0]  }
0x2b1: {  	v3 =	vld [tilespmem:$0xFC0]  }
0x2b2: {  	v58 =	vld [tilespmem:$0x3D0];
	_ =	sdelay $0x1  }
0x2b3: {  	v2 =	vmul.f32 $8.000000110e-01, v2;
	_ =	sdelay $0x1  }
0x2b4: {  	v2 =	vadd.f32 v3, v2  }
0x2b5: {  	vm12 =	veq.s32 v57, $0xFFFFFFFF  }
0x2b6: {  	v2 =	vsel vm12, $0x0, v2  }
0x2b7: {  	[tilespmem:$0x17C0] =	vst v2  }
0x2b8: {  	v2 =	vld.idx.msk [tilespmem:v58+s26+$0x0], $0xffff  }
0x2b9: {  	v59 =	vld [tilespmem:$0xBD0]  }
0x2ba: {  	v3 =	vld [tilespmem:$0xFD0]  }
0x2bb: {  	v60 =	vld [tilespmem:$0x3E0];
	_ =	sdelay $0x1  }
0x2bc: {  	v2 =	vmul.f32 $8.000000110e-01, v2;
	_ =	sdelay $0x1  }
0x2bd: {  	v2 =	vadd.f32 v3, v2  }
0x2be: {  	vm13 =	veq.s32 v59, $0xFFFFFFFF  }
0x2bf: {  	v2 =	vsel vm13, $0x0, v2  }
0x2c0: {  	[tilespmem:$0x17D0] =	vst v2  }
0x2c1: {  	v2 =	vld.idx.msk [tilespmem:v60+s26+$0x0], $0xffff  }
0x2c2: {  	v61 =	vld [tilespmem:$0xBE0]  }
0x2c3: {  	v3 =	vld [tilespmem:$0xFE0]  }
0x2c4: {  	v62 =	vld [tilespmem:$0x3F0];
	_ =	sdelay $0x1  }
0x2c5: {  	v2 =	vmul.f32 $8.000000110e-01, v2;
	_ =	sdelay $0x1  }
0x2c6: {  	v2 =	vadd.f32 v3, v2  }
0x2c7: {  	vm14 =	veq.s32 v61, $0xFFFFFFFF  }
0x2c8: {  	v2 =	vsel vm14, $0x0, v2  }
0x2c9: {  	[tilespmem:$0x17E0] =	vst v2  }
0x2ca: {  	v2 =	vld.idx.msk [tilespmem:v62+s26+$0x0], $0xffff;
	_ =	sdelay $0x1  }
0x2cb: {  	v3 =	vld [tilespmem:$0xFF0]  }
0x2cc: {  	v63 =	vld [tilespmem:$0xBF0];
	_ =	sdelay $0x1  }
0x2cd: {  	v2 =	vmul.f32 $8.000000110e-01, v2;
	_ =	sdelay $0x1  }
0x2ce: {  	v2 =	vadd.f32 v3, v2  }
0x2cf: {  	vm15 =	veq.s32 v63, $0xFFFFFFFF  }
0x2d0: {  	v2 =	vsel vm15, $0x0, v2  }
0x2d1: {  	s4 =	simm.s32 $0x40;
	s23 =	simm.s32 $0x0;
	[tilespmem:$0x17F0] =	vst v2  }
.LBB2_3:
0x2d2: {  	p1 =	sne.s32 s4, $0x7FC0;
	[tilespmem:s23+$0x1A00] =	vst v0;
	s23 =	smov.u32 s4;
	s4 =	sadd.s32 $0x40, s4  }
.Ltmp1:
0x2d3: {  	(pc) =	sbr.rel @p1 .LBB2_3-.Ltmp1, $2  }
0x2d4: {  	_ =	sdelay $0x2  }
0x2d5: {  	s23 =	sshra.s32 s23, $0x2  }
0x2d6: {  	[tilespmem:s23+$0x1A00] =	vst v0  }
.LBB2_5:
0x2d7: {  	s4 =	sshra.s32 s22, $0x2  }
0x2d8: {  	v2 =	vld [tilespmem:s4+$0x400];
	_ =	sdelay $0x4  }
0x2d9: {  	v2 =	vadd.s32 v1, v2;
	_ =	sdelay $0x3  }
0x2da: {  	s23 =	simm.s32 $0x1A00;
	v4 =	vld [tilespmem:s4+$0x1400]  }
0x2db: {  	v3 =	vld.idx.msk [tilespmem:v2+s23+$0x0], $0xffff  }
0x2dc: {  	p1 =	sne.s32 s22, $0xFC0  }
.Ltmp2:
0x2dd: {  	_ = 	snop;
	(pc) =	sbr.rel @p1 .LBB2_5-.Ltmp2, $3  }
0x2de: {  	_ =	sdelay $0x1  }
0x2df: {  	v3 =	vmax.f32 v3, v4  }
0x2e0: {  	s22 =	sadd.s32 $0x40, s22;
	[tilespmem:v2+s23+$0x0] =	vst.idx.msk $0xffff, v3  }
0x2e1: {  	s22 =	simm.s32 $0x1000;
	s4 =	simm.s32 $0x0;
	v3 =	vld [tilespmem:s23+$0x0]  }
0x2e2: {  	v2 =	vld [tilespmem:s22+$0x0];
	s4 =	sand.u32 $0x1F0, s4  }
0x2e3: {  	v4 =	vld [tilespmem:s4+$0x1C00]  }
0x2e4: {  	v5 =	vld [tilespmem:s4+$0x1E00]  }
0x2e5: {  	v6 =	vld [tilespmem:s4+$0x2000]  }
0x2e6: {  	v7 =	vld [tilespmem:s4+$0x2200]  }
0x2e7: {  	v8 =	vld [tilespmem:s4+$0x2400]  }
0x2e8: {  	v54 =	vld [tilespmem:s4+$0x2600];
	v3 =	vmax.f32 v3, v4  }
0x2e9: {  	v55 =	vld [tilespmem:s4+$0x2800];
	v3 =	vmax.f32 v3, v5  }
0x2ea: {  	v56 =	vld [tilespmem:s4+$0x2A00];
	v3 =	vmax.f32 v3, v6  }
0x2eb: {  	v57 =	vld [tilespmem:s4+$0x2C00];
	v3 =	vmax.f32 v3, v7  }
0x2ec: {  	v58 =	vld [tilespmem:s4+$0x2E00];
	v3 =	vmax.f32 v3, v8  }
0x2ed: {  	v59 =	vld [tilespmem:s4+$0x3000];
	v3 =	vmax.f32 v3, v54  }
0x2ee: {  	v60 =	vld [tilespmem:s4+$0x3200];
	v3 =	vmax.f32 v3, v55  }
0x2ef: {  	v61 =	vld [tilespmem:s4+$0x3400];
	v3 =	vmax.f32 v3, v56  }
0x2f0: {  	v62 =	vld [tilespmem:s4+$0x3600];
	v3 =	vmax.f32 v3, v57  }
0x2f1: {  	v63 =	vld [tilespmem:s4+$0x3800];
	v3 =	vmax.f32 v3, v58  }
0x2f2: {  	v3 =	vmax.f32 v3, v59  }
0x2f3: {  	v3 =	vmax.f32 v3, v60  }
0x2f4: {  	v3 =	vmax.f32 v3, v61  }
0x2f5: {  	v3 =	vmax.f32 v3, v62  }
0x2f6: {  	vm0 =	veq.s32 v2, $0xFFFFFFFF;
	v3 =	vmax.f32 v3, v63  }
0x2f7: {  	s24 =	simm.s32 $0x1800;
	v2 =	vsel vm0, $0x0, v3  }
0x2f8: {  	s4 =	simm.s32 $0x3A00;
	[tilespmem:s24+$0x0] =	vst v2  }
0x2f9: {  	v3 =	vld [tilespmem:s4+$0x0];
	_ =	sdelay $0x4  }
0x2fa: {  	v2 =	vadd.f32 v2, v3  }
0x2fb: {  	s25 =	simm.s32 $0x10;
	s28 =	simm.s32 $0x3A10  }
.LBB2_7:
0x2fc: {  	[tilespmem:s4+$0x0] =	vst v2;
	s23 =	sadd.s32 $0x10, s23;
	s22 =	sadd.s32 $0x10, s22;
	s24 =	sadd.s32 $0x10, s24  }
0x2fd: {  	p1 =	sne.s32 s25, $0x1F0;
	s4 =	smov.u32 s25;
	s25 =	sadd.s32 $0x10, s25;
	v2 =	vld [tilespmem:s22+$0x0]  }
0x2fe: {  	s5 =	sand.u32 $0x1F0, s4;
	s4 =	smov.u32 s28;
	v3 =	vld [tilespmem:s23+$0x0]  }
0x2ff: {  	v4 =	vld [tilespmem:s5+$0x1C00]  }
0x300: {  	v5 =	vld [tilespmem:s5+$0x1E00]  }
0x301: {  	v6 =	vld [tilespmem:s5+$0x2000]  }
0x302: {  	v7 =	vld [tilespmem:s5+$0x2200]  }
0x303: {  	v8 =	vld [tilespmem:s5+$0x2400]  }
0x304: {  	v3 =	vmax.f32 v3, v4;
	v4 =	vld [tilespmem:s5+$0x2600]  }
0x305: {  	v3 =	vmax.f32 v3, v5;
	v5 =	vld [tilespmem:s5+$0x2800]  }
0x306: {  	v3 =	vmax.f32 v3, v6;
	v6 =	vld [tilespmem:s5+$0x2A00]  }
0x307: {  	v3 =	vmax.f32 v3, v7;
	v7 =	vld [tilespmem:s5+$0x2C00]  }
0x308: {  	v3 =	vmax.f32 v3, v8;
	v8 =	vld [tilespmem:s5+$0x2E00]  }
0x309: {  	v3 =	vmax.f32 v3, v4;
	v4 =	vld [tilespmem:s5+$0x3000]  }
0x30a: {  	v3 =	vmax.f32 v3, v5;
	v5 =	vld [tilespmem:s5+$0x3200]  }
0x30b: {  	v3 =	vmax.f32 v3, v6;
	v6 =	vld [tilespmem:s5+$0x3400]  }
0x30c: {  	v3 =	vmax.f32 v3, v7;
	v7 =	vld [tilespmem:s5+$0x3600]  }
0x30d: {  	v3 =	vmax.f32 v3, v8;
	v8 =	vld [tilespmem:s5+$0x3800]  }
0x30e: {  	v3 =	vmax.f32 v3, v4  }
0x30f: {  	v3 =	vmax.f32 v3, v5  }
0x310: {  	v3 =	vmax.f32 v3, v6  }
0x311: {  	v3 =	vmax.f32 v3, v7  }
0x312: {  	vm0 =	veq.s32 v2, $0xFFFFFFFF;
	v3 =	vmax.f32 v3, v8  }
0x313: {  	v2 =	vsel vm0, $0x0, v3  }
0x314: {  	[tilespmem:s24+$0x0] =	vst v2  }
0x315: {  	v3 =	vld [tilespmem:s28+$0x0];
	_ =	sdelay $0x1  }
.Ltmp3:
0x316: {  	(pc) =	sbr.rel @p1 .LBB2_7-.Ltmp3, $3  }
0x317: {  	_ =	sdelay $0x1  }
0x318: {  	v2 =	vadd.f32 v2, v3  }
0x319: {  	s28 =	sadd.s32 $0x10, s28  }
0x31a: {  	[tilespmem:s4+$0x0] =	vst v2  }
0x31b: {  	v2 =	vld [tilespmem:$0x0];
	_ =	sdelay $0x7  }
0x31c: {  	v2 =	vld.idx.msk [tilespmem:v2+s26+$0x0], $0xffff  }
0x31d: {  	v3 =	vld [tilespmem:$0xC00]  }
0x31e: {  	v4 =	vld [tilespmem:$0x800]  }
0x31f: {  	v5 =	vld [tilespmem:$0x10];
	_ =	sdelay $0x1  }
0x320: {  	v2 =	vmul.f32 $8.000000110e-01, v2;
	_ =	sdelay $0x1  }
0x321: {  	v2 =	vadd.f32 v3, v2  }
0x322: {  	vm0 =	veq.s32 v4, $0xFFFFFFFF  }
0x323: {  	v2 =	vsel vm0, $0x0, v2  }
0x324: {  	[tilespmem:$0x1400] =	vst v2  }
0x325: {  	v2 =	vld.idx.msk [tilespmem:v5+s26+$0x0], $0xffff  }
0x326: {  	v51 =	vld [tilespmem:$0x810]  }
0x327: {  	v3 =	vld [tilespmem:$0xC10]  }
0x328: {  	v52 =	vld [tilespmem:$0x20];
	_ =	sdelay $0x1  }
0x329: {  	v2 =	vmul.f32 $8.000000110e-01, v2;
	_ =	sdelay $0x1  }
0x32a: {  	v2 =	vadd.f32 v3, v2  }
0x32b: {  	vm13 =	veq.s32 v51, $0xFFFFFFFF  }
0x32c: {  	v2 =	vsel vm13, $0x0, v2  }
0x32d: {  	[tilespmem:$0x1410] =	vst v2  }
0x32e: {  	v2 =	vld.idx.msk [tilespmem:v52+s26+$0x0], $0xffff  }
0x32f: {  	v53 =	vld [tilespmem:$0x820]  }
0x330: {  	v3 =	vld [tilespmem:$0xC20]  }
0x331: {  	v54 =	vld [tilespmem:$0x30];
	_ =	sdelay $0x1  }
0x332: {  	v2 =	vmul.f32 $8.000000110e-01, v2;
	_ =	sdelay $0x1  }
0x333: {  	v2 =	vadd.f32 v3, v2  }
0x334: {  	vm14 =	veq.s32 v53, $0xFFFFFFFF  }
0x335: {  	v2 =	vsel vm14, $0x0, v2  }
0x336: {  	[tilespmem:$0x1420] =	vst v2  }
0x337: {  	v2 =	vld.idx.msk [tilespmem:v54+s26+$0x0], $0xffff  }
0x338: {  	v55 =	vld [tilespmem:$0x830]  }
0x339: {  	v3 =	vld [tilespmem:$0xC30]  }
0x33a: {  	v56 =	vld [tilespmem:$0x40];
	_ =	sdelay $0x1  }
0x33b: {  	v2 =	vmul.f32 $8.000000110e-01, v2;
	_ =	sdelay $0x1  }
0x33c: {  	v2 =	vadd.f32 v3, v2  }
0x33d: {  	vm15 =	veq.s32 v55, $0xFFFFFFFF  }
0x33e: {  	v2 =	vsel vm15, $0x0, v2  }
0x33f: {  	[tilespmem:$0x1430] =	vst v2  }
0x340: {  	v2 =	vld.idx.msk [tilespmem:v56+s26+$0x0], $0xffff  }
0x341: {  	v57 =	vld [tilespmem:$0x840]  }
0x342: {  	v3 =	vld [tilespmem:$0xC40]  }
0x343: {  	v58 =	vld [tilespmem:$0x50];
	_ =	sdelay $0x1  }
0x344: {  	v2 =	vmul.f32 $8.000000110e-01, v2;
	_ =	sdelay $0x1  }
0x345: {  	v2 =	vadd.f32 v3, v2  }
0x346: {  	vm4 =	veq.s32 v57, $0xFFFFFFFF  }
0x347: {  	v2 =	vsel vm4, $0x0, v2  }
0x348: {  	[tilespmem:$0x1440] =	vst v2  }
0x349: {  	v2 =	vld.idx.msk [tilespmem:v58+s26+$0x0], $0xffff  }
0x34a: {  	v59 =	vld [tilespmem:$0x850]  }
0x34b: {  	v3 =	vld [tilespmem:$0xC50]  }
0x34c: {  	v60 =	vld [tilespmem:$0x60];
	_ =	sdelay $0x1  }
0x34d: {  	v2 =	vmul.f32 $8.000000110e-01, v2;
	_ =	sdelay $0x1  }
0x34e: {  	v2 =	vadd.f32 v3, v2  }
0x34f: {  	vm5 =	veq.s32 v59, $0xFFFFFFFF  }
0x350: {  	v2 =	vsel vm5, $0x0, v2  }
0x351: {  	[tilespmem:$0x1450] =	vst v2  }
0x352: {  	v2 =	vld.idx.msk [tilespmem:v60+s26+$0x0], $0xffff  }
0x353: {  	v61 =	vld [tilespmem:$0x860]  }
0x354: {  	v3 =	vld [tilespmem:$0xC60]  }
0x355: {  	v62 =	vld [tilespmem:$0x70];
	_ =	sdelay $0x1  }
0x356: {  	v2 =	vmul.f32 $8.000000110e-01, v2;
	_ =	sdelay $0x1  }
0x357: {  	v2 =	vadd.f32 v3, v2  }
0x358: {  	vm6 =	veq.s32 v61, $0xFFFFFFFF  }
0x359: {  	v2 =	vsel vm6, $0x0, v2  }
0x35a: {  	[tilespmem:$0x1460] =	vst v2  }
0x35b: {  	v2 =	vld.idx.msk [tilespmem:v62+s26+$0x0], $0xffff  }
0x35c: {  	v63 =	vld [tilespmem:$0x870]  }
0x35d: {  	v3 =	vld [tilespmem:$0xC70]  }
0x35e: {  	v8 =	vld [tilespmem:$0x80];
	_ =	sdelay $0x1  }
0x35f: {  	v2 =	vmul.f32 $8.000000110e-01, v2;
	_ =	sdelay $0x1  }
0x360: {  	v2 =	vadd.f32 v3, v2  }
0x361: {  	vm7 =	veq.s32 v63, $0xFFFFFFFF  }
0x362: {  	v2 =	vsel vm7, $0x0, v2  }
0x363: {  	[tilespmem:$0x1470] =	vst v2  }
0x364: {  	v2 =	vld.idx.msk [tilespmem:v8+s26+$0x0], $0xffff  }
0x365: {  	v9 =	vld [tilespmem:$0x880]  }
0x366: {  	v3 =	vld [tilespmem:$0xC80]  }
0x367: {  	v10 =	vld [tilespmem:$0x90];
	_ =	sdelay $0x1  }
0x368: {  	v2 =	vmul.f32 $8.000000110e-01, v2;
	_ =	sdelay $0x1  }
0x369: {  	v2 =	vadd.f32 v3, v2  }
0x36a: {  	vm8 =	veq.s32 v9, $0xFFFFFFFF  }
0x36b: {  	v2 =	vsel vm8, $0x0, v2  }
0x36c: {  	[tilespmem:$0x1480] =	vst v2  }
0x36d: {  	v2 =	vld.idx.msk [tilespmem:v10+s26+$0x0], $0xffff  }
0x36e: {  	v11 =	vld [tilespmem:$0x890]  }
0x36f: {  	v3 =	vld [tilespmem:$0xC90]  }
0x370: {  	v12 =	vld [tilespmem:$0xA0];
	_ =	sdelay $0x1  }
0x371: {  	v2 =	vmul.f32 $8.000000110e-01, v2;
	_ =	sdelay $0x1  }
0x372: {  	v2 =	vadd.f32 v3, v2  }
0x373: {  	vm9 =	veq.s32 v11, $0xFFFFFFFF  }
0x374: {  	v2 =	vsel vm9, $0x0, v2  }
0x375: {  	[tilespmem:$0x1490] =	vst v2  }
0x376: {  	v2 =	vld.idx.msk [tilespmem:v12+s26+$0x0], $0xffff  }
0x377: {  	v13 =	vld [tilespmem:$0x8A0]  }
0x378: {  	v3 =	vld [tilespmem:$0xCA0]  }
0x379: {  	v14 =	vld [tilespmem:$0xB0];
	_ =	sdelay $0x1  }
0x37a: {  	v2 =	vmul.f32 $8.000000110e-01, v2;
	_ =	sdelay $0x1  }
0x37b: {  	v2 =	vadd.f32 v3, v2  }
0x37c: {  	vm10 =	veq.s32 v13, $0xFFFFFFFF  }
0x37d: {  	v2 =	vsel vm10, $0x0, v2  }
0x37e: {  	[tilespmem:$0x14A0] =	vst v2  }
0x37f: {  	v2 =	vld.idx.msk [tilespmem:v14+s26+$0x0], $0xffff  }
0x380: {  	v15 =	vld [tilespmem:$0x8B0]  }
0x381: {  	v3 =	vld [tilespmem:$0xCB0]  }
0x382: {  	v16 =	vld [tilespmem:$0xC0];
	_ =	sdelay $0x1  }
0x383: {  	v2 =	vmul.f32 $8.000000110e-01, v2;
	_ =	sdelay $0x1  }
0x384: {  	v2 =	vadd.f32 v3, v2  }
0x385: {  	vm11 =	veq.s32 v15, $0xFFFFFFFF  }
0x386: {  	v2 =	vsel vm11, $0x0, v2  }
0x387: {  	[tilespmem:$0x14B0] =	vst v2  }
0x388: {  	v2 =	vld.idx.msk [tilespmem:v16+s26+$0x0], $0xffff  }
0x389: {  	v17 =	vld [tilespmem:$0x8C0]  }
0x38a: {  	v3 =	vld [tilespmem:$0xCC0]  }
0x38b: {  	v18 =	vld [tilespmem:$0xD0];
	_ =	sdelay $0x1  }
0x38c: {  	v2 =	vmul.f32 $8.000000110e-01, v2;
	_ =	sdelay $0x1  }
0x38d: {  	v2 =	vadd.f32 v3, v2  }
0x38e: {  	vm12 =	veq.s32 v17, $0xFFFFFFFF  }
0x38f: {  	v2 =	vsel vm12, $0x0, v2  }
0x390: {  	[tilespmem:$0x14C0] =	vst v2  }
0x391: {  	v2 =	vld.idx.msk [tilespmem:v18+s26+$0x0], $0xffff  }
0x392: {  	v19 =	vld [tilespmem:$0x8D0]  }
0x393: {  	v3 =	vld [tilespmem:$0xCD0]  }
0x394: {  	v20 =	vld [tilespmem:$0xE0];
	_ =	sdelay $0x1  }
0x395: {  	v2 =	vmul.f32 $8.000000110e-01, v2;
	_ =	sdelay $0x1  }
0x396: {  	v2 =	vadd.f32 v3, v2  }
0x397: {  	vm13 =	veq.s32 v19, $0xFFFFFFFF  }
0x398: {  	v2 =	vsel vm13, $0x0, v2  }
0x399: {  	[tilespmem:$0x14D0] =	vst v2  }
0x39a: {  	v2 =	vld.idx.msk [tilespmem:v20+s26+$0x0], $0xffff  }
0x39b: {  	v21 =	vld [tilespmem:$0x8E0]  }
0x39c: {  	v3 =	vld [tilespmem:$0xCE0]  }
0x39d: {  	v22 =	vld [tilespmem:$0xF0];
	_ =	sdelay $0x1  }
0x39e: {  	v2 =	vmul.f32 $8.000000110e-01, v2;
	_ =	sdelay $0x1  }
0x39f: {  	v2 =	vadd.f32 v3, v2  }
0x3a0: {  	vm14 =	veq.s32 v21, $0xFFFFFFFF  }
0x3a1: {  	v2 =	vsel vm14, $0x0, v2  }
0x3a2: {  	[tilespmem:$0x14E0] =	vst v2  }
0x3a3: {  	v2 =	vld.idx.msk [tilespmem:v22+s26+$0x0], $0xffff  }
0x3a4: {  	v23 =	vld [tilespmem:$0x8F0]  }
0x3a5: {  	v3 =	vld [tilespmem:$0xCF0]  }
0x3a6: {  	v24 =	vld [tilespmem:$0x100];
	_ =	sdelay $0x1  }
0x3a7: {  	v2 =	vmul.f32 $8.000000110e-01, v2;
	_ =	sdelay $0x1  }
0x3a8: {  	v2 =	vadd.f32 v3, v2  }
0x3a9: {  	vm15 =	veq.s32 v23, $0xFFFFFFFF  }
0x3aa: {  	v2 =	vsel vm15, $0x0, v2  }
0x3ab: {  	[tilespmem:$0x14F0] =	vst v2  }
0x3ac: {  	v2 =	vld.idx.msk [tilespmem:v24+s26+$0x0], $0xffff  }
0x3ad: {  	v25 =	vld [tilespmem:$0x900]  }
0x3ae: {  	v3 =	vld [tilespmem:$0xD00]  }
0x3af: {  	v26 =	vld [tilespmem:$0x110];
	_ =	sdelay $0x1  }
0x3b0: {  	v2 =	vmul.f32 $8.000000110e-01, v2;
	_ =	sdelay $0x1  }
0x3b1: {  	v2 =	vadd.f32 v3, v2  }
0x3b2: {  	vm4 =	veq.s32 v25, $0xFFFFFFFF  }
0x3b3: {  	v2 =	vsel vm4, $0x0, v2  }
0x3b4: {  	[tilespmem:$0x1500] =	vst v2  }
0x3b5: {  	v2 =	vld.idx.msk [tilespmem:v26+s26+$0x0], $0xffff  }
0x3b6: {  	v27 =	vld [tilespmem:$0x910]  }
0x3b7: {  	v3 =	vld [tilespmem:$0xD10]  }
0x3b8: {  	v28 =	vld [tilespmem:$0x120];
	_ =	sdelay $0x1  }
0x3b9: {  	v2 =	vmul.f32 $8.000000110e-01, v2;
	_ =	sdelay $0x1  }
0x3ba: {  	v2 =	vadd.f32 v3, v2  }
0x3bb: {  	vm5 =	veq.s32 v27, $0xFFFFFFFF  }
0x3bc: {  	v2 =	vsel vm5, $0x0, v2  }
0x3bd: {  	[tilespmem:$0x1510] =	vst v2  }
0x3be: {  	v2 =	vld.idx.msk [tilespmem:v28+s26+$0x0], $0xffff  }
0x3bf: {  	v29 =	vld [tilespmem:$0x920]  }
0x3c0: {  	v3 =	vld [tilespmem:$0xD20]  }
0x3c1: {  	v30 =	vld [tilespmem:$0x130];
	_ =	sdelay $0x1  }
0x3c2: {  	v2 =	vmul.f32 $8.000000110e-01, v2;
	_ =	sdelay $0x1  }
0x3c3: {  	v2 =	vadd.f32 v3, v2  }
0x3c4: {  	vm6 =	veq.s32 v29, $0xFFFFFFFF  }
0x3c5: {  	v2 =	vsel vm6, $0x0, v2  }
0x3c6: {  	[tilespmem:$0x1520] =	vst v2  }
0x3c7: {  	v2 =	vld.idx.msk [tilespmem:v30+s26+$0x0], $0xffff  }
0x3c8: {  	v31 =	vld [tilespmem:$0x930]  }
0x3c9: {  	v3 =	vld [tilespmem:$0xD30]  }
0x3ca: {  	v32 =	vld [tilespmem:$0x140];
	_ =	sdelay $0x1  }
0x3cb: {  	v2 =	vmul.f32 $8.000000110e-01, v2;
	_ =	sdelay $0x1  }
0x3cc: {  	v2 =	vadd.f32 v3, v2  }
0x3cd: {  	vm7 =	veq.s32 v31, $0xFFFFFFFF  }
0x3ce: {  	v2 =	vsel vm7, $0x0, v2  }
0x3cf: {  	[tilespmem:$0x1530] =	vst v2  }
0x3d0: {  	v2 =	vld.idx.msk [tilespmem:v32+s26+$0x0], $0xffff  }
0x3d1: {  	v33 =	vld [tilespmem:$0x940]  }
0x3d2: {  	v3 =	vld [tilespmem:$0xD40]  }
0x3d3: {  	v34 =	vld [tilespmem:$0x150];
	_ =	sdelay $0x1  }
0x3d4: {  	v2 =	vmul.f32 $8.000000110e-01, v2;
	_ =	sdelay $0x1  }
0x3d5: {  	v2 =	vadd.f32 v3, v2  }
0x3d6: {  	vm8 =	veq.s32 v33, $0xFFFFFFFF  }
0x3d7: {  	v2 =	vsel vm8, $0x0, v2  }
0x3d8: {  	[tilespmem:$0x1540] =	vst v2  }
0x3d9: {  	v2 =	vld.idx.msk [tilespmem:v34+s26+$0x0], $0xffff  }
0x3da: {  	v35 =	vld [tilespmem:$0x950]  }
0x3db: {  	v3 =	vld [tilespmem:$0xD50]  }
0x3dc: {  	v36 =	vld [tilespmem:$0x160];
	_ =	sdelay $0x1  }
0x3dd: {  	v2 =	vmul.f32 $8.000000110e-01, v2;
	_ =	sdelay $0x1  }
0x3de: {  	v2 =	vadd.f32 v3, v2  }
0x3df: {  	vm9 =	veq.s32 v35, $0xFFFFFFFF  }
0x3e0: {  	v2 =	vsel vm9, $0x0, v2  }
0x3e1: {  	[tilespmem:$0x1550] =	vst v2  }
0x3e2: {  	v2 =	vld.idx.msk [tilespmem:v36+s26+$0x0], $0xffff  }
0x3e3: {  	v37 =	vld [tilespmem:$0x960]  }
0x3e4: {  	v3 =	vld [tilespmem:$0xD60]  }
0x3e5: {  	v38 =	vld [tilespmem:$0x170];
	_ =	sdelay $0x1  }
0x3e6: {  	v2 =	vmul.f32 $8.000000110e-01, v2;
	_ =	sdelay $0x1  }
0x3e7: {  	v2 =	vadd.f32 v3, v2  }
0x3e8: {  	vm10 =	veq.s32 v37, $0xFFFFFFFF  }
0x3e9: {  	v2 =	vsel vm10, $0x0, v2  }
0x3ea: {  	[tilespmem:$0x1560] =	vst v2  }
0x3eb: {  	v2 =	vld.idx.msk [tilespmem:v38+s26+$0x0], $0xffff  }
0x3ec: {  	v39 =	vld [tilespmem:$0x970]  }
0x3ed: {  	v3 =	vld [tilespmem:$0xD70]  }
0x3ee: {  	v40 =	vld [tilespmem:$0x180];
	_ =	sdelay $0x1  }
0x3ef: {  	v2 =	vmul.f32 $8.000000110e-01, v2;
	_ =	sdelay $0x1  }
0x3f0: {  	v2 =	vadd.f32 v3, v2  }
0x3f1: {  	vm11 =	veq.s32 v39, $0xFFFFFFFF  }
0x3f2: {  	v2 =	vsel vm11, $0x0, v2  }
0x3f3: {  	[tilespmem:$0x1570] =	vst v2  }
0x3f4: {  	v2 =	vld.idx.msk [tilespmem:v40+s26+$0x0], $0xffff  }
0x3f5: {  	v41 =	vld [tilespmem:$0x980]  }
0x3f6: {  	v3 =	vld [tilespmem:$0xD80]  }
0x3f7: {  	v42 =	vld [tilespmem:$0x190];
	_ =	sdelay $0x1  }
0x3f8: {  	v2 =	vmul.f32 $8.000000110e-01, v2;
	_ =	sdelay $0x1  }
0x3f9: {  	v2 =	vadd.f32 v3, v2  }
0x3fa: {  	vm12 =	veq.s32 v41, $0xFFFFFFFF  }
0x3fb: {  	v2 =	vsel vm12, $0x0, v2  }
0x3fc: {  	[tilespmem:$0x1580] =	vst v2  }
0x3fd: {  	v2 =	vld.idx.msk [tilespmem:v42+s26+$0x0], $0xffff  }
0x3fe: {  	v43 =	vld [tilespmem:$0x990]  }
0x3ff: {  	v3 =	vld [tilespmem:$0xD90]  }
0x400: {  	v44 =	vld [tilespmem:$0x1A0];
	_ =	sdelay $0x1  }
0x401: {  	v2 =	vmul.f32 $8.000000110e-01, v2;
	_ =	sdelay $0x1  }
0x402: {  	v2 =	vadd.f32 v3, v2  }
0x403: {  	vm13 =	veq.s32 v43, $0xFFFFFFFF  }
0x404: {  	v2 =	vsel vm13, $0x0, v2  }
0x405: {  	[tilespmem:$0x1590] =	vst v2  }
0x406: {  	v2 =	vld.idx.msk [tilespmem:v44+s26+$0x0], $0xffff  }
0x407: {  	v45 =	vld [tilespmem:$0x9A0]  }
0x408: {  	v3 =	vld [tilespmem:$0xDA0]  }
0x409: {  	v46 =	vld [tilespmem:$0x1B0];
	_ =	sdelay $0x1  }
0x40a: {  	v2 =	vmul.f32 $8.000000110e-01, v2;
	_ =	sdelay $0x1  }
0x40b: {  	v2 =	vadd.f32 v3, v2  }
0x40c: {  	vm14 =	veq.s32 v45, $0xFFFFFFFF  }
0x40d: {  	v2 =	vsel vm14, $0x0, v2  }
0x40e: {  	[tilespmem:$0x15A0] =	vst v2  }
0x40f: {  	v2 =	vld.idx.msk [tilespmem:v46+s26+$0x0], $0xffff  }
0x410: {  	v47 =	vld [tilespmem:$0x9B0]  }
0x411: {  	v3 =	vld [tilespmem:$0xDB0]  }
0x412: {  	v48 =	vld [tilespmem:$0x1C0];
	_ =	sdelay $0x1  }
0x413: {  	v2 =	vmul.f32 $8.000000110e-01, v2;
	_ =	sdelay $0x1  }
0x414: {  	v2 =	vadd.f32 v3, v2  }
0x415: {  	vm15 =	veq.s32 v47, $0xFFFFFFFF  }
0x416: {  	v2 =	vsel vm15, $0x0, v2  }
0x417: {  	[tilespmem:$0x15B0] =	vst v2  }
0x418: {  	v2 =	vld.idx.msk [tilespmem:v48+s26+$0x0], $0xffff  }
0x419: {  	v49 =	vld [tilespmem:$0x9C0]  }
0x41a: {  	v3 =	vld [tilespmem:$0xDC0]  }
0x41b: {  	v50 =	vld [tilespmem:$0x1D0];
	_ =	sdelay $0x1  }
0x41c: {  	v2 =	vmul.f32 $8.000000110e-01, v2;
	_ =	sdelay $0x1  }
0x41d: {  	v2 =	vadd.f32 v3, v2  }
0x41e: {  	vm4 =	veq.s32 v49, $0xFFFFFFFF  }
0x41f: {  	v2 =	vsel vm4, $0x0, v2  }
0x420: {  	[tilespmem:$0x15C0] =	vst v2  }
0x421: {  	v2 =	vld.idx.msk [tilespmem:v50+s26+$0x0], $0xffff  }
0x422: {  	v51 =	vld [tilespmem:$0x9D0]  }
0x423: {  	v3 =	vld [tilespmem:$0xDD0]  }
0x424: {  	v52 =	vld [tilespmem:$0x1E0];
	_ =	sdelay $0x1  }
0x425: {  	v2 =	vmul.f32 $8.000000110e-01, v2;
	_ =	sdelay $0x1  }
0x426: {  	v2 =	vadd.f32 v3, v2  }
0x427: {  	vm5 =	veq.s32 v51, $0xFFFFFFFF  }
0x428: {  	v2 =	vsel vm5, $0x0, v2  }
0x429: {  	[tilespmem:$0x15D0] =	vst v2  }
0x42a: {  	v2 =	vld.idx.msk [tilespmem:v52+s26+$0x0], $0xffff  }
0x42b: {  	v53 =	vld [tilespmem:$0x9E0]  }
0x42c: {  	v3 =	vld [tilespmem:$0xDE0]  }
0x42d: {  	v54 =	vld [tilespmem:$0x1F0];
	_ =	sdelay $0x1  }
0x42e: {  	v2 =	vmul.f32 $8.000000110e-01, v2;
	_ =	sdelay $0x1  }
0x42f: {  	v2 =	vadd.f32 v3, v2  }
0x430: {  	vm6 =	veq.s32 v53, $0xFFFFFFFF  }
0x431: {  	v2 =	vsel vm6, $0x0, v2  }
0x432: {  	[tilespmem:$0x15E0] =	vst v2  }
0x433: {  	v2 =	vld.idx.msk [tilespmem:v54+s26+$0x0], $0xffff  }
0x434: {  	v55 =	vld [tilespmem:$0x9F0]  }
0x435: {  	v3 =	vld [tilespmem:$0xDF0]  }
0x436: {  	v56 =	vld [tilespmem:$0x200];
	_ =	sdelay $0x1  }
0x437: {  	v2 =	vmul.f32 $8.000000110e-01, v2;
	_ =	sdelay $0x1  }
0x438: {  	v2 =	vadd.f32 v3, v2  }
0x439: {  	vm7 =	veq.s32 v55, $0xFFFFFFFF  }
0x43a: {  	v2 =	vsel vm7, $0x0, v2  }
0x43b: {  	[tilespmem:$0x15F0] =	vst v2  }
0x43c: {  	v2 =	vld.idx.msk [tilespmem:v56+s26+$0x0], $0xffff  }
0x43d: {  	v57 =	vld [tilespmem:$0xA00]  }
0x43e: {  	v3 =	vld [tilespmem:$0xE00]  }
0x43f: {  	v58 =	vld [tilespmem:$0x210];
	_ =	sdelay $0x1  }
0x440: {  	v2 =	vmul.f32 $8.000000110e-01, v2;
	_ =	sdelay $0x1  }
0x441: {  	v2 =	vadd.f32 v3, v2  }
0x442: {  	vm8 =	veq.s32 v57, $0xFFFFFFFF  }
0x443: {  	v2 =	vsel vm8, $0x0, v2  }
0x444: {  	[tilespmem:$0x1600] =	vst v2  }
0x445: {  	v2 =	vld.idx.msk [tilespmem:v58+s26+$0x0], $0xffff  }
0x446: {  	v59 =	vld [tilespmem:$0xA10]  }
0x447: {  	v3 =	vld [tilespmem:$0xE10]  }
0x448: {  	v60 =	vld [tilespmem:$0x220];
	_ =	sdelay $0x1  }
0x449: {  	v2 =	vmul.f32 $8.000000110e-01, v2;
	_ =	sdelay $0x1  }
0x44a: {  	v2 =	vadd.f32 v3, v2  }
0x44b: {  	vm9 =	veq.s32 v59, $0xFFFFFFFF  }
0x44c: {  	v2 =	vsel vm9, $0x0, v2  }
0x44d: {  	[tilespmem:$0x1610] =	vst v2  }
0x44e: {  	v2 =	vld.idx.msk [tilespmem:v60+s26+$0x0], $0xffff  }
0x44f: {  	v61 =	vld [tilespmem:$0xA20]  }
0x450: {  	v3 =	vld [tilespmem:$0xE20]  }
0x451: {  	v62 =	vld [tilespmem:$0x230];
	_ =	sdelay $0x1  }
0x452: {  	v2 =	vmul.f32 $8.000000110e-01, v2;
	_ =	sdelay $0x1  }
0x453: {  	v2 =	vadd.f32 v3, v2  }
0x454: {  	vm10 =	veq.s32 v61, $0xFFFFFFFF  }
0x455: {  	v2 =	vsel vm10, $0x0, v2  }
0x456: {  	[tilespmem:$0x1620] =	vst v2  }
0x457: {  	v2 =	vld.idx.msk [tilespmem:v62+s26+$0x0], $0xffff  }
0x458: {  	v63 =	vld [tilespmem:$0xA30]  }
0x459: {  	v3 =	vld [tilespmem:$0xE30]  }
0x45a: {  	v8 =	vld [tilespmem:$0x240];
	_ =	sdelay $0x1  }
0x45b: {  	v2 =	vmul.f32 $8.000000110e-01, v2;
	_ =	sdelay $0x1  }
0x45c: {  	v2 =	vadd.f32 v3, v2  }
0x45d: {  	vm11 =	veq.s32 v63, $0xFFFFFFFF  }
0x45e: {  	v2 =	vsel vm11, $0x0, v2  }
0x45f: {  	[tilespmem:$0x1630] =	vst v2  }
0x460: {  	v2 =	vld.idx.msk [tilespmem:v8+s26+$0x0], $0xffff  }
0x461: {  	v9 =	vld [tilespmem:$0xA40]  }
0x462: {  	v3 =	vld [tilespmem:$0xE40]  }
0x463: {  	v10 =	vld [tilespmem:$0x250];
	_ =	sdelay $0x1  }
0x464: {  	v2 =	vmul.f32 $8.000000110e-01, v2;
	_ =	sdelay $0x1  }
0x465: {  	v2 =	vadd.f32 v3, v2  }
0x466: {  	vm12 =	veq.s32 v9, $0xFFFFFFFF  }
0x467: {  	v2 =	vsel vm12, $0x0, v2  }
0x468: {  	[tilespmem:$0x1640] =	vst v2  }
0x469: {  	v2 =	vld.idx.msk [tilespmem:v10+s26+$0x0], $0xffff  }
0x46a: {  	v11 =	vld [tilespmem:$0xA50]  }
0x46b: {  	v3 =	vld [tilespmem:$0xE50]  }
0x46c: {  	v12 =	vld [tilespmem:$0x260];
	_ =	sdelay $0x1  }
0x46d: {  	v2 =	vmul.f32 $8.000000110e-01, v2;
	_ =	sdelay $0x1  }
0x46e: {  	v2 =	vadd.f32 v3, v2  }
0x46f: {  	vm13 =	veq.s32 v11, $0xFFFFFFFF  }
0x470: {  	v2 =	vsel vm13, $0x0, v2  }
0x471: {  	[tilespmem:$0x1650] =	vst v2  }
0x472: {  	v2 =	vld.idx.msk [tilespmem:v12+s26+$0x0], $0xffff  }
0x473: {  	v13 =	vld [tilespmem:$0xA60]  }
0x474: {  	v3 =	vld [tilespmem:$0xE60]  }
0x475: {  	v14 =	vld [tilespmem:$0x270];
	_ =	sdelay $0x1  }
0x476: {  	v2 =	vmul.f32 $8.000000110e-01, v2;
	_ =	sdelay $0x1  }
0x477: {  	v2 =	vadd.f32 v3, v2  }
0x478: {  	vm14 =	veq.s32 v13, $0xFFFFFFFF  }
0x479: {  	v2 =	vsel vm14, $0x0, v2  }
0x47a: {  	[tilespmem:$0x1660] =	vst v2  }
0x47b: {  	v2 =	vld.idx.msk [tilespmem:v14+s26+$0x0], $0xffff  }
0x47c: {  	v15 =	vld [tilespmem:$0xA70]  }
0x47d: {  	v3 =	vld [tilespmem:$0xE70]  }
0x47e: {  	v16 =	vld [tilespmem:$0x280];
	_ =	sdelay $0x1  }
0x47f: {  	v2 =	vmul.f32 $8.000000110e-01, v2;
	_ =	sdelay $0x1  }
0x480: {  	v2 =	vadd.f32 v3, v2  }
0x481: {  	vm15 =	veq.s32 v15, $0xFFFFFFFF  }
0x482: {  	v2 =	vsel vm15, $0x0, v2  }
0x483: {  	[tilespmem:$0x1670] =	vst v2  }
0x484: {  	v2 =	vld.idx.msk [tilespmem:v16+s26+$0x0], $0xffff  }
0x485: {  	v17 =	vld [tilespmem:$0xA80]  }
0x486: {  	v3 =	vld [tilespmem:$0xE80]  }
0x487: {  	v18 =	vld [tilespmem:$0x290];
	_ =	sdelay $0x1  }
0x488: {  	v2 =	vmul.f32 $8.000000110e-01, v2;
	_ =	sdelay $0x1  }
0x489: {  	v2 =	vadd.f32 v3, v2  }
0x48a: {  	vm4 =	veq.s32 v17, $0xFFFFFFFF  }
0x48b: {  	v2 =	vsel vm4, $0x0, v2  }
0x48c: {  	[tilespmem:$0x1680] =	vst v2  }
0x48d: {  	v2 =	vld.idx.msk [tilespmem:v18+s26+$0x0], $0xffff  }
0x48e: {  	v19 =	vld [tilespmem:$0xA90]  }
0x48f: {  	v3 =	vld [tilespmem:$0xE90]  }
0x490: {  	v20 =	vld [tilespmem:$0x2A0];
	_ =	sdelay $0x1  }
0x491: {  	v2 =	vmul.f32 $8.000000110e-01, v2;
	_ =	sdelay $0x1  }
0x492: {  	v2 =	vadd.f32 v3, v2  }
0x493: {  	vm5 =	veq.s32 v19, $0xFFFFFFFF  }
0x494: {  	v2 =	vsel vm5, $0x0, v2  }
0x495: {  	[tilespmem:$0x1690] =	vst v2  }
0x496: {  	v2 =	vld.idx.msk [tilespmem:v20+s26+$0x0], $0xffff  }
0x497: {  	v21 =	vld [tilespmem:$0xAA0]  }
0x498: {  	v3 =	vld [tilespmem:$0xEA0]  }
0x499: {  	v22 =	vld [tilespmem:$0x2B0];
	_ =	sdelay $0x1  }
0x49a: {  	v2 =	vmul.f32 $8.000000110e-01, v2;
	_ =	sdelay $0x1  }
0x49b: {  	v2 =	vadd.f32 v3, v2  }
0x49c: {  	vm6 =	veq.s32 v21, $0xFFFFFFFF  }
0x49d: {  	v2 =	vsel vm6, $0x0, v2  }
0x49e: {  	[tilespmem:$0x16A0] =	vst v2  }
0x49f: {  	v2 =	vld.idx.msk [tilespmem:v22+s26+$0x0], $0xffff  }
0x4a0: {  	v23 =	vld [tilespmem:$0xAB0]  }
0x4a1: {  	v3 =	vld [tilespmem:$0xEB0]  }
0x4a2: {  	v24 =	vld [tilespmem:$0x2C0];
	_ =	sdelay $0x1  }
0x4a3: {  	v2 =	vmul.f32 $8.000000110e-01, v2;
	_ =	sdelay $0x1  }
0x4a4: {  	v2 =	vadd.f32 v3, v2  }
0x4a5: {  	vm7 =	veq.s32 v23, $0xFFFFFFFF  }
0x4a6: {  	v2 =	vsel vm7, $0x0, v2  }
0x4a7: {  	[tilespmem:$0x16B0] =	vst v2  }
0x4a8: {  	v2 =	vld.idx.msk [tilespmem:v24+s26+$0x0], $0xffff  }
0x4a9: {  	v25 =	vld [tilespmem:$0xAC0]  }
0x4aa: {  	v3 =	vld [tilespmem:$0xEC0]  }
0x4ab: {  	v26 =	vld [tilespmem:$0x2D0];
	_ =	sdelay $0x1  }
0x4ac: {  	v2 =	vmul.f32 $8.000000110e-01, v2;
	_ =	sdelay $0x1  }
0x4ad: {  	v2 =	vadd.f32 v3, v2  }
0x4ae: {  	vm8 =	veq.s32 v25, $0xFFFFFFFF  }
0x4af: {  	v2 =	vsel vm8, $0x0, v2  }
0x4b0: {  	[tilespmem:$0x16C0] =	vst v2  }
0x4b1: {  	v2 =	vld.idx.msk [tilespmem:v26+s26+$0x0], $0xffff  }
0x4b2: {  	v27 =	vld [tilespmem:$0xAD0]  }
0x4b3: {  	v3 =	vld [tilespmem:$0xED0]  }
0x4b4: {  	v28 =	vld [tilespmem:$0x2E0];
	_ =	sdelay $0x1  }
0x4b5: {  	v2 =	vmul.f32 $8.000000110e-01, v2;
	_ =	sdelay $0x1  }
0x4b6: {  	v2 =	vadd.f32 v3, v2  }
0x4b7: {  	vm9 =	veq.s32 v27, $0xFFFFFFFF  }
0x4b8: {  	v2 =	vsel vm9, $0x0, v2  }
0x4b9: {  	[tilespmem:$0x16D0] =	vst v2  }
0x4ba: {  	v2 =	vld.idx.msk [tilespmem:v28+s26+$0x0], $0xffff  }
0x4bb: {  	v29 =	vld [tilespmem:$0xAE0]  }
0x4bc: {  	v3 =	vld [tilespmem:$0xEE0]  }
0x4bd: {  	v30 =	vld [tilespmem:$0x2F0];
	_ =	sdelay $0x1  }
0x4be: {  	v2 =	vmul.f32 $8.000000110e-01, v2;
	_ =	sdelay $0x1  }
0x4bf: {  	v2 =	vadd.f32 v3, v2  }
0x4c0: {  	vm10 =	veq.s32 v29, $0xFFFFFFFF  }
0x4c1: {  	v2 =	vsel vm10, $0x0, v2  }
0x4c2: {  	[tilespmem:$0x16E0] =	vst v2  }
0x4c3: {  	v2 =	vld.idx.msk [tilespmem:v30+s26+$0x0], $0xffff  }
0x4c4: {  	v31 =	vld [tilespmem:$0xAF0]  }
0x4c5: {  	v3 =	vld [tilespmem:$0xEF0]  }
0x4c6: {  	v32 =	vld [tilespmem:$0x300];
	_ =	sdelay $0x1  }
0x4c7: {  	v2 =	vmul.f32 $8.000000110e-01, v2;
	_ =	sdelay $0x1  }
0x4c8: {  	v2 =	vadd.f32 v3, v2  }
0x4c9: {  	vm11 =	veq.s32 v31, $0xFFFFFFFF  }
0x4ca: {  	v2 =	vsel vm11, $0x0, v2  }
0x4cb: {  	[tilespmem:$0x16F0] =	vst v2  }
0x4cc: {  	v2 =	vld.idx.msk [tilespmem:v32+s26+$0x0], $0xffff  }
0x4cd: {  	v33 =	vld [tilespmem:$0xB00]  }
0x4ce: {  	v3 =	vld [tilespmem:$0xF00]  }
0x4cf: {  	v34 =	vld [tilespmem:$0x310];
	_ =	sdelay $0x1  }
0x4d0: {  	v2 =	vmul.f32 $8.000000110e-01, v2;
	_ =	sdelay $0x1  }
0x4d1: {  	v2 =	vadd.f32 v3, v2  }
0x4d2: {  	vm12 =	veq.s32 v33, $0xFFFFFFFF  }
0x4d3: {  	v2 =	vsel vm12, $0x0, v2  }
0x4d4: {  	[tilespmem:$0x1700] =	vst v2  }
0x4d5: {  	v2 =	vld.idx.msk [tilespmem:v34+s26+$0x0], $0xffff  }
0x4d6: {  	v35 =	vld [tilespmem:$0xB10]  }
0x4d7: {  	v3 =	vld [tilespmem:$0xF10]  }
0x4d8: {  	v36 =	vld [tilespmem:$0x320];
	_ =	sdelay $0x1  }
0x4d9: {  	v2 =	vmul.f32 $8.000000110e-01, v2;
	_ =	sdelay $0x1  }
0x4da: {  	v2 =	vadd.f32 v3, v2  }
0x4db: {  	vm13 =	veq.s32 v35, $0xFFFFFFFF  }
0x4dc: {  	v2 =	vsel vm13, $0x0, v2  }
0x4dd: {  	[tilespmem:$0x1710] =	vst v2  }
0x4de: {  	v2 =	vld.idx.msk [tilespmem:v36+s26+$0x0], $0xffff  }
0x4df: {  	v37 =	vld [tilespmem:$0xB20]  }
0x4e0: {  	v3 =	vld [tilespmem:$0xF20]  }
0x4e1: {  	v38 =	vld [tilespmem:$0x330];
	_ =	sdelay $0x1  }
0x4e2: {  	v2 =	vmul.f32 $8.000000110e-01, v2;
	_ =	sdelay $0x1  }
0x4e3: {  	v2 =	vadd.f32 v3, v2  }
0x4e4: {  	vm14 =	veq.s32 v37, $0xFFFFFFFF  }
0x4e5: {  	v2 =	vsel vm14, $0x0, v2  }
0x4e6: {  	[tilespmem:$0x1720] =	vst v2  }
0x4e7: {  	v2 =	vld.idx.msk [tilespmem:v38+s26+$0x0], $0xffff  }
0x4e8: {  	v39 =	vld [tilespmem:$0xB30]  }
0x4e9: {  	v3 =	vld [tilespmem:$0xF30]  }
0x4ea: {  	v40 =	vld [tilespmem:$0x340];
	_ =	sdelay $0x1  }
0x4eb: {  	v2 =	vmul.f32 $8.000000110e-01, v2;
	_ =	sdelay $0x1  }
0x4ec: {  	v2 =	vadd.f32 v3, v2  }
0x4ed: {  	vm15 =	veq.s32 v39, $0xFFFFFFFF  }
0x4ee: {  	v2 =	vsel vm15, $0x0, v2  }
0x4ef: {  	[tilespmem:$0x1730] =	vst v2  }
0x4f0: {  	v2 =	vld.idx.msk [tilespmem:v40+s26+$0x0], $0xffff  }
0x4f1: {  	v41 =	vld [tilespmem:$0xB40]  }
0x4f2: {  	v3 =	vld [tilespmem:$0xF40]  }
0x4f3: {  	v42 =	vld [tilespmem:$0x350];
	_ =	sdelay $0x1  }
0x4f4: {  	v2 =	vmul.f32 $8.000000110e-01, v2;
	_ =	sdelay $0x1  }
0x4f5: {  	v2 =	vadd.f32 v3, v2  }
0x4f6: {  	vm4 =	veq.s32 v41, $0xFFFFFFFF  }
0x4f7: {  	v2 =	vsel vm4, $0x0, v2  }
0x4f8: {  	[tilespmem:$0x1740] =	vst v2  }
0x4f9: {  	v2 =	vld.idx.msk [tilespmem:v42+s26+$0x0], $0xffff  }
0x4fa: {  	v43 =	vld [tilespmem:$0xB50]  }
0x4fb: {  	v3 =	vld [tilespmem:$0xF50]  }
0x4fc: {  	v44 =	vld [tilespmem:$0x360];
	_ =	sdelay $0x1  }
0x4fd: {  	v2 =	vmul.f32 $8.000000110e-01, v2;
	_ =	sdelay $0x1  }
0x4fe: {  	v2 =	vadd.f32 v3, v2  }
0x4ff: {  	vm5 =	veq.s32 v43, $0xFFFFFFFF  }
0x500: {  	v2 =	vsel vm5, $0x0, v2  }
0x501: {  	[tilespmem:$0x1750] =	vst v2  }
0x502: {  	v2 =	vld.idx.msk [tilespmem:v44+s26+$0x0], $0xffff  }
0x503: {  	v45 =	vld [tilespmem:$0xB60]  }
0x504: {  	v3 =	vld [tilespmem:$0xF60]  }
0x505: {  	v46 =	vld [tilespmem:$0x370];
	_ =	sdelay $0x1  }
0x506: {  	v2 =	vmul.f32 $8.000000110e-01, v2;
	_ =	sdelay $0x1  }
0x507: {  	v2 =	vadd.f32 v3, v2  }
0x508: {  	vm6 =	veq.s32 v45, $0xFFFFFFFF  }
0x509: {  	v2 =	vsel vm6, $0x0, v2  }
0x50a: {  	[tilespmem:$0x1760] =	vst v2  }
0x50b: {  	v2 =	vld.idx.msk [tilespmem:v46+s26+$0x0], $0xffff  }
0x50c: {  	v47 =	vld [tilespmem:$0xB70]  }
0x50d: {  	v3 =	vld [tilespmem:$0xF70]  }
0x50e: {  	v48 =	vld [tilespmem:$0x380];
	_ =	sdelay $0x1  }
0x50f: {  	v2 =	vmul.f32 $8.000000110e-01, v2;
	_ =	sdelay $0x1  }
0x510: {  	v2 =	vadd.f32 v3, v2  }
0x511: {  	vm7 =	veq.s32 v47, $0xFFFFFFFF  }
0x512: {  	v2 =	vsel vm7, $0x0, v2  }
0x513: {  	[tilespmem:$0x1770] =	vst v2  }
0x514: {  	v2 =	vld.idx.msk [tilespmem:v48+s26+$0x0], $0xffff  }
0x515: {  	v49 =	vld [tilespmem:$0xB80]  }
0x516: {  	v3 =	vld [tilespmem:$0xF80]  }
0x517: {  	v50 =	vld [tilespmem:$0x390];
	_ =	sdelay $0x1  }
0x518: {  	v2 =	vmul.f32 $8.000000110e-01, v2;
	_ =	sdelay $0x1  }
0x519: {  	v2 =	vadd.f32 v3, v2  }
0x51a: {  	vm8 =	veq.s32 v49, $0xFFFFFFFF  }
0x51b: {  	v2 =	vsel vm8, $0x0, v2  }
0x51c: {  	[tilespmem:$0x1780] =	vst v2  }
0x51d: {  	v2 =	vld.idx.msk [tilespmem:v50+s26+$0x0], $0xffff  }
0x51e: {  	v51 =	vld [tilespmem:$0xB90]  }
0x51f: {  	v3 =	vld [tilespmem:$0xF90]  }
0x520: {  	v52 =	vld [tilespmem:$0x3A0];
	_ =	sdelay $0x1  }
0x521: {  	v2 =	vmul.f32 $8.000000110e-01, v2;
	_ =	sdelay $0x1  }
0x522: {  	v2 =	vadd.f32 v3, v2  }
0x523: {  	vm9 =	veq.s32 v51, $0xFFFFFFFF  }
0x524: {  	v2 =	vsel vm9, $0x0, v2  }
0x525: {  	[tilespmem:$0x1790] =	vst v2  }
0x526: {  	v2 =	vld.idx.msk [tilespmem:v52+s26+$0x0], $0xffff  }
0x527: {  	v53 =	vld [tilespmem:$0xBA0]  }
0x528: {  	v3 =	vld [tilespmem:$0xFA0]  }
0x529: {  	v54 =	vld [tilespmem:$0x3B0];
	_ =	sdelay $0x1  }
0x52a: {  	v2 =	vmul.f32 $8.000000110e-01, v2;
	_ =	sdelay $0x1  }
0x52b: {  	v2 =	vadd.f32 v3, v2  }
0x52c: {  	vm10 =	veq.s32 v53, $0xFFFFFFFF  }
0x52d: {  	v2 =	vsel vm10, $0x0, v2  }
0x52e: {  	[tilespmem:$0x17A0] =	vst v2  }
0x52f: {  	v2 =	vld.idx.msk [tilespmem:v54+s26+$0x0], $0xffff  }
0x530: {  	v55 =	vld [tilespmem:$0xBB0]  }
0x531: {  	v3 =	vld [tilespmem:$0xFB0]  }
0x532: {  	v56 =	vld [tilespmem:$0x3C0];
	_ =	sdelay $0x1  }
0x533: {  	v2 =	vmul.f32 $8.000000110e-01, v2;
	_ =	sdelay $0x1  }
0x534: {  	v2 =	vadd.f32 v3, v2  }
0x535: {  	vm11 =	veq.s32 v55, $0xFFFFFFFF  }
0x536: {  	v2 =	vsel vm11, $0x0, v2  }
0x537: {  	[tilespmem:$0x17B0] =	vst v2  }
0x538: {  	v2 =	vld.idx.msk [tilespmem:v56+s26+$0x0], $0xffff  }
0x539: {  	v57 =	vld [tilespmem:$0xBC0]  }
0x53a: {  	v3 =	vld [tilespmem:$0xFC0]  }
0x53b: {  	v58 =	vld [tilespmem:$0x3D0];
	_ =	sdelay $0x1  }
0x53c: {  	v2 =	vmul.f32 $8.000000110e-01, v2;
	_ =	sdelay $0x1  }
0x53d: {  	v2 =	vadd.f32 v3, v2  }
0x53e: {  	vm12 =	veq.s32 v57, $0xFFFFFFFF  }
0x53f: {  	v2 =	vsel vm12, $0x0, v2  }
0x540: {  	[tilespmem:$0x17C0] =	vst v2  }
0x541: {  	v2 =	vld.idx.msk [tilespmem:v58+s26+$0x0], $0xffff  }
0x542: {  	v59 =	vld [tilespmem:$0xBD0]  }
0x543: {  	v3 =	vld [tilespmem:$0xFD0]  }
0x544: {  	v60 =	vld [tilespmem:$0x3E0];
	_ =	sdelay $0x1  }
0x545: {  	v2 =	vmul.f32 $8.000000110e-01, v2;
	_ =	sdelay $0x1  }
0x546: {  	v2 =	vadd.f32 v3, v2  }
0x547: {  	vm13 =	veq.s32 v59, $0xFFFFFFFF  }
0x548: {  	v2 =	vsel vm13, $0x0, v2  }
0x549: {  	[tilespmem:$0x17D0] =	vst v2  }
0x54a: {  	v2 =	vld.idx.msk [tilespmem:v60+s26+$0x0], $0xffff  }
0x54b: {  	v61 =	vld [tilespmem:$0xBE0]  }
0x54c: {  	v3 =	vld [tilespmem:$0xFE0]  }
0x54d: {  	v62 =	vld [tilespmem:$0x3F0];
	_ =	sdelay $0x1  }
0x54e: {  	v2 =	vmul.f32 $8.000000110e-01, v2;
	_ =	sdelay $0x1  }
0x54f: {  	v2 =	vadd.f32 v3, v2  }
0x550: {  	vm14 =	veq.s32 v61, $0xFFFFFFFF  }
0x551: {  	v2 =	vsel vm14, $0x0, v2  }
0x552: {  	[tilespmem:$0x17E0] =	vst v2  }
0x553: {  	v2 =	vld.idx.msk [tilespmem:v62+s26+$0x0], $0xffff;
	_ =	sdelay $0x1  }
0x554: {  	v3 =	vld [tilespmem:$0xFF0]  }
0x555: {  	v63 =	vld [tilespmem:$0xBF0];
	_ =	sdelay $0x1  }
0x556: {  	v2 =	vmul.f32 $8.000000110e-01, v2;
	_ =	sdelay $0x1  }
0x557: {  	v2 =	vadd.f32 v3, v2  }
0x558: {  	vm15 =	veq.s32 v63, $0xFFFFFFFF  }
0x559: {  	v2 =	vsel vm15, $0x0, v2  }
0x55a: {  	s4 =	simm.s32 $0x0;
	s22 =	simm.s32 $0x40;
	s23 =	simm.s32 $0x0;
	[tilespmem:$0x17F0] =	vst v2  }
.LBB2_9:
0x55b: {  	p1 =	sne.s32 s22, $0x7FC0;
	[tilespmem:s23+$0x1A00] =	vst v0;
	s5 =	smov.u32 s22;
	s22 =	sadd.s32 $0x40, s22  }
.Ltmp4:
0x55c: {  	(pc) =	sbr.rel @p1 .LBB2_9-.Ltmp4, $2  }
0x55d: {  	_ =	sdelay $0x2  }
0x55e: {  	s23 =	sshra.s32 s5, $0x2  }
0x55f: {  	[tilespmem:s23+$0x1A00] =	vst v0  }
.LBB2_11:
0x560: {  	s5 =	sshra.s32 s4, $0x2  }
0x561: {  	v2 =	vld [tilespmem:s5+$0x400];
	_ =	sdelay $0x4  }
0x562: {  	v2 =	vadd.s32 v1, v2;
	_ =	sdelay $0x3  }
0x563: {  	s22 =	simm.s32 $0x1A00;
	v4 =	vld [tilespmem:s5+$0x1400]  }
0x564: {  	v3 =	vld.idx.msk [tilespmem:v2+s22+$0x0], $0xffff  }
0x565: {  	p1 =	sne.s32 s4, $0xFC0  }
.Ltmp5:
0x566: {  	_ = 	snop;
	(pc) =	sbr.rel @p1 .LBB2_11-.Ltmp5, $3  }
0x567: {  	_ =	sdelay $0x1  }
0x568: {  	v3 =	vmax.f32 v3, v4  }
0x569: {  	s4 =	sadd.s32 $0x40, s4;
	[tilespmem:v2+s22+$0x0] =	vst.idx.msk $0xffff, v3  }
0x56a: {  	s23 =	simm.s32 $0x1000;
	s4 =	simm.s32 $0x0;
	v3 =	vld [tilespmem:s22+$0x0]  }
0x56b: {  	v2 =	vld [tilespmem:s23+$0x0];
	s4 =	sand.u32 $0x1F0, s4  }
0x56c: {  	v4 =	vld [tilespmem:s4+$0x1C00]  }
0x56d: {  	v5 =	vld [tilespmem:s4+$0x1E00]  }
0x56e: {  	v6 =	vld [tilespmem:s4+$0x2000]  }
0x56f: {  	v7 =	vld [tilespmem:s4+$0x2200]  }
0x570: {  	v8 =	vld [tilespmem:s4+$0x2400]  }
0x571: {  	v54 =	vld [tilespmem:s4+$0x2600];
	v3 =	vmax.f32 v3, v4  }
0x572: {  	v55 =	vld [tilespmem:s4+$0x2800];
	v3 =	vmax.f32 v3, v5  }
0x573: {  	v56 =	vld [tilespmem:s4+$0x2A00];
	v3 =	vmax.f32 v3, v6  }
0x574: {  	v57 =	vld [tilespmem:s4+$0x2C00];
	v3 =	vmax.f32 v3, v7  }
0x575: {  	v58 =	vld [tilespmem:s4+$0x2E00];
	v3 =	vmax.f32 v3, v8  }
0x576: {  	v59 =	vld [tilespmem:s4+$0x3000];
	v3 =	vmax.f32 v3, v54  }
0x577: {  	v60 =	vld [tilespmem:s4+$0x3200];
	v3 =	vmax.f32 v3, v55  }
0x578: {  	v61 =	vld [tilespmem:s4+$0x3400];
	v3 =	vmax.f32 v3, v56  }
0x579: {  	v62 =	vld [tilespmem:s4+$0x3600];
	v3 =	vmax.f32 v3, v57  }
0x57a: {  	v63 =	vld [tilespmem:s4+$0x3800];
	v3 =	vmax.f32 v3, v58  }
0x57b: {  	v3 =	vmax.f32 v3, v59  }
0x57c: {  	v3 =	vmax.f32 v3, v60  }
0x57d: {  	v3 =	vmax.f32 v3, v61  }
0x57e: {  	v3 =	vmax.f32 v3, v62  }
0x57f: {  	vm0 =	veq.s32 v2, $0xFFFFFFFF;
	v3 =	vmax.f32 v3, v63  }
0x580: {  	s24 =	simm.s32 $0x1800;
	v2 =	vsel vm0, $0x0, v3  }
0x581: {  	s4 =	simm.s32 $0x3A00;
	[tilespmem:s24+$0x0] =	vst v2  }
0x582: {  	v3 =	vld [tilespmem:s4+$0x0];
	_ =	sdelay $0x4  }
0x583: {  	v2 =	vadd.f32 v2, v3  }
0x584: {  	s25 =	simm.s32 $0x10;
	s28 =	simm.s32 $0x3A10  }
.LBB2_13:
0x585: {  	[tilespmem:s4+$0x0] =	vst v2;
	s22 =	sadd.s32 $0x10, s22;
	s23 =	sadd.s32 $0x10, s23;
	s24 =	sadd.s32 $0x10, s24  }
0x586: {  	p1 =	sne.s32 s25, $0x1F0;
	s4 =	smov.u32 s25;
	s25 =	sadd.s32 $0x10, s25;
	v2 =	vld [tilespmem:s23+$0x0]  }
0x587: {  	s5 =	sand.u32 $0x1F0, s4;
	s4 =	smov.u32 s28;
	v3 =	vld [tilespmem:s22+$0x0]  }
0x588: {  	v4 =	vld [tilespmem:s5+$0x1C00]  }
0x589: {  	v5 =	vld [tilespmem:s5+$0x1E00]  }
0x58a: {  	v6 =	vld [tilespmem:s5+$0x2000]  }
0x58b: {  	v7 =	vld [tilespmem:s5+$0x2200]  }
0x58c: {  	v8 =	vld [tilespmem:s5+$0x2400]  }
0x58d: {  	v3 =	vmax.f32 v3, v4;
	v4 =	vld [tilespmem:s5+$0x2600]  }
0x58e: {  	v3 =	vmax.f32 v3, v5;
	v5 =	vld [tilespmem:s5+$0x2800]  }
0x58f: {  	v3 =	vmax.f32 v3, v6;
	v6 =	vld [tilespmem:s5+$0x2A00]  }
0x590: {  	v3 =	vmax.f32 v3, v7;
	v7 =	vld [tilespmem:s5+$0x2C00]  }
0x591: {  	v3 =	vmax.f32 v3, v8;
	v8 =	vld [tilespmem:s5+$0x2E00]  }
0x592: {  	v3 =	vmax.f32 v3, v4;
	v4 =	vld [tilespmem:s5+$0x3000]  }
0x593: {  	v3 =	vmax.f32 v3, v5;
	v5 =	vld [tilespmem:s5+$0x3200]  }
0x594: {  	v3 =	vmax.f32 v3, v6;
	v6 =	vld [tilespmem:s5+$0x3400]  }
0x595: {  	v3 =	vmax.f32 v3, v7;
	v7 =	vld [tilespmem:s5+$0x3600]  }
0x596: {  	v3 =	vmax.f32 v3, v8;
	v8 =	vld [tilespmem:s5+$0x3800]  }
0x597: {  	v3 =	vmax.f32 v3, v4  }
0x598: {  	v3 =	vmax.f32 v3, v5  }
0x599: {  	v3 =	vmax.f32 v3, v6  }
0x59a: {  	v3 =	vmax.f32 v3, v7  }
0x59b: {  	vm0 =	veq.s32 v2, $0xFFFFFFFF;
	v3 =	vmax.f32 v3, v8  }
0x59c: {  	v2 =	vsel vm0, $0x0, v3  }
0x59d: {  	[tilespmem:s24+$0x0] =	vst v2  }
0x59e: {  	v3 =	vld [tilespmem:s28+$0x0];
	_ =	sdelay $0x1  }
.Ltmp6:
0x59f: {  	(pc) =	sbr.rel @p1 .LBB2_13-.Ltmp6, $3  }
0x5a0: {  	_ =	sdelay $0x1  }
0x5a1: {  	v2 =	vadd.f32 v2, v3  }
0x5a2: {  	s28 =	sadd.s32 $0x10, s28  }
0x5a3: {  	[tilespmem:s4+$0x0] =	vst v2  }
0x5a4: {  	v3 =	vld [tilespmem:$0x3A00]  }
0x5a5: {  	v5 =	vld [tilespmem:$0x3A10]  }
0x5a6: {  	v7 =	vld [tilespmem:$0x3A20]  }
0x5a7: {  	v10 =	vld [tilespmem:$0x3A30]  }
0x5a8: {  	v13 =	vld [tilespmem:$0x3A40]  }
0x5a9: {  	v15 =	vld [tilespmem:$0x3A50]  }
0x5aa: {  	v16 =	vld [tilespmem:$0x3A60];
	v2 =	vmax.f32 v3, v5  }
0x5ab: {  	v18 =	vld [tilespmem:$0x3A70];
	v2 =	vmax.f32 v2, v7  }
0x5ac: {  	v19 =	vld [tilespmem:$0x3A80];
	v2 =	vmax.f32 v2, v10  }
0x5ad: {  	v20 =	vld [tilespmem:$0x3A90];
	v2 =	vmax.f32 v2, v13  }
0x5ae: {  	v21 =	vld [tilespmem:$0x3AA0];
	v2 =	vmax.f32 v2, v15  }
0x5af: {  	v22 =	vld [tilespmem:$0x3AB0];
	v2 =	vmax.f32 v2, v16  }
0x5b0: {  	v23 =	vld [tilespmem:$0x3AC0];
	v2 =	vmax.f32 v2, v18  }
0x5b1: {  	v24 =	vld [tilespmem:$0x3AD0];
	v2 =	vmax.f32 v2, v19  }
0x5b2: {  	v25 =	vld [tilespmem:$0x3AE0];
	v2 =	vmax.f32 v2, v20  }
0x5b3: {  	v26 =	vld [tilespmem:$0x3AF0];
	v2 =	vmax.f32 v2, v21  }
0x5b4: {  	v27 =	vld [tilespmem:$0x3B00];
	v2 =	vmax.f32 v2, v22  }
0x5b5: {  	v28 =	vld [tilespmem:$0x3B10];
	v2 =	vmax.f32 v2, v23  }
0x5b6: {  	v29 =	vld [tilespmem:$0x3B20];
	v2 =	vmax.f32 v2, v24  }
0x5b7: {  	v30 =	vld [tilespmem:$0x3B30];
	v2 =	vmax.f32 v2, v25  }
0x5b8: {  	v31 =	vld [tilespmem:$0x3B40];
	v2 =	vmax.f32 v2, v26  }
0x5b9: {  	v32 =	vld [tilespmem:$0x3B50];
	v2 =	vmax.f32 v2, v27  }
0x5ba: {  	v33 =	vld [tilespmem:$0x3B60];
	v2 =	vmax.f32 v2, v28  }
0x5bb: {  	v34 =	vld [tilespmem:$0x3B70];
	v2 =	vmax.f32 v2, v29  }
0x5bc: {  	v17 =	vld [tilespmem:$0x3B80];
	v2 =	vmax.f32 v2, v30  }
0x5bd: {  	v14 =	vld [tilespmem:$0x3B90];
	v2 =	vmax.f32 v2, v31  }
0x5be: {  	v12 =	vld [tilespmem:$0x3BA0];
	v2 =	vmax.f32 v2, v32  }
0x5bf: {  	v11 =	vld [tilespmem:$0x3BB0];
	v2 =	vmax.f32 v2, v33  }
0x5c0: {  	v8 =	vld [tilespmem:$0x3BC0];
	v2 =	vmax.f32 v2, v34  }
0x5c1: {  	v6 =	vld [tilespmem:$0x3BD0];
	v2 =	vmax.f32 v2, v17  }
0x5c2: {  	v4 =	vld [tilespmem:$0x3BE0];
	v2 =	vmax.f32 v2, v14  }
0x5c3: {  	v9 =	vmax.f32 v2, v12;
	v2 =	vld [tilespmem:$0x3BF0]  }
0x5c4: {  	v9 =	vmax.f32 v9, v11  }
0x5c5: {  	v9 =	vmax.f32 v9, v8  }
0x5c6: {  	v9 =	vmax.f32 v9, v6  }
0x5c7: {  	v9 =	vmax.f32 v9, v4  }
0x5c8: {  	v9 =	vmax.f32 v9, v2  }
0x5c9: {  	(xrf0) =	vmax.scan.msk.f32 $0xffff, v9;
	_ =	sdelay $0x5  }
0x5ca: {  	v9, _, _ =	vpop (xrf0)  }
0x5cb: {  	v9 =	vbroadcast v9, $0xF;
	_ =	sdelay $0x1  }
0x5cc: {  	v3 =	vsub.f32 v3, v9;
	_ =	sdelay $0x1  }
0x5cd: {  	v5 =	vsub.f32 v5, v9;
	v3 =	vmul.f32 $1.442695020e+00, v3;
	_ =	sdelay $0x1  }
0x5ce: {  	v53 =	vsub.f32 v7, v9;
	(erf) = vpow2.f32 v3;
	v3 =	vmul.f32 $1.442695020e+00, v5;
	_ =	sdelay $0x1  }
0x5cf: {  	(erf) = vpow2.f32 v3;
	v3 =	vmul.f32 $1.442695020e+00, v53  }
0x5d0: {  	v54 =	vsub.f32 v10, v9  }
0x5d1: {  	(erf) = vpow2.f32 v3  }
0x5d2: {  	v55 =	vsub.f32 v13, v9;
	v3 =	vmul.f32 $1.442695020e+00, v54;
	_ =	sdelay $0x1  }
0x5d3: {  	v56 =	vsub.f32 v15, v9;
	v5 =	vmul.f32 $1.442695020e+00, v55;
	(erf) = vpow2.f32 v3;
	_ =	sdelay $0x1  }
0x5d4: {  	v7 =	vmul.f32 $1.442695020e+00, v56;
	v3 =	vpop (erf);
	(erf) = vpow2.f32 v5  }
0x5d5: {  	v57 =	vsub.f32 v16, v9;
	v58 =	vadd.f32 $0.0e+00, v3  }
0x5d6: {  	v5 =	vpop (erf);
	(erf) = vpow2.f32 v7  }
0x5d7: {  	v59 =	vsub.f32 v18, v9;
	v10 =	vmul.f32 $1.442695020e+00, v57;
	v13 =	vadd.f32 v58, v5  }
0x5d8: {  	v60 =	vsub.f32 v19, v9;
	v7 =	vpop (erf)  }
0x5d9: {  	v15 =	vmul.f32 $1.442695020e+00, v59;
	(erf) = vpow2.f32 v10;
	v13 =	vadd.f32 v13, v7  }
0x5da: {  	v62 =	vsub.f32 v20, v9  }
0x5db: {  	v61 =	vmul.f32 $1.442695020e+00, v60;
	v10 =	vpop (erf);
	(erf) = vpow2.f32 v15  }
0x5dc: {  	v36 =	vsub.f32 v21, v9;
	v35 =	vmul.f32 $1.442695020e+00, v62;
	v63 =	vadd.f32 v13, v10  }
0x5dd: {  	(erf) = vpow2.f32 v61;
	v13 =	vpop (erf)  }
0x5de: {  	v16 =	vmul.f32 $1.442695020e+00, v36;
	(erf) = vpow2.f32 v35;
	v18 =	vadd.f32 v63, v13  }
0x5df: {  	v37 =	vsub.f32 v22, v9;
	v15 =	vpop (erf)  }
0x5e0: {  	(erf) = vpow2.f32 v16;
	v18 =	vadd.f32 v18, v15  }
0x5e1: {  	v38 =	vsub.f32 v23, v9;
	v19 =	vmul.f32 $1.442695020e+00, v37  }
0x5e2: {  	v41 =	vsub.f32 v24, v9;
	v16 =	vpop (erf)  }
0x5e3: {  	v40 =	vmul.f32 $1.442695020e+00, v38;
	(erf) = vpow2.f32 v19;
	v39 =	vadd.f32 v18, v16  }
0x5e4: {  	v43 =	vsub.f32 v25, v9;
	v18 =	vpop (erf)  }
0x5e5: {  	v42 =	vmul.f32 $1.442695020e+00, v41;
	(erf) = vpow2.f32 v40;
	v21 =	vadd.f32 v39, v18  }
0x5e6: {  	v45 =	vsub.f32 v26, v9;
	v22 =	vpop (erf)  }
0x5e7: {  	v44 =	vmul.f32 $1.442695020e+00, v43;
	v23 =	vpop (erf);
	(erf) = vpow2.f32 v42;
	v21 =	vadd.f32 v21, v22  }
0x5e8: {  	v47 =	vsub.f32 v27, v9  }
0x5e9: {  	v46 =	vmul.f32 $1.442695020e+00, v45;
	v24 =	vpop (erf);
	(erf) = vpow2.f32 v44;
	v21 =	vadd.f32 v21, v23  }
0x5ea: {  	v49 =	vsub.f32 v28, v9;
	v48 =	vmul.f32 $1.442695020e+00, v47  }
0x5eb: {  	(erf) = vpow2.f32 v46;
	v21 =	vadd.f32 v21, v24  }
0x5ec: {  	v50 =	vmul.f32 $1.442695020e+00, v49;
	v25 =	vpop (erf);
	(erf) = vpow2.f32 v48  }
0x5ed: {  	v51 =	vsub.f32 v29, v9;
	v21 =	vadd.f32 v21, v25  }
0x5ee: {  	v52 =	vsub.f32 v30, v9;
	v20 =	vpop (erf);
	(erf) = vpow2.f32 v50  }
0x5ef: {  	v26 =	vmul.f32 $1.442695020e+00, v51;
	v21 =	vadd.f32 v21, v20  }
0x5f0: {  	v53 =	vmul.f32 $1.442695020e+00, v52;
	v19 =	vpop (erf)  }
0x5f1: {  	v54 =	vsub.f32 v31, v9;
	(erf) = vpow2.f32 v26;
	v21 =	vadd.f32 v21, v19  }
0x5f2: {  	v56 =	vsub.f32 v32, v9;
	v28 =	vpop (erf)  }
0x5f3: {  	v55 =	vmul.f32 $1.442695020e+00, v54;
	(erf) = vpow2.f32 v53;
	v21 =	vadd.f32 v21, v28  }
0x5f4: {  	v57 =	vmul.f32 $1.442695020e+00, v56;
	v29 =	vpop (erf)  }
0x5f5: {  	v58 =	vsub.f32 v33, v9;
	v30 =	vpop (erf);
	(erf) = vpow2.f32 v55;
	v21 =	vadd.f32 v21, v29  }
0x5f6: {  	v61 =	vsub.f32 v34, v9  }
0x5f7: {  	v60 =	vmul.f32 $1.442695020e+00, v58;
	v59 =	vpop (erf);
	(erf) = vpow2.f32 v57;
	v21 =	vadd.f32 v21, v30  }
0x5f8: {  	v17 =	vsub.f32 v17, v9;
	v62 =	vmul.f32 $1.442695020e+00, v61  }
0x5f9: {  	(erf) = vpow2.f32 v60;
	v21 =	vadd.f32 v21, v59  }
0x5fa: {  	v17 =	vmul.f32 $1.442695020e+00, v17;
	v63 =	vpop (erf);
	(erf) = vpow2.f32 v62  }
0x5fb: {  	v14 =	vsub.f32 v14, v9;
	v21 =	vadd.f32 v21, v63  }
0x5fc: {  	v36 =	vpop (erf);
	(erf) = vpow2.f32 v17  }
0x5fd: {  	v12 =	vsub.f32 v12, v9;
	v14 =	vmul.f32 $1.442695020e+00, v14;
	v21 =	vadd.f32 v21, v36  }
0x5fe: {  	v11 =	vsub.f32 v11, v9;
	v37 =	vpop (erf)  }
0x5ff: {  	v12 =	vmul.f32 $1.442695020e+00, v12;
	(erf) = vpow2.f32 v14;
	v21 =	vadd.f32 v21, v37  }
0x600: {  	v8 =	vsub.f32 v8, v9;
	v38 =	vpop (erf)  }
0x601: {  	v11 =	vmul.f32 $1.442695020e+00, v11;
	(erf) = vpow2.f32 v12;
	v39 =	vadd.f32 v21, v38  }
0x602: {  	v6 =	vsub.f32 v6, v9;
	v40 =	vpop (erf)  }
0x603: {  	v8 =	vmul.f32 $1.442695020e+00, v8;
	v42 =	vpop (erf);
	(erf) = vpow2.f32 v11;
	v41 =	vadd.f32 v39, v40  }
0x604: {  	v4 =	vsub.f32 v4, v9  }
0x605: {  	v6 =	vmul.f32 $1.442695020e+00, v6;
	v44 =	vpop (erf);
	(erf) = vpow2.f32 v8;
	v43 =	vadd.f32 v41, v42  }
0x606: {  	v2 =	vsub.f32 v2, v9  }
0x607: {  	v4 =	vmul.f32 $1.442695020e+00, v4;
	(erf) = vpow2.f32 v6;
	v45 =	vadd.f32 v43, v44  }
0x608: {  	v2 =	vmul.f32 $1.442695020e+00, v2;
	v46 =	vpop (erf)  }
0x609: {  	(erf) = vpow2.f32 v4;
	v8 =	vadd.f32 v45, v46  }
0x60a: {  	v47 =	vpop (erf)  }
0x60b: {  	(erf) = vpow2.f32 v2;
	v8 =	vadd.f32 v8, v47  }
0x60c: {  	v2 =	vpop (erf)  }
0x60d: {  	v8 =	vadd.f32 v8, v2  }
0x60e: {  	v48 =	vpop (erf)  }
0x60f: {  	v8 =	vadd.f32 v8, v48  }
0x610: {  	v49 =	vpop (erf)  }
0x611: {  	v8 =	vadd.f32 v8, v49  }
0x612: {  	v50 =	vpop (erf)  }
0x613: {  	v8 =	vadd.f32 v8, v50  }
0x614: {  	v51 =	vpop (erf)  }
0x615: {  	v8 =	vadd.f32 v8, v51;
	_ =	sdelay $0x1  }
0x616: {  	(xrf2) =	vadd.scan.msk.f32 $0xffff, v8;
	_ =	sdelay $0x9  }
0x617: {  	v8, _, _ =	vpop (xrf2)  }
0x618: {  	v8 =	vadd.f32 $0.0e+00, v8;
	_ =	sdelay $0x1  }
0x619: {  	v8 =	vbroadcast v8, $0xF;
	_ =	sdelay $0x1  }
0x61a: {  	(erf) = vrcp.f32 v8;
	_ =	sdelay $0x8  }
0x61b: {  	v8 =	vpop (erf)  }
0x61c: {  	v3 =	vmul.f32 v8, v3  }
0x61d: {  	v5 =	vmul.f32 v8, v5  }
0x61e: {  	v52 =	vmul.f32 v8, v10;
	[tilespmem:$0x3A00] =	vst v3  }
0x61f: {  	v3 =	vmul.f32 v8, v7;
	[tilespmem:$0x3A10] =	vst v5  }
0x620: {  	v53 =	vmul.f32 v8, v15;
	[tilespmem:$0x3A30] =	vst v52  }
0x621: {  	[tilespmem:$0x3A20] =	vst v3;
	v3 =	vmul.f32 v8, v13  }
0x622: {  	v54 =	vmul.f32 v8, v18;
	[tilespmem:$0x3A50] =	vst v53  }
0x623: {  	[tilespmem:$0x3A40] =	vst v3;
	v3 =	vmul.f32 v8, v16  }
0x624: {  	v55 =	vmul.f32 v8, v23;
	[tilespmem:$0x3A70] =	vst v54  }
0x625: {  	[tilespmem:$0x3A60] =	vst v3;
	v3 =	vmul.f32 v8, v22  }
0x626: {  	v56 =	vmul.f32 v8, v25;
	[tilespmem:$0x3A90] =	vst v55  }
0x627: {  	[tilespmem:$0x3A80] =	vst v3;
	v3 =	vmul.f32 v8, v24  }
0x628: {  	v57 =	vmul.f32 v8, v19;
	[tilespmem:$0x3AB0] =	vst v56  }
0x629: {  	[tilespmem:$0x3AA0] =	vst v3;
	v3 =	vmul.f32 v8, v20  }
0x62a: {  	v58 =	vmul.f32 v8, v29;
	[tilespmem:$0x3AD0] =	vst v57  }
0x62b: {  	[tilespmem:$0x3AC0] =	vst v3;
	v3 =	vmul.f32 v8, v28  }
0x62c: {  	v59 =	vmul.f32 v8, v59;
	[tilespmem:$0x3AF0] =	vst v58  }
0x62d: {  	[tilespmem:$0x3AE0] =	vst v3;
	v3 =	vmul.f32 v8, v30  }
0x62e: {  	v60 =	vmul.f32 v8, v36;
	[tilespmem:$0x3B10] =	vst v59  }
0x62f: {  	[tilespmem:$0x3B00] =	vst v3;
	v3 =	vmul.f32 v8, v63  }
0x630: {  	v61 =	vmul.f32 v8, v38;
	[tilespmem:$0x3B30] =	vst v60  }
0x631: {  	[tilespmem:$0x3B20] =	vst v3;
	v3 =	vmul.f32 v8, v37  }
0x632: {  	v62 =	vmul.f32 v8, v42;
	[tilespmem:$0x3B50] =	vst v61  }
0x633: {  	[tilespmem:$0x3B40] =	vst v3;
	v3 =	vmul.f32 v8, v40  }
0x634: {  	v2 =	vmul.f32 v8, v2;
	[tilespmem:$0x3B70] =	vst v62  }
0x635: {  	[tilespmem:$0x3B60] =	vst v3;
	v3 =	vmul.f32 v8, v44  }
0x636: {  	[tilespmem:$0x3BB0] =	vst v2;
	v2 =	vmul.f32 v8, v49  }
0x637: {  	[tilespmem:$0x3B80] =	vst v3;
	v3 =	vmul.f32 v8, v47  }
0x638: {  	[tilespmem:$0x3BD0] =	vst v2;
	v2 =	vmul.f32 v8, v51  }
0x639: {  	[tilespmem:$0x3BA0] =	vst v3;
	v3 =	vmul.f32 v8, v48  }
0x63a: {  	[tilespmem:$0x3BF0] =	vst v2;
	v63 =	vmul.f32 v8, v46  }
0x63b: {  	[tilespmem:$0x3BC0] =	vst v3;
	v3 =	vmul.f32 v8, v50  }
0x63c: {  	[tilespmem:$0x3B90] =	vst v63  }
0x63d: {  	s28 =	simm.s32 $0x3A00;
	[tilespmem:$0x3BE0] =	vst v3  }
0x63e: {  	[spmem:s10] =	stream.strided.scatter [tilespmem:s28], [sflag:$0x2], $0x200, s21, s19, $0x38;
	[tilespmem:$0xD200] =	vst v63  }
0x63f: {  	_ =	swait.ge [sflag:s29], $0x200  }
0x640: {  	[sflag:s29] =	ssyncset.done $0x0  }
0x641: {  	[sflag:s29] =	ssyncadd.s32 $0xFFFFFE00  }
.LBB2_15:
0x642: {  	[bflag:$0x0] =	sbarrier.arrive $0xFFFF  }
0x643: {  	[tilespmem:s30], [sflag:$0x2] =	stream.strided.gather [spmem:s11], $0x200, s21, s19, $0x38;
	[tilespmem:$0xD200] =	vst v63  }
0x644: {  	_ =	swait.ge [sflag:s29], $0x200  }
0x645: {  	[sflag:s29] =	ssyncset.done $0x0  }
0x646: {  	[sflag:s29] =	ssyncadd.s32 $0xFFFFFE00  }
0x647: {  	[tilespmem:s31], [sflag:$0x1] =	stream.strided.gather [hbm4b:s12+s19], $0x3100, s20, s19, $0x38;
	[tilespmem:$0xD200] =	vst v63  }
0x648: {  	_ = 	snop  }
0x649: {  	[tilespmem:s0], [sflag:$0x1] =	stream.strided.gather [hbm4b:s13+s19], $0x3100, s20, s19, $0x38;
	[tilespmem:$0xD200] =	vst v63  }
0x64a: {  	_ =	swait.ge [sflag:s3], $0x3100  }
0x64b: {  	[sflag:s3] =	ssyncset.done $0x0  }
0x64c: {  	[sflag:s3] =	ssyncadd.s32 $0xFFFFCF00  }
0x64d: {  	_ =	swait.ge [sflag:s3], $0x3100  }
0x64e: {  	[sflag:s3] =	ssyncset.done $0x0  }
0x64f: {  	s4 =	simm.s32 $0x0;
	[sflag:s3] =	ssyncadd.s32 $0xFFFFCF00  }
0x650: {  	v3 =	vld [tilespmem:s4+$0x3E00];
	_ =	sdelay $0x6  }
0x651: {  	v2 =	vld [tilespmem:s4+$0x6F00]  }
0x652: {  	s22 =	simm.s32 $0x10;
	s23 =	simm.s32 $0x80;
	v3 =	vld.idx.msk [tilespmem:v3+s30+$0x0], $0xffff  }
.LBB2_16:
0x653: {  	p1 =	sne.s32 s23, $0xC3C0;
	v4 =	vld [tilespmem:s22+$0x3E00];
	_ =	sdelay $0x3  }
.Ltmp7:
0x654: {  	vm0 =	veq.s32 v2, $0x0;
	(pc) =	sbr.rel @p1 .LBB2_16-.Ltmp7, $4  }
0x655: {  	v2 =	vsel vm0, $0x0, v3  }
0x656: {  	[tilespmem:s4+$0xA000] =	vst v2;
	s4 =	smov.u32 s22  }
0x657: {  	v2 =	vld [tilespmem:s4+$0x6F00]  }
0x658: {  	s22 =	sshra.s32 s23, $0x2;
	s23 =	sadd.s32 $0x40, s23;
	v3 =	vld.idx.msk [tilespmem:v4+s30+$0x0], $0xffff  }
0x659: {  	v4 =	vld [tilespmem:s22+$0x3E00];
	_ =	sdelay $0x3  }
0x65a: {  	vm0 =	veq.s32 v2, $0x0  }
0x65b: {  	v2 =	vsel vm0, $0x0, v3  }
0x65c: {  	[tilespmem:s4+$0xA000] =	vst v2  }
0x65d: {  	v2 =	vld [tilespmem:s22+$0x6F00]  }
0x65e: {  	v3 =	vld.idx.msk [tilespmem:v4+s30+$0x0], $0xffff;
	_ =	sdelay $0x3  }
0x65f: {  	vm15 =	veq.s32 v2, $0x0  }
0x660: {  	v2 =	vsel vm15, $0x0, v3  }
0x661: {  	[tilespmem:s22+$0xA000] =	vst v2  }
0x662: {  	[hbm4b:s14+s19] =	stream.strided.scatter [tilespmem:s1], [sflag:$0x2], $0x3100, s20, s19, $0x38;
	[tilespmem:$0xD200] =	vst v63  }
0x663: {  	_ =	swait.ge [sflag:s29], $0x3100  }
0x664: {  	[sflag:s29] =	ssyncset.done $0x0  }
0x665: {  	[sflag:s29] =	ssyncadd.s32 $0xFFFFCF00  }
0x666: {  	[tilespmem:s31], [sflag:$0x1] =	stream.strided.gather [hbm4b:s15+s19], $0x3100, s20, s19, $0x38;
	[tilespmem:$0xD200] =	vst v63  }
0x667: {  	_ = 	snop  }
0x668: {  	[tilespmem:s0], [sflag:$0x1] =	stream.strided.gather [hbm4b:s16+s19], $0x3100, s20, s19, $0x38;
	[tilespmem:$0xD200] =	vst v63  }
0x669: {  	_ =	swait.ge [sflag:s3], $0x3100  }
0x66a: {  	[sflag:s3] =	ssyncset.done $0x0  }
0x66b: {  	[sflag:s3] =	ssyncadd.s32 $0xFFFFCF00  }
0x66c: {  	_ =	swait.ge [sflag:s3], $0x3100  }
0x66d: {  	[sflag:s3] =	ssyncset.done $0x0  }
0x66e: {  	s4 =	simm.s32 $0x0;
	[sflag:s3] =	ssyncadd.s32 $0xFFFFCF00  }
0x66f: {  	v3 =	vld [tilespmem:s4+$0x3E00];
	_ =	sdelay $0x6  }
0x670: {  	v2 =	vld [tilespmem:s4+$0x6F00]  }
0x671: {  	s23 =	simm.s32 $0x80;
	s22 =	simm.s32 $0x10;
	v3 =	vld.idx.msk [tilespmem:v3+s30+$0x0], $0xffff  }
.LBB2_18:
0x672: {  	p1 =	sne.s32 s23, $0xC3C0;
	v4 =	vld [tilespmem:s22+$0x3E00];
	_ =	sdelay $0x3  }
.Ltmp8:
0x673: {  	vm0 =	veq.s32 v2, $0x0;
	(pc) =	sbr.rel @p1 .LBB2_18-.Ltmp8, $4  }
0x674: {  	v2 =	vsel vm0, $0x0, v3  }
0x675: {  	[tilespmem:s4+$0xA000] =	vst v2;
	s4 =	smov.u32 s22  }
0x676: {  	v2 =	vld [tilespmem:s4+$0x6F00]  }
0x677: {  	s22 =	sshra.s32 s23, $0x2;
	s23 =	sadd.s32 $0x40, s23;
	v3 =	vld.idx.msk [tilespmem:v4+s30+$0x0], $0xffff  }
0x678: {  	v4 =	vld [tilespmem:s22+$0x3E00];
	_ =	sdelay $0x3  }
0x679: {  	vm0 =	veq.s32 v2, $0x0  }
0x67a: {  	v2 =	vsel vm0, $0x0, v3  }
0x67b: {  	[tilespmem:s4+$0xA000] =	vst v2  }
0x67c: {  	v2 =	vld [tilespmem:s22+$0x6F00]  }
0x67d: {  	v3 =	vld.idx.msk [tilespmem:v4+s30+$0x0], $0xffff;
	_ =	sdelay $0x3  }
0x67e: {  	s2 =	sadd.s32 $0x1, s2;
	vm15 =	veq.s32 v2, $0x0  }
0x67f: {  	p1 =	sne.s32 s2, s18;
	v2 =	vsel vm15, $0x0, v3  }
.Ltmp9:
0x680: {  	[tilespmem:s22+$0xA000] =	vst v2;
	(pc) =	sbr.rel @p1 .LBB2_1-.Ltmp9, $4  }
0x681: {  	[hbm4b:s17+s19] =	stream.strided.scatter [tilespmem:s1], [sflag:$0x2], $0x3100, s20, s19, $0x38;
	[tilespmem:$0xD200] =	vst v63  }
0x682: {  	_ =	swait.ge [sflag:s29], $0x3100  }
0x683: {  	[sflag:s29] =	ssyncset.done $0x0  }
0x684: {  	[sflag:s29] =	ssyncadd.s32 $0xFFFFCF00  }
0x685: {  	_ =	sfence.sel $0x180000  }
0x686: {  	[bflag:$0x0] =	sbarrier.arrive $0xFFFF  }
0x687: {  	_ =	strace $0x90000047  }
0x688: {  	s0 =	stileid.u32;
	[bflag:$0x2] =	sbarrier.arrive $0xFFFF  }
0x689: {  	p0 =	sne.s32 s0, $0x0;
	s0 =	rddreg [dreg:$0xa]  }
0x68a: {  	s0 =	sadd.s32 @!p0 $0x100000, s0  }
0x68b: {  	[sflag:s0] =	ssyncadd.tile.s32 @!p0 $0x1;
	_ =	shalt  }
.Lfunc_end2:
_tile_overlayer_lowered:
.L_overlay_start_2:
0x68c: {  	(tag) =	ssettag $0x2  }
0x68d: {  	s0 =	rddreg [dreg:$0x0];
	s2 =	stileid.u32  }
0x68e: {  	s1 =	rddreg [dreg:$0x1];
	p0 =	sne.s32 s2, $0x0  }
0x68f: {  	s3 =	rddreg [dreg:$0x2];
	[bflag:$0x3] =	sbarrier.arrive $0xFFFF;
	s2 =	simm.s32 @!p0 $0x1C02  }
0x690: {  	[timem:s3], [sflag:s2] =	dma.local @!p0 [hbm:s0], s1  }
0x691: {  	s0 =	simm.s32 @!p0 $0x2  }
0x692: {  	_ =	swait.ge @!p0 [sflag:s0], s1  }
0x693: {  	s1 =	ssub.s32 @!p0 $0x0, s1;
	[sflag:s0] =	ssyncset.done @!p0 $0x0  }
0x694: {  	[sflag:s0] =	ssyncadd.s32 @!p0 s1  }
0x695: {  	[bflag:$0x3] =	sbarrier.arrive $0xFFFF  }
0x696: {  	_ =	shalt  }

</sc_bundles>
